<compile_context>
chip_gen: v7x
topology: tpu7x:2x2x1
jax: 0.10.2.dev20260603
libtpu: 0.0.44.dev20260713+nightly
codegen_flags: <defaults>
</compile_context>

<pallas_src>
import functools

import jax
import jax.numpy as jnp
from jax import lax
from jax.experimental import pallas as pl
from jax.experimental.pallas import tpu as pltpu
from jax.experimental.pallas import tpu_sc as plsc

N = 10000
E = 320000
D = 128

NC = 2
NS = 16
NW = NC * NS
EPW = E // NW
C = 128
NFULL = EPW // C
TAIL = EPW - NFULL * C
NP = 10240
RPT = NP // NS

_mesh = plsc.VectorSubcoreMesh(core_axis_name="c", subcore_axis_name="s")
_sc_params = pltpu.CompilerParams(use_tc_tiling_on_sc=False)


def _deg_sc_body(dst_hbm, out_hbm, dstv, dstv_t, ones_v, ones_t, zbuf, zbuf1, acc):
    c = lax.axis_index("c")
    s = lax.axis_index("s")

    def fill(i, _):
        zbuf[i, :] = jnp.zeros((16,), jnp.float32)
        ones_v[i % C, :] = jnp.ones((16,), jnp.float32)
        ones_t[i % TAIL, :] = jnp.ones((16,), jnp.float32)
        return 0

    lax.fori_loop(0, RPT, fill, 0)
    pltpu.sync_copy(zbuf, acc.at[pl.ds(s * RPT, RPT)])
    plsc.subcore_barrier()

    base0 = c * (E // NC) + s * EPW

    def body(i, _):
        pltpu.sync_copy(dst_hbm.at[pl.ds(base0 + i * C, C)], dstv)
        pltpu.sync_copy(ones_v, acc.at[dstv], add=True)
        return 0

    lax.fori_loop(0, NFULL, body, 0)
    pltpu.sync_copy(dst_hbm.at[pl.ds(base0 + NFULL * C, TAIL)], dstv_t)
    pltpu.sync_copy(ones_t, acc.at[dstv_t], add=True)
    plsc.subcore_barrier()
    pltpu.sync_copy(acc.at[pl.ds(s * RPT, RPT)], zbuf)

    def repack(i, _):
        zbuf1[pl.ds(i * 16, 16)] = zbuf[i, :]
        return 0

    lax.fori_loop(0, RPT, repack, 0)
    pltpu.sync_copy(zbuf1, out_hbm.at[pl.ds((c * NP + s * RPT) * 16, RPT * 16)])


ZR = 32


def _agg_sc_body(h_hbm, src_hbm, dst_hbm, out_hbm,
                 srcv0, dstv0, srcv1, dstv1, srcv_t, dstv_t,
                 rows0, rows1, rows_t, zbuf, acc, g0, g1, s0, s1):
    c = lax.axis_index("c")
    s = lax.axis_index("s")

    def fill(i, _):
        q, r = i // 8, i % 8
        zbuf[q, pl.ds(r * 16, 16)] = jnp.zeros((16,), jnp.float32)
        return 0

    lax.fori_loop(0, ZR * 8, fill, 0)
    for k in range(RPT // ZR):
        pltpu.sync_copy(zbuf, acc.at[pl.ds(s * RPT + k * ZR, ZR)])
    plsc.subcore_barrier()

    base0 = c * (E // NC) + s * EPW
    pltpu.sync_copy(src_hbm.at[pl.ds(base0, C)], srcv0)
    pltpu.sync_copy(dst_hbm.at[pl.ds(base0, C)], dstv0)
    ga = pltpu.async_copy(h_hbm.at[srcv0], rows0, g0)

    def body(j, _):
        b1 = base0 + (2 * j + 1) * C
        b2 = base0 + (2 * j + 2) * C
        pltpu.sync_copy(src_hbm.at[pl.ds(b1, C)], srcv1)
        pltpu.sync_copy(dst_hbm.at[pl.ds(b1, C)], dstv1)
        gb = pltpu.async_copy(h_hbm.at[srcv1], rows1, g1)
        pltpu.make_async_copy(h_hbm.at[srcv0], rows0, g0).wait()
        sa = pltpu.async_copy(rows0, acc.at[dstv0], s0, add=True)
        sa.wait()
        pltpu.sync_copy(src_hbm.at[pl.ds(b2, C)], srcv0)
        pltpu.sync_copy(dst_hbm.at[pl.ds(b2, C)], dstv0)
        pltpu.async_copy(h_hbm.at[srcv0], rows0, g0)
        gb.wait()
        sb = pltpu.async_copy(rows1, acc.at[dstv1], s1, add=True)
        sb.wait()
        return 0

    lax.fori_loop(0, NFULL // 2 - 1, body, 0)

    bl = base0 + (NFULL - 1) * C
    pltpu.sync_copy(src_hbm.at[pl.ds(bl, C)], srcv1)
    pltpu.sync_copy(dst_hbm.at[pl.ds(bl, C)], dstv1)
    gb = pltpu.async_copy(h_hbm.at[srcv1], rows1, g1)
    pltpu.make_async_copy(h_hbm.at[srcv0], rows0, g0).wait()
    sa = pltpu.async_copy(rows0, acc.at[dstv0], s0, add=True)
    tbase = base0 + NFULL * C
    pltpu.sync_copy(src_hbm.at[pl.ds(tbase, TAIL)], srcv_t)
    pltpu.sync_copy(dst_hbm.at[pl.ds(tbase, TAIL)], dstv_t)
    gt = pltpu.async_copy(h_hbm.at[srcv_t], rows_t, g0)
    gb.wait()
    sb = pltpu.async_copy(rows1, acc.at[dstv1], s1, add=True)
    gt.wait()
    sa.wait()
    sb.wait()
    pltpu.sync_copy(rows_t, acc.at[dstv_t], add=True)
    plsc.subcore_barrier()
    for k in range(RPT // ZR):
        off = s * RPT + k * ZR
        pltpu.sync_copy(acc.at[pl.ds(off, ZR)], zbuf)
        pltpu.sync_copy(zbuf, out_hbm.at[pl.ds(c * NP + off, ZR)])


_deg_sc = pl.kernel(
    _deg_sc_body,
    out_type=jax.ShapeDtypeStruct((NC * NP * 16,), jnp.float32),
    mesh=_mesh,
    scratch_types=[
        pltpu.VMEM((C,), jnp.int32),
        pltpu.VMEM((TAIL,), jnp.int32),
        pltpu.VMEM((C, 16), jnp.float32),
        pltpu.VMEM((TAIL, 16), jnp.float32),
        pltpu.VMEM((RPT, 16), jnp.float32),
        pltpu.VMEM((RPT * 16,), jnp.float32),
        pltpu.VMEM_SHARED((NP, 16), jnp.float32),
    ],
    compiler_params=_sc_params,
)

_agg_sc = pl.kernel(
    _agg_sc_body,
    out_type=jax.ShapeDtypeStruct((NC * NP, D), jnp.float32),
    mesh=_mesh,
    scratch_types=[
        pltpu.VMEM((C,), jnp.int32),
        pltpu.VMEM((C,), jnp.int32),
        pltpu.VMEM((C,), jnp.int32),
        pltpu.VMEM((C,), jnp.int32),
        pltpu.VMEM((TAIL,), jnp.int32),
        pltpu.VMEM((TAIL,), jnp.int32),
        pltpu.VMEM((C, D), jnp.float32),
        pltpu.VMEM((C, D), jnp.float32),
        pltpu.VMEM((TAIL, D), jnp.float32),
        pltpu.VMEM((ZR, D), jnp.float32),
        pltpu.VMEM_SHARED((NP, D), jnp.float32),
        pltpu.SemaphoreType.DMA,
        pltpu.SemaphoreType.DMA,
        pltpu.SemaphoreType.DMA,
        pltpu.SemaphoreType.DMA,
    ],
    compiler_params=_sc_params,
)


R = 1000


def _dinv_of(p_ref):
    deg = 1.0 + p_ref[0, :, 0:1] + p_ref[1, :, 0:1]
    return lax.rsqrt(deg)


def _tc1_body(p_ref, x_ref, w_ref, o_ref):
    dinv = _dinv_of(p_ref)
    h = jnp.dot(x_ref[...], w_ref[...], preferred_element_type=jnp.float32)
    o_ref[...] = h * dinv


def _ln_prelu(pre, g_ref, be_ref, a_ref):
    mu = jnp.mean(pre, axis=-1, keepdims=True)
    dm = pre - mu
    var = jnp.mean(dm * dm, axis=-1, keepdims=True)
    y = dm * lax.rsqrt(var + 1e-5) * g_ref[...] + be_ref[...]
    a = a_ref[0]
    return jnp.where(y >= 0, y, a * y)


def _tc2_body(p_ref, s_ref, hs_ref, b_ref, g_ref, be_ref, a_ref, w_ref, o_ref):
    dinv = _dinv_of(p_ref)
    pre = (s_ref[0] + s_ref[1] + hs_ref[...]) * dinv + b_ref[...]
    y = _ln_prelu(pre, g_ref, be_ref, a_ref)
    h = jnp.dot(y, w_ref[...], preferred_element_type=jnp.float32)
    o_ref[...] = h * dinv


def _tc3_body(p_ref, s_ref, hs_ref, b_ref, g_ref, be_ref, a_ref, o_ref):
    dinv = _dinv_of(p_ref)
    pre = (s_ref[0] + s_ref[1] + hs_ref[...]) * dinv + b_ref[...]
    o_ref[...] = _ln_prelu(pre, g_ref, be_ref, a_ref)


_p_spec = pl.BlockSpec((2, R, 16), lambda i: (0, i, 0))
_s_spec = pl.BlockSpec((2, R, D), lambda i: (0, i, 0))
_row_spec = pl.BlockSpec((R, D), lambda i: (i, 0))
_w_spec = pl.BlockSpec((D, D), lambda i: (0, 0))
_v_spec = pl.BlockSpec((1, D), lambda i: (0, 0))
_a_spec = pl.BlockSpec(memory_space=pltpu.SMEM)
_out_shape = jax.ShapeDtypeStruct((N, D), jnp.float32)

_tc1 = pl.pallas_call(
    _tc1_body, grid=(N // R,),
    in_specs=[_p_spec, _row_spec, _w_spec],
    out_specs=_row_spec, out_shape=_out_shape)

_tc2 = pl.pallas_call(
    _tc2_body, grid=(N // R,),
    in_specs=[_p_spec, _s_spec, _row_spec, _v_spec, _v_spec, _v_spec, _a_spec,
              _w_spec],
    out_specs=_row_spec, out_shape=_out_shape)

_tc3 = pl.pallas_call(
    _tc3_body, grid=(N // R,),
    in_specs=[_p_spec, _s_spec, _row_spec, _v_spec, _v_spec, _v_spec, _a_spec],
    out_specs=_row_spec, out_shape=_out_shape)


def kernel(x, edge_index, W1, b1, g1, be1, a1, W2, b2, g2, be2, a2):
    src = edge_index[0]
    dst = edge_index[1]
    p = _deg_sc(dst).reshape(NC, NP, 16)
    h1s = _tc1(p, x, W1)
    s1 = _agg_sc(h1s, src, dst).reshape(NC, NP, D)
    h2s = _tc2(p, s1, h1s, b1.reshape(1, D), g1.reshape(1, D),
               be1.reshape(1, D), a1, W2)
    s2 = _agg_sc(h2s, src, dst).reshape(NC, NP, D)
    out = _tc3(p, s2, h2s, b2.reshape(1, D), g2.reshape(1, D),
               be2.reshape(1, D), a2)
    return out

# --- scband reference (transcript-rebuilt; emitter-appended) ---
"""Pipeline reference for scband-gcn-31164282699921 (READ-ONLY COPY).

The authoritative reference and input builder live on the scoring server;
editing this copy changes nothing except your own understanding.
"""

import jax, jax.numpy as jnp
import numpy as np

N = 10000
E = 320000
D = 128


def setup_inputs(seed: int = 0) -> dict:
    key = jax.random.key(seed)
    ks = jax.random.split(key, 6)
    x = jax.random.normal(ks[0], (N, D), dtype=jnp.float32)
    edge_index = jax.random.randint(ks[1], (2, E), 0, N, dtype=jnp.int32)
    glorot = 1.0 / np.sqrt(D)
    W1 = jax.random.uniform(ks[2], (D, D), dtype=jnp.float32, minval=-glorot, maxval=glorot)
    b1 = jnp.zeros((D,), dtype=jnp.float32)
    g1 = jnp.ones((D,), dtype=jnp.float32)
    be1 = jnp.zeros((D,), dtype=jnp.float32)
    a1 = jnp.full((1,), 0.25, dtype=jnp.float32)
    W2 = jax.random.uniform(ks[3], (D, D), dtype=jnp.float32, minval=-glorot, maxval=glorot)
    b2 = jnp.zeros((D,), dtype=jnp.float32)
    g2 = jnp.ones((D,), dtype=jnp.float32)
    be2 = jnp.zeros((D,), dtype=jnp.float32)
    a2 = jnp.full((1,), 0.25, dtype=jnp.float32)
    return {"x": x, "edge_index": edge_index, "W1": W1, "b1": b1, "g1": g1, "be1": be1, "a1": a1, "W2": W2, "b2": b2, "g2": g2, "be2": be2, "a2": a2}


def _gcn_conv(x, edge_index, W, b):
    # PyG GCNConv: x' = D^{-1/2} (A + I) D^{-1/2} X W + b
    src = edge_index[0]
    dst = edge_index[1]
    loop = jnp.arange(N, dtype=src.dtype)
    src2 = jnp.concatenate([src, loop])
    dst2 = jnp.concatenate([dst, loop])
    deg = jnp.zeros((N,), dtype=x.dtype).at[dst2].add(1.0)
    dinv = jnp.where(deg > 0, deg ** -0.5, 0.0)
    norm = dinv[src2] * dinv[dst2]
    h = x @ W
    msg = h[src2] * norm[:, None]
    out = jax.ops.segment_sum(msg, dst2, num_segments=N)
    return out + b


def _layer_norm(x, g, b, eps=1e-5):
    mu = jnp.mean(x, axis=-1, keepdims=True)
    var = jnp.mean((x - mu) ** 2, axis=-1, keepdims=True)
    return (x - mu) / jnp.sqrt(var + eps) * g + b


def _prelu(x, a):
    return jnp.where(x >= 0, x, a * x)


def reference(x, edge_index, W1, b1, g1, be1, a1, W2, b2, g2, be2, a2):
    h = _gcn_conv(x, edge_index, W1, b1)
    h = _layer_norm(h, g1, be1)
    h = _prelu(h, a1)
    h = _gcn_conv(h, edge_index, W2, b2)
    h = _layer_norm(h, g2, be2)
    h = _prelu(h, a2)
    return h

if __name__ == "__main__":
    import jax
    _d = setup_inputs()
    print(jax.jit(kernel)(*tuple(_d.values())))

</pallas_src>

<mosaic_0001>
#map = affine_map<(d0, d1) -> (0, 0)>
#map1 = affine_map<(d0, d1) -> (0)>
module attributes {stable_mosaic.version = 14 : i64} {
  func.func @_agg_sc_body(%arg0: i32, %arg1: i32, %arg2: memref<10000x128xf32, #tpu.memory_space<hbm>>, %arg3: memref<320000xi32, #tpu.memory_space<hbm>>, %arg4: memref<320000xi32, #tpu.memory_space<hbm>>, %arg5: memref<20480x128xf32, #tpu.memory_space<hbm>>, %arg6: memref<128xi32, #tpu.memory_space<vmem>>, %arg7: memref<128xi32, #tpu.memory_space<vmem>>, %arg8: memref<128xi32, #tpu.memory_space<vmem>>, %arg9: memref<128xi32, #tpu.memory_space<vmem>>, %arg10: memref<16xi32, #tpu.memory_space<vmem>>, %arg11: memref<16xi32, #tpu.memory_space<vmem>>, %arg12: memref<128x128xf32, #tpu.memory_space<vmem>>, %arg13: memref<128x128xf32, #tpu.memory_space<vmem>>, %arg14: memref<16x128xf32, #tpu.memory_space<vmem>>, %arg15: memref<32x128xf32, #tpu.memory_space<vmem>>, %arg16: memref<10240x128xf32, #tpu.memory_space<vmem_shared>>, %arg17: memref<!tpu.dma_semaphore, #tpu.memory_space<semaphore_mem>>, %arg18: memref<!tpu.dma_semaphore, #tpu.memory_space<semaphore_mem>>, %arg19: memref<!tpu.dma_semaphore, #tpu.memory_space<semaphore_mem>>, %arg20: memref<!tpu.dma_semaphore, #tpu.memory_space<semaphore_mem>>) attributes {dimension_semantics = [#tpu.dimension_semantics<core_parallel>, #tpu.dimension_semantics<subcore_parallel>], iteration_bounds = array<i64: 2, 16>, scalar_prefetch = 0 : i64, scratch_operands = 15 : i64, tpu.core_type = #tpu.core_type<sc_vector_subcore>, window_params = [{transform_indices = #map}, {transform_indices = #map1}, {transform_indices = #map1}, {transform_indices = #map}]} {
    %scan3A = arith.constant 0 : i32
    %scan3A_0 = arith.constant 0 : i32
    %scan3A_1 = arith.constant 256 : i32
    %scan3A_2 = arith.addi %scan3A_0, %scan3A_1 : i32
    %scan3A_3 = arith.constant 1 : i32
    %scan3A_4 = scf.for %scan3A_269 = %scan3A_0 to %scan3A_2 step %scan3A_3 iter_args(%scan3A_270 = %scan3A) -> (i32)  : i32 {
      %jit3A = arith.constant 8 : i32
      %div3A = arith.divsi %scan3A_269, %jit3A : i32
      %sign3A = arith.constant 0 : i32
      %sign3A_271 = arith.cmpi sgt, %scan3A_269, %sign3A : i32
      %sign3A_272 = arith.extui %sign3A_271 : i1 to i32
      %sign3A_273 = arith.constant 0 : i32
      %sign3A_274 = arith.cmpi slt, %scan3A_269, %sign3A_273 : i32
      %sign3A_275 = arith.extui %sign3A_274 : i1 to i32
      %sign3A_276 = arith.subi %sign3A_272, %sign3A_275 : i32
      %sign3A_277 = arith.constant 0 : i32
      %sign3A_278 = arith.cmpi sgt, %jit3A, %sign3A_277 : i32
      %sign3A_279 = arith.extui %sign3A_278 : i1 to i32
      %sign3A_280 = arith.constant 0 : i32
      %sign3A_281 = arith.cmpi slt, %jit3A, %sign3A_280 : i32
      %sign3A_282 = arith.extui %sign3A_281 : i1 to i32
      %sign3A_283 = arith.subi %sign3A_279, %sign3A_282 : i32
      %ne3A = arith.cmpi ne, %sign3A_276, %sign3A_283 : i32
      %rem3A = arith.remsi %scan3A_269, %jit3A : i32
      %ne3A_284 = arith.constant 0 : i32
      %ne3A_285 = arith.cmpi ne, %rem3A, %ne3A_284 : i32
      %and3A = arith.andi %ne3A, %ne3A_285 : i1
      %sub3A = arith.constant 1 : i32
      %sub3A_286 = arith.subi %div3A, %sub3A : i32
      %select_n3A = arith.select %and3A, %sub3A_286, %div3A : i32
      %jit3A_287 = arith.constant 8 : i32
      %eq3A = arith.constant 0 : i32
      %eq3A_288 = arith.cmpi eq, %jit3A_287, %eq3A : i32
      %jit3A_289 = arith.constant 1 : i32
      %select_n3A_290 = arith.select %eq3A_288, %jit3A_289, %jit3A_287 : i32
      %rem3A_291 = arith.remsi %scan3A_269, %select_n3A_290 : i32
      %ne3A_292 = arith.constant 0 : i32
      %ne3A_293 = arith.cmpi ne, %rem3A_291, %ne3A_292 : i32
      %lt3A = arith.constant 0 : i32
      %lt3A_294 = arith.cmpi slt, %rem3A_291, %lt3A : i32
      %lt3A_295 = arith.constant 0 : i32
      %lt3A_296 = arith.cmpi slt, %select_n3A_290, %lt3A_295 : i32
      %ne3A_297 = arith.xori %lt3A_294, %lt3A_296 : i1
      %and3A_298 = arith.andi %ne3A_297, %ne3A_293 : i1
      %add3A_299 = arith.addi %rem3A_291, %select_n3A_290 : i32
      %select_n3A_300 = arith.select %and3A_298, %add3A_299, %rem3A_291 : i32
      %broadcast_in_dim3A = arith.constant 0.000000e+00 : f32
      %broadcast_in_dim3A_301 = vector.broadcast %broadcast_in_dim3A : f32 to vector<16xf32>
      %mul3A_302 = arith.constant 16 : i32
      %mul3A_303 = arith.muli %select_n3A_300, %mul3A_302 : i32
      %swap3A = arith.index_cast %select_n3A : i32 to index
      %swap3A_304 = arith.index_cast %mul3A_303 : i32 to index
      %swap3A_305 = tpu.vector_load %arg15[%swap3A, %swap3A_304] {strides = array<i32>} : memref<32x128xf32, #tpu.memory_space<vmem>>, vector<1x16xf32>,
      %swap3A_306 = vector.shape_cast %swap3A_305 : vector<1x16xf32> to vector<16xf32>
      %swap3A_307 = vector.shape_cast %broadcast_in_dim3A_301 : vector<16xf32> to vector<1x16xf32>
      tpu.vector_store %arg15[%swap3A, %swap3A_304], %swap3A_307 {strides = array<i32>} : memref<32x128xf32, #tpu.memory_space<vmem>>, vector<1x16xf32>,
      %scan3A_308 = arith.constant 0 : i32
      scf.yield %scan3A_308 : i32
    }
    %scan3A_5 = arith.constant 256 : i32
    %mul3A = arith.constant 640 : i32
    %mul3A_6 = arith.muli %arg1, %mul3A : i32
    %add3A = arith.constant 0 : i32
    %add3A_7 = arith.addi %mul3A_6, %add3A : i32
    "tpu.region"() ({
      %run_scoped3A = tpu.sem_alloc : memref<!tpu.dma_semaphore, #tpu.memory_space<semaphore_mem>>
      %dma_start3A_269 = arith.constant 0 : i32
      %dma_start3A_270 = tpu.memref_slice %arg16[%add3A_7, %dma_start3A_269] : memref<10240x128xf32, #tpu.memory_space<vmem_shared>> -> memref<32x128xf32, #tpu.memory_space<vmem_shared>>
      %dma_start3A_271 = arith.constant 0 : i32
      %dma_start3A_272 = tpu.memref_slice %arg16[%add3A_7, %dma_start3A_271] : memref<10240x128xf32, #tpu.memory_space<vmem_shared>> -> memref<32x128xf32, #tpu.memory_space<vmem_shared>>
      tpu.enqueue_dma source(%arg15 : memref<32x128xf32, #tpu.memory_space<vmem>>) target(%dma_start3A_272 : memref<32x128xf32, #tpu.memory_space<vmem_shared>>) target_semaphore(%run_scoped3A : memref<!tpu.dma_semaphore, #tpu.memory_space<semaphore_mem>>)
      %dma_wait3A_273 = arith.constant 0 : i32
      %dma_wait3A_274 = tpu.memref_slice %arg16[%add3A_7, %dma_wait3A_273] : memref<10240x128xf32, #tpu.memory_space<vmem_shared>> -> memref<32x128xf32, #tpu.memory_space<vmem_shared>>
      %dma_wait3A_275 = arith.constant 0 : i32
      %dma_wait3A_276 = tpu.memref_slice %arg16[%add3A_7, %dma_wait3A_275] : memref<10240x128xf32, #tpu.memory_space<vmem_shared>> -> memref<32x128xf32, #tpu.memory_space<vmem_shared>>
      tpu.wait_dma2 semaphore(%run_scoped3A : memref<!tpu.dma_semaphore, #tpu.memory_space<semaphore_mem>>) src(%arg15 : memref<32x128xf32, #tpu.memory_space<vmem>>) dst(%dma_wait3A_276 : memref<32x128xf32, #tpu.memory_space<vmem_shared>>)
      tpu.yield
    }) : () -> ()
    %mul3A_8 = arith.constant 640 : i32
    %mul3A_9 = arith.muli %arg1, %mul3A_8 : i32
    %add3A_10 = arith.constant 32 : i32
    %add3A_11 = arith.addi %mul3A_9, %add3A_10 : i32
    "tpu.region"() ({
      %run_scoped3A = tpu.sem_alloc : memref<!tpu.dma_semaphore, #tpu.memory_space<semaphore_mem>>
      %dma_start3A_269 = arith.constant 0 : i32
      %dma_start3A_270 = tpu.memref_slice %arg16[%add3A_11, %dma_start3A_269] : memref<10240x128xf32, #tpu.memory_space<vmem_shared>> -> memref<32x128xf32, #tpu.memory_space<vmem_shared>>
      %dma_start3A_271 = arith.constant 0 : i32
      %dma_start3A_272 = tpu.memref_slice %arg16[%add3A_11, %dma_start3A_271] : memref<10240x128xf32, #tpu.memory_space<vmem_shared>> -> memref<32x128xf32, #tpu.memory_space<vmem_shared>>
      tpu.enqueue_dma source(%arg15 : memref<32x128xf32, #tpu.memory_space<vmem>>) target(%dma_start3A_272 : memref<32x128xf32, #tpu.memory_space<vmem_shared>>) target_semaphore(%run_scoped3A : memref<!tpu.dma_semaphore, #tpu.memory_space<semaphore_mem>>)
      %dma_wait3A_273 = arith.constant 0 : i32
      %dma_wait3A_274 = tpu.memref_slice %arg16[%add3A_11, %dma_wait3A_273] : memref<10240x128xf32, #tpu.memory_space<vmem_shared>> -> memref<32x128xf32, #tpu.memory_space<vmem_shared>>
      %dma_wait3A_275 = arith.constant 0 : i32
      %dma_wait3A_276 = tpu.memref_slice %arg16[%add3A_11, %dma_wait3A_275] : memref<10240x128xf32, #tpu.memory_space<vmem_shared>> -> memref<32x128xf32, #tpu.memory_space<vmem_shared>>
      tpu.wait_dma2 semaphore(%run_scoped3A : memref<!tpu.dma_semaphore, #tpu.memory_space<semaphore_mem>>) src(%arg15 : memref<32x128xf32, #tpu.memory_space<vmem>>) dst(%dma_wait3A_276 : memref<32x128xf32, #tpu.memory_space<vmem_shared>>)
      tpu.yield
    }) : () -> ()
    %mul3A_12 = arith.constant 640 : i32
    %mul3A_13 = arith.muli %arg1, %mul3A_12 : i32
    %add3A_14 = arith.constant 64 : i32
    %add3A_15 = arith.addi %mul3A_13, %add3A_14 : i32
    "tpu.region"() ({
      %run_scoped3A = tpu.sem_alloc : memref<!tpu.dma_semaphore, #tpu.memory_space<semaphore_mem>>
      %dma_start3A_269 = arith.constant 0 : i32
      %dma_start3A_270 = tpu.memref_slice %arg16[%add3A_15, %dma_start3A_269] : memref<10240x128xf32, #tpu.memory_space<vmem_shared>> -> memref<32x128xf32, #tpu.memory_space<vmem_shared>>
      %dma_start3A_271 = arith.constant 0 : i32
      %dma_start3A_272 = tpu.memref_slice %arg16[%add3A_15, %dma_start3A_271] : memref<10240x128xf32, #tpu.memory_space<vmem_shared>> -> memref<32x128xf32, #tpu.memory_space<vmem_shared>>
      tpu.enqueue_dma source(%arg15 : memref<32x128xf32, #tpu.memory_space<vmem>>) target(%dma_start3A_272 : memref<32x128xf32, #tpu.memory_space<vmem_shared>>) target_semaphore(%run_scoped3A : memref<!tpu.dma_semaphore, #tpu.memory_space<semaphore_mem>>)
      %dma_wait3A_273 = arith.constant 0 : i32
      %dma_wait3A_274 = tpu.memref_slice %arg16[%add3A_15, %dma_wait3A_273] : memref<10240x128xf32, #tpu.memory_space<vmem_shared>> -> memref<32x128xf32, #tpu.memory_space<vmem_shared>>
      %dma_wait3A_275 = arith.constant 0 : i32
      %dma_wait3A_276 = tpu.memref_slice %arg16[%add3A_15, %dma_wait3A_275] : memref<10240x128xf32, #tpu.memory_space<vmem_shared>> -> memref<32x128xf32, #tpu.memory_space<vmem_shared>>
      tpu.wait_dma2 semaphore(%run_scoped3A : memref<!tpu.dma_semaphore, #tpu.memory_space<semaphore_mem>>) src(%arg15 : memref<32x128xf32, #tpu.memory_space<vmem>>) dst(%dma_wait3A_276 : memref<32x128xf32, #tpu.memory_space<vmem_shared>>)
      tpu.yield
    }) : () -> ()
    %mul3A_16 = arith.constant 640 : i32
    %mul3A_17 = arith.muli %arg1, %mul3A_16 : i32
    %add3A_18 = arith.constant 96 : i32
    %add3A_19 = arith.addi %mul3A_17, %add3A_18 : i32
    "tpu.region"() ({
      %run_scoped3A = tpu.sem_alloc : memref<!tpu.dma_semaphore, #tpu.memory_space<semaphore_mem>>
      %dma_start3A_269 = arith.constant 0 : i32
      %dma_start3A_270 = tpu.memref_slice %arg16[%add3A_19, %dma_start3A_269] : memref<10240x128xf32, #tpu.memory_space<vmem_shared>> -> memref<32x128xf32, #tpu.memory_space<vmem_shared>>
      %dma_start3A_271 = arith.constant 0 : i32
      %dma_start3A_272 = tpu.memref_slice %arg16[%add3A_19, %dma_start3A_271] : memref<10240x128xf32, #tpu.memory_space<vmem_shared>> -> memref<32x128xf32, #tpu.memory_space<vmem_shared>>
      tpu.enqueue_dma source(%arg15 : memref<32x128xf32, #tpu.memory_space<vmem>>) target(%dma_start3A_272 : memref<32x128xf32, #tpu.memory_space<vmem_shared>>) target_semaphore(%run_scoped3A : memref<!tpu.dma_semaphore, #tpu.memory_space<semaphore_mem>>)
      %dma_wait3A_273 = arith.constant 0 : i32
      %dma_wait3A_274 = tpu.memref_slice %arg16[%add3A_19, %dma_wait3A_273] : memref<10240x128xf32, #tpu.memory_space<vmem_shared>> -> memref<32x128xf32, #tpu.memory_space<vmem_shared>>
      %dma_wait3A_275 = arith.constant 0 : i32
      %dma_wait3A_276 = tpu.memref_slice %arg16[%add3A_19, %dma_wait3A_275] : memref<10240x128xf32, #tpu.memory_space<vmem_shared>> -> memref<32x128xf32, #tpu.memory_space<vmem_shared>>
      tpu.wait_dma2 semaphore(%run_scoped3A : memref<!tpu.dma_semaphore, #tpu.memory_space<semaphore_mem>>) src(%arg15 : memref<32x128xf32, #tpu.memory_space<vmem>>) dst(%dma_wait3A_276 : memref<32x128xf32, #tpu.memory_space<vmem_shared>>)
      tpu.yield
    }) : () -> ()
    %mul3A_20 = arith.constant 640 : i32
    %mul3A_21 = arith.muli %arg1, %mul3A_20 : i32
    %add3A_22 = arith.constant 128 : i32
    %add3A_23 = arith.addi %mul3A_21, %add3A_22 : i32
    "tpu.region"() ({
      %run_scoped3A = tpu.sem_alloc : memref<!tpu.dma_semaphore, #tpu.memory_space<semaphore_mem>>
      %dma_start3A_269 = arith.constant 0 : i32
      %dma_start3A_270 = tpu.memref_slice %arg16[%add3A_23, %dma_start3A_269] : memref<10240x128xf32, #tpu.memory_space<vmem_shared>> -> memref<32x128xf32, #tpu.memory_space<vmem_shared>>
      %dma_start3A_271 = arith.constant 0 : i32
      %dma_start3A_272 = tpu.memref_slice %arg16[%add3A_23, %dma_start3A_271] : memref<10240x128xf32, #tpu.memory_space<vmem_shared>> -> memref<32x128xf32, #tpu.memory_space<vmem_shared>>
      tpu.enqueue_dma source(%arg15 : memref<32x128xf32, #tpu.memory_space<vmem>>) target(%dma_start3A_272 : memref<32x128xf32, #tpu.memory_space<vmem_shared>>) target_semaphore(%run_scoped3A : memref<!tpu.dma_semaphore, #tpu.memory_space<semaphore_mem>>)
      %dma_wait3A_273 = arith.constant 0 : i32
      %dma_wait3A_274 = tpu.memref_slice %arg16[%add3A_23, %dma_wait3A_273] : memref<10240x128xf32, #tpu.memory_space<vmem_shared>> -> memref<32x128xf32, #tpu.memory_space<vmem_shared>>
      %dma_wait3A_275 = arith.constant 0 : i32
      %dma_wait3A_276 = tpu.memref_slice %arg16[%add3A_23, %dma_wait3A_275] : memref<10240x128xf32, #tpu.memory_space<vmem_shared>> -> memref<32x128xf32, #tpu.memory_space<vmem_shared>>
      tpu.wait_dma2 semaphore(%run_scoped3A : memref<!tpu.dma_semaphore, #tpu.memory_space<semaphore_mem>>) src(%arg15 : memref<32x128xf32, #tpu.memory_space<vmem>>) dst(%dma_wait3A_276 : memref<32x128xf32, #tpu.memory_space<vmem_shared>>)
      tpu.yield
    }) : () -> ()
    %mul3A_24 = arith.constant 640 : i32
    %mul3A_25 = arith.muli %arg1, %mul3A_24 : i32
    %add3A_26 = arith.constant 160 : i32
    %add3A_27 = arith.addi %mul3A_25, %add3A_26 : i32
    "tpu.region"() ({
      %run_scoped3A = tpu.sem_alloc : memref<!tpu.dma_semaphore, #tpu.memory_space<semaphore_mem>>
      %dma_start3A_269 = arith.constant 0 : i32
      %dma_start3A_270 = tpu.memref_slice %arg16[%add3A_27, %dma_start3A_269] : memref<10240x128xf32, #tpu.memory_space<vmem_shared>> -> memref<32x128xf32, #tpu.memory_space<vmem_shared>>
      %dma_start3A_271 = arith.constant 0 : i32
      %dma_start3A_272 = tpu.memref_slice %arg16[%add3A_27, %dma_start3A_271] : memref<10240x128xf32, #tpu.memory_space<vmem_shared>> -> memref<32x128xf32, #tpu.memory_space<vmem_shared>>
      tpu.enqueue_dma source(%arg15 : memref<32x128xf32, #tpu.memory_space<vmem>>) target(%dma_start3A_272 : memref<32x128xf32, #tpu.memory_space<vmem_shared>>) target_semaphore(%run_scoped3A : memref<!tpu.dma_semaphore, #tpu.memory_space<semaphore_mem>>)
      %dma_wait3A_273 = arith.constant 0 : i32
      %dma_wait3A_274 = tpu.memref_slice %arg16[%add3A_27, %dma_wait3A_273] : memref<10240x128xf32, #tpu.memory_space<vmem_shared>> -> memref<32x128xf32, #tpu.memory_space<vmem_shared>>
      %dma_wait3A_275 = arith.constant 0 : i32
      %dma_wait3A_276 = tpu.memref_slice %arg16[%add3A_27, %dma_wait3A_275] : memref<10240x128xf32, #tpu.memory_space<vmem_shared>> -> memref<32x128xf32, #tpu.memory_space<vmem_shared>>
      tpu.wait_dma2 semaphore(%run_scoped3A : memref<!tpu.dma_semaphore, #tpu.memory_space<semaphore_mem>>) src(%arg15 : memref<32x128xf32, #tpu.memory_space<vmem>>) dst(%dma_wait3A_276 : memref<32x128xf32, #tpu.memory_space<vmem_shared>>)
      tpu.yield
    }) : () -> ()
    %mul3A_28 = arith.constant 640 : i32
    %mul3A_29 = arith.muli %arg1, %mul3A_28 : i32
    %add3A_30 = arith.constant 192 : i32
    %add3A_31 = arith.addi %mul3A_29, %add3A_30 : i32
    "tpu.region"() ({
      %run_scoped3A = tpu.sem_alloc : memref<!tpu.dma_semaphore, #tpu.memory_space<semaphore_mem>>
      %dma_start3A_269 = arith.constant 0 : i32
      %dma_start3A_270 = tpu.memref_slice %arg16[%add3A_31, %dma_start3A_269] : memref<10240x128xf32, #tpu.memory_space<vmem_shared>> -> memref<32x128xf32, #tpu.memory_space<vmem_shared>>
      %dma_start3A_271 = arith.constant 0 : i32
      %dma_start3A_272 = tpu.memref_slice %arg16[%add3A_31, %dma_start3A_271] : memref<10240x128xf32, #tpu.memory_space<vmem_shared>> -> memref<32x128xf32, #tpu.memory_space<vmem_shared>>
      tpu.enqueue_dma source(%arg15 : memref<32x128xf32, #tpu.memory_space<vmem>>) target(%dma_start3A_272 : memref<32x128xf32, #tpu.memory_space<vmem_shared>>) target_semaphore(%run_scoped3A : memref<!tpu.dma_semaphore, #tpu.memory_space<semaphore_mem>>)
      %dma_wait3A_273 = arith.constant 0 : i32
      %dma_wait3A_274 = tpu.memref_slice %arg16[%add3A_31, %dma_wait3A_273] : memref<10240x128xf32, #tpu.memory_space<vmem_shared>> -> memref<32x128xf32, #tpu.memory_space<vmem_shared>>
      %dma_wait3A_275 = arith.constant 0 : i32
      %dma_wait3A_276 = tpu.memref_slice %arg16[%add3A_31, %dma_wait3A_275] : memref<10240x128xf32, #tpu.memory_space<vmem_shared>> -> memref<32x128xf32, #tpu.memory_space<vmem_shared>>
      tpu.wait_dma2 semaphore(%run_scoped3A : memref<!tpu.dma_semaphore, #tpu.memory_space<semaphore_mem>>) src(%arg15 : memref<32x128xf32, #tpu.memory_space<vmem>>) dst(%dma_wait3A_276 : memref<32x128xf32, #tpu.memory_space<vmem_shared>>)
      tpu.yield
    }) : () -> ()
    %mul3A_32 = arith.constant 640 : i32
    %mul3A_33 = arith.muli %arg1, %mul3A_32 : i32
    %add3A_34 = arith.constant 224 : i32
    %add3A_35 = arith.addi %mul3A_33, %add3A_34 : i32
    "tpu.region"() ({
      %run_scoped3A = tpu.sem_alloc : memref<!tpu.dma_semaphore, #tpu.memory_space<semaphore_mem>>
      %dma_start3A_269 = arith.constant 0 : i32
      %dma_start3A_270 = tpu.memref_slice %arg16[%add3A_35, %dma_start3A_269] : memref<10240x128xf32, #tpu.memory_space<vmem_shared>> -> memref<32x128xf32, #tpu.memory_space<vmem_shared>>
      %dma_start3A_271 = arith.constant 0 : i32
      %dma_start3A_272 = tpu.memref_slice %arg16[%add3A_35, %dma_start3A_271] : memref<10240x128xf32, #tpu.memory_space<vmem_shared>> -> memref<32x128xf32, #tpu.memory_space<vmem_shared>>
      tpu.enqueue_dma source(%arg15 : memref<32x128xf32, #tpu.memory_space<vmem>>) target(%dma_start3A_272 : memref<32x128xf32, #tpu.memory_space<vmem_shared>>) target_semaphore(%run_scoped3A : memref<!tpu.dma_semaphore, #tpu.memory_space<semaphore_mem>>)
      %dma_wait3A_273 = arith.constant 0 : i32
      %dma_wait3A_274 = tpu.memref_slice %arg16[%add3A_35, %dma_wait3A_273] : memref<10240x128xf32, #tpu.memory_space<vmem_shared>> -> memref<32x128xf32, #tpu.memory_space<vmem_shared>>
      %dma_wait3A_275 = arith.constant 0 : i32
      %dma_wait3A_276 = tpu.memref_slice %arg16[%add3A_35, %dma_wait3A_275] : memref<10240x128xf32, #tpu.memory_space<vmem_shared>> -> memref<32x128xf32, #tpu.memory_space<vmem_shared>>
      tpu.wait_dma2 semaphore(%run_scoped3A : memref<!tpu.dma_semaphore, #tpu.memory_space<semaphore_mem>>) src(%arg15 : memref<32x128xf32, #tpu.memory_space<vmem>>) dst(%dma_wait3A_276 : memref<32x128xf32, #tpu.memory_space<vmem_shared>>)
      tpu.yield
    }) : () -> ()
    %mul3A_36 = arith.constant 640 : i32
    %mul3A_37 = arith.muli %arg1, %mul3A_36 : i32
    %add3A_38 = arith.constant 256 : i32
    %add3A_39 = arith.addi %mul3A_37, %add3A_38 : i32
    "tpu.region"() ({
      %run_scoped3A = tpu.sem_alloc : memref<!tpu.dma_semaphore, #tpu.memory_space<semaphore_mem>>
      %dma_start3A_269 = arith.constant 0 : i32
      %dma_start3A_270 = tpu.memref_slice %arg16[%add3A_39, %dma_start3A_269] : memref<10240x128xf32, #tpu.memory_space<vmem_shared>> -> memref<32x128xf32, #tpu.memory_space<vmem_shared>>
      %dma_start3A_271 = arith.constant 0 : i32
      %dma_start3A_272 = tpu.memref_slice %arg16[%add3A_39, %dma_start3A_271] : memref<10240x128xf32, #tpu.memory_space<vmem_shared>> -> memref<32x128xf32, #tpu.memory_space<vmem_shared>>
      tpu.enqueue_dma source(%arg15 : memref<32x128xf32, #tpu.memory_space<vmem>>) target(%dma_start3A_272 : memref<32x128xf32, #tpu.memory_space<vmem_shared>>) target_semaphore(%run_scoped3A : memref<!tpu.dma_semaphore, #tpu.memory_space<semaphore_mem>>)
      %dma_wait3A_273 = arith.constant 0 : i32
      %dma_wait3A_274 = tpu.memref_slice %arg16[%add3A_39, %dma_wait3A_273] : memref<10240x128xf32, #tpu.memory_space<vmem_shared>> -> memref<32x128xf32, #tpu.memory_space<vmem_shared>>
      %dma_wait3A_275 = arith.constant 0 : i32
      %dma_wait3A_276 = tpu.memref_slice %arg16[%add3A_39, %dma_wait3A_275] : memref<10240x128xf32, #tpu.memory_space<vmem_shared>> -> memref<32x128xf32, #tpu.memory_space<vmem_shared>>
      tpu.wait_dma2 semaphore(%run_scoped3A : memref<!tpu.dma_semaphore, #tpu.memory_space<semaphore_mem>>) src(%arg15 : memref<32x128xf32, #tpu.memory_space<vmem>>) dst(%dma_wait3A_276 : memref<32x128xf32, #tpu.memory_space<vmem_shared>>)
      tpu.yield
    }) : () -> ()
    %mul3A_40 = arith.constant 640 : i32
    %mul3A_41 = arith.muli %arg1, %mul3A_40 : i32
    %add3A_42 = arith.constant 288 : i32
    %add3A_43 = arith.addi %mul3A_41, %add3A_42 : i32
    "tpu.region"() ({
      %run_scoped3A = tpu.sem_alloc : memref<!tpu.dma_semaphore, #tpu.memory_space<semaphore_mem>>
      %dma_start3A_269 = arith.constant 0 : i32
      %dma_start3A_270 = tpu.memref_slice %arg16[%add3A_43, %dma_start3A_269] : memref<10240x128xf32, #tpu.memory_space<vmem_shared>> -> memref<32x128xf32, #tpu.memory_space<vmem_shared>>
      %dma_start3A_271 = arith.constant 0 : i32
      %dma_start3A_272 = tpu.memref_slice %arg16[%add3A_43, %dma_start3A_271] : memref<10240x128xf32, #tpu.memory_space<vmem_shared>> -> memref<32x128xf32, #tpu.memory_space<vmem_shared>>
      tpu.enqueue_dma source(%arg15 : memref<32x128xf32, #tpu.memory_space<vmem>>) target(%dma_start3A_272 : memref<32x128xf32, #tpu.memory_space<vmem_shared>>) target_semaphore(%run_scoped3A : memref<!tpu.dma_semaphore, #tpu.memory_space<semaphore_mem>>)
      %dma_wait3A_273 = arith.constant 0 : i32
      %dma_wait3A_274 = tpu.memref_slice %arg16[%add3A_43, %dma_wait3A_273] : memref<10240x128xf32, #tpu.memory_space<vmem_shared>> -> memref<32x128xf32, #tpu.memory_space<vmem_shared>>
      %dma_wait3A_275 = arith.constant 0 : i32
      %dma_wait3A_276 = tpu.memref_slice %arg16[%add3A_43, %dma_wait3A_275] : memref<10240x128xf32, #tpu.memory_space<vmem_shared>> -> memref<32x128xf32, #tpu.memory_space<vmem_shared>>
      tpu.wait_dma2 semaphore(%run_scoped3A : memref<!tpu.dma_semaphore, #tpu.memory_space<semaphore_mem>>) src(%arg15 : memref<32x128xf32, #tpu.memory_space<vmem>>) dst(%dma_wait3A_276 : memref<32x128xf32, #tpu.memory_space<vmem_shared>>)
      tpu.yield
    }) : () -> ()
    %mul3A_44 = arith.constant 640 : i32
    %mul3A_45 = arith.muli %arg1, %mul3A_44 : i32
    %add3A_46 = arith.constant 320 : i32
    %add3A_47 = arith.addi %mul3A_45, %add3A_46 : i32
    "tpu.region"() ({
      %run_scoped3A = tpu.sem_alloc : memref<!tpu.dma_semaphore, #tpu.memory_space<semaphore_mem>>
      %dma_start3A_269 = arith.constant 0 : i32
      %dma_start3A_270 = tpu.memref_slice %arg16[%add3A_47, %dma_start3A_269] : memref<10240x128xf32, #tpu.memory_space<vmem_shared>> -> memref<32x128xf32, #tpu.memory_space<vmem_shared>>
      %dma_start3A_271 = arith.constant 0 : i32
      %dma_start3A_272 = tpu.memref_slice %arg16[%add3A_47, %dma_start3A_271] : memref<10240x128xf32, #tpu.memory_space<vmem_shared>> -> memref<32x128xf32, #tpu.memory_space<vmem_shared>>
      tpu.enqueue_dma source(%arg15 : memref<32x128xf32, #tpu.memory_space<vmem>>) target(%dma_start3A_272 : memref<32x128xf32, #tpu.memory_space<vmem_shared>>) target_semaphore(%run_scoped3A : memref<!tpu.dma_semaphore, #tpu.memory_space<semaphore_mem>>)
      %dma_wait3A_273 = arith.constant 0 : i32
      %dma_wait3A_274 = tpu.memref_slice %arg16[%add3A_47, %dma_wait3A_273] : memref<10240x128xf32, #tpu.memory_space<vmem_shared>> -> memref<32x128xf32, #tpu.memory_space<vmem_shared>>
      %dma_wait3A_275 = arith.constant 0 : i32
      %dma_wait3A_276 = tpu.memref_slice %arg16[%add3A_47, %dma_wait3A_275] : memref<10240x128xf32, #tpu.memory_space<vmem_shared>> -> memref<32x128xf32, #tpu.memory_space<vmem_shared>>
      tpu.wait_dma2 semaphore(%run_scoped3A : memref<!tpu.dma_semaphore, #tpu.memory_space<semaphore_mem>>) src(%arg15 : memref<32x128xf32, #tpu.memory_space<vmem>>) dst(%dma_wait3A_276 : memref<32x128xf32, #tpu.memory_space<vmem_shared>>)
      tpu.yield
    }) : () -> ()
    %mul3A_48 = arith.constant 640 : i32
    %mul3A_49 = arith.muli %arg1, %mul3A_48 : i32
    %add3A_50 = arith.constant 352 : i32
    %add3A_51 = arith.addi %mul3A_49, %add3A_50 : i32
    "tpu.region"() ({
      %run_scoped3A = tpu.sem_alloc : memref<!tpu.dma_semaphore, #tpu.memory_space<semaphore_mem>>
      %dma_start3A_269 = arith.constant 0 : i32
      %dma_start3A_270 = tpu.memref_slice %arg16[%add3A_51, %dma_start3A_269] : memref<10240x128xf32, #tpu.memory_space<vmem_shared>> -> memref<32x128xf32, #tpu.memory_space<vmem_shared>>
      %dma_start3A_271 = arith.constant 0 : i32
      %dma_start3A_272 = tpu.memref_slice %arg16[%add3A_51, %dma_start3A_271] : memref<10240x128xf32, #tpu.memory_space<vmem_shared>> -> memref<32x128xf32, #tpu.memory_space<vmem_shared>>
      tpu.enqueue_dma source(%arg15 : memref<32x128xf32, #tpu.memory_space<vmem>>) target(%dma_start3A_272 : memref<32x128xf32, #tpu.memory_space<vmem_shared>>) target_semaphore(%run_scoped3A : memref<!tpu.dma_semaphore, #tpu.memory_space<semaphore_mem>>)
      %dma_wait3A_273 = arith.constant 0 : i32
      %dma_wait3A_274 = tpu.memref_slice %arg16[%add3A_51, %dma_wait3A_273] : memref<10240x128xf32, #tpu.memory_space<vmem_shared>> -> memref<32x128xf32, #tpu.memory_space<vmem_shared>>
      %dma_wait3A_275 = arith.constant 0 : i32
      %dma_wait3A_276 = tpu.memref_slice %arg16[%add3A_51, %dma_wait3A_275] : memref<10240x128xf32, #tpu.memory_space<vmem_shared>> -> memref<32x128xf32, #tpu.memory_space<vmem_shared>>
      tpu.wait_dma2 semaphore(%run_scoped3A : memref<!tpu.dma_semaphore, #tpu.memory_space<semaphore_mem>>) src(%arg15 : memref<32x128xf32, #tpu.memory_space<vmem>>) dst(%dma_wait3A_276 : memref<32x128xf32, #tpu.memory_space<vmem_shared>>)
      tpu.yield
    }) : () -> ()
    %mul3A_52 = arith.constant 640 : i32
    %mul3A_53 = arith.muli %arg1, %mul3A_52 : i32
    %add3A_54 = arith.constant 384 : i32
    %add3A_55 = arith.addi %mul3A_53, %add3A_54 : i32
    "tpu.region"() ({
      %run_scoped3A = tpu.sem_alloc : memref<!tpu.dma_semaphore, #tpu.memory_space<semaphore_mem>>
      %dma_start3A_269 = arith.constant 0 : i32
      %dma_start3A_270 = tpu.memref_slice %arg16[%add3A_55, %dma_start3A_269] : memref<10240x128xf32, #tpu.memory_space<vmem_shared>> -> memref<32x128xf32, #tpu.memory_space<vmem_shared>>
      %dma_start3A_271 = arith.constant 0 : i32
      %dma_start3A_272 = tpu.memref_slice %arg16[%add3A_55, %dma_start3A_271] : memref<10240x128xf32, #tpu.memory_space<vmem_shared>> -> memref<32x128xf32, #tpu.memory_space<vmem_shared>>
      tpu.enqueue_dma source(%arg15 : memref<32x128xf32, #tpu.memory_space<vmem>>) target(%dma_start3A_272 : memref<32x128xf32, #tpu.memory_space<vmem_shared>>) target_semaphore(%run_scoped3A : memref<!tpu.dma_semaphore, #tpu.memory_space<semaphore_mem>>)
      %dma_wait3A_273 = arith.constant 0 : i32
      %dma_wait3A_274 = tpu.memref_slice %arg16[%add3A_55, %dma_wait3A_273] : memref<10240x128xf32, #tpu.memory_space<vmem_shared>> -> memref<32x128xf32, #tpu.memory_space<vmem_shared>>
      %dma_wait3A_275 = arith.constant 0 : i32
      %dma_wait3A_276 = tpu.memref_slice %arg16[%add3A_55, %dma_wait3A_275] : memref<10240x128xf32, #tpu.memory_space<vmem_shared>> -> memref<32x128xf32, #tpu.memory_space<vmem_shared>>
      tpu.wait_dma2 semaphore(%run_scoped3A : memref<!tpu.dma_semaphore, #tpu.memory_space<semaphore_mem>>) src(%arg15 : memref<32x128xf32, #tpu.memory_space<vmem>>) dst(%dma_wait3A_276 : memref<32x128xf32, #tpu.memory_space<vmem_shared>>)
      tpu.yield
    }) : () -> ()
    %mul3A_56 = arith.constant 640 : i32
    %mul3A_57 = arith.muli %arg1, %mul3A_56 : i32
    %add3A_58 = arith.constant 416 : i32
    %add3A_59 = arith.addi %mul3A_57, %add3A_58 : i32
    "tpu.region"() ({
      %run_scoped3A = tpu.sem_alloc : memref<!tpu.dma_semaphore, #tpu.memory_space<semaphore_mem>>
      %dma_start3A_269 = arith.constant 0 : i32
      %dma_start3A_270 = tpu.memref_slice %arg16[%add3A_59, %dma_start3A_269] : memref<10240x128xf32, #tpu.memory_space<vmem_shared>> -> memref<32x128xf32, #tpu.memory_space<vmem_shared>>
      %dma_start3A_271 = arith.constant 0 : i32
      %dma_start3A_272 = tpu.memref_slice %arg16[%add3A_59, %dma_start3A_271] : memref<10240x128xf32, #tpu.memory_space<vmem_shared>> -> memref<32x128xf32, #tpu.memory_space<vmem_shared>>
      tpu.enqueue_dma source(%arg15 : memref<32x128xf32, #tpu.memory_space<vmem>>) target(%dma_start3A_272 : memref<32x128xf32, #tpu.memory_space<vmem_shared>>) target_semaphore(%run_scoped3A : memref<!tpu.dma_semaphore, #tpu.memory_space<semaphore_mem>>)
      %dma_wait3A_273 = arith.constant 0 : i32
      %dma_wait3A_274 = tpu.memref_slice %arg16[%add3A_59, %dma_wait3A_273] : memref<10240x128xf32, #tpu.memory_space<vmem_shared>> -> memref<32x128xf32, #tpu.memory_space<vmem_shared>>
      %dma_wait3A_275 = arith.constant 0 : i32
      %dma_wait3A_276 = tpu.memref_slice %arg16[%add3A_59, %dma_wait3A_275] : memref<10240x128xf32, #tpu.memory_space<vmem_shared>> -> memref<32x128xf32, #tpu.memory_space<vmem_shared>>
      tpu.wait_dma2 semaphore(%run_scoped3A : memref<!tpu.dma_semaphore, #tpu.memory_space<semaphore_mem>>) src(%arg15 : memref<32x128xf32, #tpu.memory_space<vmem>>) dst(%dma_wait3A_276 : memref<32x128xf32, #tpu.memory_space<vmem_shared>>)
      tpu.yield
    }) : () -> ()
    %mul3A_60 = arith.constant 640 : i32
    %mul3A_61 = arith.muli %arg1, %mul3A_60 : i32
    %add3A_62 = arith.constant 448 : i32
    %add3A_63 = arith.addi %mul3A_61, %add3A_62 : i32
    "tpu.region"() ({
      %run_scoped3A = tpu.sem_alloc : memref<!tpu.dma_semaphore, #tpu.memory_space<semaphore_mem>>
      %dma_start3A_269 = arith.constant 0 : i32
      %dma_start3A_270 = tpu.memref_slice %arg16[%add3A_63, %dma_start3A_269] : memref<10240x128xf32, #tpu.memory_space<vmem_shared>> -> memref<32x128xf32, #tpu.memory_space<vmem_shared>>
      %dma_start3A_271 = arith.constant 0 : i32
      %dma_start3A_272 = tpu.memref_slice %arg16[%add3A_63, %dma_start3A_271] : memref<10240x128xf32, #tpu.memory_space<vmem_shared>> -> memref<32x128xf32, #tpu.memory_space<vmem_shared>>
      tpu.enqueue_dma source(%arg15 : memref<32x128xf32, #tpu.memory_space<vmem>>) target(%dma_start3A_272 : memref<32x128xf32, #tpu.memory_space<vmem_shared>>) target_semaphore(%run_scoped3A : memref<!tpu.dma_semaphore, #tpu.memory_space<semaphore_mem>>)
      %dma_wait3A_273 = arith.constant 0 : i32
      %dma_wait3A_274 = tpu.memref_slice %arg16[%add3A_63, %dma_wait3A_273] : memref<10240x128xf32, #tpu.memory_space<vmem_shared>> -> memref<32x128xf32, #tpu.memory_space<vmem_shared>>
      %dma_wait3A_275 = arith.constant 0 : i32
      %dma_wait3A_276 = tpu.memref_slice %arg16[%add3A_63, %dma_wait3A_275] : memref<10240x128xf32, #tpu.memory_space<vmem_shared>> -> memref<32x128xf32, #tpu.memory_space<vmem_shared>>
      tpu.wait_dma2 semaphore(%run_scoped3A : memref<!tpu.dma_semaphore, #tpu.memory_space<semaphore_mem>>) src(%arg15 : memref<32x128xf32, #tpu.memory_space<vmem>>) dst(%dma_wait3A_276 : memref<32x128xf32, #tpu.memory_space<vmem_shared>>)
      tpu.yield
    }) : () -> ()
    %mul3A_64 = arith.constant 640 : i32
    %mul3A_65 = arith.muli %arg1, %mul3A_64 : i32
    %add3A_66 = arith.constant 480 : i32
    %add3A_67 = arith.addi %mul3A_65, %add3A_66 : i32
    "tpu.region"() ({
      %run_scoped3A = tpu.sem_alloc : memref<!tpu.dma_semaphore, #tpu.memory_space<semaphore_mem>>
      %dma_start3A_269 = arith.constant 0 : i32
      %dma_start3A_270 = tpu.memref_slice %arg16[%add3A_67, %dma_start3A_269] : memref<10240x128xf32, #tpu.memory_space<vmem_shared>> -> memref<32x128xf32, #tpu.memory_space<vmem_shared>>
      %dma_start3A_271 = arith.constant 0 : i32
      %dma_start3A_272 = tpu.memref_slice %arg16[%add3A_67, %dma_start3A_271] : memref<10240x128xf32, #tpu.memory_space<vmem_shared>> -> memref<32x128xf32, #tpu.memory_space<vmem_shared>>
      tpu.enqueue_dma source(%arg15 : memref<32x128xf32, #tpu.memory_space<vmem>>) target(%dma_start3A_272 : memref<32x128xf32, #tpu.memory_space<vmem_shared>>) target_semaphore(%run_scoped3A : memref<!tpu.dma_semaphore, #tpu.memory_space<semaphore_mem>>)
      %dma_wait3A_273 = arith.constant 0 : i32
      %dma_wait3A_274 = tpu.memref_slice %arg16[%add3A_67, %dma_wait3A_273] : memref<10240x128xf32, #tpu.memory_space<vmem_shared>> -> memref<32x128xf32, #tpu.memory_space<vmem_shared>>
      %dma_wait3A_275 = arith.constant 0 : i32
      %dma_wait3A_276 = tpu.memref_slice %arg16[%add3A_67, %dma_wait3A_275] : memref<10240x128xf32, #tpu.memory_space<vmem_shared>> -> memref<32x128xf32, #tpu.memory_space<vmem_shared>>
      tpu.wait_dma2 semaphore(%run_scoped3A : memref<!tpu.dma_semaphore, #tpu.memory_space<semaphore_mem>>) src(%arg15 : memref<32x128xf32, #tpu.memory_space<vmem>>) dst(%dma_wait3A_276 : memref<32x128xf32, #tpu.memory_space<vmem_shared>>)
      tpu.yield
    }) : () -> ()
    %mul3A_68 = arith.constant 640 : i32
    %mul3A_69 = arith.muli %arg1, %mul3A_68 : i32
    %add3A_70 = arith.constant 512 : i32
    %add3A_71 = arith.addi %mul3A_69, %add3A_70 : i32
    "tpu.region"() ({
      %run_scoped3A = tpu.sem_alloc : memref<!tpu.dma_semaphore, #tpu.memory_space<semaphore_mem>>
      %dma_start3A_269 = arith.constant 0 : i32
      %dma_start3A_270 = tpu.memref_slice %arg16[%add3A_71, %dma_start3A_269] : memref<10240x128xf32, #tpu.memory_space<vmem_shared>> -> memref<32x128xf32, #tpu.memory_space<vmem_shared>>
      %dma_start3A_271 = arith.constant 0 : i32
      %dma_start3A_272 = tpu.memref_slice %arg16[%add3A_71, %dma_start3A_271] : memref<10240x128xf32, #tpu.memory_space<vmem_shared>> -> memref<32x128xf32, #tpu.memory_space<vmem_shared>>
      tpu.enqueue_dma source(%arg15 : memref<32x128xf32, #tpu.memory_space<vmem>>) target(%dma_start3A_272 : memref<32x128xf32, #tpu.memory_space<vmem_shared>>) target_semaphore(%run_scoped3A : memref<!tpu.dma_semaphore, #tpu.memory_space<semaphore_mem>>)
      %dma_wait3A_273 = arith.constant 0 : i32
      %dma_wait3A_274 = tpu.memref_slice %arg16[%add3A_71, %dma_wait3A_273] : memref<10240x128xf32, #tpu.memory_space<vmem_shared>> -> memref<32x128xf32, #tpu.memory_space<vmem_shared>>
      %dma_wait3A_275 = arith.constant 0 : i32
      %dma_wait3A_276 = tpu.memref_slice %arg16[%add3A_71, %dma_wait3A_275] : memref<10240x128xf32, #tpu.memory_space<vmem_shared>> -> memref<32x128xf32, #tpu.memory_space<vmem_shared>>
      tpu.wait_dma2 semaphore(%run_scoped3A : memref<!tpu.dma_semaphore, #tpu.memory_space<semaphore_mem>>) src(%arg15 : memref<32x128xf32, #tpu.memory_space<vmem>>) dst(%dma_wait3A_276 : memref<32x128xf32, #tpu.memory_space<vmem_shared>>)
      tpu.yield
    }) : () -> ()
    %mul3A_72 = arith.constant 640 : i32
    %mul3A_73 = arith.muli %arg1, %mul3A_72 : i32
    %add3A_74 = arith.constant 544 : i32
    %add3A_75 = arith.addi %mul3A_73, %add3A_74 : i32
    "tpu.region"() ({
      %run_scoped3A = tpu.sem_alloc : memref<!tpu.dma_semaphore, #tpu.memory_space<semaphore_mem>>
      %dma_start3A_269 = arith.constant 0 : i32
      %dma_start3A_270 = tpu.memref_slice %arg16[%add3A_75, %dma_start3A_269] : memref<10240x128xf32, #tpu.memory_space<vmem_shared>> -> memref<32x128xf32, #tpu.memory_space<vmem_shared>>
      %dma_start3A_271 = arith.constant 0 : i32
      %dma_start3A_272 = tpu.memref_slice %arg16[%add3A_75, %dma_start3A_271] : memref<10240x128xf32, #tpu.memory_space<vmem_shared>> -> memref<32x128xf32, #tpu.memory_space<vmem_shared>>
      tpu.enqueue_dma source(%arg15 : memref<32x128xf32, #tpu.memory_space<vmem>>) target(%dma_start3A_272 : memref<32x128xf32, #tpu.memory_space<vmem_shared>>) target_semaphore(%run_scoped3A : memref<!tpu.dma_semaphore, #tpu.memory_space<semaphore_mem>>)
      %dma_wait3A_273 = arith.constant 0 : i32
      %dma_wait3A_274 = tpu.memref_slice %arg16[%add3A_75, %dma_wait3A_273] : memref<10240x128xf32, #tpu.memory_space<vmem_shared>> -> memref<32x128xf32, #tpu.memory_space<vmem_shared>>
      %dma_wait3A_275 = arith.constant 0 : i32
      %dma_wait3A_276 = tpu.memref_slice %arg16[%add3A_75, %dma_wait3A_275] : memref<10240x128xf32, #tpu.memory_space<vmem_shared>> -> memref<32x128xf32, #tpu.memory_space<vmem_shared>>
      tpu.wait_dma2 semaphore(%run_scoped3A : memref<!tpu.dma_semaphore, #tpu.memory_space<semaphore_mem>>) src(%arg15 : memref<32x128xf32, #tpu.memory_space<vmem>>) dst(%dma_wait3A_276 : memref<32x128xf32, #tpu.memory_space<vmem_shared>>)
      tpu.yield
    }) : () -> ()
    %mul3A_76 = arith.constant 640 : i32
    %mul3A_77 = arith.muli %arg1, %mul3A_76 : i32
    %add3A_78 = arith.constant 576 : i32
    %add3A_79 = arith.addi %mul3A_77, %add3A_78 : i32
    "tpu.region"() ({
      %run_scoped3A = tpu.sem_alloc : memref<!tpu.dma_semaphore, #tpu.memory_space<semaphore_mem>>
      %dma_start3A_269 = arith.constant 0 : i32
      %dma_start3A_270 = tpu.memref_slice %arg16[%add3A_79, %dma_start3A_269] : memref<10240x128xf32, #tpu.memory_space<vmem_shared>> -> memref<32x128xf32, #tpu.memory_space<vmem_shared>>
      %dma_start3A_271 = arith.constant 0 : i32
      %dma_start3A_272 = tpu.memref_slice %arg16[%add3A_79, %dma_start3A_271] : memref<10240x128xf32, #tpu.memory_space<vmem_shared>> -> memref<32x128xf32, #tpu.memory_space<vmem_shared>>
      tpu.enqueue_dma source(%arg15 : memref<32x128xf32, #tpu.memory_space<vmem>>) target(%dma_start3A_272 : memref<32x128xf32, #tpu.memory_space<vmem_shared>>) target_semaphore(%run_scoped3A : memref<!tpu.dma_semaphore, #tpu.memory_space<semaphore_mem>>)
      %dma_wait3A_273 = arith.constant 0 : i32
      %dma_wait3A_274 = tpu.memref_slice %arg16[%add3A_79, %dma_wait3A_273] : memref<10240x128xf32, #tpu.memory_space<vmem_shared>> -> memref<32x128xf32, #tpu.memory_space<vmem_shared>>
      %dma_wait3A_275 = arith.constant 0 : i32
      %dma_wait3A_276 = tpu.memref_slice %arg16[%add3A_79, %dma_wait3A_275] : memref<10240x128xf32, #tpu.memory_space<vmem_shared>> -> memref<32x128xf32, #tpu.memory_space<vmem_shared>>
      tpu.wait_dma2 semaphore(%run_scoped3A : memref<!tpu.dma_semaphore, #tpu.memory_space<semaphore_mem>>) src(%arg15 : memref<32x128xf32, #tpu.memory_space<vmem>>) dst(%dma_wait3A_276 : memref<32x128xf32, #tpu.memory_space<vmem_shared>>)
      tpu.yield
    }) : () -> ()
    %mul3A_80 = arith.constant 640 : i32
    %mul3A_81 = arith.muli %arg1, %mul3A_80 : i32
    %add3A_82 = arith.constant 608 : i32
    %add3A_83 = arith.addi %mul3A_81, %add3A_82 : i32
    "tpu.region"() ({
      %run_scoped3A = tpu.sem_alloc : memref<!tpu.dma_semaphore, #tpu.memory_space<semaphore_mem>>
      %dma_start3A_269 = arith.constant 0 : i32
      %dma_start3A_270 = tpu.memref_slice %arg16[%add3A_83, %dma_start3A_269] : memref<10240x128xf32, #tpu.memory_space<vmem_shared>> -> memref<32x128xf32, #tpu.memory_space<vmem_shared>>
      %dma_start3A_271 = arith.constant 0 : i32
      %dma_start3A_272 = tpu.memref_slice %arg16[%add3A_83, %dma_start3A_271] : memref<10240x128xf32, #tpu.memory_space<vmem_shared>> -> memref<32x128xf32, #tpu.memory_space<vmem_shared>>
      tpu.enqueue_dma source(%arg15 : memref<32x128xf32, #tpu.memory_space<vmem>>) target(%dma_start3A_272 : memref<32x128xf32, #tpu.memory_space<vmem_shared>>) target_semaphore(%run_scoped3A : memref<!tpu.dma_semaphore, #tpu.memory_space<semaphore_mem>>)
      %dma_wait3A_273 = arith.constant 0 : i32
      %dma_wait3A_274 = tpu.memref_slice %arg16[%add3A_83, %dma_wait3A_273] : memref<10240x128xf32, #tpu.memory_space<vmem_shared>> -> memref<32x128xf32, #tpu.memory_space<vmem_shared>>
      %dma_wait3A_275 = arith.constant 0 : i32
      %dma_wait3A_276 = tpu.memref_slice %arg16[%add3A_83, %dma_wait3A_275] : memref<10240x128xf32, #tpu.memory_space<vmem_shared>> -> memref<32x128xf32, #tpu.memory_space<vmem_shared>>
      tpu.wait_dma2 semaphore(%run_scoped3A : memref<!tpu.dma_semaphore, #tpu.memory_space<semaphore_mem>>) src(%arg15 : memref<32x128xf32, #tpu.memory_space<vmem>>) dst(%dma_wait3A_276 : memref<32x128xf32, #tpu.memory_space<vmem_shared>>)
      tpu.yield
    }) : () -> ()
    %barrier3A = arith.constant 0 : index
    tpu.barrier barrier_id(%barrier3A)
    %mul3A_84 = arith.constant 160000 : i32
    %mul3A_85 = arith.muli %arg0, %mul3A_84 : i32
    %mul3A_86 = arith.constant 10000 : i32
    %mul3A_87 = arith.muli %arg1, %mul3A_86 : i32
    %add3A_88 = arith.addi %mul3A_85, %mul3A_87 : i32
    "tpu.region"() ({
      %run_scoped3A = tpu.sem_alloc : memref<!tpu.dma_semaphore, #tpu.memory_space<semaphore_mem>>
      %dma_start3A_269 = tpu.memref_slice %arg3[%add3A_88] : memref<320000xi32, #tpu.memory_space<hbm>> -> memref<128xi32, #tpu.memory_space<hbm>>
      %dma_start3A_270 = tpu.memref_slice %arg3[%add3A_88] : memref<320000xi32, #tpu.memory_space<hbm>> -> memref<128xi32, #tpu.memory_space<hbm>>
      tpu.enqueue_dma source(%dma_start3A_270 : memref<128xi32, #tpu.memory_space<hbm>>) target(%arg6 : memref<128xi32, #tpu.memory_space<vmem>>) target_semaphore(%run_scoped3A : memref<!tpu.dma_semaphore, #tpu.memory_space<semaphore_mem>>)
      %dma_wait3A_271 = tpu.memref_slice %arg3[%add3A_88] : memref<320000xi32, #tpu.memory_space<hbm>> -> memref<128xi32, #tpu.memory_space<hbm>>
      %dma_wait3A_272 = tpu.memref_slice %arg3[%add3A_88] : memref<320000xi32, #tpu.memory_space<hbm>> -> memref<128xi32, #tpu.memory_space<hbm>>
      tpu.wait_dma2 semaphore(%run_scoped3A : memref<!tpu.dma_semaphore, #tpu.memory_space<semaphore_mem>>) src(%dma_wait3A_272 : memref<128xi32, #tpu.memory_space<hbm>>) dst(%arg6 : memref<128xi32, #tpu.memory_space<vmem>>)
      tpu.yield
    }) : () -> ()
    "tpu.region"() ({
      %run_scoped3A = tpu.sem_alloc : memref<!tpu.dma_semaphore, #tpu.memory_space<semaphore_mem>>
      %dma_start3A_269 = tpu.memref_slice %arg4[%add3A_88] : memref<320000xi32, #tpu.memory_space<hbm>> -> memref<128xi32, #tpu.memory_space<hbm>>
      %dma_start3A_270 = tpu.memref_slice %arg4[%add3A_88] : memref<320000xi32, #tpu.memory_space<hbm>> -> memref<128xi32, #tpu.memory_space<hbm>>
      tpu.enqueue_dma source(%dma_start3A_270 : memref<128xi32, #tpu.memory_space<hbm>>) target(%arg7 : memref<128xi32, #tpu.memory_space<vmem>>) target_semaphore(%run_scoped3A : memref<!tpu.dma_semaphore, #tpu.memory_space<semaphore_mem>>)
      %dma_wait3A_271 = tpu.memref_slice %arg4[%add3A_88] : memref<320000xi32, #tpu.memory_space<hbm>> -> memref<128xi32, #tpu.memory_space<hbm>>
      %dma_wait3A_272 = tpu.memref_slice %arg4[%add3A_88] : memref<320000xi32, #tpu.memory_space<hbm>> -> memref<128xi32, #tpu.memory_space<hbm>>
      tpu.wait_dma2 semaphore(%run_scoped3A : memref<!tpu.dma_semaphore, #tpu.memory_space<semaphore_mem>>) src(%dma_wait3A_272 : memref<128xi32, #tpu.memory_space<hbm>>) dst(%arg7 : memref<128xi32, #tpu.memory_space<vmem>>)
      tpu.yield
    }) : () -> ()
    %dma_start3A = arith.constant 0 : i32
    %dma_start3A_89 = arith.constant 0 : i32
    %dma_start3A_90 = tpu.memref_slice %arg2[%dma_start3A, %dma_start3A_89] : memref<10000x128xf32, #tpu.memory_space<hbm>> -> memref<10000x128xf32, #tpu.memory_space<hbm>>
    tpu.enqueue_indirect_dma source(%dma_start3A_90 : memref<10000x128xf32, #tpu.memory_space<hbm>>) target(%arg12 : memref<128x128xf32, #tpu.memory_space<vmem>>) offsets(%arg6 : memref<128xi32, #tpu.memory_space<vmem>>) semaphore(%arg17 : memref<!tpu.dma_semaphore, #tpu.memory_space<semaphore_mem>>)
    %scan3A_91 = arith.constant 0 : i32
    %scan3A_92 = arith.constant 0 : i32
    %scan3A_93 = arith.constant 38 : i32
    %scan3A_94 = arith.addi %scan3A_92, %scan3A_93 : i32
    %scan3A_95 = arith.constant 1 : i32
    %scan3A_96 = scf.for %scan3A_269 = %scan3A_92 to %scan3A_94 step %scan3A_95 iter_args(%scan3A_270 = %scan3A_91) -> (i32)  : i32 {
      %mul3A_271 = arith.constant 2 : i32
      %mul3A_272 = arith.muli %mul3A_271, %scan3A_269 : i32
      %add3A_273 = arith.constant 1 : i32
      %add3A_274 = arith.addi %mul3A_272, %add3A_273 : i32
      %mul3A_275 = arith.constant 128 : i32
      %mul3A_276 = arith.muli %add3A_274, %mul3A_275 : i32
      %add3A_277 = arith.addi %add3A_88, %mul3A_276 : i32
      %mul3A_278 = arith.constant 2 : i32
      %mul3A_279 = arith.muli %mul3A_278, %scan3A_269 : i32
      %add3A_280 = arith.constant 2 : i32
      %add3A_281 = arith.addi %mul3A_279, %add3A_280 : i32
      %mul3A_282 = arith.constant 128 : i32
      %mul3A_283 = arith.muli %add3A_281, %mul3A_282 : i32
      %add3A_284 = arith.addi %add3A_88, %mul3A_283 : i32
      "tpu.region"() ({
        %run_scoped3A = tpu.sem_alloc : memref<!tpu.dma_semaphore, #tpu.memory_space<semaphore_mem>>
        %dma_start3A_310 = tpu.memref_slice %arg3[%add3A_277] : memref<320000xi32, #tpu.memory_space<hbm>> -> memref<128xi32, #tpu.memory_space<hbm>>
        %dma_start3A_311 = tpu.memref_slice %arg3[%add3A_277] : memref<320000xi32, #tpu.memory_space<hbm>> -> memref<128xi32, #tpu.memory_space<hbm>>
        tpu.enqueue_dma source(%dma_start3A_311 : memref<128xi32, #tpu.memory_space<hbm>>) target(%arg8 : memref<128xi32, #tpu.memory_space<vmem>>) target_semaphore(%run_scoped3A : memref<!tpu.dma_semaphore, #tpu.memory_space<semaphore_mem>>)
        %dma_wait3A_312 = tpu.memref_slice %arg3[%add3A_277] : memref<320000xi32, #tpu.memory_space<hbm>> -> memref<128xi32, #tpu.memory_space<hbm>>
        %dma_wait3A_313 = tpu.memref_slice %arg3[%add3A_277] : memref<320000xi32, #tpu.memory_space<hbm>> -> memref<128xi32, #tpu.memory_space<hbm>>
        tpu.wait_dma2 semaphore(%run_scoped3A : memref<!tpu.dma_semaphore, #tpu.memory_space<semaphore_mem>>) src(%dma_wait3A_313 : memref<128xi32, #tpu.memory_space<hbm>>) dst(%arg8 : memref<128xi32, #tpu.memory_space<vmem>>)
        tpu.yield
      }) : () -> ()
      "tpu.region"() ({
        %run_scoped3A = tpu.sem_alloc : memref<!tpu.dma_semaphore, #tpu.memory_space<semaphore_mem>>
        %dma_start3A_310 = tpu.memref_slice %arg4[%add3A_277] : memref<320000xi32, #tpu.memory_space<hbm>> -> memref<128xi32, #tpu.memory_space<hbm>>
        %dma_start3A_311 = tpu.memref_slice %arg4[%add3A_277] : memref<320000xi32, #tpu.memory_space<hbm>> -> memref<128xi32, #tpu.memory_space<hbm>>
        tpu.enqueue_dma source(%dma_start3A_311 : memref<128xi32, #tpu.memory_space<hbm>>) target(%arg9 : memref<128xi32, #tpu.memory_space<vmem>>) target_semaphore(%run_scoped3A : memref<!tpu.dma_semaphore, #tpu.memory_space<semaphore_mem>>)
        %dma_wait3A_312 = tpu.memref_slice %arg4[%add3A_277] : memref<320000xi32, #tpu.memory_space<hbm>> -> memref<128xi32, #tpu.memory_space<hbm>>
        %dma_wait3A_313 = tpu.memref_slice %arg4[%add3A_277] : memref<320000xi32, #tpu.memory_space<hbm>> -> memref<128xi32, #tpu.memory_space<hbm>>
        tpu.wait_dma2 semaphore(%run_scoped3A : memref<!tpu.dma_semaphore, #tpu.memory_space<semaphore_mem>>) src(%dma_wait3A_313 : memref<128xi32, #tpu.memory_space<hbm>>) dst(%arg9 : memref<128xi32, #tpu.memory_space<vmem>>)
        tpu.yield
      }) : () -> ()
      %dma_start3A_285 = arith.constant 0 : i32
      %dma_start3A_286 = arith.constant 0 : i32
      %dma_start3A_287 = tpu.memref_slice %arg2[%dma_start3A_285, %dma_start3A_286] : memref<10000x128xf32, #tpu.memory_space<hbm>> -> memref<10000x128xf32, #tpu.memory_space<hbm>>
      tpu.enqueue_indirect_dma source(%dma_start3A_287 : memref<10000x128xf32, #tpu.memory_space<hbm>>) target(%arg13 : memref<128x128xf32, #tpu.memory_space<vmem>>) offsets(%arg8 : memref<128xi32, #tpu.memory_space<vmem>>) semaphore(%arg18 : memref<!tpu.dma_semaphore, #tpu.memory_space<semaphore_mem>>)
      %dma_wait3A_288 = arith.constant 0 : i32
      %dma_wait3A_289 = arith.constant 0 : i32
      %dma_wait3A_290 = tpu.memref_slice %arg2[%dma_wait3A_288, %dma_wait3A_289] : memref<10000x128xf32, #tpu.memory_space<hbm>> -> memref<10000x128xf32, #tpu.memory_space<hbm>>
      tpu.wait_indirect_dma semaphore(%arg17 : memref<!tpu.dma_semaphore, #tpu.memory_space<semaphore_mem>>) src(%dma_wait3A_290 : memref<10000x128xf32, #tpu.memory_space<hbm>>) dst(%arg12 : memref<128x128xf32, #tpu.memory_space<vmem>>)
      %dma_start3A_291 = arith.constant 0 : i32
      %dma_start3A_292 = arith.constant 0 : i32
      %dma_start3A_293 = tpu.memref_slice %arg16[%dma_start3A_291, %dma_start3A_292] : memref<10240x128xf32, #tpu.memory_space<vmem_shared>> -> memref<10240x128xf32, #tpu.memory_space<vmem_shared>>
      tpu.enqueue_indirect_dma source(%arg12 : memref<128x128xf32, #tpu.memory_space<vmem>>) target(%dma_start3A_293 : memref<10240x128xf32, #tpu.memory_space<vmem_shared>>) offsets(%arg7 : memref<128xi32, #tpu.memory_space<vmem>>) semaphore(%arg19 : memref<!tpu.dma_semaphore, #tpu.memory_space<semaphore_mem>>) {add = true}
      %dma_wait3A_294 = arith.constant 0 : i32
      %dma_wait3A_295 = arith.constant 0 : i32
      %dma_wait3A_296 = tpu.memref_slice %arg16[%dma_wait3A_294, %dma_wait3A_295] : memref<10240x128xf32, #tpu.memory_space<vmem_shared>> -> memref<10240x128xf32, #tpu.memory_space<vmem_shared>>
      tpu.wait_indirect_dma semaphore(%arg19 : memref<!tpu.dma_semaphore, #tpu.memory_space<semaphore_mem>>) src(%arg12 : memref<128x128xf32, #tpu.memory_space<vmem>>) dst(%dma_wait3A_296 : memref<10240x128xf32, #tpu.memory_space<vmem_shared>>)
      "tpu.region"() ({
        %run_scoped3A = tpu.sem_alloc : memref<!tpu.dma_semaphore, #tpu.memory_space<semaphore_mem>>
        %dma_start3A_310 = tpu.memref_slice %arg3[%add3A_284] : memref<320000xi32, #tpu.memory_space<hbm>> -> memref<128xi32, #tpu.memory_space<hbm>>
        %dma_start3A_311 = tpu.memref_slice %arg3[%add3A_284] : memref<320000xi32, #tpu.memory_space<hbm>> -> memref<128xi32, #tpu.memory_space<hbm>>
        tpu.enqueue_dma source(%dma_start3A_311 : memref<128xi32, #tpu.memory_space<hbm>>) target(%arg6 : memref<128xi32, #tpu.memory_space<vmem>>) target_semaphore(%run_scoped3A : memref<!tpu.dma_semaphore, #tpu.memory_space<semaphore_mem>>)
        %dma_wait3A_312 = tpu.memref_slice %arg3[%add3A_284] : memref<320000xi32, #tpu.memory_space<hbm>> -> memref<128xi32, #tpu.memory_space<hbm>>
        %dma_wait3A_313 = tpu.memref_slice %arg3[%add3A_284] : memref<320000xi32, #tpu.memory_space<hbm>> -> memref<128xi32, #tpu.memory_space<hbm>>
        tpu.wait_dma2 semaphore(%run_scoped3A : memref<!tpu.dma_semaphore, #tpu.memory_space<semaphore_mem>>) src(%dma_wait3A_313 : memref<128xi32, #tpu.memory_space<hbm>>) dst(%arg6 : memref<128xi32, #tpu.memory_space<vmem>>)
        tpu.yield
      }) : () -> ()
      "tpu.region"() ({
        %run_scoped3A = tpu.sem_alloc : memref<!tpu.dma_semaphore, #tpu.memory_space<semaphore_mem>>
        %dma_start3A_310 = tpu.memref_slice %arg4[%add3A_284] : memref<320000xi32, #tpu.memory_space<hbm>> -> memref<128xi32, #tpu.memory_space<hbm>>
        %dma_start3A_311 = tpu.memref_slice %arg4[%add3A_284] : memref<320000xi32, #tpu.memory_space<hbm>> -> memref<128xi32, #tpu.memory_space<hbm>>
        tpu.enqueue_dma source(%dma_start3A_311 : memref<128xi32, #tpu.memory_space<hbm>>) target(%arg7 : memref<128xi32, #tpu.memory_space<vmem>>) target_semaphore(%run_scoped3A : memref<!tpu.dma_semaphore, #tpu.memory_space<semaphore_mem>>)
        %dma_wait3A_312 = tpu.memref_slice %arg4[%add3A_284] : memref<320000xi32, #tpu.memory_space<hbm>> -> memref<128xi32, #tpu.memory_space<hbm>>
        %dma_wait3A_313 = tpu.memref_slice %arg4[%add3A_284] : memref<320000xi32, #tpu.memory_space<hbm>> -> memref<128xi32, #tpu.memory_space<hbm>>
        tpu.wait_dma2 semaphore(%run_scoped3A : memref<!tpu.dma_semaphore, #tpu.memory_space<semaphore_mem>>) src(%dma_wait3A_313 : memref<128xi32, #tpu.memory_space<hbm>>) dst(%arg7 : memref<128xi32, #tpu.memory_space<vmem>>)
        tpu.yield
      }) : () -> ()
      %dma_start3A_297 = arith.constant 0 : i32
      %dma_start3A_298 = arith.constant 0 : i32
      %dma_start3A_299 = tpu.memref_slice %arg2[%dma_start3A_297, %dma_start3A_298] : memref<10000x128xf32, #tpu.memory_space<hbm>> -> memref<10000x128xf32, #tpu.memory_space<hbm>>
      tpu.enqueue_indirect_dma source(%dma_start3A_299 : memref<10000x128xf32, #tpu.memory_space<hbm>>) target(%arg12 : memref<128x128xf32, #tpu.memory_space<vmem>>) offsets(%arg6 : memref<128xi32, #tpu.memory_space<vmem>>) semaphore(%arg17 : memref<!tpu.dma_semaphore, #tpu.memory_space<semaphore_mem>>)
      %dma_wait3A_300 = arith.constant 0 : i32
      %dma_wait3A_301 = arith.constant 0 : i32
      %dma_wait3A_302 = tpu.memref_slice %arg2[%dma_wait3A_300, %dma_wait3A_301] : memref<10000x128xf32, #tpu.memory_space<hbm>> -> memref<10000x128xf32, #tpu.memory_space<hbm>>
      tpu.wait_indirect_dma semaphore(%arg18 : memref<!tpu.dma_semaphore, #tpu.memory_space<semaphore_mem>>) src(%dma_wait3A_302 : memref<10000x128xf32, #tpu.memory_space<hbm>>) dst(%arg13 : memref<128x128xf32, #tpu.memory_space<vmem>>)
      %dma_start3A_303 = arith.constant 0 : i32
      %dma_start3A_304 = arith.constant 0 : i32
      %dma_start3A_305 = tpu.memref_slice %arg16[%dma_start3A_303, %dma_start3A_304] : memref<10240x128xf32, #tpu.memory_space<vmem_shared>> -> memref<10240x128xf32, #tpu.memory_space<vmem_shared>>
      tpu.enqueue_indirect_dma source(%arg13 : memref<128x128xf32, #tpu.memory_space<vmem>>) target(%dma_start3A_305 : memref<10240x128xf32, #tpu.memory_space<vmem_shared>>) offsets(%arg9 : memref<128xi32, #tpu.memory_space<vmem>>) semaphore(%arg20 : memref<!tpu.dma_semaphore, #tpu.memory_space<semaphore_mem>>) {add = true}
      %dma_wait3A_306 = arith.constant 0 : i32
      %dma_wait3A_307 = arith.constant 0 : i32
      %dma_wait3A_308 = tpu.memref_slice %arg16[%dma_wait3A_306, %dma_wait3A_307] : memref<10240x128xf32, #tpu.memory_space<vmem_shared>> -> memref<10240x128xf32, #tpu.memory_space<vmem_shared>>
      tpu.wait_indirect_dma semaphore(%arg20 : memref<!tpu.dma_semaphore, #tpu.memory_space<semaphore_mem>>) src(%arg13 : memref<128x128xf32, #tpu.memory_space<vmem>>) dst(%dma_wait3A_308 : memref<10240x128xf32, #tpu.memory_space<vmem_shared>>)
      %scan3A_309 = arith.constant 0 : i32
      scf.yield %scan3A_309 : i32
    }
    %scan3A_97 = arith.constant 38 : i32
    %add3A_98 = arith.constant 9856 : i32
    %add3A_99 = arith.addi %add3A_88, %add3A_98 : i32
    "tpu.region"() ({
      %run_scoped3A = tpu.sem_alloc : memref<!tpu.dma_semaphore, #tpu.memory_space<semaphore_mem>>
      %dma_start3A_269 = tpu.memref_slice %arg3[%add3A_99] : memref<320000xi32, #tpu.memory_space<hbm>> -> memref<128xi32, #tpu.memory_space<hbm>>
      %dma_start3A_270 = tpu.memref_slice %arg3[%add3A_99] : memref<320000xi32, #tpu.memory_space<hbm>> -> memref<128xi32, #tpu.memory_space<hbm>>
      tpu.enqueue_dma source(%dma_start3A_270 : memref<128xi32, #tpu.memory_space<hbm>>) target(%arg8 : memref<128xi32, #tpu.memory_space<vmem>>) target_semaphore(%run_scoped3A : memref<!tpu.dma_semaphore, #tpu.memory_space<semaphore_mem>>)
      %dma_wait3A_271 = tpu.memref_slice %arg3[%add3A_99] : memref<320000xi32, #tpu.memory_space<hbm>> -> memref<128xi32, #tpu.memory_space<hbm>>
      %dma_wait3A_272 = tpu.memref_slice %arg3[%add3A_99] : memref<320000xi32, #tpu.memory_space<hbm>> -> memref<128xi32, #tpu.memory_space<hbm>>
      tpu.wait_dma2 semaphore(%run_scoped3A : memref<!tpu.dma_semaphore, #tpu.memory_space<semaphore_mem>>) src(%dma_wait3A_272 : memref<128xi32, #tpu.memory_space<hbm>>) dst(%arg8 : memref<128xi32, #tpu.memory_space<vmem>>)
      tpu.yield
    }) : () -> ()
    "tpu.region"() ({
      %run_scoped3A = tpu.sem_alloc : memref<!tpu.dma_semaphore, #tpu.memory_space<semaphore_mem>>
      %dma_start3A_269 = tpu.memref_slice %arg4[%add3A_99] : memref<320000xi32, #tpu.memory_space<hbm>> -> memref<128xi32, #tpu.memory_space<hbm>>
      %dma_start3A_270 = tpu.memref_slice %arg4[%add3A_99] : memref<320000xi32, #tpu.memory_space<hbm>> -> memref<128xi32, #tpu.memory_space<hbm>>
      tpu.enqueue_dma source(%dma_start3A_270 : memref<128xi32, #tpu.memory_space<hbm>>) target(%arg9 : memref<128xi32, #tpu.memory_space<vmem>>) target_semaphore(%run_scoped3A : memref<!tpu.dma_semaphore, #tpu.memory_space<semaphore_mem>>)
      %dma_wait3A_271 = tpu.memref_slice %arg4[%add3A_99] : memref<320000xi32, #tpu.memory_space<hbm>> -> memref<128xi32, #tpu.memory_space<hbm>>
      %dma_wait3A_272 = tpu.memref_slice %arg4[%add3A_99] : memref<320000xi32, #tpu.memory_space<hbm>> -> memref<128xi32, #tpu.memory_space<hbm>>
      tpu.wait_dma2 semaphore(%run_scoped3A : memref<!tpu.dma_semaphore, #tpu.memory_space<semaphore_mem>>) src(%dma_wait3A_272 : memref<128xi32, #tpu.memory_space<hbm>>) dst(%arg9 : memref<128xi32, #tpu.memory_space<vmem>>)
      tpu.yield
    }) : () -> ()
    %dma_start3A_100 = arith.constant 0 : i32
    %dma_start3A_101 = arith.constant 0 : i32
    %dma_start3A_102 = tpu.memref_slice %arg2[%dma_start3A_100, %dma_start3A_101] : memref<10000x128xf32, #tpu.memory_space<hbm>> -> memref<10000x128xf32, #tpu.memory_space<hbm>>
    tpu.enqueue_indirect_dma source(%dma_start3A_102 : memref<10000x128xf32, #tpu.memory_space<hbm>>) target(%arg13 : memref<128x128xf32, #tpu.memory_space<vmem>>) offsets(%arg8 : memref<128xi32, #tpu.memory_space<vmem>>) semaphore(%arg18 : memref<!tpu.dma_semaphore, #tpu.memory_space<semaphore_mem>>)
    %dma_wait3A = arith.constant 0 : i32
    %dma_wait3A_103 = arith.constant 0 : i32
    %dma_wait3A_104 = tpu.memref_slice %arg2[%dma_wait3A, %dma_wait3A_103] : memref<10000x128xf32, #tpu.memory_space<hbm>> -> memref<10000x128xf32, #tpu.memory_space<hbm>>
    tpu.wait_indirect_dma semaphore(%arg17 : memref<!tpu.dma_semaphore, #tpu.memory_space<semaphore_mem>>) src(%dma_wait3A_104 : memref<10000x128xf32, #tpu.memory_space<hbm>>) dst(%arg12 : memref<128x128xf32, #tpu.memory_space<vmem>>)
    %dma_start3A_105 = arith.constant 0 : i32
    %dma_start3A_106 = arith.constant 0 : i32
    %dma_start3A_107 = tpu.memref_slice %arg16[%dma_start3A_105, %dma_start3A_106] : memref<10240x128xf32, #tpu.memory_space<vmem_shared>> -> memref<10240x128xf32, #tpu.memory_space<vmem_shared>>
    tpu.enqueue_indirect_dma source(%arg12 : memref<128x128xf32, #tpu.memory_space<vmem>>) target(%dma_start3A_107 : memref<10240x128xf32, #tpu.memory_space<vmem_shared>>) offsets(%arg7 : memref<128xi32, #tpu.memory_space<vmem>>) semaphore(%arg19 : memref<!tpu.dma_semaphore, #tpu.memory_space<semaphore_mem>>) {add = true}
    %add3A_108 = arith.constant 9984 : i32
    %add3A_109 = arith.addi %add3A_88, %add3A_108 : i32
    "tpu.region"() ({
      %run_scoped3A = tpu.sem_alloc : memref<!tpu.dma_semaphore, #tpu.memory_space<semaphore_mem>>
      %dma_start3A_269 = tpu.memref_slice %arg3[%add3A_109] : memref<320000xi32, #tpu.memory_space<hbm>> -> memref<16xi32, #tpu.memory_space<hbm>>
      %dma_start3A_270 = tpu.memref_slice %arg3[%add3A_109] : memref<320000xi32, #tpu.memory_space<hbm>> -> memref<16xi32, #tpu.memory_space<hbm>>
      tpu.enqueue_dma source(%dma_start3A_270 : memref<16xi32, #tpu.memory_space<hbm>>) target(%arg10 : memref<16xi32, #tpu.memory_space<vmem>>) target_semaphore(%run_scoped3A : memref<!tpu.dma_semaphore, #tpu.memory_space<semaphore_mem>>)
      %dma_wait3A_271 = tpu.memref_slice %arg3[%add3A_109] : memref<320000xi32, #tpu.memory_space<hbm>> -> memref<16xi32, #tpu.memory_space<hbm>>
      %dma_wait3A_272 = tpu.memref_slice %arg3[%add3A_109] : memref<320000xi32, #tpu.memory_space<hbm>> -> memref<16xi32, #tpu.memory_space<hbm>>
      tpu.wait_dma2 semaphore(%run_scoped3A : memref<!tpu.dma_semaphore, #tpu.memory_space<semaphore_mem>>) src(%dma_wait3A_272 : memref<16xi32, #tpu.memory_space<hbm>>) dst(%arg10 : memref<16xi32, #tpu.memory_space<vmem>>)
      tpu.yield
    }) : () -> ()
    "tpu.region"() ({
      %run_scoped3A = tpu.sem_alloc : memref<!tpu.dma_semaphore, #tpu.memory_space<semaphore_mem>>
      %dma_start3A_269 = tpu.memref_slice %arg4[%add3A_109] : memref<320000xi32, #tpu.memory_space<hbm>> -> memref<16xi32, #tpu.memory_space<hbm>>
      %dma_start3A_270 = tpu.memref_slice %arg4[%add3A_109] : memref<320000xi32, #tpu.memory_space<hbm>> -> memref<16xi32, #tpu.memory_space<hbm>>
      tpu.enqueue_dma source(%dma_start3A_270 : memref<16xi32, #tpu.memory_space<hbm>>) target(%arg11 : memref<16xi32, #tpu.memory_space<vmem>>) target_semaphore(%run_scoped3A : memref<!tpu.dma_semaphore, #tpu.memory_space<semaphore_mem>>)
      %dma_wait3A_271 = tpu.memref_slice %arg4[%add3A_109] : memref<320000xi32, #tpu.memory_space<hbm>> -> memref<16xi32, #tpu.memory_space<hbm>>
      %dma_wait3A_272 = tpu.memref_slice %arg4[%add3A_109] : memref<320000xi32, #tpu.memory_space<hbm>> -> memref<16xi32, #tpu.memory_space<hbm>>
      tpu.wait_dma2 semaphore(%run_scoped3A : memref<!tpu.dma_semaphore, #tpu.memory_space<semaphore_mem>>) src(%dma_wait3A_272 : memref<16xi32, #tpu.memory_space<hbm>>) dst(%arg11 : memref<16xi32, #tpu.memory_space<vmem>>)
      tpu.yield
    }) : () -> ()
    %dma_start3A_110 = arith.constant 0 : i32
    %dma_start3A_111 = arith.constant 0 : i32
    %dma_start3A_112 = tpu.memref_slice %arg2[%dma_start3A_110, %dma_start3A_111] : memref<10000x128xf32, #tpu.memory_space<hbm>> -> memref<10000x128xf32, #tpu.memory_space<hbm>>
    tpu.enqueue_indirect_dma source(%dma_start3A_112 : memref<10000x128xf32, #tpu.memory_space<hbm>>) target(%arg14 : memref<16x128xf32, #tpu.memory_space<vmem>>) offsets(%arg10 : memref<16xi32, #tpu.memory_space<vmem>>) semaphore(%arg17 : memref<!tpu.dma_semaphore, #tpu.memory_space<semaphore_mem>>)
    %dma_wait3A_113 = arith.constant 0 : i32
    %dma_wait3A_114 = arith.constant 0 : i32
    %dma_wait3A_115 = tpu.memref_slice %arg2[%dma_wait3A_113, %dma_wait3A_114] : memref<10000x128xf32, #tpu.memory_space<hbm>> -> memref<10000x128xf32, #tpu.memory_space<hbm>>
    tpu.wait_indirect_dma semaphore(%arg18 : memref<!tpu.dma_semaphore, #tpu.memory_space<semaphore_mem>>) src(%dma_wait3A_115 : memref<10000x128xf32, #tpu.memory_space<hbm>>) dst(%arg13 : memref<128x128xf32, #tpu.memory_space<vmem>>)
    %dma_start3A_116 = arith.constant 0 : i32
    %dma_start3A_117 = arith.constant 0 : i32
    %dma_start3A_118 = tpu.memref_slice %arg16[%dma_start3A_116, %dma_start3A_117] : memref<10240x128xf32, #tpu.memory_space<vmem_shared>> -> memref<10240x128xf32, #tpu.memory_space<vmem_shared>>
    tpu.enqueue_indirect_dma source(%arg13 : memref<128x128xf32, #tpu.memory_space<vmem>>) target(%dma_start3A_118 : memref<10240x128xf32, #tpu.memory_space<vmem_shared>>) offsets(%arg9 : memref<128xi32, #tpu.memory_space<vmem>>) semaphore(%arg20 : memref<!tpu.dma_semaphore, #tpu.memory_space<semaphore_mem>>) {add = true}
    %dma_wait3A_119 = arith.constant 0 : i32
    %dma_wait3A_120 = arith.constant 0 : i32
    %dma_wait3A_121 = tpu.memref_slice %arg2[%dma_wait3A_119, %dma_wait3A_120] : memref<10000x128xf32, #tpu.memory_space<hbm>> -> memref<10000x128xf32, #tpu.memory_space<hbm>>
    tpu.wait_indirect_dma semaphore(%arg17 : memref<!tpu.dma_semaphore, #tpu.memory_space<semaphore_mem>>) src(%dma_wait3A_121 : memref<10000x128xf32, #tpu.memory_space<hbm>>) dst(%arg14 : memref<16x128xf32, #tpu.memory_space<vmem>>)
    %dma_wait3A_122 = arith.constant 0 : i32
    %dma_wait3A_123 = arith.constant 0 : i32
    %dma_wait3A_124 = tpu.memref_slice %arg16[%dma_wait3A_122, %dma_wait3A_123] : memref<10240x128xf32, #tpu.memory_space<vmem_shared>> -> memref<10240x128xf32, #tpu.memory_space<vmem_shared>>
    tpu.wait_indirect_dma semaphore(%arg19 : memref<!tpu.dma_semaphore, #tpu.memory_space<semaphore_mem>>) src(%arg12 : memref<128x128xf32, #tpu.memory_space<vmem>>) dst(%dma_wait3A_124 : memref<10240x128xf32, #tpu.memory_space<vmem_shared>>)
    %dma_wait3A_125 = arith.constant 0 : i32
    %dma_wait3A_126 = arith.constant 0 : i32
    %dma_wait3A_127 = tpu.memref_slice %arg16[%dma_wait3A_125, %dma_wait3A_126] : memref<10240x128xf32, #tpu.memory_space<vmem_shared>> -> memref<10240x128xf32, #tpu.memory_space<vmem_shared>>
    tpu.wait_indirect_dma semaphore(%arg20 : memref<!tpu.dma_semaphore, #tpu.memory_space<semaphore_mem>>) src(%arg13 : memref<128x128xf32, #tpu.memory_space<vmem>>) dst(%dma_wait3A_127 : memref<10240x128xf32, #tpu.memory_space<vmem_shared>>)
    "tpu.region"() ({
      %run_scoped3A = tpu.sem_alloc : memref<!tpu.dma_semaphore, #tpu.memory_space<semaphore_mem>>
      %dma_start3A_269 = arith.constant 0 : i32
      %dma_start3A_270 = arith.constant 0 : i32
      %dma_start3A_271 = tpu.memref_slice %arg16[%dma_start3A_269, %dma_start3A_270] : memref<10240x128xf32, #tpu.memory_space<vmem_shared>> -> memref<10240x128xf32, #tpu.memory_space<vmem_shared>>
      tpu.enqueue_indirect_dma source(%arg14 : memref<16x128xf32, #tpu.memory_space<vmem>>) target(%dma_start3A_271 : memref<10240x128xf32, #tpu.memory_space<vmem_shared>>) offsets(%arg11 : memref<16xi32, #tpu.memory_space<vmem>>) semaphore(%run_scoped3A : memref<!tpu.dma_semaphore, #tpu.memory_space<semaphore_mem>>) {add = true}
      %dma_wait3A_272 = arith.constant 0 : i32
      %dma_wait3A_273 = arith.constant 0 : i32
      %dma_wait3A_274 = tpu.memref_slice %arg16[%dma_wait3A_272, %dma_wait3A_273] : memref<10240x128xf32, #tpu.memory_space<vmem_shared>> -> memref<10240x128xf32, #tpu.memory_space<vmem_shared>>
      tpu.wait_indirect_dma semaphore(%run_scoped3A : memref<!tpu.dma_semaphore, #tpu.memory_space<semaphore_mem>>) src(%arg14 : memref<16x128xf32, #tpu.memory_space<vmem>>) dst(%dma_wait3A_274 : memref<10240x128xf32, #tpu.memory_space<vmem_shared>>)
      tpu.yield
    }) : () -> ()
    %barrier3A_128 = arith.constant 0 : index
    tpu.barrier barrier_id(%barrier3A_128)
    %mul3A_129 = arith.constant 640 : i32
    %mul3A_130 = arith.muli %arg1, %mul3A_129 : i32
    %add3A_131 = arith.constant 0 : i32
    %add3A_132 = arith.addi %mul3A_130, %add3A_131 : i32
    "tpu.region"() ({
      %run_scoped3A = tpu.sem_alloc : memref<!tpu.dma_semaphore, #tpu.memory_space<semaphore_mem>>
      %dma_start3A_269 = arith.constant 0 : i32
      %dma_start3A_270 = tpu.memref_slice %arg16[%add3A_132, %dma_start3A_269] : memref<10240x128xf32, #tpu.memory_space<vmem_shared>> -> memref<32x128xf32, #tpu.memory_space<vmem_shared>>
      %dma_start3A_271 = arith.constant 0 : i32
      %dma_start3A_272 = tpu.memref_slice %arg16[%add3A_132, %dma_start3A_271] : memref<10240x128xf32, #tpu.memory_space<vmem_shared>> -> memref<32x128xf32, #tpu.memory_space<vmem_shared>>
      tpu.enqueue_dma source(%dma_start3A_272 : memref<32x128xf32, #tpu.memory_space<vmem_shared>>) target(%arg15 : memref<32x128xf32, #tpu.memory_space<vmem>>) target_semaphore(%run_scoped3A : memref<!tpu.dma_semaphore, #tpu.memory_space<semaphore_mem>>)
      %dma_wait3A_273 = arith.constant 0 : i32
      %dma_wait3A_274 = tpu.memref_slice %arg16[%add3A_132, %dma_wait3A_273] : memref<10240x128xf32, #tpu.memory_space<vmem_shared>> -> memref<32x128xf32, #tpu.memory_space<vmem_shared>>
      %dma_wait3A_275 = arith.constant 0 : i32
      %dma_wait3A_276 = tpu.memref_slice %arg16[%add3A_132, %dma_wait3A_275] : memref<10240x128xf32, #tpu.memory_space<vmem_shared>> -> memref<32x128xf32, #tpu.memory_space<vmem_shared>>
      tpu.wait_dma2 semaphore(%run_scoped3A : memref<!tpu.dma_semaphore, #tpu.memory_space<semaphore_mem>>) src(%dma_wait3A_276 : memref<32x128xf32, #tpu.memory_space<vmem_shared>>) dst(%arg15 : memref<32x128xf32, #tpu.memory_space<vmem>>)
      tpu.yield
    }) : () -> ()
    %mul3A_133 = arith.constant 10240 : i32
    %mul3A_134 = arith.muli %arg0, %mul3A_133 : i32
    %add3A_135 = arith.addi %mul3A_134, %add3A_132 : i32
    "tpu.region"() ({
      %run_scoped3A = tpu.sem_alloc : memref<!tpu.dma_semaphore, #tpu.memory_space<semaphore_mem>>
      %dma_start3A_269 = arith.constant 0 : i32
      %dma_start3A_270 = tpu.memref_slice %arg5[%add3A_135, %dma_start3A_269] : memref<20480x128xf32, #tpu.memory_space<hbm>> -> memref<32x128xf32, #tpu.memory_space<hbm>>
      %dma_start3A_271 = arith.constant 0 : i32
      %dma_start3A_272 = tpu.memref_slice %arg5[%add3A_135, %dma_start3A_271] : memref<20480x128xf32, #tpu.memory_space<hbm>> -> memref<32x128xf32, #tpu.memory_space<hbm>>
      tpu.enqueue_dma source(%arg15 : memref<32x128xf32, #tpu.memory_space<vmem>>) target(%dma_start3A_272 : memref<32x128xf32, #tpu.memory_space<hbm>>) target_semaphore(%run_scoped3A : memref<!tpu.dma_semaphore, #tpu.memory_space<semaphore_mem>>)
      %dma_wait3A_273 = arith.constant 0 : i32
      %dma_wait3A_274 = tpu.memref_slice %arg5[%add3A_135, %dma_wait3A_273] : memref<20480x128xf32, #tpu.memory_space<hbm>> -> memref<32x128xf32, #tpu.memory_space<hbm>>
      %dma_wait3A_275 = arith.constant 0 : i32
      %dma_wait3A_276 = tpu.memref_slice %arg5[%add3A_135, %dma_wait3A_275] : memref<20480x128xf32, #tpu.memory_space<hbm>> -> memref<32x128xf32, #tpu.memory_space<hbm>>
      tpu.wait_dma2 semaphore(%run_scoped3A : memref<!tpu.dma_semaphore, #tpu.memory_space<semaphore_mem>>) src(%arg15 : memref<32x128xf32, #tpu.memory_space<vmem>>) dst(%dma_wait3A_276 : memref<32x128xf32, #tpu.memory_space<hbm>>)
      tpu.yield
    }) : () -> ()
    %mul3A_136 = arith.constant 640 : i32
    %mul3A_137 = arith.muli %arg1, %mul3A_136 : i32
    %add3A_138 = arith.constant 32 : i32
    %add3A_139 = arith.addi %mul3A_137, %add3A_138 : i32
    "tpu.region"() ({
      %run_scoped3A = tpu.sem_alloc : memref<!tpu.dma_semaphore, #tpu.memory_space<semaphore_mem>>
      %dma_start3A_269 = arith.constant 0 : i32
      %dma_start3A_270 = tpu.memref_slice %arg16[%add3A_139, %dma_start3A_269] : memref<10240x128xf32, #tpu.memory_space<vmem_shared>> -> memref<32x128xf32, #tpu.memory_space<vmem_shared>>
      %dma_start3A_271 = arith.constant 0 : i32
      %dma_start3A_272 = tpu.memref_slice %arg16[%add3A_139, %dma_start3A_271] : memref<10240x128xf32, #tpu.memory_space<vmem_shared>> -> memref<32x128xf32, #tpu.memory_space<vmem_shared>>
      tpu.enqueue_dma source(%dma_start3A_272 : memref<32x128xf32, #tpu.memory_space<vmem_shared>>) target(%arg15 : memref<32x128xf32, #tpu.memory_space<vmem>>) target_semaphore(%run_scoped3A : memref<!tpu.dma_semaphore, #tpu.memory_space<semaphore_mem>>)
      %dma_wait3A_273 = arith.constant 0 : i32
      %dma_wait3A_274 = tpu.memref_slice %arg16[%add3A_139, %dma_wait3A_273] : memref<10240x128xf32, #tpu.memory_space<vmem_shared>> -> memref<32x128xf32, #tpu.memory_space<vmem_shared>>
      %dma_wait3A_275 = arith.constant 0 : i32
      %dma_wait3A_276 = tpu.memref_slice %arg16[%add3A_139, %dma_wait3A_275] : memref<10240x128xf32, #tpu.memory_space<vmem_shared>> -> memref<32x128xf32, #tpu.memory_space<vmem_shared>>
      tpu.wait_dma2 semaphore(%run_scoped3A : memref<!tpu.dma_semaphore, #tpu.memory_space<semaphore_mem>>) src(%dma_wait3A_276 : memref<32x128xf32, #tpu.memory_space<vmem_shared>>) dst(%arg15 : memref<32x128xf32, #tpu.memory_space<vmem>>)
      tpu.yield
    }) : () -> ()
    %mul3A_140 = arith.constant 10240 : i32
    %mul3A_141 = arith.muli %arg0, %mul3A_140 : i32
    %add3A_142 = arith.addi %mul3A_141, %add3A_139 : i32
    "tpu.region"() ({
      %run_scoped3A = tpu.sem_alloc : memref<!tpu.dma_semaphore, #tpu.memory_space<semaphore_mem>>
      %dma_start3A_269 = arith.constant 0 : i32
      %dma_start3A_270 = tpu.memref_slice %arg5[%add3A_142, %dma_start3A_269] : memref<20480x128xf32, #tpu.memory_space<hbm>> -> memref<32x128xf32, #tpu.memory_space<hbm>>
      %dma_start3A_271 = arith.constant 0 : i32
      %dma_start3A_272 = tpu.memref_slice %arg5[%add3A_142, %dma_start3A_271] : memref<20480x128xf32, #tpu.memory_space<hbm>> -> memref<32x128xf32, #tpu.memory_space<hbm>>
      tpu.enqueue_dma source(%arg15 : memref<32x128xf32, #tpu.memory_space<vmem>>) target(%dma_start3A_272 : memref<32x128xf32, #tpu.memory_space<hbm>>) target_semaphore(%run_scoped3A : memref<!tpu.dma_semaphore, #tpu.memory_space<semaphore_mem>>)
      %dma_wait3A_273 = arith.constant 0 : i32
      %dma_wait3A_274 = tpu.memref_slice %arg5[%add3A_142, %dma_wait3A_273] : memref<20480x128xf32, #tpu.memory_space<hbm>> -> memref<32x128xf32, #tpu.memory_space<hbm>>
      %dma_wait3A_275 = arith.constant 0 : i32
      %dma_wait3A_276 = tpu.memref_slice %arg5[%add3A_142, %dma_wait3A_275] : memref<20480x128xf32, #tpu.memory_space<hbm>> -> memref<32x128xf32, #tpu.memory_space<hbm>>
      tpu.wait_dma2 semaphore(%run_scoped3A : memref<!tpu.dma_semaphore, #tpu.memory_space<semaphore_mem>>) src(%arg15 : memref<32x128xf32, #tpu.memory_space<vmem>>) dst(%dma_wait3A_276 : memref<32x128xf32, #tpu.memory_space<hbm>>)
      tpu.yield
    }) : () -> ()
    %mul3A_143 = arith.constant 640 : i32
    %mul3A_144 = arith.muli %arg1, %mul3A_143 : i32
    %add3A_145 = arith.constant 64 : i32
    %add3A_146 = arith.addi %mul3A_144, %add3A_145 : i32
    "tpu.region"() ({
      %run_scoped3A = tpu.sem_alloc : memref<!tpu.dma_semaphore, #tpu.memory_space<semaphore_mem>>
      %dma_start3A_269 = arith.constant 0 : i32
      %dma_start3A_270 = tpu.memref_slice %arg16[%add3A_146, %dma_start3A_269] : memref<10240x128xf32, #tpu.memory_space<vmem_shared>> -> memref<32x128xf32, #tpu.memory_space<vmem_shared>>
      %dma_start3A_271 = arith.constant 0 : i32
      %dma_start3A_272 = tpu.memref_slice %arg16[%add3A_146, %dma_start3A_271] : memref<10240x128xf32, #tpu.memory_space<vmem_shared>> -> memref<32x128xf32, #tpu.memory_space<vmem_shared>>
      tpu.enqueue_dma source(%dma_start3A_272 : memref<32x128xf32, #tpu.memory_space<vmem_shared>>) target(%arg15 : memref<32x128xf32, #tpu.memory_space<vmem>>) target_semaphore(%run_scoped3A : memref<!tpu.dma_semaphore, #tpu.memory_space<semaphore_mem>>)
      %dma_wait3A_273 = arith.constant 0 : i32
      %dma_wait3A_274 = tpu.memref_slice %arg16[%add3A_146, %dma_wait3A_273] : memref<10240x128xf32, #tpu.memory_space<vmem_shared>> -> memref<32x128xf32, #tpu.memory_space<vmem_shared>>
      %dma_wait3A_275 = arith.constant 0 : i32
      %dma_wait3A_276 = tpu.memref_slice %arg16[%add3A_146, %dma_wait3A_275] : memref<10240x128xf32, #tpu.memory_space<vmem_shared>> -> memref<32x128xf32, #tpu.memory_space<vmem_shared>>
      tpu.wait_dma2 semaphore(%run_scoped3A : memref<!tpu.dma_semaphore, #tpu.memory_space<semaphore_mem>>) src(%dma_wait3A_276 : memref<32x128xf32, #tpu.memory_space<vmem_shared>>) dst(%arg15 : memref<32x128xf32, #tpu.memory_space<vmem>>)
      tpu.yield
    }) : () -> ()
    %mul3A_147 = arith.constant 10240 : i32
    %mul3A_148 = arith.muli %arg0, %mul3A_147 : i32
    %add3A_149 = arith.addi %mul3A_148, %add3A_146 : i32
    "tpu.region"() ({
      %run_scoped3A = tpu.sem_alloc : memref<!tpu.dma_semaphore, #tpu.memory_space<semaphore_mem>>
      %dma_start3A_269 = arith.constant 0 : i32
      %dma_start3A_270 = tpu.memref_slice %arg5[%add3A_149, %dma_start3A_269] : memref<20480x128xf32, #tpu.memory_space<hbm>> -> memref<32x128xf32, #tpu.memory_space<hbm>>
      %dma_start3A_271 = arith.constant 0 : i32
      %dma_start3A_272 = tpu.memref_slice %arg5[%add3A_149, %dma_start3A_271] : memref<20480x128xf32, #tpu.memory_space<hbm>> -> memref<32x128xf32, #tpu.memory_space<hbm>>
      tpu.enqueue_dma source(%arg15 : memref<32x128xf32, #tpu.memory_space<vmem>>) target(%dma_start3A_272 : memref<32x128xf32, #tpu.memory_space<hbm>>) target_semaphore(%run_scoped3A : memref<!tpu.dma_semaphore, #tpu.memory_space<semaphore_mem>>)
      %dma_wait3A_273 = arith.constant 0 : i32
      %dma_wait3A_274 = tpu.memref_slice %arg5[%add3A_149, %dma_wait3A_273] : memref<20480x128xf32, #tpu.memory_space<hbm>> -> memref<32x128xf32, #tpu.memory_space<hbm>>
      %dma_wait3A_275 = arith.constant 0 : i32
      %dma_wait3A_276 = tpu.memref_slice %arg5[%add3A_149, %dma_wait3A_275] : memref<20480x128xf32, #tpu.memory_space<hbm>> -> memref<32x128xf32, #tpu.memory_space<hbm>>
      tpu.wait_dma2 semaphore(%run_scoped3A : memref<!tpu.dma_semaphore, #tpu.memory_space<semaphore_mem>>) src(%arg15 : memref<32x128xf32, #tpu.memory_space<vmem>>) dst(%dma_wait3A_276 : memref<32x128xf32, #tpu.memory_space<hbm>>)
      tpu.yield
    }) : () -> ()
    %mul3A_150 = arith.constant 640 : i32
    %mul3A_151 = arith.muli %arg1, %mul3A_150 : i32
    %add3A_152 = arith.constant 96 : i32
    %add3A_153 = arith.addi %mul3A_151, %add3A_152 : i32
    "tpu.region"() ({
      %run_scoped3A = tpu.sem_alloc : memref<!tpu.dma_semaphore, #tpu.memory_space<semaphore_mem>>
      %dma_start3A_269 = arith.constant 0 : i32
      %dma_start3A_270 = tpu.memref_slice %arg16[%add3A_153, %dma_start3A_269] : memref<10240x128xf32, #tpu.memory_space<vmem_shared>> -> memref<32x128xf32, #tpu.memory_space<vmem_shared>>
      %dma_start3A_271 = arith.constant 0 : i32
      %dma_start3A_272 = tpu.memref_slice %arg16[%add3A_153, %dma_start3A_271] : memref<10240x128xf32, #tpu.memory_space<vmem_shared>> -> memref<32x128xf32, #tpu.memory_space<vmem_shared>>
      tpu.enqueue_dma source(%dma_start3A_272 : memref<32x128xf32, #tpu.memory_space<vmem_shared>>) target(%arg15 : memref<32x128xf32, #tpu.memory_space<vmem>>) target_semaphore(%run_scoped3A : memref<!tpu.dma_semaphore, #tpu.memory_space<semaphore_mem>>)
      %dma_wait3A_273 = arith.constant 0 : i32
      %dma_wait3A_274 = tpu.memref_slice %arg16[%add3A_153, %dma_wait3A_273] : memref<10240x128xf32, #tpu.memory_space<vmem_shared>> -> memref<32x128xf32, #tpu.memory_space<vmem_shared>>
      %dma_wait3A_275 = arith.constant 0 : i32
      %dma_wait3A_276 = tpu.memref_slice %arg16[%add3A_153, %dma_wait3A_275] : memref<10240x128xf32, #tpu.memory_space<vmem_shared>> -> memref<32x128xf32, #tpu.memory_space<vmem_shared>>
      tpu.wait_dma2 semaphore(%run_scoped3A : memref<!tpu.dma_semaphore, #tpu.memory_space<semaphore_mem>>) src(%dma_wait3A_276 : memref<32x128xf32, #tpu.memory_space<vmem_shared>>) dst(%arg15 : memref<32x128xf32, #tpu.memory_space<vmem>>)
      tpu.yield
    }) : () -> ()
    %mul3A_154 = arith.constant 10240 : i32
    %mul3A_155 = arith.muli %arg0, %mul3A_154 : i32
    %add3A_156 = arith.addi %mul3A_155, %add3A_153 : i32
    "tpu.region"() ({
      %run_scoped3A = tpu.sem_alloc : memref<!tpu.dma_semaphore, #tpu.memory_space<semaphore_mem>>
      %dma_start3A_269 = arith.constant 0 : i32
      %dma_start3A_270 = tpu.memref_slice %arg5[%add3A_156, %dma_start3A_269] : memref<20480x128xf32, #tpu.memory_space<hbm>> -> memref<32x128xf32, #tpu.memory_space<hbm>>
      %dma_start3A_271 = arith.constant 0 : i32
      %dma_start3A_272 = tpu.memref_slice %arg5[%add3A_156, %dma_start3A_271] : memref<20480x128xf32, #tpu.memory_space<hbm>> -> memref<32x128xf32, #tpu.memory_space<hbm>>
      tpu.enqueue_dma source(%arg15 : memref<32x128xf32, #tpu.memory_space<vmem>>) target(%dma_start3A_272 : memref<32x128xf32, #tpu.memory_space<hbm>>) target_semaphore(%run_scoped3A : memref<!tpu.dma_semaphore, #tpu.memory_space<semaphore_mem>>)
      %dma_wait3A_273 = arith.constant 0 : i32
      %dma_wait3A_274 = tpu.memref_slice %arg5[%add3A_156, %dma_wait3A_273] : memref<20480x128xf32, #tpu.memory_space<hbm>> -> memref<32x128xf32, #tpu.memory_space<hbm>>
      %dma_wait3A_275 = arith.constant 0 : i32
      %dma_wait3A_276 = tpu.memref_slice %arg5[%add3A_156, %dma_wait3A_275] : memref<20480x128xf32, #tpu.memory_space<hbm>> -> memref<32x128xf32, #tpu.memory_space<hbm>>
      tpu.wait_dma2 semaphore(%run_scoped3A : memref<!tpu.dma_semaphore, #tpu.memory_space<semaphore_mem>>) src(%arg15 : memref<32x128xf32, #tpu.memory_space<vmem>>) dst(%dma_wait3A_276 : memref<32x128xf32, #tpu.memory_space<hbm>>)
      tpu.yield
    }) : () -> ()
    %mul3A_157 = arith.constant 640 : i32
    %mul3A_158 = arith.muli %arg1, %mul3A_157 : i32
    %add3A_159 = arith.constant 128 : i32
    %add3A_160 = arith.addi %mul3A_158, %add3A_159 : i32
    "tpu.region"() ({
      %run_scoped3A = tpu.sem_alloc : memref<!tpu.dma_semaphore, #tpu.memory_space<semaphore_mem>>
      %dma_start3A_269 = arith.constant 0 : i32
      %dma_start3A_270 = tpu.memref_slice %arg16[%add3A_160, %dma_start3A_269] : memref<10240x128xf32, #tpu.memory_space<vmem_shared>> -> memref<32x128xf32, #tpu.memory_space<vmem_shared>>
      %dma_start3A_271 = arith.constant 0 : i32
      %dma_start3A_272 = tpu.memref_slice %arg16[%add3A_160, %dma_start3A_271] : memref<10240x128xf32, #tpu.memory_space<vmem_shared>> -> memref<32x128xf32, #tpu.memory_space<vmem_shared>>
      tpu.enqueue_dma source(%dma_start3A_272 : memref<32x128xf32, #tpu.memory_space<vmem_shared>>) target(%arg15 : memref<32x128xf32, #tpu.memory_space<vmem>>) target_semaphore(%run_scoped3A : memref<!tpu.dma_semaphore, #tpu.memory_space<semaphore_mem>>)
      %dma_wait3A_273 = arith.constant 0 : i32
      %dma_wait3A_274 = tpu.memref_slice %arg16[%add3A_160, %dma_wait3A_273] : memref<10240x128xf32, #tpu.memory_space<vmem_shared>> -> memref<32x128xf32, #tpu.memory_space<vmem_shared>>
      %dma_wait3A_275 = arith.constant 0 : i32
      %dma_wait3A_276 = tpu.memref_slice %arg16[%add3A_160, %dma_wait3A_275] : memref<10240x128xf32, #tpu.memory_space<vmem_shared>> -> memref<32x128xf32, #tpu.memory_space<vmem_shared>>
      tpu.wait_dma2 semaphore(%run_scoped3A : memref<!tpu.dma_semaphore, #tpu.memory_space<semaphore_mem>>) src(%dma_wait3A_276 : memref<32x128xf32, #tpu.memory_space<vmem_shared>>) dst(%arg15 : memref<32x128xf32, #tpu.memory_space<vmem>>)
      tpu.yield
    }) : () -> ()
    %mul3A_161 = arith.constant 10240 : i32
    %mul3A_162 = arith.muli %arg0, %mul3A_161 : i32
    %add3A_163 = arith.addi %mul3A_162, %add3A_160 : i32
    "tpu.region"() ({
      %run_scoped3A = tpu.sem_alloc : memref<!tpu.dma_semaphore, #tpu.memory_space<semaphore_mem>>
      %dma_start3A_269 = arith.constant 0 : i32
      %dma_start3A_270 = tpu.memref_slice %arg5[%add3A_163, %dma_start3A_269] : memref<20480x128xf32, #tpu.memory_space<hbm>> -> memref<32x128xf32, #tpu.memory_space<hbm>>
      %dma_start3A_271 = arith.constant 0 : i32
      %dma_start3A_272 = tpu.memref_slice %arg5[%add3A_163, %dma_start3A_271] : memref<20480x128xf32, #tpu.memory_space<hbm>> -> memref<32x128xf32, #tpu.memory_space<hbm>>
      tpu.enqueue_dma source(%arg15 : memref<32x128xf32, #tpu.memory_space<vmem>>) target(%dma_start3A_272 : memref<32x128xf32, #tpu.memory_space<hbm>>) target_semaphore(%run_scoped3A : memref<!tpu.dma_semaphore, #tpu.memory_space<semaphore_mem>>)
      %dma_wait3A_273 = arith.constant 0 : i32
      %dma_wait3A_274 = tpu.memref_slice %arg5[%add3A_163, %dma_wait3A_273] : memref<20480x128xf32, #tpu.memory_space<hbm>> -> memref<32x128xf32, #tpu.memory_space<hbm>>
      %dma_wait3A_275 = arith.constant 0 : i32
      %dma_wait3A_276 = tpu.memref_slice %arg5[%add3A_163, %dma_wait3A_275] : memref<20480x128xf32, #tpu.memory_space<hbm>> -> memref<32x128xf32, #tpu.memory_space<hbm>>
      tpu.wait_dma2 semaphore(%run_scoped3A : memref<!tpu.dma_semaphore, #tpu.memory_space<semaphore_mem>>) src(%arg15 : memref<32x128xf32, #tpu.memory_space<vmem>>) dst(%dma_wait3A_276 : memref<32x128xf32, #tpu.memory_space<hbm>>)
      tpu.yield
    }) : () -> ()
    %mul3A_164 = arith.constant 640 : i32
    %mul3A_165 = arith.muli %arg1, %mul3A_164 : i32
    %add3A_166 = arith.constant 160 : i32
    %add3A_167 = arith.addi %mul3A_165, %add3A_166 : i32
    "tpu.region"() ({
      %run_scoped3A = tpu.sem_alloc : memref<!tpu.dma_semaphore, #tpu.memory_space<semaphore_mem>>
      %dma_start3A_269 = arith.constant 0 : i32
      %dma_start3A_270 = tpu.memref_slice %arg16[%add3A_167, %dma_start3A_269] : memref<10240x128xf32, #tpu.memory_space<vmem_shared>> -> memref<32x128xf32, #tpu.memory_space<vmem_shared>>
      %dma_start3A_271 = arith.constant 0 : i32
      %dma_start3A_272 = tpu.memref_slice %arg16[%add3A_167, %dma_start3A_271] : memref<10240x128xf32, #tpu.memory_space<vmem_shared>> -> memref<32x128xf32, #tpu.memory_space<vmem_shared>>
      tpu.enqueue_dma source(%dma_start3A_272 : memref<32x128xf32, #tpu.memory_space<vmem_shared>>) target(%arg15 : memref<32x128xf32, #tpu.memory_space<vmem>>) target_semaphore(%run_scoped3A : memref<!tpu.dma_semaphore, #tpu.memory_space<semaphore_mem>>)
      %dma_wait3A_273 = arith.constant 0 : i32
      %dma_wait3A_274 = tpu.memref_slice %arg16[%add3A_167, %dma_wait3A_273] : memref<10240x128xf32, #tpu.memory_space<vmem_shared>> -> memref<32x128xf32, #tpu.memory_space<vmem_shared>>
      %dma_wait3A_275 = arith.constant 0 : i32
      %dma_wait3A_276 = tpu.memref_slice %arg16[%add3A_167, %dma_wait3A_275] : memref<10240x128xf32, #tpu.memory_space<vmem_shared>> -> memref<32x128xf32, #tpu.memory_space<vmem_shared>>
      tpu.wait_dma2 semaphore(%run_scoped3A : memref<!tpu.dma_semaphore, #tpu.memory_space<semaphore_mem>>) src(%dma_wait3A_276 : memref<32x128xf32, #tpu.memory_space<vmem_shared>>) dst(%arg15 : memref<32x128xf32, #tpu.memory_space<vmem>>)
      tpu.yield
    }) : () -> ()
    %mul3A_168 = arith.constant 10240 : i32
    %mul3A_169 = arith.muli %arg0, %mul3A_168 : i32
    %add3A_170 = arith.addi %mul3A_169, %add3A_167 : i32
    "tpu.region"() ({
      %run_scoped3A = tpu.sem_alloc : memref<!tpu.dma_semaphore, #tpu.memory_space<semaphore_mem>>
      %dma_start3A_269 = arith.constant 0 : i32
      %dma_start3A_270 = tpu.memref_slice %arg5[%add3A_170, %dma_start3A_269] : memref<20480x128xf32, #tpu.memory_space<hbm>> -> memref<32x128xf32, #tpu.memory_space<hbm>>
      %dma_start3A_271 = arith.constant 0 : i32
      %dma_start3A_272 = tpu.memref_slice %arg5[%add3A_170, %dma_start3A_271] : memref<20480x128xf32, #tpu.memory_space<hbm>> -> memref<32x128xf32, #tpu.memory_space<hbm>>
      tpu.enqueue_dma source(%arg15 : memref<32x128xf32, #tpu.memory_space<vmem>>) target(%dma_start3A_272 : memref<32x128xf32, #tpu.memory_space<hbm>>) target_semaphore(%run_scoped3A : memref<!tpu.dma_semaphore, #tpu.memory_space<semaphore_mem>>)
      %dma_wait3A_273 = arith.constant 0 : i32
      %dma_wait3A_274 = tpu.memref_slice %arg5[%add3A_170, %dma_wait3A_273] : memref<20480x128xf32, #tpu.memory_space<hbm>> -> memref<32x128xf32, #tpu.memory_space<hbm>>
      %dma_wait3A_275 = arith.constant 0 : i32
      %dma_wait3A_276 = tpu.memref_slice %arg5[%add3A_170, %dma_wait3A_275] : memref<20480x128xf32, #tpu.memory_space<hbm>> -> memref<32x128xf32, #tpu.memory_space<hbm>>
      tpu.wait_dma2 semaphore(%run_scoped3A : memref<!tpu.dma_semaphore, #tpu.memory_space<semaphore_mem>>) src(%arg15 : memref<32x128xf32, #tpu.memory_space<vmem>>) dst(%dma_wait3A_276 : memref<32x128xf32, #tpu.memory_space<hbm>>)
      tpu.yield
    }) : () -> ()
    %mul3A_171 = arith.constant 640 : i32
    %mul3A_172 = arith.muli %arg1, %mul3A_171 : i32
    %add3A_173 = arith.constant 192 : i32
    %add3A_174 = arith.addi %mul3A_172, %add3A_173 : i32
    "tpu.region"() ({
      %run_scoped3A = tpu.sem_alloc : memref<!tpu.dma_semaphore, #tpu.memory_space<semaphore_mem>>
      %dma_start3A_269 = arith.constant 0 : i32
      %dma_start3A_270 = tpu.memref_slice %arg16[%add3A_174, %dma_start3A_269] : memref<10240x128xf32, #tpu.memory_space<vmem_shared>> -> memref<32x128xf32, #tpu.memory_space<vmem_shared>>
      %dma_start3A_271 = arith.constant 0 : i32
      %dma_start3A_272 = tpu.memref_slice %arg16[%add3A_174, %dma_start3A_271] : memref<10240x128xf32, #tpu.memory_space<vmem_shared>> -> memref<32x128xf32, #tpu.memory_space<vmem_shared>>
      tpu.enqueue_dma source(%dma_start3A_272 : memref<32x128xf32, #tpu.memory_space<vmem_shared>>) target(%arg15 : memref<32x128xf32, #tpu.memory_space<vmem>>) target_semaphore(%run_scoped3A : memref<!tpu.dma_semaphore, #tpu.memory_space<semaphore_mem>>)
      %dma_wait3A_273 = arith.constant 0 : i32
      %dma_wait3A_274 = tpu.memref_slice %arg16[%add3A_174, %dma_wait3A_273] : memref<10240x128xf32, #tpu.memory_space<vmem_shared>> -> memref<32x128xf32, #tpu.memory_space<vmem_shared>>
      %dma_wait3A_275 = arith.constant 0 : i32
      %dma_wait3A_276 = tpu.memref_slice %arg16[%add3A_174, %dma_wait3A_275] : memref<10240x128xf32, #tpu.memory_space<vmem_shared>> -> memref<32x128xf32, #tpu.memory_space<vmem_shared>>
      tpu.wait_dma2 semaphore(%run_scoped3A : memref<!tpu.dma_semaphore, #tpu.memory_space<semaphore_mem>>) src(%dma_wait3A_276 : memref<32x128xf32, #tpu.memory_space<vmem_shared>>) dst(%arg15 : memref<32x128xf32, #tpu.memory_space<vmem>>)
      tpu.yield
    }) : () -> ()
    %mul3A_175 = arith.constant 10240 : i32
    %mul3A_176 = arith.muli %arg0, %mul3A_175 : i32
    %add3A_177 = arith.addi %mul3A_176, %add3A_174 : i32
    "tpu.region"() ({
      %run_scoped3A = tpu.sem_alloc : memref<!tpu.dma_semaphore, #tpu.memory_space<semaphore_mem>>
      %dma_start3A_269 = arith.constant 0 : i32
      %dma_start3A_270 = tpu.memref_slice %arg5[%add3A_177, %dma_start3A_269] : memref<20480x128xf32, #tpu.memory_space<hbm>> -> memref<32x128xf32, #tpu.memory_space<hbm>>
      %dma_start3A_271 = arith.constant 0 : i32
      %dma_start3A_272 = tpu.memref_slice %arg5[%add3A_177, %dma_start3A_271] : memref<20480x128xf32, #tpu.memory_space<hbm>> -> memref<32x128xf32, #tpu.memory_space<hbm>>
      tpu.enqueue_dma source(%arg15 : memref<32x128xf32, #tpu.memory_space<vmem>>) target(%dma_start3A_272 : memref<32x128xf32, #tpu.memory_space<hbm>>) target_semaphore(%run_scoped3A : memref<!tpu.dma_semaphore, #tpu.memory_space<semaphore_mem>>)
      %dma_wait3A_273 = arith.constant 0 : i32
      %dma_wait3A_274 = tpu.memref_slice %arg5[%add3A_177, %dma_wait3A_273] : memref<20480x128xf32, #tpu.memory_space<hbm>> -> memref<32x128xf32, #tpu.memory_space<hbm>>
      %dma_wait3A_275 = arith.constant 0 : i32
      %dma_wait3A_276 = tpu.memref_slice %arg5[%add3A_177, %dma_wait3A_275] : memref<20480x128xf32, #tpu.memory_space<hbm>> -> memref<32x128xf32, #tpu.memory_space<hbm>>
      tpu.wait_dma2 semaphore(%run_scoped3A : memref<!tpu.dma_semaphore, #tpu.memory_space<semaphore_mem>>) src(%arg15 : memref<32x128xf32, #tpu.memory_space<vmem>>) dst(%dma_wait3A_276 : memref<32x128xf32, #tpu.memory_space<hbm>>)
      tpu.yield
    }) : () -> ()
    %mul3A_178 = arith.constant 640 : i32
    %mul3A_179 = arith.muli %arg1, %mul3A_178 : i32
    %add3A_180 = arith.constant 224 : i32
    %add3A_181 = arith.addi %mul3A_179, %add3A_180 : i32
    "tpu.region"() ({
      %run_scoped3A = tpu.sem_alloc : memref<!tpu.dma_semaphore, #tpu.memory_space<semaphore_mem>>
      %dma_start3A_269 = arith.constant 0 : i32
      %dma_start3A_270 = tpu.memref_slice %arg16[%add3A_181, %dma_start3A_269] : memref<10240x128xf32, #tpu.memory_space<vmem_shared>> -> memref<32x128xf32, #tpu.memory_space<vmem_shared>>
      %dma_start3A_271 = arith.constant 0 : i32
      %dma_start3A_272 = tpu.memref_slice %arg16[%add3A_181, %dma_start3A_271] : memref<10240x128xf32, #tpu.memory_space<vmem_shared>> -> memref<32x128xf32, #tpu.memory_space<vmem_shared>>
      tpu.enqueue_dma source(%dma_start3A_272 : memref<32x128xf32, #tpu.memory_space<vmem_shared>>) target(%arg15 : memref<32x128xf32, #tpu.memory_space<vmem>>) target_semaphore(%run_scoped3A : memref<!tpu.dma_semaphore, #tpu.memory_space<semaphore_mem>>)
      %dma_wait3A_273 = arith.constant 0 : i32
      %dma_wait3A_274 = tpu.memref_slice %arg16[%add3A_181, %dma_wait3A_273] : memref<10240x128xf32, #tpu.memory_space<vmem_shared>> -> memref<32x128xf32, #tpu.memory_space<vmem_shared>>
      %dma_wait3A_275 = arith.constant 0 : i32
      %dma_wait3A_276 = tpu.memref_slice %arg16[%add3A_181, %dma_wait3A_275] : memref<10240x128xf32, #tpu.memory_space<vmem_shared>> -> memref<32x128xf32, #tpu.memory_space<vmem_shared>>
      tpu.wait_dma2 semaphore(%run_scoped3A : memref<!tpu.dma_semaphore, #tpu.memory_space<semaphore_mem>>) src(%dma_wait3A_276 : memref<32x128xf32, #tpu.memory_space<vmem_shared>>) dst(%arg15 : memref<32x128xf32, #tpu.memory_space<vmem>>)
      tpu.yield
    }) : () -> ()
    %mul3A_182 = arith.constant 10240 : i32
    %mul3A_183 = arith.muli %arg0, %mul3A_182 : i32
    %add3A_184 = arith.addi %mul3A_183, %add3A_181 : i32
    "tpu.region"() ({
      %run_scoped3A = tpu.sem_alloc : memref<!tpu.dma_semaphore, #tpu.memory_space<semaphore_mem>>
      %dma_start3A_269 = arith.constant 0 : i32
      %dma_start3A_270 = tpu.memref_slice %arg5[%add3A_184, %dma_start3A_269] : memref<20480x128xf32, #tpu.memory_space<hbm>> -> memref<32x128xf32, #tpu.memory_space<hbm>>
      %dma_start3A_271 = arith.constant 0 : i32
      %dma_start3A_272 = tpu.memref_slice %arg5[%add3A_184, %dma_start3A_271] : memref<20480x128xf32, #tpu.memory_space<hbm>> -> memref<32x128xf32, #tpu.memory_space<hbm>>
      tpu.enqueue_dma source(%arg15 : memref<32x128xf32, #tpu.memory_space<vmem>>) target(%dma_start3A_272 : memref<32x128xf32, #tpu.memory_space<hbm>>) target_semaphore(%run_scoped3A : memref<!tpu.dma_semaphore, #tpu.memory_space<semaphore_mem>>)
      %dma_wait3A_273 = arith.constant 0 : i32
      %dma_wait3A_274 = tpu.memref_slice %arg5[%add3A_184, %dma_wait3A_273] : memref<20480x128xf32, #tpu.memory_space<hbm>> -> memref<32x128xf32, #tpu.memory_space<hbm>>
      %dma_wait3A_275 = arith.constant 0 : i32
      %dma_wait3A_276 = tpu.memref_slice %arg5[%add3A_184, %dma_wait3A_275] : memref<20480x128xf32, #tpu.memory_space<hbm>> -> memref<32x128xf32, #tpu.memory_space<hbm>>
      tpu.wait_dma2 semaphore(%run_scoped3A : memref<!tpu.dma_semaphore, #tpu.memory_space<semaphore_mem>>) src(%arg15 : memref<32x128xf32, #tpu.memory_space<vmem>>) dst(%dma_wait3A_276 : memref<32x128xf32, #tpu.memory_space<hbm>>)
      tpu.yield
    }) : () -> ()
    %mul3A_185 = arith.constant 640 : i32
    %mul3A_186 = arith.muli %arg1, %mul3A_185 : i32
    %add3A_187 = arith.constant 256 : i32
    %add3A_188 = arith.addi %mul3A_186, %add3A_187 : i32
    "tpu.region"() ({
      %run_scoped3A = tpu.sem_alloc : memref<!tpu.dma_semaphore, #tpu.memory_space<semaphore_mem>>
      %dma_start3A_269 = arith.constant 0 : i32
      %dma_start3A_270 = tpu.memref_slice %arg16[%add3A_188, %dma_start3A_269] : memref<10240x128xf32, #tpu.memory_space<vmem_shared>> -> memref<32x128xf32, #tpu.memory_space<vmem_shared>>
      %dma_start3A_271 = arith.constant 0 : i32
      %dma_start3A_272 = tpu.memref_slice %arg16[%add3A_188, %dma_start3A_271] : memref<10240x128xf32, #tpu.memory_space<vmem_shared>> -> memref<32x128xf32, #tpu.memory_space<vmem_shared>>
      tpu.enqueue_dma source(%dma_start3A_272 : memref<32x128xf32, #tpu.memory_space<vmem_shared>>) target(%arg15 : memref<32x128xf32, #tpu.memory_space<vmem>>) target_semaphore(%run_scoped3A : memref<!tpu.dma_semaphore, #tpu.memory_space<semaphore_mem>>)
      %dma_wait3A_273 = arith.constant 0 : i32
      %dma_wait3A_274 = tpu.memref_slice %arg16[%add3A_188, %dma_wait3A_273] : memref<10240x128xf32, #tpu.memory_space<vmem_shared>> -> memref<32x128xf32, #tpu.memory_space<vmem_shared>>
      %dma_wait3A_275 = arith.constant 0 : i32
      %dma_wait3A_276 = tpu.memref_slice %arg16[%add3A_188, %dma_wait3A_275] : memref<10240x128xf32, #tpu.memory_space<vmem_shared>> -> memref<32x128xf32, #tpu.memory_space<vmem_shared>>
      tpu.wait_dma2 semaphore(%run_scoped3A : memref<!tpu.dma_semaphore, #tpu.memory_space<semaphore_mem>>) src(%dma_wait3A_276 : memref<32x128xf32, #tpu.memory_space<vmem_shared>>) dst(%arg15 : memref<32x128xf32, #tpu.memory_space<vmem>>)
      tpu.yield
    }) : () -> ()
    %mul3A_189 = arith.constant 10240 : i32
    %mul3A_190 = arith.muli %arg0, %mul3A_189 : i32
    %add3A_191 = arith.addi %mul3A_190, %add3A_188 : i32
    "tpu.region"() ({
      %run_scoped3A = tpu.sem_alloc : memref<!tpu.dma_semaphore, #tpu.memory_space<semaphore_mem>>
      %dma_start3A_269 = arith.constant 0 : i32
      %dma_start3A_270 = tpu.memref_slice %arg5[%add3A_191, %dma_start3A_269] : memref<20480x128xf32, #tpu.memory_space<hbm>> -> memref<32x128xf32, #tpu.memory_space<hbm>>
      %dma_start3A_271 = arith.constant 0 : i32
      %dma_start3A_272 = tpu.memref_slice %arg5[%add3A_191, %dma_start3A_271] : memref<20480x128xf32, #tpu.memory_space<hbm>> -> memref<32x128xf32, #tpu.memory_space<hbm>>
      tpu.enqueue_dma source(%arg15 : memref<32x128xf32, #tpu.memory_space<vmem>>) target(%dma_start3A_272 : memref<32x128xf32, #tpu.memory_space<hbm>>) target_semaphore(%run_scoped3A : memref<!tpu.dma_semaphore, #tpu.memory_space<semaphore_mem>>)
      %dma_wait3A_273 = arith.constant 0 : i32
      %dma_wait3A_274 = tpu.memref_slice %arg5[%add3A_191, %dma_wait3A_273] : memref<20480x128xf32, #tpu.memory_space<hbm>> -> memref<32x128xf32, #tpu.memory_space<hbm>>
      %dma_wait3A_275 = arith.constant 0 : i32
      %dma_wait3A_276 = tpu.memref_slice %arg5[%add3A_191, %dma_wait3A_275] : memref<20480x128xf32, #tpu.memory_space<hbm>> -> memref<32x128xf32, #tpu.memory_space<hbm>>
      tpu.wait_dma2 semaphore(%run_scoped3A : memref<!tpu.dma_semaphore, #tpu.memory_space<semaphore_mem>>) src(%arg15 : memref<32x128xf32, #tpu.memory_space<vmem>>) dst(%dma_wait3A_276 : memref<32x128xf32, #tpu.memory_space<hbm>>)
      tpu.yield
    }) : () -> ()
    %mul3A_192 = arith.constant 640 : i32
    %mul3A_193 = arith.muli %arg1, %mul3A_192 : i32
    %add3A_194 = arith.constant 288 : i32
    %add3A_195 = arith.addi %mul3A_193, %add3A_194 : i32
    "tpu.region"() ({
      %run_scoped3A = tpu.sem_alloc : memref<!tpu.dma_semaphore, #tpu.memory_space<semaphore_mem>>
      %dma_start3A_269 = arith.constant 0 : i32
      %dma_start3A_270 = tpu.memref_slice %arg16[%add3A_195, %dma_start3A_269] : memref<10240x128xf32, #tpu.memory_space<vmem_shared>> -> memref<32x128xf32, #tpu.memory_space<vmem_shared>>
      %dma_start3A_271 = arith.constant 0 : i32
      %dma_start3A_272 = tpu.memref_slice %arg16[%add3A_195, %dma_start3A_271] : memref<10240x128xf32, #tpu.memory_space<vmem_shared>> -> memref<32x128xf32, #tpu.memory_space<vmem_shared>>
      tpu.enqueue_dma source(%dma_start3A_272 : memref<32x128xf32, #tpu.memory_space<vmem_shared>>) target(%arg15 : memref<32x128xf32, #tpu.memory_space<vmem>>) target_semaphore(%run_scoped3A : memref<!tpu.dma_semaphore, #tpu.memory_space<semaphore_mem>>)
      %dma_wait3A_273 = arith.constant 0 : i32
      %dma_wait3A_274 = tpu.memref_slice %arg16[%add3A_195, %dma_wait3A_273] : memref<10240x128xf32, #tpu.memory_space<vmem_shared>> -> memref<32x128xf32, #tpu.memory_space<vmem_shared>>
      %dma_wait3A_275 = arith.constant 0 : i32
      %dma_wait3A_276 = tpu.memref_slice %arg16[%add3A_195, %dma_wait3A_275] : memref<10240x128xf32, #tpu.memory_space<vmem_shared>> -> memref<32x128xf32, #tpu.memory_space<vmem_shared>>
      tpu.wait_dma2 semaphore(%run_scoped3A : memref<!tpu.dma_semaphore, #tpu.memory_space<semaphore_mem>>) src(%dma_wait3A_276 : memref<32x128xf32, #tpu.memory_space<vmem_shared>>) dst(%arg15 : memref<32x128xf32, #tpu.memory_space<vmem>>)
      tpu.yield
    }) : () -> ()
    %mul3A_196 = arith.constant 10240 : i32
    %mul3A_197 = arith.muli %arg0, %mul3A_196 : i32
    %add3A_198 = arith.addi %mul3A_197, %add3A_195 : i32
    "tpu.region"() ({
      %run_scoped3A = tpu.sem_alloc : memref<!tpu.dma_semaphore, #tpu.memory_space<semaphore_mem>>
      %dma_start3A_269 = arith.constant 0 : i32
      %dma_start3A_270 = tpu.memref_slice %arg5[%add3A_198, %dma_start3A_269] : memref<20480x128xf32, #tpu.memory_space<hbm>> -> memref<32x128xf32, #tpu.memory_space<hbm>>
      %dma_start3A_271 = arith.constant 0 : i32
      %dma_start3A_272 = tpu.memref_slice %arg5[%add3A_198, %dma_start3A_271] : memref<20480x128xf32, #tpu.memory_space<hbm>> -> memref<32x128xf32, #tpu.memory_space<hbm>>
      tpu.enqueue_dma source(%arg15 : memref<32x128xf32, #tpu.memory_space<vmem>>) target(%dma_start3A_272 : memref<32x128xf32, #tpu.memory_space<hbm>>) target_semaphore(%run_scoped3A : memref<!tpu.dma_semaphore, #tpu.memory_space<semaphore_mem>>)
      %dma_wait3A_273 = arith.constant 0 : i32
      %dma_wait3A_274 = tpu.memref_slice %arg5[%add3A_198, %dma_wait3A_273] : memref<20480x128xf32, #tpu.memory_space<hbm>> -> memref<32x128xf32, #tpu.memory_space<hbm>>
      %dma_wait3A_275 = arith.constant 0 : i32
      %dma_wait3A_276 = tpu.memref_slice %arg5[%add3A_198, %dma_wait3A_275] : memref<20480x128xf32, #tpu.memory_space<hbm>> -> memref<32x128xf32, #tpu.memory_space<hbm>>
      tpu.wait_dma2 semaphore(%run_scoped3A : memref<!tpu.dma_semaphore, #tpu.memory_space<semaphore_mem>>) src(%arg15 : memref<32x128xf32, #tpu.memory_space<vmem>>) dst(%dma_wait3A_276 : memref<32x128xf32, #tpu.memory_space<hbm>>)
      tpu.yield
    }) : () -> ()
    %mul3A_199 = arith.constant 640 : i32
    %mul3A_200 = arith.muli %arg1, %mul3A_199 : i32
    %add3A_201 = arith.constant 320 : i32
    %add3A_202 = arith.addi %mul3A_200, %add3A_201 : i32
    "tpu.region"() ({
      %run_scoped3A = tpu.sem_alloc : memref<!tpu.dma_semaphore, #tpu.memory_space<semaphore_mem>>
      %dma_start3A_269 = arith.constant 0 : i32
      %dma_start3A_270 = tpu.memref_slice %arg16[%add3A_202, %dma_start3A_269] : memref<10240x128xf32, #tpu.memory_space<vmem_shared>> -> memref<32x128xf32, #tpu.memory_space<vmem_shared>>
      %dma_start3A_271 = arith.constant 0 : i32
      %dma_start3A_272 = tpu.memref_slice %arg16[%add3A_202, %dma_start3A_271] : memref<10240x128xf32, #tpu.memory_space<vmem_shared>> -> memref<32x128xf32, #tpu.memory_space<vmem_shared>>
      tpu.enqueue_dma source(%dma_start3A_272 : memref<32x128xf32, #tpu.memory_space<vmem_shared>>) target(%arg15 : memref<32x128xf32, #tpu.memory_space<vmem>>) target_semaphore(%run_scoped3A : memref<!tpu.dma_semaphore, #tpu.memory_space<semaphore_mem>>)
      %dma_wait3A_273 = arith.constant 0 : i32
      %dma_wait3A_274 = tpu.memref_slice %arg16[%add3A_202, %dma_wait3A_273] : memref<10240x128xf32, #tpu.memory_space<vmem_shared>> -> memref<32x128xf32, #tpu.memory_space<vmem_shared>>
      %dma_wait3A_275 = arith.constant 0 : i32
      %dma_wait3A_276 = tpu.memref_slice %arg16[%add3A_202, %dma_wait3A_275] : memref<10240x128xf32, #tpu.memory_space<vmem_shared>> -> memref<32x128xf32, #tpu.memory_space<vmem_shared>>
      tpu.wait_dma2 semaphore(%run_scoped3A : memref<!tpu.dma_semaphore, #tpu.memory_space<semaphore_mem>>) src(%dma_wait3A_276 : memref<32x128xf32, #tpu.memory_space<vmem_shared>>) dst(%arg15 : memref<32x128xf32, #tpu.memory_space<vmem>>)
      tpu.yield
    }) : () -> ()
    %mul3A_203 = arith.constant 10240 : i32
    %mul3A_204 = arith.muli %arg0, %mul3A_203 : i32
    %add3A_205 = arith.addi %mul3A_204, %add3A_202 : i32
    "tpu.region"() ({
      %run_scoped3A = tpu.sem_alloc : memref<!tpu.dma_semaphore, #tpu.memory_space<semaphore_mem>>
      %dma_start3A_269 = arith.constant 0 : i32
      %dma_start3A_270 = tpu.memref_slice %arg5[%add3A_205, %dma_start3A_269] : memref<20480x128xf32, #tpu.memory_space<hbm>> -> memref<32x128xf32, #tpu.memory_space<hbm>>
      %dma_start3A_271 = arith.constant 0 : i32
      %dma_start3A_272 = tpu.memref_slice %arg5[%add3A_205, %dma_start3A_271] : memref<20480x128xf32, #tpu.memory_space<hbm>> -> memref<32x128xf32, #tpu.memory_space<hbm>>
      tpu.enqueue_dma source(%arg15 : memref<32x128xf32, #tpu.memory_space<vmem>>) target(%dma_start3A_272 : memref<32x128xf32, #tpu.memory_space<hbm>>) target_semaphore(%run_scoped3A : memref<!tpu.dma_semaphore, #tpu.memory_space<semaphore_mem>>)
      %dma_wait3A_273 = arith.constant 0 : i32
      %dma_wait3A_274 = tpu.memref_slice %arg5[%add3A_205, %dma_wait3A_273] : memref<20480x128xf32, #tpu.memory_space<hbm>> -> memref<32x128xf32, #tpu.memory_space<hbm>>
      %dma_wait3A_275 = arith.constant 0 : i32
      %dma_wait3A_276 = tpu.memref_slice %arg5[%add3A_205, %dma_wait3A_275] : memref<20480x128xf32, #tpu.memory_space<hbm>> -> memref<32x128xf32, #tpu.memory_space<hbm>>
      tpu.wait_dma2 semaphore(%run_scoped3A : memref<!tpu.dma_semaphore, #tpu.memory_space<semaphore_mem>>) src(%arg15 : memref<32x128xf32, #tpu.memory_space<vmem>>) dst(%dma_wait3A_276 : memref<32x128xf32, #tpu.memory_space<hbm>>)
      tpu.yield
    }) : () -> ()
    %mul3A_206 = arith.constant 640 : i32
    %mul3A_207 = arith.muli %arg1, %mul3A_206 : i32
    %add3A_208 = arith.constant 352 : i32
    %add3A_209 = arith.addi %mul3A_207, %add3A_208 : i32
    "tpu.region"() ({
      %run_scoped3A = tpu.sem_alloc : memref<!tpu.dma_semaphore, #tpu.memory_space<semaphore_mem>>
      %dma_start3A_269 = arith.constant 0 : i32
      %dma_start3A_270 = tpu.memref_slice %arg16[%add3A_209, %dma_start3A_269] : memref<10240x128xf32, #tpu.memory_space<vmem_shared>> -> memref<32x128xf32, #tpu.memory_space<vmem_shared>>
      %dma_start3A_271 = arith.constant 0 : i32
      %dma_start3A_272 = tpu.memref_slice %arg16[%add3A_209, %dma_start3A_271] : memref<10240x128xf32, #tpu.memory_space<vmem_shared>> -> memref<32x128xf32, #tpu.memory_space<vmem_shared>>
      tpu.enqueue_dma source(%dma_start3A_272 : memref<32x128xf32, #tpu.memory_space<vmem_shared>>) target(%arg15 : memref<32x128xf32, #tpu.memory_space<vmem>>) target_semaphore(%run_scoped3A : memref<!tpu.dma_semaphore, #tpu.memory_space<semaphore_mem>>)
      %dma_wait3A_273 = arith.constant 0 : i32
      %dma_wait3A_274 = tpu.memref_slice %arg16[%add3A_209, %dma_wait3A_273] : memref<10240x128xf32, #tpu.memory_space<vmem_shared>> -> memref<32x128xf32, #tpu.memory_space<vmem_shared>>
      %dma_wait3A_275 = arith.constant 0 : i32
      %dma_wait3A_276 = tpu.memref_slice %arg16[%add3A_209, %dma_wait3A_275] : memref<10240x128xf32, #tpu.memory_space<vmem_shared>> -> memref<32x128xf32, #tpu.memory_space<vmem_shared>>
      tpu.wait_dma2 semaphore(%run_scoped3A : memref<!tpu.dma_semaphore, #tpu.memory_space<semaphore_mem>>) src(%dma_wait3A_276 : memref<32x128xf32, #tpu.memory_space<vmem_shared>>) dst(%arg15 : memref<32x128xf32, #tpu.memory_space<vmem>>)
      tpu.yield
    }) : () -> ()
    %mul3A_210 = arith.constant 10240 : i32
    %mul3A_211 = arith.muli %arg0, %mul3A_210 : i32
    %add3A_212 = arith.addi %mul3A_211, %add3A_209 : i32
    "tpu.region"() ({
      %run_scoped3A = tpu.sem_alloc : memref<!tpu.dma_semaphore, #tpu.memory_space<semaphore_mem>>
      %dma_start3A_269 = arith.constant 0 : i32
      %dma_start3A_270 = tpu.memref_slice %arg5[%add3A_212, %dma_start3A_269] : memref<20480x128xf32, #tpu.memory_space<hbm>> -> memref<32x128xf32, #tpu.memory_space<hbm>>
      %dma_start3A_271 = arith.constant 0 : i32
      %dma_start3A_272 = tpu.memref_slice %arg5[%add3A_212, %dma_start3A_271] : memref<20480x128xf32, #tpu.memory_space<hbm>> -> memref<32x128xf32, #tpu.memory_space<hbm>>
      tpu.enqueue_dma source(%arg15 : memref<32x128xf32, #tpu.memory_space<vmem>>) target(%dma_start3A_272 : memref<32x128xf32, #tpu.memory_space<hbm>>) target_semaphore(%run_scoped3A : memref<!tpu.dma_semaphore, #tpu.memory_space<semaphore_mem>>)
      %dma_wait3A_273 = arith.constant 0 : i32
      %dma_wait3A_274 = tpu.memref_slice %arg5[%add3A_212, %dma_wait3A_273] : memref<20480x128xf32, #tpu.memory_space<hbm>> -> memref<32x128xf32, #tpu.memory_space<hbm>>
      %dma_wait3A_275 = arith.constant 0 : i32
      %dma_wait3A_276 = tpu.memref_slice %arg5[%add3A_212, %dma_wait3A_275] : memref<20480x128xf32, #tpu.memory_space<hbm>> -> memref<32x128xf32, #tpu.memory_space<hbm>>
      tpu.wait_dma2 semaphore(%run_scoped3A : memref<!tpu.dma_semaphore, #tpu.memory_space<semaphore_mem>>) src(%arg15 : memref<32x128xf32, #tpu.memory_space<vmem>>) dst(%dma_wait3A_276 : memref<32x128xf32, #tpu.memory_space<hbm>>)
      tpu.yield
    }) : () -> ()
    %mul3A_213 = arith.constant 640 : i32
    %mul3A_214 = arith.muli %arg1, %mul3A_213 : i32
    %add3A_215 = arith.constant 384 : i32
    %add3A_216 = arith.addi %mul3A_214, %add3A_215 : i32
    "tpu.region"() ({
      %run_scoped3A = tpu.sem_alloc : memref<!tpu.dma_semaphore, #tpu.memory_space<semaphore_mem>>
      %dma_start3A_269 = arith.constant 0 : i32
      %dma_start3A_270 = tpu.memref_slice %arg16[%add3A_216, %dma_start3A_269] : memref<10240x128xf32, #tpu.memory_space<vmem_shared>> -> memref<32x128xf32, #tpu.memory_space<vmem_shared>>
      %dma_start3A_271 = arith.constant 0 : i32
      %dma_start3A_272 = tpu.memref_slice %arg16[%add3A_216, %dma_start3A_271] : memref<10240x128xf32, #tpu.memory_space<vmem_shared>> -> memref<32x128xf32, #tpu.memory_space<vmem_shared>>
      tpu.enqueue_dma source(%dma_start3A_272 : memref<32x128xf32, #tpu.memory_space<vmem_shared>>) target(%arg15 : memref<32x128xf32, #tpu.memory_space<vmem>>) target_semaphore(%run_scoped3A : memref<!tpu.dma_semaphore, #tpu.memory_space<semaphore_mem>>)
      %dma_wait3A_273 = arith.constant 0 : i32
      %dma_wait3A_274 = tpu.memref_slice %arg16[%add3A_216, %dma_wait3A_273] : memref<10240x128xf32, #tpu.memory_space<vmem_shared>> -> memref<32x128xf32, #tpu.memory_space<vmem_shared>>
      %dma_wait3A_275 = arith.constant 0 : i32
      %dma_wait3A_276 = tpu.memref_slice %arg16[%add3A_216, %dma_wait3A_275] : memref<10240x128xf32, #tpu.memory_space<vmem_shared>> -> memref<32x128xf32, #tpu.memory_space<vmem_shared>>
      tpu.wait_dma2 semaphore(%run_scoped3A : memref<!tpu.dma_semaphore, #tpu.memory_space<semaphore_mem>>) src(%dma_wait3A_276 : memref<32x128xf32, #tpu.memory_space<vmem_shared>>) dst(%arg15 : memref<32x128xf32, #tpu.memory_space<vmem>>)
      tpu.yield
    }) : () -> ()
    %mul3A_217 = arith.constant 10240 : i32
    %mul3A_218 = arith.muli %arg0, %mul3A_217 : i32
    %add3A_219 = arith.addi %mul3A_218, %add3A_216 : i32
    "tpu.region"() ({
      %run_scoped3A = tpu.sem_alloc : memref<!tpu.dma_semaphore, #tpu.memory_space<semaphore_mem>>
      %dma_start3A_269 = arith.constant 0 : i32
      %dma_start3A_270 = tpu.memref_slice %arg5[%add3A_219, %dma_start3A_269] : memref<20480x128xf32, #tpu.memory_space<hbm>> -> memref<32x128xf32, #tpu.memory_space<hbm>>
      %dma_start3A_271 = arith.constant 0 : i32
      %dma_start3A_272 = tpu.memref_slice %arg5[%add3A_219, %dma_start3A_271] : memref<20480x128xf32, #tpu.memory_space<hbm>> -> memref<32x128xf32, #tpu.memory_space<hbm>>
      tpu.enqueue_dma source(%arg15 : memref<32x128xf32, #tpu.memory_space<vmem>>) target(%dma_start3A_272 : memref<32x128xf32, #tpu.memory_space<hbm>>) target_semaphore(%run_scoped3A : memref<!tpu.dma_semaphore, #tpu.memory_space<semaphore_mem>>)
      %dma_wait3A_273 = arith.constant 0 : i32
      %dma_wait3A_274 = tpu.memref_slice %arg5[%add3A_219, %dma_wait3A_273] : memref<20480x128xf32, #tpu.memory_space<hbm>> -> memref<32x128xf32, #tpu.memory_space<hbm>>
      %dma_wait3A_275 = arith.constant 0 : i32
      %dma_wait3A_276 = tpu.memref_slice %arg5[%add3A_219, %dma_wait3A_275] : memref<20480x128xf32, #tpu.memory_space<hbm>> -> memref<32x128xf32, #tpu.memory_space<hbm>>
      tpu.wait_dma2 semaphore(%run_scoped3A : memref<!tpu.dma_semaphore, #tpu.memory_space<semaphore_mem>>) src(%arg15 : memref<32x128xf32, #tpu.memory_space<vmem>>) dst(%dma_wait3A_276 : memref<32x128xf32, #tpu.memory_space<hbm>>)
      tpu.yield
    }) : () -> ()
    %mul3A_220 = arith.constant 640 : i32
    %mul3A_221 = arith.muli %arg1, %mul3A_220 : i32
    %add3A_222 = arith.constant 416 : i32
    %add3A_223 = arith.addi %mul3A_221, %add3A_222 : i32
    "tpu.region"() ({
      %run_scoped3A = tpu.sem_alloc : memref<!tpu.dma_semaphore, #tpu.memory_space<semaphore_mem>>
      %dma_start3A_269 = arith.constant 0 : i32
      %dma_start3A_270 = tpu.memref_slice %arg16[%add3A_223, %dma_start3A_269] : memref<10240x128xf32, #tpu.memory_space<vmem_shared>> -> memref<32x128xf32, #tpu.memory_space<vmem_shared>>
      %dma_start3A_271 = arith.constant 0 : i32
      %dma_start3A_272 = tpu.memref_slice %arg16[%add3A_223, %dma_start3A_271] : memref<10240x128xf32, #tpu.memory_space<vmem_shared>> -> memref<32x128xf32, #tpu.memory_space<vmem_shared>>
      tpu.enqueue_dma source(%dma_start3A_272 : memref<32x128xf32, #tpu.memory_space<vmem_shared>>) target(%arg15 : memref<32x128xf32, #tpu.memory_space<vmem>>) target_semaphore(%run_scoped3A : memref<!tpu.dma_semaphore, #tpu.memory_space<semaphore_mem>>)
      %dma_wait3A_273 = arith.constant 0 : i32
      %dma_wait3A_274 = tpu.memref_slice %arg16[%add3A_223, %dma_wait3A_273] : memref<10240x128xf32, #tpu.memory_space<vmem_shared>> -> memref<32x128xf32, #tpu.memory_space<vmem_shared>>
      %dma_wait3A_275 = arith.constant 0 : i32
      %dma_wait3A_276 = tpu.memref_slice %arg16[%add3A_223, %dma_wait3A_275] : memref<10240x128xf32, #tpu.memory_space<vmem_shared>> -> memref<32x128xf32, #tpu.memory_space<vmem_shared>>
      tpu.wait_dma2 semaphore(%run_scoped3A : memref<!tpu.dma_semaphore, #tpu.memory_space<semaphore_mem>>) src(%dma_wait3A_276 : memref<32x128xf32, #tpu.memory_space<vmem_shared>>) dst(%arg15 : memref<32x128xf32, #tpu.memory_space<vmem>>)
      tpu.yield
    }) : () -> ()
    %mul3A_224 = arith.constant 10240 : i32
    %mul3A_225 = arith.muli %arg0, %mul3A_224 : i32
    %add3A_226 = arith.addi %mul3A_225, %add3A_223 : i32
    "tpu.region"() ({
      %run_scoped3A = tpu.sem_alloc : memref<!tpu.dma_semaphore, #tpu.memory_space<semaphore_mem>>
      %dma_start3A_269 = arith.constant 0 : i32
      %dma_start3A_270 = tpu.memref_slice %arg5[%add3A_226, %dma_start3A_269] : memref<20480x128xf32, #tpu.memory_space<hbm>> -> memref<32x128xf32, #tpu.memory_space<hbm>>
      %dma_start3A_271 = arith.constant 0 : i32
      %dma_start3A_272 = tpu.memref_slice %arg5[%add3A_226, %dma_start3A_271] : memref<20480x128xf32, #tpu.memory_space<hbm>> -> memref<32x128xf32, #tpu.memory_space<hbm>>
      tpu.enqueue_dma source(%arg15 : memref<32x128xf32, #tpu.memory_space<vmem>>) target(%dma_start3A_272 : memref<32x128xf32, #tpu.memory_space<hbm>>) target_semaphore(%run_scoped3A : memref<!tpu.dma_semaphore, #tpu.memory_space<semaphore_mem>>)
      %dma_wait3A_273 = arith.constant 0 : i32
      %dma_wait3A_274 = tpu.memref_slice %arg5[%add3A_226, %dma_wait3A_273] : memref<20480x128xf32, #tpu.memory_space<hbm>> -> memref<32x128xf32, #tpu.memory_space<hbm>>
      %dma_wait3A_275 = arith.constant 0 : i32
      %dma_wait3A_276 = tpu.memref_slice %arg5[%add3A_226, %dma_wait3A_275] : memref<20480x128xf32, #tpu.memory_space<hbm>> -> memref<32x128xf32, #tpu.memory_space<hbm>>
      tpu.wait_dma2 semaphore(%run_scoped3A : memref<!tpu.dma_semaphore, #tpu.memory_space<semaphore_mem>>) src(%arg15 : memref<32x128xf32, #tpu.memory_space<vmem>>) dst(%dma_wait3A_276 : memref<32x128xf32, #tpu.memory_space<hbm>>)
      tpu.yield
    }) : () -> ()
    %mul3A_227 = arith.constant 640 : i32
    %mul3A_228 = arith.muli %arg1, %mul3A_227 : i32
    %add3A_229 = arith.constant 448 : i32
    %add3A_230 = arith.addi %mul3A_228, %add3A_229 : i32
    "tpu.region"() ({
      %run_scoped3A = tpu.sem_alloc : memref<!tpu.dma_semaphore, #tpu.memory_space<semaphore_mem>>
      %dma_start3A_269 = arith.constant 0 : i32
      %dma_start3A_270 = tpu.memref_slice %arg16[%add3A_230, %dma_start3A_269] : memref<10240x128xf32, #tpu.memory_space<vmem_shared>> -> memref<32x128xf32, #tpu.memory_space<vmem_shared>>
      %dma_start3A_271 = arith.constant 0 : i32
      %dma_start3A_272 = tpu.memref_slice %arg16[%add3A_230, %dma_start3A_271] : memref<10240x128xf32, #tpu.memory_space<vmem_shared>> -> memref<32x128xf32, #tpu.memory_space<vmem_shared>>
      tpu.enqueue_dma source(%dma_start3A_272 : memref<32x128xf32, #tpu.memory_space<vmem_shared>>) target(%arg15 : memref<32x128xf32, #tpu.memory_space<vmem>>) target_semaphore(%run_scoped3A : memref<!tpu.dma_semaphore, #tpu.memory_space<semaphore_mem>>)
      %dma_wait3A_273 = arith.constant 0 : i32
      %dma_wait3A_274 = tpu.memref_slice %arg16[%add3A_230, %dma_wait3A_273] : memref<10240x128xf32, #tpu.memory_space<vmem_shared>> -> memref<32x128xf32, #tpu.memory_space<vmem_shared>>
      %dma_wait3A_275 = arith.constant 0 : i32
      %dma_wait3A_276 = tpu.memref_slice %arg16[%add3A_230, %dma_wait3A_275] : memref<10240x128xf32, #tpu.memory_space<vmem_shared>> -> memref<32x128xf32, #tpu.memory_space<vmem_shared>>
      tpu.wait_dma2 semaphore(%run_scoped3A : memref<!tpu.dma_semaphore, #tpu.memory_space<semaphore_mem>>) src(%dma_wait3A_276 : memref<32x128xf32, #tpu.memory_space<vmem_shared>>) dst(%arg15 : memref<32x128xf32, #tpu.memory_space<vmem>>)
      tpu.yield
    }) : () -> ()
    %mul3A_231 = arith.constant 10240 : i32
    %mul3A_232 = arith.muli %arg0, %mul3A_231 : i32
    %add3A_233 = arith.addi %mul3A_232, %add3A_230 : i32
    "tpu.region"() ({
      %run_scoped3A = tpu.sem_alloc : memref<!tpu.dma_semaphore, #tpu.memory_space<semaphore_mem>>
      %dma_start3A_269 = arith.constant 0 : i32
      %dma_start3A_270 = tpu.memref_slice %arg5[%add3A_233, %dma_start3A_269] : memref<20480x128xf32, #tpu.memory_space<hbm>> -> memref<32x128xf32, #tpu.memory_space<hbm>>
      %dma_start3A_271 = arith.constant 0 : i32
      %dma_start3A_272 = tpu.memref_slice %arg5[%add3A_233, %dma_start3A_271] : memref<20480x128xf32, #tpu.memory_space<hbm>> -> memref<32x128xf32, #tpu.memory_space<hbm>>
      tpu.enqueue_dma source(%arg15 : memref<32x128xf32, #tpu.memory_space<vmem>>) target(%dma_start3A_272 : memref<32x128xf32, #tpu.memory_space<hbm>>) target_semaphore(%run_scoped3A : memref<!tpu.dma_semaphore, #tpu.memory_space<semaphore_mem>>)
      %dma_wait3A_273 = arith.constant 0 : i32
      %dma_wait3A_274 = tpu.memref_slice %arg5[%add3A_233, %dma_wait3A_273] : memref<20480x128xf32, #tpu.memory_space<hbm>> -> memref<32x128xf32, #tpu.memory_space<hbm>>
      %dma_wait3A_275 = arith.constant 0 : i32
      %dma_wait3A_276 = tpu.memref_slice %arg5[%add3A_233, %dma_wait3A_275] : memref<20480x128xf32, #tpu.memory_space<hbm>> -> memref<32x128xf32, #tpu.memory_space<hbm>>
      tpu.wait_dma2 semaphore(%run_scoped3A : memref<!tpu.dma_semaphore, #tpu.memory_space<semaphore_mem>>) src(%arg15 : memref<32x128xf32, #tpu.memory_space<vmem>>) dst(%dma_wait3A_276 : memref<32x128xf32, #tpu.memory_space<hbm>>)
      tpu.yield
    }) : () -> ()
    %mul3A_234 = arith.constant 640 : i32
    %mul3A_235 = arith.muli %arg1, %mul3A_234 : i32
    %add3A_236 = arith.constant 480 : i32
    %add3A_237 = arith.addi %mul3A_235, %add3A_236 : i32
    "tpu.region"() ({
      %run_scoped3A = tpu.sem_alloc : memref<!tpu.dma_semaphore, #tpu.memory_space<semaphore_mem>>
      %dma_start3A_269 = arith.constant 0 : i32
      %dma_start3A_270 = tpu.memref_slice %arg16[%add3A_237, %dma_start3A_269] : memref<10240x128xf32, #tpu.memory_space<vmem_shared>> -> memref<32x128xf32, #tpu.memory_space<vmem_shared>>
      %dma_start3A_271 = arith.constant 0 : i32
      %dma_start3A_272 = tpu.memref_slice %arg16[%add3A_237, %dma_start3A_271] : memref<10240x128xf32, #tpu.memory_space<vmem_shared>> -> memref<32x128xf32, #tpu.memory_space<vmem_shared>>
      tpu.enqueue_dma source(%dma_start3A_272 : memref<32x128xf32, #tpu.memory_space<vmem_shared>>) target(%arg15 : memref<32x128xf32, #tpu.memory_space<vmem>>) target_semaphore(%run_scoped3A : memref<!tpu.dma_semaphore, #tpu.memory_space<semaphore_mem>>)
      %dma_wait3A_273 = arith.constant 0 : i32
      %dma_wait3A_274 = tpu.memref_slice %arg16[%add3A_237, %dma_wait3A_273] : memref<10240x128xf32, #tpu.memory_space<vmem_shared>> -> memref<32x128xf32, #tpu.memory_space<vmem_shared>>
      %dma_wait3A_275 = arith.constant 0 : i32
      %dma_wait3A_276 = tpu.memref_slice %arg16[%add3A_237, %dma_wait3A_275] : memref<10240x128xf32, #tpu.memory_space<vmem_shared>> -> memref<32x128xf32, #tpu.memory_space<vmem_shared>>
      tpu.wait_dma2 semaphore(%run_scoped3A : memref<!tpu.dma_semaphore, #tpu.memory_space<semaphore_mem>>) src(%dma_wait3A_276 : memref<32x128xf32, #tpu.memory_space<vmem_shared>>) dst(%arg15 : memref<32x128xf32, #tpu.memory_space<vmem>>)
      tpu.yield
    }) : () -> ()
    %mul3A_238 = arith.constant 10240 : i32
    %mul3A_239 = arith.muli %arg0, %mul3A_238 : i32
    %add3A_240 = arith.addi %mul3A_239, %add3A_237 : i32
    "tpu.region"() ({
      %run_scoped3A = tpu.sem_alloc : memref<!tpu.dma_semaphore, #tpu.memory_space<semaphore_mem>>
      %dma_start3A_269 = arith.constant 0 : i32
      %dma_start3A_270 = tpu.memref_slice %arg5[%add3A_240, %dma_start3A_269] : memref<20480x128xf32, #tpu.memory_space<hbm>> -> memref<32x128xf32, #tpu.memory_space<hbm>>
      %dma_start3A_271 = arith.constant 0 : i32
      %dma_start3A_272 = tpu.memref_slice %arg5[%add3A_240, %dma_start3A_271] : memref<20480x128xf32, #tpu.memory_space<hbm>> -> memref<32x128xf32, #tpu.memory_space<hbm>>
      tpu.enqueue_dma source(%arg15 : memref<32x128xf32, #tpu.memory_space<vmem>>) target(%dma_start3A_272 : memref<32x128xf32, #tpu.memory_space<hbm>>) target_semaphore(%run_scoped3A : memref<!tpu.dma_semaphore, #tpu.memory_space<semaphore_mem>>)
      %dma_wait3A_273 = arith.constant 0 : i32
      %dma_wait3A_274 = tpu.memref_slice %arg5[%add3A_240, %dma_wait3A_273] : memref<20480x128xf32, #tpu.memory_space<hbm>> -> memref<32x128xf32, #tpu.memory_space<hbm>>
      %dma_wait3A_275 = arith.constant 0 : i32
      %dma_wait3A_276 = tpu.memref_slice %arg5[%add3A_240, %dma_wait3A_275] : memref<20480x128xf32, #tpu.memory_space<hbm>> -> memref<32x128xf32, #tpu.memory_space<hbm>>
      tpu.wait_dma2 semaphore(%run_scoped3A : memref<!tpu.dma_semaphore, #tpu.memory_space<semaphore_mem>>) src(%arg15 : memref<32x128xf32, #tpu.memory_space<vmem>>) dst(%dma_wait3A_276 : memref<32x128xf32, #tpu.memory_space<hbm>>)
      tpu.yield
    }) : () -> ()
    %mul3A_241 = arith.constant 640 : i32
    %mul3A_242 = arith.muli %arg1, %mul3A_241 : i32
    %add3A_243 = arith.constant 512 : i32
    %add3A_244 = arith.addi %mul3A_242, %add3A_243 : i32
    "tpu.region"() ({
      %run_scoped3A = tpu.sem_alloc : memref<!tpu.dma_semaphore, #tpu.memory_space<semaphore_mem>>
      %dma_start3A_269 = arith.constant 0 : i32
      %dma_start3A_270 = tpu.memref_slice %arg16[%add3A_244, %dma_start3A_269] : memref<10240x128xf32, #tpu.memory_space<vmem_shared>> -> memref<32x128xf32, #tpu.memory_space<vmem_shared>>
      %dma_start3A_271 = arith.constant 0 : i32
      %dma_start3A_272 = tpu.memref_slice %arg16[%add3A_244, %dma_start3A_271] : memref<10240x128xf32, #tpu.memory_space<vmem_shared>> -> memref<32x128xf32, #tpu.memory_space<vmem_shared>>
      tpu.enqueue_dma source(%dma_start3A_272 : memref<32x128xf32, #tpu.memory_space<vmem_shared>>) target(%arg15 : memref<32x128xf32, #tpu.memory_space<vmem>>) target_semaphore(%run_scoped3A : memref<!tpu.dma_semaphore, #tpu.memory_space<semaphore_mem>>)
      %dma_wait3A_273 = arith.constant 0 : i32
      %dma_wait3A_274 = tpu.memref_slice %arg16[%add3A_244, %dma_wait3A_273] : memref<10240x128xf32, #tpu.memory_space<vmem_shared>> -> memref<32x128xf32, #tpu.memory_space<vmem_shared>>
      %dma_wait3A_275 = arith.constant 0 : i32
      %dma_wait3A_276 = tpu.memref_slice %arg16[%add3A_244, %dma_wait3A_275] : memref<10240x128xf32, #tpu.memory_space<vmem_shared>> -> memref<32x128xf32, #tpu.memory_space<vmem_shared>>
      tpu.wait_dma2 semaphore(%run_scoped3A : memref<!tpu.dma_semaphore, #tpu.memory_space<semaphore_mem>>) src(%dma_wait3A_276 : memref<32x128xf32, #tpu.memory_space<vmem_shared>>) dst(%arg15 : memref<32x128xf32, #tpu.memory_space<vmem>>)
      tpu.yield
    }) : () -> ()
    %mul3A_245 = arith.constant 10240 : i32
    %mul3A_246 = arith.muli %arg0, %mul3A_245 : i32
    %add3A_247 = arith.addi %mul3A_246, %add3A_244 : i32
    "tpu.region"() ({
      %run_scoped3A = tpu.sem_alloc : memref<!tpu.dma_semaphore, #tpu.memory_space<semaphore_mem>>
      %dma_start3A_269 = arith.constant 0 : i32
      %dma_start3A_270 = tpu.memref_slice %arg5[%add3A_247, %dma_start3A_269] : memref<20480x128xf32, #tpu.memory_space<hbm>> -> memref<32x128xf32, #tpu.memory_space<hbm>>
      %dma_start3A_271 = arith.constant 0 : i32
      %dma_start3A_272 = tpu.memref_slice %arg5[%add3A_247, %dma_start3A_271] : memref<20480x128xf32, #tpu.memory_space<hbm>> -> memref<32x128xf32, #tpu.memory_space<hbm>>
      tpu.enqueue_dma source(%arg15 : memref<32x128xf32, #tpu.memory_space<vmem>>) target(%dma_start3A_272 : memref<32x128xf32, #tpu.memory_space<hbm>>) target_semaphore(%run_scoped3A : memref<!tpu.dma_semaphore, #tpu.memory_space<semaphore_mem>>)
      %dma_wait3A_273 = arith.constant 0 : i32
      %dma_wait3A_274 = tpu.memref_slice %arg5[%add3A_247, %dma_wait3A_273] : memref<20480x128xf32, #tpu.memory_space<hbm>> -> memref<32x128xf32, #tpu.memory_space<hbm>>
      %dma_wait3A_275 = arith.constant 0 : i32
      %dma_wait3A_276 = tpu.memref_slice %arg5[%add3A_247, %dma_wait3A_275] : memref<20480x128xf32, #tpu.memory_space<hbm>> -> memref<32x128xf32, #tpu.memory_space<hbm>>
      tpu.wait_dma2 semaphore(%run_scoped3A : memref<!tpu.dma_semaphore, #tpu.memory_space<semaphore_mem>>) src(%arg15 : memref<32x128xf32, #tpu.memory_space<vmem>>) dst(%dma_wait3A_276 : memref<32x128xf32, #tpu.memory_space<hbm>>)
      tpu.yield
    }) : () -> ()
    %mul3A_248 = arith.constant 640 : i32
    %mul3A_249 = arith.muli %arg1, %mul3A_248 : i32
    %add3A_250 = arith.constant 544 : i32
    %add3A_251 = arith.addi %mul3A_249, %add3A_250 : i32
    "tpu.region"() ({
      %run_scoped3A = tpu.sem_alloc : memref<!tpu.dma_semaphore, #tpu.memory_space<semaphore_mem>>
      %dma_start3A_269 = arith.constant 0 : i32
      %dma_start3A_270 = tpu.memref_slice %arg16[%add3A_251, %dma_start3A_269] : memref<10240x128xf32, #tpu.memory_space<vmem_shared>> -> memref<32x128xf32, #tpu.memory_space<vmem_shared>>
      %dma_start3A_271 = arith.constant 0 : i32
      %dma_start3A_272 = tpu.memref_slice %arg16[%add3A_251, %dma_start3A_271] : memref<10240x128xf32, #tpu.memory_space<vmem_shared>> -> memref<32x128xf32, #tpu.memory_space<vmem_shared>>
      tpu.enqueue_dma source(%dma_start3A_272 : memref<32x128xf32, #tpu.memory_space<vmem_shared>>) target(%arg15 : memref<32x128xf32, #tpu.memory_space<vmem>>) target_semaphore(%run_scoped3A : memref<!tpu.dma_semaphore, #tpu.memory_space<semaphore_mem>>)
      %dma_wait3A_273 = arith.constant 0 : i32
      %dma_wait3A_274 = tpu.memref_slice %arg16[%add3A_251, %dma_wait3A_273] : memref<10240x128xf32, #tpu.memory_space<vmem_shared>> -> memref<32x128xf32, #tpu.memory_space<vmem_shared>>
      %dma_wait3A_275 = arith.constant 0 : i32
      %dma_wait3A_276 = tpu.memref_slice %arg16[%add3A_251, %dma_wait3A_275] : memref<10240x128xf32, #tpu.memory_space<vmem_shared>> -> memref<32x128xf32, #tpu.memory_space<vmem_shared>>
      tpu.wait_dma2 semaphore(%run_scoped3A : memref<!tpu.dma_semaphore, #tpu.memory_space<semaphore_mem>>) src(%dma_wait3A_276 : memref<32x128xf32, #tpu.memory_space<vmem_shared>>) dst(%arg15 : memref<32x128xf32, #tpu.memory_space<vmem>>)
      tpu.yield
    }) : () -> ()
    %mul3A_252 = arith.constant 10240 : i32
    %mul3A_253 = arith.muli %arg0, %mul3A_252 : i32
    %add3A_254 = arith.addi %mul3A_253, %add3A_251 : i32
    "tpu.region"() ({
      %run_scoped3A = tpu.sem_alloc : memref<!tpu.dma_semaphore, #tpu.memory_space<semaphore_mem>>
      %dma_start3A_269 = arith.constant 0 : i32
      %dma_start3A_270 = tpu.memref_slice %arg5[%add3A_254, %dma_start3A_269] : memref<20480x128xf32, #tpu.memory_space<hbm>> -> memref<32x128xf32, #tpu.memory_space<hbm>>
      %dma_start3A_271 = arith.constant 0 : i32
      %dma_start3A_272 = tpu.memref_slice %arg5[%add3A_254, %dma_start3A_271] : memref<20480x128xf32, #tpu.memory_space<hbm>> -> memref<32x128xf32, #tpu.memory_space<hbm>>
      tpu.enqueue_dma source(%arg15 : memref<32x128xf32, #tpu.memory_space<vmem>>) target(%dma_start3A_272 : memref<32x128xf32, #tpu.memory_space<hbm>>) target_semaphore(%run_scoped3A : memref<!tpu.dma_semaphore, #tpu.memory_space<semaphore_mem>>)
      %dma_wait3A_273 = arith.constant 0 : i32
      %dma_wait3A_274 = tpu.memref_slice %arg5[%add3A_254, %dma_wait3A_273] : memref<20480x128xf32, #tpu.memory_space<hbm>> -> memref<32x128xf32, #tpu.memory_space<hbm>>
      %dma_wait3A_275 = arith.constant 0 : i32
      %dma_wait3A_276 = tpu.memref_slice %arg5[%add3A_254, %dma_wait3A_275] : memref<20480x128xf32, #tpu.memory_space<hbm>> -> memref<32x128xf32, #tpu.memory_space<hbm>>
      tpu.wait_dma2 semaphore(%run_scoped3A : memref<!tpu.dma_semaphore, #tpu.memory_space<semaphore_mem>>) src(%arg15 : memref<32x128xf32, #tpu.memory_space<vmem>>) dst(%dma_wait3A_276 : memref<32x128xf32, #tpu.memory_space<hbm>>)
      tpu.yield
    }) : () -> ()
    %mul3A_255 = arith.constant 640 : i32
    %mul3A_256 = arith.muli %arg1, %mul3A_255 : i32
    %add3A_257 = arith.constant 576 : i32
    %add3A_258 = arith.addi %mul3A_256, %add3A_257 : i32
    "tpu.region"() ({
      %run_scoped3A = tpu.sem_alloc : memref<!tpu.dma_semaphore, #tpu.memory_space<semaphore_mem>>
      %dma_start3A_269 = arith.constant 0 : i32
      %dma_start3A_270 = tpu.memref_slice %arg16[%add3A_258, %dma_start3A_269] : memref<10240x128xf32, #tpu.memory_space<vmem_shared>> -> memref<32x128xf32, #tpu.memory_space<vmem_shared>>
      %dma_start3A_271 = arith.constant 0 : i32
      %dma_start3A_272 = tpu.memref_slice %arg16[%add3A_258, %dma_start3A_271] : memref<10240x128xf32, #tpu.memory_space<vmem_shared>> -> memref<32x128xf32, #tpu.memory_space<vmem_shared>>
      tpu.enqueue_dma source(%dma_start3A_272 : memref<32x128xf32, #tpu.memory_space<vmem_shared>>) target(%arg15 : memref<32x128xf32, #tpu.memory_space<vmem>>) target_semaphore(%run_scoped3A : memref<!tpu.dma_semaphore, #tpu.memory_space<semaphore_mem>>)
      %dma_wait3A_273 = arith.constant 0 : i32
      %dma_wait3A_274 = tpu.memref_slice %arg16[%add3A_258, %dma_wait3A_273] : memref<10240x128xf32, #tpu.memory_space<vmem_shared>> -> memref<32x128xf32, #tpu.memory_space<vmem_shared>>
      %dma_wait3A_275 = arith.constant 0 : i32
      %dma_wait3A_276 = tpu.memref_slice %arg16[%add3A_258, %dma_wait3A_275] : memref<10240x128xf32, #tpu.memory_space<vmem_shared>> -> memref<32x128xf32, #tpu.memory_space<vmem_shared>>
      tpu.wait_dma2 semaphore(%run_scoped3A : memref<!tpu.dma_semaphore, #tpu.memory_space<semaphore_mem>>) src(%dma_wait3A_276 : memref<32x128xf32, #tpu.memory_space<vmem_shared>>) dst(%arg15 : memref<32x128xf32, #tpu.memory_space<vmem>>)
      tpu.yield
    }) : () -> ()
    %mul3A_259 = arith.constant 10240 : i32
    %mul3A_260 = arith.muli %arg0, %mul3A_259 : i32
    %add3A_261 = arith.addi %mul3A_260, %add3A_258 : i32
    "tpu.region"() ({
      %run_scoped3A = tpu.sem_alloc : memref<!tpu.dma_semaphore, #tpu.memory_space<semaphore_mem>>
      %dma_start3A_269 = arith.constant 0 : i32
      %dma_start3A_270 = tpu.memref_slice %arg5[%add3A_261, %dma_start3A_269] : memref<20480x128xf32, #tpu.memory_space<hbm>> -> memref<32x128xf32, #tpu.memory_space<hbm>>
      %dma_start3A_271 = arith.constant 0 : i32
      %dma_start3A_272 = tpu.memref_slice %arg5[%add3A_261, %dma_start3A_271] : memref<20480x128xf32, #tpu.memory_space<hbm>> -> memref<32x128xf32, #tpu.memory_space<hbm>>
      tpu.enqueue_dma source(%arg15 : memref<32x128xf32, #tpu.memory_space<vmem>>) target(%dma_start3A_272 : memref<32x128xf32, #tpu.memory_space<hbm>>) target_semaphore(%run_scoped3A : memref<!tpu.dma_semaphore, #tpu.memory_space<semaphore_mem>>)
      %dma_wait3A_273 = arith.constant 0 : i32
      %dma_wait3A_274 = tpu.memref_slice %arg5[%add3A_261, %dma_wait3A_273] : memref<20480x128xf32, #tpu.memory_space<hbm>> -> memref<32x128xf32, #tpu.memory_space<hbm>>
      %dma_wait3A_275 = arith.constant 0 : i32
      %dma_wait3A_276 = tpu.memref_slice %arg5[%add3A_261, %dma_wait3A_275] : memref<20480x128xf32, #tpu.memory_space<hbm>> -> memref<32x128xf32, #tpu.memory_space<hbm>>
      tpu.wait_dma2 semaphore(%run_scoped3A : memref<!tpu.dma_semaphore, #tpu.memory_space<semaphore_mem>>) src(%arg15 : memref<32x128xf32, #tpu.memory_space<vmem>>) dst(%dma_wait3A_276 : memref<32x128xf32, #tpu.memory_space<hbm>>)
      tpu.yield
    }) : () -> ()
    %mul3A_262 = arith.constant 640 : i32
    %mul3A_263 = arith.muli %arg1, %mul3A_262 : i32
    %add3A_264 = arith.constant 608 : i32
    %add3A_265 = arith.addi %mul3A_263, %add3A_264 : i32
    "tpu.region"() ({
      %run_scoped3A = tpu.sem_alloc : memref<!tpu.dma_semaphore, #tpu.memory_space<semaphore_mem>>
      %dma_start3A_269 = arith.constant 0 : i32
      %dma_start3A_270 = tpu.memref_slice %arg16[%add3A_265, %dma_start3A_269] : memref<10240x128xf32, #tpu.memory_space<vmem_shared>> -> memref<32x128xf32, #tpu.memory_space<vmem_shared>>
      %dma_start3A_271 = arith.constant 0 : i32
      %dma_start3A_272 = tpu.memref_slice %arg16[%add3A_265, %dma_start3A_271] : memref<10240x128xf32, #tpu.memory_space<vmem_shared>> -> memref<32x128xf32, #tpu.memory_space<vmem_shared>>
      tpu.enqueue_dma source(%dma_start3A_272 : memref<32x128xf32, #tpu.memory_space<vmem_shared>>) target(%arg15 : memref<32x128xf32, #tpu.memory_space<vmem>>) target_semaphore(%run_scoped3A : memref<!tpu.dma_semaphore, #tpu.memory_space<semaphore_mem>>)
      %dma_wait3A_273 = arith.constant 0 : i32
      %dma_wait3A_274 = tpu.memref_slice %arg16[%add3A_265, %dma_wait3A_273] : memref<10240x128xf32, #tpu.memory_space<vmem_shared>> -> memref<32x128xf32, #tpu.memory_space<vmem_shared>>
      %dma_wait3A_275 = arith.constant 0 : i32
      %dma_wait3A_276 = tpu.memref_slice %arg16[%add3A_265, %dma_wait3A_275] : memref<10240x128xf32, #tpu.memory_space<vmem_shared>> -> memref<32x128xf32, #tpu.memory_space<vmem_shared>>
      tpu.wait_dma2 semaphore(%run_scoped3A : memref<!tpu.dma_semaphore, #tpu.memory_space<semaphore_mem>>) src(%dma_wait3A_276 : memref<32x128xf32, #tpu.memory_space<vmem_shared>>) dst(%arg15 : memref<32x128xf32, #tpu.memory_space<vmem>>)
      tpu.yield
    }) : () -> ()
    %mul3A_266 = arith.constant 10240 : i32
    %mul3A_267 = arith.muli %arg0, %mul3A_266 : i32
    %add3A_268 = arith.addi %mul3A_267, %add3A_265 : i32
    "tpu.region"() ({
      %run_scoped3A = tpu.sem_alloc : memref<!tpu.dma_semaphore, #tpu.memory_space<semaphore_mem>>
      %dma_start3A_269 = arith.constant 0 : i32
      %dma_start3A_270 = tpu.memref_slice %arg5[%add3A_268, %dma_start3A_269] : memref<20480x128xf32, #tpu.memory_space<hbm>> -> memref<32x128xf32, #tpu.memory_space<hbm>>
      %dma_start3A_271 = arith.constant 0 : i32
      %dma_start3A_272 = tpu.memref_slice %arg5[%add3A_268, %dma_start3A_271] : memref<20480x128xf32, #tpu.memory_space<hbm>> -> memref<32x128xf32, #tpu.memory_space<hbm>>
      tpu.enqueue_dma source(%arg15 : memref<32x128xf32, #tpu.memory_space<vmem>>) target(%dma_start3A_272 : memref<32x128xf32, #tpu.memory_space<hbm>>) target_semaphore(%run_scoped3A : memref<!tpu.dma_semaphore, #tpu.memory_space<semaphore_mem>>)
      %dma_wait3A_273 = arith.constant 0 : i32
      %dma_wait3A_274 = tpu.memref_slice %arg5[%add3A_268, %dma_wait3A_273] : memref<20480x128xf32, #tpu.memory_space<hbm>> -> memref<32x128xf32, #tpu.memory_space<hbm>>
      %dma_wait3A_275 = arith.constant 0 : i32
      %dma_wait3A_276 = tpu.memref_slice %arg5[%add3A_268, %dma_wait3A_275] : memref<20480x128xf32, #tpu.memory_space<hbm>> -> memref<32x128xf32, #tpu.memory_space<hbm>>
      tpu.wait_dma2 semaphore(%run_scoped3A : memref<!tpu.dma_semaphore, #tpu.memory_space<semaphore_mem>>) src(%arg15 : memref<32x128xf32, #tpu.memory_space<vmem>>) dst(%dma_wait3A_276 : memref<32x128xf32, #tpu.memory_space<hbm>>)
      tpu.yield
    }) : () -> ()
    return
  }
}

#map = affine_map<(d0, d1) -> (0, 0)>
#map1 = affine_map<(d0, d1) -> (0)>
module attributes {stable_mosaic.version = 14 : i64} {
  func.func @_agg_sc_body(%arg0: i32, %arg1: i32, %arg2: memref<10000x128xf32, #tpu.memory_space<hbm>>, %arg3: memref<320000xi32, #tpu.memory_space<hbm>>, %arg4: memref<320000xi32, #tpu.memory_space<hbm>>, %arg5: memref<20480x128xf32, #tpu.memory_space<hbm>>, %arg6: memref<128xi32, #tpu.memory_space<vmem>>, %arg7: memref<128xi32, #tpu.memory_space<vmem>>, %arg8: memref<128xi32, #tpu.memory_space<vmem>>, %arg9: memref<128xi32, #tpu.memory_space<vmem>>, %arg10: memref<16xi32, #tpu.memory_space<vmem>>, %arg11: memref<16xi32, #tpu.memory_space<vmem>>, %arg12: memref<128x128xf32, #tpu.memory_space<vmem>>, %arg13: memref<128x128xf32, #tpu.memory_space<vmem>>, %arg14: memref<16x128xf32, #tpu.memory_space<vmem>>, %arg15: memref<32x128xf32, #tpu.memory_space<vmem>>, %arg16: memref<10240x128xf32, #tpu.memory_space<vmem_shared>>, %arg17: memref<!tpu.dma_semaphore, #tpu.memory_space<semaphore_mem>>, %arg18: memref<!tpu.dma_semaphore, #tpu.memory_space<semaphore_mem>>, %arg19: memref<!tpu.dma_semaphore, #tpu.memory_space<semaphore_mem>>, %arg20: memref<!tpu.dma_semaphore, #tpu.memory_space<semaphore_mem>>) attributes {dimension_semantics = [#tpu.dimension_semantics<core_parallel>, #tpu.dimension_semantics<subcore_parallel>], iteration_bounds = array<i64: 2, 16>, scalar_prefetch = 0 : i64, scratch_operands = 15 : i64, tpu.core_type = #tpu.core_type<sc_vector_subcore>, window_params = [{transform_indices = #map}, {transform_indices = #map1}, {transform_indices = #map1}, {transform_indices = #map}]} {
    %scan3A = arith.constant 0 : i32
    %scan3A_0 = arith.constant 0 : i32
    %scan3A_1 = arith.constant 256 : i32
    %scan3A_2 = arith.addi %scan3A_0, %scan3A_1 : i32
    %scan3A_3 = arith.constant 1 : i32
    %scan3A_4 = scf.for %scan3A_269 = %scan3A_0 to %scan3A_2 step %scan3A_3 iter_args(%scan3A_270 = %scan3A) -> (i32)  : i32 {
      %jit3A = arith.constant 8 : i32
      %div3A = arith.divsi %scan3A_269, %jit3A : i32
      %sign3A = arith.constant 0 : i32
      %sign3A_271 = arith.cmpi sgt, %scan3A_269, %sign3A : i32
      %sign3A_272 = arith.extui %sign3A_271 : i1 to i32
      %sign3A_273 = arith.constant 0 : i32
      %sign3A_274 = arith.cmpi slt, %scan3A_269, %sign3A_273 : i32
      %sign3A_275 = arith.extui %sign3A_274 : i1 to i32
      %sign3A_276 = arith.subi %sign3A_272, %sign3A_275 : i32
      %sign3A_277 = arith.constant 0 : i32
      %sign3A_278 = arith.cmpi sgt, %jit3A, %sign3A_277 : i32
      %sign3A_279 = arith.extui %sign3A_278 : i1 to i32
      %sign3A_280 = arith.constant 0 : i32
      %sign3A_281 = arith.cmpi slt, %jit3A, %sign3A_280 : i32
      %sign3A_282 = arith.extui %sign3A_281 : i1 to i32
      %sign3A_283 = arith.subi %sign3A_279, %sign3A_282 : i32
      %ne3A = arith.cmpi ne, %sign3A_276, %sign3A_283 : i32
      %rem3A = arith.remsi %scan3A_269, %jit3A : i32
      %ne3A_284 = arith.constant 0 : i32
      %ne3A_285 = arith.cmpi ne, %rem3A, %ne3A_284 : i32
      %and3A = arith.andi %ne3A, %ne3A_285 : i1
      %sub3A = arith.constant 1 : i32
      %sub3A_286 = arith.subi %div3A, %sub3A : i32
      %select_n3A = arith.select %and3A, %sub3A_286, %div3A : i32
      %jit3A_287 = arith.constant 8 : i32
      %eq3A = arith.constant 0 : i32
      %eq3A_288 = arith.cmpi eq, %jit3A_287, %eq3A : i32
      %jit3A_289 = arith.constant 1 : i32
      %select_n3A_290 = arith.select %eq3A_288, %jit3A_289, %jit3A_287 : i32
      %rem3A_291 = arith.remsi %scan3A_269, %select_n3A_290 : i32
      %ne3A_292 = arith.constant 0 : i32
      %ne3A_293 = arith.cmpi ne, %rem3A_291, %ne3A_292 : i32
      %lt3A = arith.constant 0 : i32
      %lt3A_294 = arith.cmpi slt, %rem3A_291, %lt3A : i32
      %lt3A_295 = arith.constant 0 : i32
      %lt3A_296 = arith.cmpi slt, %select_n3A_290, %lt3A_295 : i32
      %ne3A_297 = arith.xori %lt3A_294, %lt3A_296 : i1
      %and3A_298 = arith.andi %ne3A_297, %ne3A_293 : i1
      %add3A_299 = arith.addi %rem3A_291, %select_n3A_290 : i32
      %select_n3A_300 = arith.select %and3A_298, %add3A_299, %rem3A_291 : i32
      %broadcast_in_dim3A = arith.constant 0.000000e+00 : f32
      %broadcast_in_dim3A_301 = vector.broadcast %broadcast_in_dim3A : f32 to vector<16xf32>
      %mul3A_302 = arith.constant 16 : i32
      %mul3A_303 = arith.muli %select_n3A_300, %mul3A_302 : i32
      %swap3A = arith.index_cast %select_n3A : i32 to index
      %swap3A_304 = arith.index_cast %mul3A_303 : i32 to index
      %swap3A_305 = tpu.vector_load %arg15[%swap3A, %swap3A_304] {strides = array<i32>} : memref<32x128xf32, #tpu.memory_space<vmem>>, vector<1x16xf32>,
      %swap3A_306 = vector.shape_cast %swap3A_305 : vector<1x16xf32> to vector<16xf32>
      %swap3A_307 = vector.shape_cast %broadcast_in_dim3A_301 : vector<16xf32> to vector<1x16xf32>
      tpu.vector_store %arg15[%swap3A, %swap3A_304], %swap3A_307 {strides = array<i32>} : memref<32x128xf32, #tpu.memory_space<vmem>>, vector<1x16xf32>,
      %scan3A_308 = arith.constant 0 : i32
      scf.yield %scan3A_308 : i32
    }
    %scan3A_5 = arith.constant 256 : i32
    %mul3A = arith.constant 640 : i32
    %mul3A_6 = arith.muli %arg1, %mul3A : i32
    %add3A = arith.constant 0 : i32
    %add3A_7 = arith.addi %mul3A_6, %add3A : i32
    "tpu.region"() ({
      %run_scoped3A = tpu.sem_alloc : memref<!tpu.dma_semaphore, #tpu.memory_space<semaphore_mem>>
      %dma_start3A_269 = arith.constant 0 : i32
      %dma_start3A_270 = tpu.memref_slice %arg16[%add3A_7, %dma_start3A_269] : memref<10240x128xf32, #tpu.memory_space<vmem_shared>> -> memref<32x128xf32, #tpu.memory_space<vmem_shared>>
      %dma_start3A_271 = arith.constant 0 : i32
      %dma_start3A_272 = tpu.memref_slice %arg16[%add3A_7, %dma_start3A_271] : memref<10240x128xf32, #tpu.memory_space<vmem_shared>> -> memref<32x128xf32, #tpu.memory_space<vmem_shared>>
      tpu.enqueue_dma source(%arg15 : memref<32x128xf32, #tpu.memory_space<vmem>>) target(%dma_start3A_272 : memref<32x128xf32, #tpu.memory_space<vmem_shared>>) target_semaphore(%run_scoped3A : memref<!tpu.dma_semaphore, #tpu.memory_space<semaphore_mem>>)
      %dma_wait3A_273 = arith.constant 0 : i32
      %dma_wait3A_274 = tpu.memref_slice %arg16[%add3A_7, %dma_wait3A_273] : memref<10240x128xf32, #tpu.memory_space<vmem_shared>> -> memref<32x128xf32, #tpu.memory_space<vmem_shared>>
      %dma_wait3A_275 = arith.constant 0 : i32
      %dma_wait3A_276 = tpu.memref_slice %arg16[%add3A_7, %dma_wait3A_275] : memref<10240x128xf32, #tpu.memory_space<vmem_shared>> -> memref<32x128xf32, #tpu.memory_space<vmem_shared>>
      tpu.wait_dma2 semaphore(%run_scoped3A : memref<!tpu.dma_semaphore, #tpu.memory_space<semaphore_mem>>) src(%arg15 : memref<32x128xf32, #tpu.memory_space<vmem>>) dst(%dma_wait3A_276 : memref<32x128xf32, #tpu.memory_space<vmem_shared>>)
      tpu.yield
    }) : () -> ()
    %mul3A_8 = arith.constant 640 : i32
    %mul3A_9 = arith.muli %arg1, %mul3A_8 : i32
    %add3A_10 = arith.constant 32 : i32
    %add3A_11 = arith.addi %mul3A_9, %add3A_10 : i32
    "tpu.region"() ({
      %run_scoped3A = tpu.sem_alloc : memref<!tpu.dma_semaphore, #tpu.memory_space<semaphore_mem>>
      %dma_start3A_269 = arith.constant 0 : i32
      %dma_start3A_270 = tpu.memref_slice %arg16[%add3A_11, %dma_start3A_269] : memref<10240x128xf32, #tpu.memory_space<vmem_shared>> -> memref<32x128xf32, #tpu.memory_space<vmem_shared>>
      %dma_start3A_271 = arith.constant 0 : i32
      %dma_start3A_272 = tpu.memref_slice %arg16[%add3A_11, %dma_start3A_271] : memref<10240x128xf32, #tpu.memory_space<vmem_shared>> -> memref<32x128xf32, #tpu.memory_space<vmem_shared>>
      tpu.enqueue_dma source(%arg15 : memref<32x128xf32, #tpu.memory_space<vmem>>) target(%dma_start3A_272 : memref<32x128xf32, #tpu.memory_space<vmem_shared>>) target_semaphore(%run_scoped3A : memref<!tpu.dma_semaphore, #tpu.memory_space<semaphore_mem>>)
      %dma_wait3A_273 = arith.constant 0 : i32
      %dma_wait3A_274 = tpu.memref_slice %arg16[%add3A_11, %dma_wait3A_273] : memref<10240x128xf32, #tpu.memory_space<vmem_shared>> -> memref<32x128xf32, #tpu.memory_space<vmem_shared>>
      %dma_wait3A_275 = arith.constant 0 : i32
      %dma_wait3A_276 = tpu.memref_slice %arg16[%add3A_11, %dma_wait3A_275] : memref<10240x128xf32, #tpu.memory_space<vmem_shared>> -> memref<32x128xf32, #tpu.memory_space<vmem_shared>>
      tpu.wait_dma2 semaphore(%run_scoped3A : memref<!tpu.dma_semaphore, #tpu.memory_space<semaphore_mem>>) src(%arg15 : memref<32x128xf32, #tpu.memory_space<vmem>>) dst(%dma_wait3A_276 : memref<32x128xf32, #tpu.memory_space<vmem_shared>>)
      tpu.yield
    }) : () -> ()
    %mul3A_12 = arith.constant 640 : i32
    %mul3A_13 = arith.muli %arg1, %mul3A_12 : i32
    %add3A_14 = arith.constant 64 : i32
    %add3A_15 = arith.addi %mul3A_13, %add3A_14 : i32
    "tpu.region"() ({
      %run_scoped3A = tpu.sem_alloc : memref<!tpu.dma_semaphore, #tpu.memory_space<semaphore_mem>>
      %dma_start3A_269 = arith.constant 0 : i32
      %dma_start3A_270 = tpu.memref_slice %arg16[%add3A_15, %dma_start3A_269] : memref<10240x128xf32, #tpu.memory_space<vmem_shared>> -> memref<32x128xf32, #tpu.memory_space<vmem_shared>>
      %dma_start3A_271 = arith.constant 0 : i32
      %dma_start3A_272 = tpu.memref_slice %arg16[%add3A_15, %dma_start3A_271] : memref<10240x128xf32, #tpu.memory_space<vmem_shared>> -> memref<32x128xf32, #tpu.memory_space<vmem_shared>>
      tpu.enqueue_dma source(%arg15 : memref<32x128xf32, #tpu.memory_space<vmem>>) target(%dma_start3A_272 : memref<32x128xf32, #tpu.memory_space<vmem_shared>>) target_semaphore(%run_scoped3A : memref<!tpu.dma_semaphore, #tpu.memory_space<semaphore_mem>>)
      %dma_wait3A_273 = arith.constant 0 : i32
      %dma_wait3A_274 = tpu.memref_slice %arg16[%add3A_15, %dma_wait3A_273] : memref<10240x128xf32, #tpu.memory_space<vmem_shared>> -> memref<32x128xf32, #tpu.memory_space<vmem_shared>>
      %dma_wait3A_275 = arith.constant 0 : i32
      %dma_wait3A_276 = tpu.memref_slice %arg16[%add3A_15, %dma_wait3A_275] : memref<10240x128xf32, #tpu.memory_space<vmem_shared>> -> memref<32x128xf32, #tpu.memory_space<vmem_shared>>
      tpu.wait_dma2 semaphore(%run_scoped3A : memref<!tpu.dma_semaphore, #tpu.memory_space<semaphore_mem>>) src(%arg15 : memref<32x128xf32, #tpu.memory_space<vmem>>) dst(%dma_wait3A_276 : memref<32x128xf32, #tpu.memory_space<vmem_shared>>)
      tpu.yield
    }) : () -> ()
    %mul3A_16 = arith.constant 640 : i32
    %mul3A_17 = arith.muli %arg1, %mul3A_16 : i32
    %add3A_18 = arith.constant 96 : i32
    %add3A_19 = arith.addi %mul3A_17, %add3A_18 : i32
    "tpu.region"() ({
      %run_scoped3A = tpu.sem_alloc : memref<!tpu.dma_semaphore, #tpu.memory_space<semaphore_mem>>
      %dma_start3A_269 = arith.constant 0 : i32
      %dma_start3A_270 = tpu.memref_slice %arg16[%add3A_19, %dma_start3A_269] : memref<10240x128xf32, #tpu.memory_space<vmem_shared>> -> memref<32x128xf32, #tpu.memory_space<vmem_shared>>
      %dma_start3A_271 = arith.constant 0 : i32
      %dma_start3A_272 = tpu.memref_slice %arg16[%add3A_19, %dma_start3A_271] : memref<10240x128xf32, #tpu.memory_space<vmem_shared>> -> memref<32x128xf32, #tpu.memory_space<vmem_shared>>
      tpu.enqueue_dma source(%arg15 : memref<32x128xf32, #tpu.memory_space<vmem>>) target(%dma_start3A_272 : memref<32x128xf32, #tpu.memory_space<vmem_shared>>) target_semaphore(%run_scoped3A : memref<!tpu.dma_semaphore, #tpu.memory_space<semaphore_mem>>)
      %dma_wait3A_273 = arith.constant 0 : i32
      %dma_wait3A_274 = tpu.memref_slice %arg16[%add3A_19, %dma_wait3A_273] : memref<10240x128xf32, #tpu.memory_space<vmem_shared>> -> memref<32x128xf32, #tpu.memory_space<vmem_shared>>
      %dma_wait3A_275 = arith.constant 0 : i32
      %dma_wait3A_276 = tpu.memref_slice %arg16[%add3A_19, %dma_wait3A_275] : memref<10240x128xf32, #tpu.memory_space<vmem_shared>> -> memref<32x128xf32, #tpu.memory_space<vmem_shared>>
      tpu.wait_dma2 semaphore(%run_scoped3A : memref<!tpu.dma_semaphore, #tpu.memory_space<semaphore_mem>>) src(%arg15 : memref<32x128xf32, #tpu.memory_space<vmem>>) dst(%dma_wait3A_276 : memref<32x128xf32, #tpu.memory_space<vmem_shared>>)
      tpu.yield
    }) : () -> ()
    %mul3A_20 = arith.constant 640 : i32
    %mul3A_21 = arith.muli %arg1, %mul3A_20 : i32
    %add3A_22 = arith.constant 128 : i32
    %add3A_23 = arith.addi %mul3A_21, %add3A_22 : i32
    "tpu.region"() ({
      %run_scoped3A = tpu.sem_alloc : memref<!tpu.dma_semaphore, #tpu.memory_space<semaphore_mem>>
      %dma_start3A_269 = arith.constant 0 : i32
      %dma_start3A_270 = tpu.memref_slice %arg16[%add3A_23, %dma_start3A_269] : memref<10240x128xf32, #tpu.memory_space<vmem_shared>> -> memref<32x128xf32, #tpu.memory_space<vmem_shared>>
      %dma_start3A_271 = arith.constant 0 : i32
      %dma_start3A_272 = tpu.memref_slice %arg16[%add3A_23, %dma_start3A_271] : memref<10240x128xf32, #tpu.memory_space<vmem_shared>> -> memref<32x128xf32, #tpu.memory_space<vmem_shared>>
      tpu.enqueue_dma source(%arg15 : memref<32x128xf32, #tpu.memory_space<vmem>>) target(%dma_start3A_272 : memref<32x128xf32, #tpu.memory_space<vmem_shared>>) target_semaphore(%run_scoped3A : memref<!tpu.dma_semaphore, #tpu.memory_space<semaphore_mem>>)
      %dma_wait3A_273 = arith.constant 0 : i32
      %dma_wait3A_274 = tpu.memref_slice %arg16[%add3A_23, %dma_wait3A_273] : memref<10240x128xf32, #tpu.memory_space<vmem_shared>> -> memref<32x128xf32, #tpu.memory_space<vmem_shared>>
      %dma_wait3A_275 = arith.constant 0 : i32
      %dma_wait3A_276 = tpu.memref_slice %arg16[%add3A_23, %dma_wait3A_275] : memref<10240x128xf32, #tpu.memory_space<vmem_shared>> -> memref<32x128xf32, #tpu.memory_space<vmem_shared>>
      tpu.wait_dma2 semaphore(%run_scoped3A : memref<!tpu.dma_semaphore, #tpu.memory_space<semaphore_mem>>) src(%arg15 : memref<32x128xf32, #tpu.memory_space<vmem>>) dst(%dma_wait3A_276 : memref<32x128xf32, #tpu.memory_space<vmem_shared>>)
      tpu.yield
    }) : () -> ()
    %mul3A_24 = arith.constant 640 : i32
    %mul3A_25 = arith.muli %arg1, %mul3A_24 : i32
    %add3A_26 = arith.constant 160 : i32
    %add3A_27 = arith.addi %mul3A_25, %add3A_26 : i32
    "tpu.region"() ({
      %run_scoped3A = tpu.sem_alloc : memref<!tpu.dma_semaphore, #tpu.memory_space<semaphore_mem>>
      %dma_start3A_269 = arith.constant 0 : i32
      %dma_start3A_270 = tpu.memref_slice %arg16[%add3A_27, %dma_start3A_269] : memref<10240x128xf32, #tpu.memory_space<vmem_shared>> -> memref<32x128xf32, #tpu.memory_space<vmem_shared>>
      %dma_start3A_271 = arith.constant 0 : i32
      %dma_start3A_272 = tpu.memref_slice %arg16[%add3A_27, %dma_start3A_271] : memref<10240x128xf32, #tpu.memory_space<vmem_shared>> -> memref<32x128xf32, #tpu.memory_space<vmem_shared>>
      tpu.enqueue_dma source(%arg15 : memref<32x128xf32, #tpu.memory_space<vmem>>) target(%dma_start3A_272 : memref<32x128xf32, #tpu.memory_space<vmem_shared>>) target_semaphore(%run_scoped3A : memref<!tpu.dma_semaphore, #tpu.memory_space<semaphore_mem>>)
      %dma_wait3A_273 = arith.constant 0 : i32
      %dma_wait3A_274 = tpu.memref_slice %arg16[%add3A_27, %dma_wait3A_273] : memref<10240x128xf32, #tpu.memory_space<vmem_shared>> -> memref<32x128xf32, #tpu.memory_space<vmem_shared>>
      %dma_wait3A_275 = arith.constant 0 : i32
      %dma_wait3A_276 = tpu.memref_slice %arg16[%add3A_27, %dma_wait3A_275] : memref<10240x128xf32, #tpu.memory_space<vmem_shared>> -> memref<32x128xf32, #tpu.memory_space<vmem_shared>>
      tpu.wait_dma2 semaphore(%run_scoped3A : memref<!tpu.dma_semaphore, #tpu.memory_space<semaphore_mem>>) src(%arg15 : memref<32x128xf32, #tpu.memory_space<vmem>>) dst(%dma_wait3A_276 : memref<32x128xf32, #tpu.memory_space<vmem_shared>>)
      tpu.yield
    }) : () -> ()
    %mul3A_28 = arith.constant 640 : i32
    %mul3A_29 = arith.muli %arg1, %mul3A_28 : i32
    %add3A_30 = arith.constant 192 : i32
    %add3A_31 = arith.addi %mul3A_29, %add3A_30 : i32
    "tpu.region"() ({
      %run_scoped3A = tpu.sem_alloc : memref<!tpu.dma_semaphore, #tpu.memory_space<semaphore_mem>>
      %dma_start3A_269 = arith.constant 0 : i32
      %dma_start3A_270 = tpu.memref_slice %arg16[%add3A_31, %dma_start3A_269] : memref<10240x128xf32, #tpu.memory_space<vmem_shared>> -> memref<32x128xf32, #tpu.memory_space<vmem_shared>>
      %dma_start3A_271 = arith.constant 0 : i32
      %dma_start3A_272 = tpu.memref_slice %arg16[%add3A_31, %dma_start3A_271] : memref<10240x128xf32, #tpu.memory_space<vmem_shared>> -> memref<32x128xf32, #tpu.memory_space<vmem_shared>>
      tpu.enqueue_dma source(%arg15 : memref<32x128xf32, #tpu.memory_space<vmem>>) target(%dma_start3A_272 : memref<32x128xf32, #tpu.memory_space<vmem_shared>>) target_semaphore(%run_scoped3A : memref<!tpu.dma_semaphore, #tpu.memory_space<semaphore_mem>>)
      %dma_wait3A_273 = arith.constant 0 : i32
      %dma_wait3A_274 = tpu.memref_slice %arg16[%add3A_31, %dma_wait3A_273] : memref<10240x128xf32, #tpu.memory_space<vmem_shared>> -> memref<32x128xf32, #tpu.memory_space<vmem_shared>>
      %dma_wait3A_275 = arith.constant 0 : i32
      %dma_wait3A_276 = tpu.memref_slice %arg16[%add3A_31, %dma_wait3A_275] : memref<10240x128xf32, #tpu.memory_space<vmem_shared>> -> memref<32x128xf32, #tpu.memory_space<vmem_shared>>
      tpu.wait_dma2 semaphore(%run_scoped3A : memref<!tpu.dma_semaphore, #tpu.memory_space<semaphore_mem>>) src(%arg15 : memref<32x128xf32, #tpu.memory_space<vmem>>) dst(%dma_wait3A_276 : memref<32x128xf32, #tpu.memory_space<vmem_shared>>)
      tpu.yield
    }) : () -> ()
    %mul3A_32 = arith.constant 640 : i32
    %mul3A_33 = arith.muli %arg1, %mul3A_32 : i32
    %add3A_34 = arith.constant 224 : i32
    %add3A_35 = arith.addi %mul3A_33, %add3A_34 : i32
    "tpu.region"() ({
      %run_scoped3A = tpu.sem_alloc : memref<!tpu.dma_semaphore, #tpu.memory_space<semaphore_mem>>
      %dma_start3A_269 = arith.constant 0 : i32
      %dma_start3A_270 = tpu.memref_slice %arg16[%add3A_35, %dma_start3A_269] : memref<10240x128xf32, #tpu.memory_space<vmem_shared>> -> memref<32x128xf32, #tpu.memory_space<vmem_shared>>
      %dma_start3A_271 = arith.constant 0 : i32
      %dma_start3A_272 = tpu.memref_slice %arg16[%add3A_35, %dma_start3A_271] : memref<10240x128xf32, #tpu.memory_space<vmem_shared>> -> memref<32x128xf32, #tpu.memory_space<vmem_shared>>
      tpu.enqueue_dma source(%arg15 : memref<32x128xf32, #tpu.memory_space<vmem>>) target(%dma_start3A_272 : memref<32x128xf32, #tpu.memory_space<vmem_shared>>) target_semaphore(%run_scoped3A : memref<!tpu.dma_semaphore, #tpu.memory_space<semaphore_mem>>)
      %dma_wait3A_273 = arith.constant 0 : i32
      %dma_wait3A_274 = tpu.memref_slice %arg16[%add3A_35, %dma_wait3A_273] : memref<10240x128xf32, #tpu.memory_space<vmem_shared>> -> memref<32x128xf32, #tpu.memory_space<vmem_shared>>
      %dma_wait3A_275 = arith.constant 0 : i32
      %dma_wait3A_276 = tpu.memref_slice %arg16[%add3A_35, %dma_wait3A_275] : memref<10240x128xf32, #tpu.memory_space<vmem_shared>> -> memref<32x128xf32, #tpu.memory_space<vmem_shared>>
      tpu.wait_dma2 semaphore(%run_scoped3A : memref<!tpu.dma_semaphore, #tpu.memory_space<semaphore_mem>>) src(%arg15 : memref<32x128xf32, #tpu.memory_space<vmem>>) dst(%dma_wait3A_276 : memref<32x128xf32, #tpu.memory_space<vmem_shared>>)
      tpu.yield
    }) : () -> ()
    %mul3A_36 = arith.constant 640 : i32
    %mul3A_37 = arith.muli %arg1, %mul3A_36 : i32
    %add3A_38 = arith.constant 256 : i32
    %add3A_39 = arith.addi %mul3A_37, %add3A_38 : i32
    "tpu.region"() ({
      %run_scoped3A = tpu.sem_alloc : memref<!tpu.dma_semaphore, #tpu.memory_space<semaphore_mem>>
      %dma_start3A_269 = arith.constant 0 : i32
      %dma_start3A_270 = tpu.memref_slice %arg16[%add3A_39, %dma_start3A_269] : memref<10240x128xf32, #tpu.memory_space<vmem_shared>> -> memref<32x128xf32, #tpu.memory_space<vmem_shared>>
      %dma_start3A_271 = arith.constant 0 : i32
      %dma_start3A_272 = tpu.memref_slice %arg16[%add3A_39, %dma_start3A_271] : memref<10240x128xf32, #tpu.memory_space<vmem_shared>> -> memref<32x128xf32, #tpu.memory_space<vmem_shared>>
      tpu.enqueue_dma source(%arg15 : memref<32x128xf32, #tpu.memory_space<vmem>>) target(%dma_start3A_272 : memref<32x128xf32, #tpu.memory_space<vmem_shared>>) target_semaphore(%run_scoped3A : memref<!tpu.dma_semaphore, #tpu.memory_space<semaphore_mem>>)
      %dma_wait3A_273 = arith.constant 0 : i32
      %dma_wait3A_274 = tpu.memref_slice %arg16[%add3A_39, %dma_wait3A_273] : memref<10240x128xf32, #tpu.memory_space<vmem_shared>> -> memref<32x128xf32, #tpu.memory_space<vmem_shared>>
      %dma_wait3A_275 = arith.constant 0 : i32
      %dma_wait3A_276 = tpu.memref_slice %arg16[%add3A_39, %dma_wait3A_275] : memref<10240x128xf32, #tpu.memory_space<vmem_shared>> -> memref<32x128xf32, #tpu.memory_space<vmem_shared>>
      tpu.wait_dma2 semaphore(%run_scoped3A : memref<!tpu.dma_semaphore, #tpu.memory_space<semaphore_mem>>) src(%arg15 : memref<32x128xf32, #tpu.memory_space<vmem>>) dst(%dma_wait3A_276 : memref<32x128xf32, #tpu.memory_space<vmem_shared>>)
      tpu.yield
    }) : () -> ()
    %mul3A_40 = arith.constant 640 : i32
    %mul3A_41 = arith.muli %arg1, %mul3A_40 : i32
    %add3A_42 = arith.constant 288 : i32
    %add3A_43 = arith.addi %mul3A_41, %add3A_42 : i32
    "tpu.region"() ({
      %run_scoped3A = tpu.sem_alloc : memref<!tpu.dma_semaphore, #tpu.memory_space<semaphore_mem>>
      %dma_start3A_269 = arith.constant 0 : i32
      %dma_start3A_270 = tpu.memref_slice %arg16[%add3A_43, %dma_start3A_269] : memref<10240x128xf32, #tpu.memory_space<vmem_shared>> -> memref<32x128xf32, #tpu.memory_space<vmem_shared>>
      %dma_start3A_271 = arith.constant 0 : i32
      %dma_start3A_272 = tpu.memref_slice %arg16[%add3A_43, %dma_start3A_271] : memref<10240x128xf32, #tpu.memory_space<vmem_shared>> -> memref<32x128xf32, #tpu.memory_space<vmem_shared>>
      tpu.enqueue_dma source(%arg15 : memref<32x128xf32, #tpu.memory_space<vmem>>) target(%dma_start3A_272 : memref<32x128xf32, #tpu.memory_space<vmem_shared>>) target_semaphore(%run_scoped3A : memref<!tpu.dma_semaphore, #tpu.memory_space<semaphore_mem>>)
      %dma_wait3A_273 = arith.constant 0 : i32
      %dma_wait3A_274 = tpu.memref_slice %arg16[%add3A_43, %dma_wait3A_273] : memref<10240x128xf32, #tpu.memory_space<vmem_shared>> -> memref<32x128xf32, #tpu.memory_space<vmem_shared>>
      %dma_wait3A_275 = arith.constant 0 : i32
      %dma_wait3A_276 = tpu.memref_slice %arg16[%add3A_43, %dma_wait3A_275] : memref<10240x128xf32, #tpu.memory_space<vmem_shared>> -> memref<32x128xf32, #tpu.memory_space<vmem_shared>>
      tpu.wait_dma2 semaphore(%run_scoped3A : memref<!tpu.dma_semaphore, #tpu.memory_space<semaphore_mem>>) src(%arg15 : memref<32x128xf32, #tpu.memory_space<vmem>>) dst(%dma_wait3A_276 : memref<32x128xf32, #tpu.memory_space<vmem_shared>>)
      tpu.yield
    }) : () -> ()
    %mul3A_44 = arith.constant 640 : i32
    %mul3A_45 = arith.muli %arg1, %mul3A_44 : i32
    %add3A_46 = arith.constant 320 : i32
    %add3A_47 = arith.addi %mul3A_45, %add3A_46 : i32
    "tpu.region"() ({
      %run_scoped3A = tpu.sem_alloc : memref<!tpu.dma_semaphore, #tpu.memory_space<semaphore_mem>>
      %dma_start3A_269 = arith.constant 0 : i32
      %dma_start3A_270 = tpu.memref_slice %arg16[%add3A_47, %dma_start3A_269] : memref<10240x128xf32, #tpu.memory_space<vmem_shared>> -> memref<32x128xf32, #tpu.memory_space<vmem_shared>>
      %dma_start3A_271 = arith.constant 0 : i32
      %dma_start3A_272 = tpu.memref_slice %arg16[%add3A_47, %dma_start3A_271] : memref<10240x128xf32, #tpu.memory_space<vmem_shared>> -> memref<32x128xf32, #tpu.memory_space<vmem_shared>>
      tpu.enqueue_dma source(%arg15 : memref<32x128xf32, #tpu.memory_space<vmem>>) target(%dma_start3A_272 : memref<32x128xf32, #tpu.memory_space<vmem_shared>>) target_semaphore(%run_scoped3A : memref<!tpu.dma_semaphore, #tpu.memory_space<semaphore_mem>>)
      %dma_wait3A_273 = arith.constant 0 : i32
      %dma_wait3A_274 = tpu.memref_slice %arg16[%add3A_47, %dma_wait3A_273] : memref<10240x128xf32, #tpu.memory_space<vmem_shared>> -> memref<32x128xf32, #tpu.memory_space<vmem_shared>>
      %dma_wait3A_275 = arith.constant 0 : i32
      %dma_wait3A_276 = tpu.memref_slice %arg16[%add3A_47, %dma_wait3A_275] : memref<10240x128xf32, #tpu.memory_space<vmem_shared>> -> memref<32x128xf32, #tpu.memory_space<vmem_shared>>
      tpu.wait_dma2 semaphore(%run_scoped3A : memref<!tpu.dma_semaphore, #tpu.memory_space<semaphore_mem>>) src(%arg15 : memref<32x128xf32, #tpu.memory_space<vmem>>) dst(%dma_wait3A_276 : memref<32x128xf32, #tpu.memory_space<vmem_shared>>)
      tpu.yield
    }) : () -> ()
    %mul3A_48 = arith.constant 640 : i32
    %mul3A_49 = arith.muli %arg1, %mul3A_48 : i32
    %add3A_50 = arith.constant 352 : i32
    %add3A_51 = arith.addi %mul3A_49, %add3A_50 : i32
    "tpu.region"() ({
      %run_scoped3A = tpu.sem_alloc : memref<!tpu.dma_semaphore, #tpu.memory_space<semaphore_mem>>
      %dma_start3A_269 = arith.constant 0 : i32
      %dma_start3A_270 = tpu.memref_slice %arg16[%add3A_51, %dma_start3A_269] : memref<10240x128xf32, #tpu.memory_space<vmem_shared>> -> memref<32x128xf32, #tpu.memory_space<vmem_shared>>
      %dma_start3A_271 = arith.constant 0 : i32
      %dma_start3A_272 = tpu.memref_slice %arg16[%add3A_51, %dma_start3A_271] : memref<10240x128xf32, #tpu.memory_space<vmem_shared>> -> memref<32x128xf32, #tpu.memory_space<vmem_shared>>
      tpu.enqueue_dma source(%arg15 : memref<32x128xf32, #tpu.memory_space<vmem>>) target(%dma_start3A_272 : memref<32x128xf32, #tpu.memory_space<vmem_shared>>) target_semaphore(%run_scoped3A : memref<!tpu.dma_semaphore, #tpu.memory_space<semaphore_mem>>)
      %dma_wait3A_273 = arith.constant 0 : i32
      %dma_wait3A_274 = tpu.memref_slice %arg16[%add3A_51, %dma_wait3A_273] : memref<10240x128xf32, #tpu.memory_space<vmem_shared>> -> memref<32x128xf32, #tpu.memory_space<vmem_shared>>
      %dma_wait3A_275 = arith.constant 0 : i32
      %dma_wait3A_276 = tpu.memref_slice %arg16[%add3A_51, %dma_wait3A_275] : memref<10240x128xf32, #tpu.memory_space<vmem_shared>> -> memref<32x128xf32, #tpu.memory_space<vmem_shared>>
      tpu.wait_dma2 semaphore(%run_scoped3A : memref<!tpu.dma_semaphore, #tpu.memory_space<semaphore_mem>>) src(%arg15 : memref<32x128xf32, #tpu.memory_space<vmem>>) dst(%dma_wait3A_276 : memref<32x128xf32, #tpu.memory_space<vmem_shared>>)
      tpu.yield
    }) : () -> ()
    %mul3A_52 = arith.constant 640 : i32
    %mul3A_53 = arith.muli %arg1, %mul3A_52 : i32
    %add3A_54 = arith.constant 384 : i32
    %add3A_55 = arith.addi %mul3A_53, %add3A_54 : i32
    "tpu.region"() ({
      %run_scoped3A = tpu.sem_alloc : memref<!tpu.dma_semaphore, #tpu.memory_space<semaphore_mem>>
      %dma_start3A_269 = arith.constant 0 : i32
      %dma_start3A_270 = tpu.memref_slice %arg16[%add3A_55, %dma_start3A_269] : memref<10240x128xf32, #tpu.memory_space<vmem_shared>> -> memref<32x128xf32, #tpu.memory_space<vmem_shared>>
      %dma_start3A_271 = arith.constant 0 : i32
      %dma_start3A_272 = tpu.memref_slice %arg16[%add3A_55, %dma_start3A_271] : memref<10240x128xf32, #tpu.memory_space<vmem_shared>> -> memref<32x128xf32, #tpu.memory_space<vmem_shared>>
      tpu.enqueue_dma source(%arg15 : memref<32x128xf32, #tpu.memory_space<vmem>>) target(%dma_start3A_272 : memref<32x128xf32, #tpu.memory_space<vmem_shared>>) target_semaphore(%run_scoped3A : memref<!tpu.dma_semaphore, #tpu.memory_space<semaphore_mem>>)
      %dma_wait3A_273 = arith.constant 0 : i32
      %dma_wait3A_274 = tpu.memref_slice %arg16[%add3A_55, %dma_wait3A_273] : memref<10240x128xf32, #tpu.memory_space<vmem_shared>> -> memref<32x128xf32, #tpu.memory_space<vmem_shared>>
      %dma_wait3A_275 = arith.constant 0 : i32
      %dma_wait3A_276 = tpu.memref_slice %arg16[%add3A_55, %dma_wait3A_275] : memref<10240x128xf32, #tpu.memory_space<vmem_shared>> -> memref<32x128xf32, #tpu.memory_space<vmem_shared>>
      tpu.wait_dma2 semaphore(%run_scoped3A : memref<!tpu.dma_semaphore, #tpu.memory_space<semaphore_mem>>) src(%arg15 : memref<32x128xf32, #tpu.memory_space<vmem>>) dst(%dma_wait3A_276 : memref<32x128xf32, #tpu.memory_space<vmem_shared>>)
      tpu.yield
    }) : () -> ()
    %mul3A_56 = arith.constant 640 : i32
    %mul3A_57 = arith.muli %arg1, %mul3A_56 : i32
    %add3A_58 = arith.constant 416 : i32
    %add3A_59 = arith.addi %mul3A_57, %add3A_58 : i32
    "tpu.region"() ({
      %run_scoped3A = tpu.sem_alloc : memref<!tpu.dma_semaphore, #tpu.memory_space<semaphore_mem>>
      %dma_start3A_269 = arith.constant 0 : i32
      %dma_start3A_270 = tpu.memref_slice %arg16[%add3A_59, %dma_start3A_269] : memref<10240x128xf32, #tpu.memory_space<vmem_shared>> -> memref<32x128xf32, #tpu.memory_space<vmem_shared>>
      %dma_start3A_271 = arith.constant 0 : i32
      %dma_start3A_272 = tpu.memref_slice %arg16[%add3A_59, %dma_start3A_271] : memref<10240x128xf32, #tpu.memory_space<vmem_shared>> -> memref<32x128xf32, #tpu.memory_space<vmem_shared>>
      tpu.enqueue_dma source(%arg15 : memref<32x128xf32, #tpu.memory_space<vmem>>) target(%dma_start3A_272 : memref<32x128xf32, #tpu.memory_space<vmem_shared>>) target_semaphore(%run_scoped3A : memref<!tpu.dma_semaphore, #tpu.memory_space<semaphore_mem>>)
      %dma_wait3A_273 = arith.constant 0 : i32
      %dma_wait3A_274 = tpu.memref_slice %arg16[%add3A_59, %dma_wait3A_273] : memref<10240x128xf32, #tpu.memory_space<vmem_shared>> -> memref<32x128xf32, #tpu.memory_space<vmem_shared>>
      %dma_wait3A_275 = arith.constant 0 : i32
      %dma_wait3A_276 = tpu.memref_slice %arg16[%add3A_59, %dma_wait3A_275] : memref<10240x128xf32, #tpu.memory_space<vmem_shared>> -> memref<32x128xf32, #tpu.memory_space<vmem_shared>>
      tpu.wait_dma2 semaphore(%run_scoped3A : memref<!tpu.dma_semaphore, #tpu.memory_space<semaphore_mem>>) src(%arg15 : memref<32x128xf32, #tpu.memory_space<vmem>>) dst(%dma_wait3A_276 : memref<32x128xf32, #tpu.memory_space<vmem_shared>>)
      tpu.yield
    }) : () -> ()
    %mul3A_60 = arith.constant 640 : i32
    %mul3A_61 = arith.muli %arg1, %mul3A_60 : i32
    %add3A_62 = arith.constant 448 : i32
    %add3A_63 = arith.addi %mul3A_61, %add3A_62 : i32
    "tpu.region"() ({
      %run_scoped3A = tpu.sem_alloc : memref<!tpu.dma_semaphore, #tpu.memory_space<semaphore_mem>>
      %dma_start3A_269 = arith.constant 0 : i32
      %dma_start3A_270 = tpu.memref_slice %arg16[%add3A_63, %dma_start3A_269] : memref<10240x128xf32, #tpu.memory_space<vmem_shared>> -> memref<32x128xf32, #tpu.memory_space<vmem_shared>>
      %dma_start3A_271 = arith.constant 0 : i32
      %dma_start3A_272 = tpu.memref_slice %arg16[%add3A_63, %dma_start3A_271] : memref<10240x128xf32, #tpu.memory_space<vmem_shared>> -> memref<32x128xf32, #tpu.memory_space<vmem_shared>>
      tpu.enqueue_dma source(%arg15 : memref<32x128xf32, #tpu.memory_space<vmem>>) target(%dma_start3A_272 : memref<32x128xf32, #tpu.memory_space<vmem_shared>>) target_semaphore(%run_scoped3A : memref<!tpu.dma_semaphore, #tpu.memory_space<semaphore_mem>>)
      %dma_wait3A_273 = arith.constant 0 : i32
      %dma_wait3A_274 = tpu.memref_slice %arg16[%add3A_63, %dma_wait3A_273] : memref<10240x128xf32, #tpu.memory_space<vmem_shared>> -> memref<32x128xf32, #tpu.memory_space<vmem_shared>>
      %dma_wait3A_275 = arith.constant 0 : i32
      %dma_wait3A_276 = tpu.memref_slice %arg16[%add3A_63, %dma_wait3A_275] : memref<10240x128xf32, #tpu.memory_space<vmem_shared>> -> memref<32x128xf32, #tpu.memory_space<vmem_shared>>
      tpu.wait_dma2 semaphore(%run_scoped3A : memref<!tpu.dma_semaphore, #tpu.memory_space<semaphore_mem>>) src(%arg15 : memref<32x128xf32, #tpu.memory_space<vmem>>) dst(%dma_wait3A_276 : memref<32x128xf32, #tpu.memory_space<vmem_shared>>)
      tpu.yield
    }) : () -> ()
    %mul3A_64 = arith.constant 640 : i32
    %mul3A_65 = arith.muli %arg1, %mul3A_64 : i32
    %add3A_66 = arith.constant 480 : i32
    %add3A_67 = arith.addi %mul3A_65, %add3A_66 : i32
    "tpu.region"() ({
      %run_scoped3A = tpu.sem_alloc : memref<!tpu.dma_semaphore, #tpu.memory_space<semaphore_mem>>
      %dma_start3A_269 = arith.constant 0 : i32
      %dma_start3A_270 = tpu.memref_slice %arg16[%add3A_67, %dma_start3A_269] : memref<10240x128xf32, #tpu.memory_space<vmem_shared>> -> memref<32x128xf32, #tpu.memory_space<vmem_shared>>
      %dma_start3A_271 = arith.constant 0 : i32
      %dma_start3A_272 = tpu.memref_slice %arg16[%add3A_67, %dma_start3A_271] : memref<10240x128xf32, #tpu.memory_space<vmem_shared>> -> memref<32x128xf32, #tpu.memory_space<vmem_shared>>
      tpu.enqueue_dma source(%arg15 : memref<32x128xf32, #tpu.memory_space<vmem>>) target(%dma_start3A_272 : memref<32x128xf32, #tpu.memory_space<vmem_shared>>) target_semaphore(%run_scoped3A : memref<!tpu.dma_semaphore, #tpu.memory_space<semaphore_mem>>)
      %dma_wait3A_273 = arith.constant 0 : i32
      %dma_wait3A_274 = tpu.memref_slice %arg16[%add3A_67, %dma_wait3A_273] : memref<10240x128xf32, #tpu.memory_space<vmem_shared>> -> memref<32x128xf32, #tpu.memory_space<vmem_shared>>
      %dma_wait3A_275 = arith.constant 0 : i32
      %dma_wait3A_276 = tpu.memref_slice %arg16[%add3A_67, %dma_wait3A_275] : memref<10240x128xf32, #tpu.memory_space<vmem_shared>> -> memref<32x128xf32, #tpu.memory_space<vmem_shared>>
      tpu.wait_dma2 semaphore(%run_scoped3A : memref<!tpu.dma_semaphore, #tpu.memory_space<semaphore_mem>>) src(%arg15 : memref<32x128xf32, #tpu.memory_space<vmem>>) dst(%dma_wait3A_276 : memref<32x128xf32, #tpu.memory_space<vmem_shared>>)
      tpu.yield
    }) : () -> ()
    %mul3A_68 = arith.constant 640 : i32
    %mul3A_69 = arith.muli %arg1, %mul3A_68 : i32
    %add3A_70 = arith.constant 512 : i32
    %add3A_71 = arith.addi %mul3A_69, %add3A_70 : i32
    "tpu.region"() ({
      %run_scoped3A = tpu.sem_alloc : memref<!tpu.dma_semaphore, #tpu.memory_space<semaphore_mem>>
      %dma_start3A_269 = arith.constant 0 : i32
      %dma_start3A_270 = tpu.memref_slice %arg16[%add3A_71, %dma_start3A_269] : memref<10240x128xf32, #tpu.memory_space<vmem_shared>> -> memref<32x128xf32, #tpu.memory_space<vmem_shared>>
      %dma_start3A_271 = arith.constant 0 : i32
      %dma_start3A_272 = tpu.memref_slice %arg16[%add3A_71, %dma_start3A_271] : memref<10240x128xf32, #tpu.memory_space<vmem_shared>> -> memref<32x128xf32, #tpu.memory_space<vmem_shared>>
      tpu.enqueue_dma source(%arg15 : memref<32x128xf32, #tpu.memory_space<vmem>>) target(%dma_start3A_272 : memref<32x128xf32, #tpu.memory_space<vmem_shared>>) target_semaphore(%run_scoped3A : memref<!tpu.dma_semaphore, #tpu.memory_space<semaphore_mem>>)
      %dma_wait3A_273 = arith.constant 0 : i32
      %dma_wait3A_274 = tpu.memref_slice %arg16[%add3A_71, %dma_wait3A_273] : memref<10240x128xf32, #tpu.memory_space<vmem_shared>> -> memref<32x128xf32, #tpu.memory_space<vmem_shared>>
      %dma_wait3A_275 = arith.constant 0 : i32
      %dma_wait3A_276 = tpu.memref_slice %arg16[%add3A_71, %dma_wait3A_275] : memref<10240x128xf32, #tpu.memory_space<vmem_shared>> -> memref<32x128xf32, #tpu.memory_space<vmem_shared>>
      tpu.wait_dma2 semaphore(%run_scoped3A : memref<!tpu.dma_semaphore, #tpu.memory_space<semaphore_mem>>) src(%arg15 : memref<32x128xf32, #tpu.memory_space<vmem>>) dst(%dma_wait3A_276 : memref<32x128xf32, #tpu.memory_space<vmem_shared>>)
      tpu.yield
    }) : () -> ()
    %mul3A_72 = arith.constant 640 : i32
    %mul3A_73 = arith.muli %arg1, %mul3A_72 : i32
    %add3A_74 = arith.constant 544 : i32
    %add3A_75 = arith.addi %mul3A_73, %add3A_74 : i32
    "tpu.region"() ({
      %run_scoped3A = tpu.sem_alloc : memref<!tpu.dma_semaphore, #tpu.memory_space<semaphore_mem>>
      %dma_start3A_269 = arith.constant 0 : i32
      %dma_start3A_270 = tpu.memref_slice %arg16[%add3A_75, %dma_start3A_269] : memref<10240x128xf32, #tpu.memory_space<vmem_shared>> -> memref<32x128xf32, #tpu.memory_space<vmem_shared>>
      %dma_start3A_271 = arith.constant 0 : i32
      %dma_start3A_272 = tpu.memref_slice %arg16[%add3A_75, %dma_start3A_271] : memref<10240x128xf32, #tpu.memory_space<vmem_shared>> -> memref<32x128xf32, #tpu.memory_space<vmem_shared>>
      tpu.enqueue_dma source(%arg15 : memref<32x128xf32, #tpu.memory_space<vmem>>) target(%dma_start3A_272 : memref<32x128xf32, #tpu.memory_space<vmem_shared>>) target_semaphore(%run_scoped3A : memref<!tpu.dma_semaphore, #tpu.memory_space<semaphore_mem>>)
      %dma_wait3A_273 = arith.constant 0 : i32
      %dma_wait3A_274 = tpu.memref_slice %arg16[%add3A_75, %dma_wait3A_273] : memref<10240x128xf32, #tpu.memory_space<vmem_shared>> -> memref<32x128xf32, #tpu.memory_space<vmem_shared>>
      %dma_wait3A_275 = arith.constant 0 : i32
      %dma_wait3A_276 = tpu.memref_slice %arg16[%add3A_75, %dma_wait3A_275] : memref<10240x128xf32, #tpu.memory_space<vmem_shared>> -> memref<32x128xf32, #tpu.memory_space<vmem_shared>>
      tpu.wait_dma2 semaphore(%run_scoped3A : memref<!tpu.dma_semaphore, #tpu.memory_space<semaphore_mem>>) src(%arg15 : memref<32x128xf32, #tpu.memory_space<vmem>>) dst(%dma_wait3A_276 : memref<32x128xf32, #tpu.memory_space<vmem_shared>>)
      tpu.yield
    }) : () -> ()
    %mul3A_76 = arith.constant 640 : i32
    %mul3A_77 = arith.muli %arg1, %mul3A_76 : i32
    %add3A_78 = arith.constant 576 : i32
    %add3A_79 = arith.addi %mul3A_77, %add3A_78 : i32
    "tpu.region"() ({
      %run_scoped3A = tpu.sem_alloc : memref<!tpu.dma_semaphore, #tpu.memory_space<semaphore_mem>>
      %dma_start3A_269 = arith.constant 0 : i32
      %dma_start3A_270 = tpu.memref_slice %arg16[%add3A_79, %dma_start3A_269] : memref<10240x128xf32, #tpu.memory_space<vmem_shared>> -> memref<32x128xf32, #tpu.memory_space<vmem_shared>>
      %dma_start3A_271 = arith.constant 0 : i32
      %dma_start3A_272 = tpu.memref_slice %arg16[%add3A_79, %dma_start3A_271] : memref<10240x128xf32, #tpu.memory_space<vmem_shared>> -> memref<32x128xf32, #tpu.memory_space<vmem_shared>>
      tpu.enqueue_dma source(%arg15 : memref<32x128xf32, #tpu.memory_space<vmem>>) target(%dma_start3A_272 : memref<32x128xf32, #tpu.memory_space<vmem_shared>>) target_semaphore(%run_scoped3A : memref<!tpu.dma_semaphore, #tpu.memory_space<semaphore_mem>>)
      %dma_wait3A_273 = arith.constant 0 : i32
      %dma_wait3A_274 = tpu.memref_slice %arg16[%add3A_79, %dma_wait3A_273] : memref<10240x128xf32, #tpu.memory_space<vmem_shared>> -> memref<32x128xf32, #tpu.memory_space<vmem_shared>>
      %dma_wait3A_275 = arith.constant 0 : i32
      %dma_wait3A_276 = tpu.memref_slice %arg16[%add3A_79, %dma_wait3A_275] : memref<10240x128xf32, #tpu.memory_space<vmem_shared>> -> memref<32x128xf32, #tpu.memory_space<vmem_shared>>
      tpu.wait_dma2 semaphore(%run_scoped3A : memref<!tpu.dma_semaphore, #tpu.memory_space<semaphore_mem>>) src(%arg15 : memref<32x128xf32, #tpu.memory_space<vmem>>) dst(%dma_wait3A_276 : memref<32x128xf32, #tpu.memory_space<vmem_shared>>)
      tpu.yield
    }) : () -> ()
    %mul3A_80 = arith.constant 640 : i32
    %mul3A_81 = arith.muli %arg1, %mul3A_80 : i32
    %add3A_82 = arith.constant 608 : i32
    %add3A_83 = arith.addi %mul3A_81, %add3A_82 : i32
    "tpu.region"() ({
      %run_scoped3A = tpu.sem_alloc : memref<!tpu.dma_semaphore, #tpu.memory_space<semaphore_mem>>
      %dma_start3A_269 = arith.constant 0 : i32
      %dma_start3A_270 = tpu.memref_slice %arg16[%add3A_83, %dma_start3A_269] : memref<10240x128xf32, #tpu.memory_space<vmem_shared>> -> memref<32x128xf32, #tpu.memory_space<vmem_shared>>
      %dma_start3A_271 = arith.constant 0 : i32
      %dma_start3A_272 = tpu.memref_slice %arg16[%add3A_83, %dma_start3A_271] : memref<10240x128xf32, #tpu.memory_space<vmem_shared>> -> memref<32x128xf32, #tpu.memory_space<vmem_shared>>
      tpu.enqueue_dma source(%arg15 : memref<32x128xf32, #tpu.memory_space<vmem>>) target(%dma_start3A_272 : memref<32x128xf32, #tpu.memory_space<vmem_shared>>) target_semaphore(%run_scoped3A : memref<!tpu.dma_semaphore, #tpu.memory_space<semaphore_mem>>)
      %dma_wait3A_273 = arith.constant 0 : i32
      %dma_wait3A_274 = tpu.memref_slice %arg16[%add3A_83, %dma_wait3A_273] : memref<10240x128xf32, #tpu.memory_space<vmem_shared>> -> memref<32x128xf32, #tpu.memory_space<vmem_shared>>
      %dma_wait3A_275 = arith.constant 0 : i32
      %dma_wait3A_276 = tpu.memref_slice %arg16[%add3A_83, %dma_wait3A_275] : memref<10240x128xf32, #tpu.memory_space<vmem_shared>> -> memref<32x128xf32, #tpu.memory_space<vmem_shared>>
      tpu.wait_dma2 semaphore(%run_scoped3A : memref<!tpu.dma_semaphore, #tpu.memory_space<semaphore_mem>>) src(%arg15 : memref<32x128xf32, #tpu.memory_space<vmem>>) dst(%dma_wait3A_276 : memref<32x128xf32, #tpu.memory_space<vmem_shared>>)
      tpu.yield
    }) : () -> ()
    %barrier3A = arith.constant 0 : index
    tpu.barrier barrier_id(%barrier3A)
    %mul3A_84 = arith.constant 160000 : i32
    %mul3A_85 = arith.muli %arg0, %mul3A_84 : i32
    %mul3A_86 = arith.constant 10000 : i32
    %mul3A_87 = arith.muli %arg1, %mul3A_86 : i32
    %add3A_88 = arith.addi %mul3A_85, %mul3A_87 : i32
    "tpu.region"() ({
      %run_scoped3A = tpu.sem_alloc : memref<!tpu.dma_semaphore, #tpu.memory_space<semaphore_mem>>
      %dma_start3A_269 = tpu.memref_slice %arg3[%add3A_88] : memref<320000xi32, #tpu.memory_space<hbm>> -> memref<128xi32, #tpu.memory_space<hbm>>
      %dma_start3A_270 = tpu.memref_slice %arg3[%add3A_88] : memref<320000xi32, #tpu.memory_space<hbm>> -> memref<128xi32, #tpu.memory_space<hbm>>
      tpu.enqueue_dma source(%dma_start3A_270 : memref<128xi32, #tpu.memory_space<hbm>>) target(%arg6 : memref<128xi32, #tpu.memory_space<vmem>>) target_semaphore(%run_scoped3A : memref<!tpu.dma_semaphore, #tpu.memory_space<semaphore_mem>>)
      %dma_wait3A_271 = tpu.memref_slice %arg3[%add3A_88] : memref<320000xi32, #tpu.memory_space<hbm>> -> memref<128xi32, #tpu.memory_space<hbm>>
      %dma_wait3A_272 = tpu.memref_slice %arg3[%add3A_88] : memref<320000xi32, #tpu.memory_space<hbm>> -> memref<128xi32, #tpu.memory_space<hbm>>
      tpu.wait_dma2 semaphore(%run_scoped3A : memref<!tpu.dma_semaphore, #tpu.memory_space<semaphore_mem>>) src(%dma_wait3A_272 : memref<128xi32, #tpu.memory_space<hbm>>) dst(%arg6 : memref<128xi32, #tpu.memory_space<vmem>>)
      tpu.yield
    }) : () -> ()
    "tpu.region"() ({
      %run_scoped3A = tpu.sem_alloc : memref<!tpu.dma_semaphore, #tpu.memory_space<semaphore_mem>>
      %dma_start3A_269 = tpu.memref_slice %arg4[%add3A_88] : memref<320000xi32, #tpu.memory_space<hbm>> -> memref<128xi32, #tpu.memory_space<hbm>>
      %dma_start3A_270 = tpu.memref_slice %arg4[%add3A_88] : memref<320000xi32, #tpu.memory_space<hbm>> -> memref<128xi32, #tpu.memory_space<hbm>>
      tpu.enqueue_dma source(%dma_start3A_270 : memref<128xi32, #tpu.memory_space<hbm>>) target(%arg7 : memref<128xi32, #tpu.memory_space<vmem>>) target_semaphore(%run_scoped3A : memref<!tpu.dma_semaphore, #tpu.memory_space<semaphore_mem>>)
      %dma_wait3A_271 = tpu.memref_slice %arg4[%add3A_88] : memref<320000xi32, #tpu.memory_space<hbm>> -> memref<128xi32, #tpu.memory_space<hbm>>
      %dma_wait3A_272 = tpu.memref_slice %arg4[%add3A_88] : memref<320000xi32, #tpu.memory_space<hbm>> -> memref<128xi32, #tpu.memory_space<hbm>>
      tpu.wait_dma2 semaphore(%run_scoped3A : memref<!tpu.dma_semaphore, #tpu.memory_space<semaphore_mem>>) src(%dma_wait3A_272 : memref<128xi32, #tpu.memory_space<hbm>>) dst(%arg7 : memref<128xi32, #tpu.memory_space<vmem>>)
      tpu.yield
    }) : () -> ()
    %dma_start3A = arith.constant 0 : i32
    %dma_start3A_89 = arith.constant 0 : i32
    %dma_start3A_90 = tpu.memref_slice %arg2[%dma_start3A, %dma_start3A_89] : memref<10000x128xf32, #tpu.memory_space<hbm>> -> memref<10000x128xf32, #tpu.memory_space<hbm>>
    tpu.enqueue_indirect_dma source(%dma_start3A_90 : memref<10000x128xf32, #tpu.memory_space<hbm>>) target(%arg12 : memref<128x128xf32, #tpu.memory_space<vmem>>) offsets(%arg6 : memref<128xi32, #tpu.memory_space<vmem>>) semaphore(%arg17 : memref<!tpu.dma_semaphore, #tpu.memory_space<semaphore_mem>>)
    %scan3A_91 = arith.constant 0 : i32
    %scan3A_92 = arith.constant 0 : i32
    %scan3A_93 = arith.constant 38 : i32
    %scan3A_94 = arith.addi %scan3A_92, %scan3A_93 : i32
    %scan3A_95 = arith.constant 1 : i32
    %scan3A_96 = scf.for %scan3A_269 = %scan3A_92 to %scan3A_94 step %scan3A_95 iter_args(%scan3A_270 = %scan3A_91) -> (i32)  : i32 {
      %mul3A_271 = arith.constant 2 : i32
      %mul3A_272 = arith.muli %mul3A_271, %scan3A_269 : i32
      %add3A_273 = arith.constant 1 : i32
      %add3A_274 = arith.addi %mul3A_272, %add3A_273 : i32
      %mul3A_275 = arith.constant 128 : i32
      %mul3A_276 = arith.muli %add3A_274, %mul3A_275 : i32
      %add3A_277 = arith.addi %add3A_88, %mul3A_276 : i32
      %mul3A_278 = arith.constant 2 : i32
      %mul3A_279 = arith.muli %mul3A_278, %scan3A_269 : i32
      %add3A_280 = arith.constant 2 : i32
      %add3A_281 = arith.addi %mul3A_279, %add3A_280 : i32
      %mul3A_282 = arith.constant 128 : i32
      %mul3A_283 = arith.muli %add3A_281, %mul3A_282 : i32
      %add3A_284 = arith.addi %add3A_88, %mul3A_283 : i32
      "tpu.region"() ({
        %run_scoped3A = tpu.sem_alloc : memref<!tpu.dma_semaphore, #tpu.memory_space<semaphore_mem>>
        %dma_start3A_310 = tpu.memref_slice %arg3[%add3A_277] : memref<320000xi32, #tpu.memory_space<hbm>> -> memref<128xi32, #tpu.memory_space<hbm>>
        %dma_start3A_311 = tpu.memref_slice %arg3[%add3A_277] : memref<320000xi32, #tpu.memory_space<hbm>> -> memref<128xi32, #tpu.memory_space<hbm>>
        tpu.enqueue_dma source(%dma_start3A_311 : memref<128xi32, #tpu.memory_space<hbm>>) target(%arg8 : memref<128xi32, #tpu.memory_space<vmem>>) target_semaphore(%run_scoped3A : memref<!tpu.dma_semaphore, #tpu.memory_space<semaphore_mem>>)
        %dma_wait3A_312 = tpu.memref_slice %arg3[%add3A_277] : memref<320000xi32, #tpu.memory_space<hbm>> -> memref<128xi32, #tpu.memory_space<hbm>>
        %dma_wait3A_313 = tpu.memref_slice %arg3[%add3A_277] : memref<320000xi32, #tpu.memory_space<hbm>> -> memref<128xi32, #tpu.memory_space<hbm>>
        tpu.wait_dma2 semaphore(%run_scoped3A : memref<!tpu.dma_semaphore, #tpu.memory_space<semaphore_mem>>) src(%dma_wait3A_313 : memref<128xi32, #tpu.memory_space<hbm>>) dst(%arg8 : memref<128xi32, #tpu.memory_space<vmem>>)
        tpu.yield
      }) : () -> ()
      "tpu.region"() ({
        %run_scoped3A = tpu.sem_alloc : memref<!tpu.dma_semaphore, #tpu.memory_space<semaphore_mem>>
        %dma_start3A_310 = tpu.memref_slice %arg4[%add3A_277] : memref<320000xi32, #tpu.memory_space<hbm>> -> memref<128xi32, #tpu.memory_space<hbm>>
        %dma_start3A_311 = tpu.memref_slice %arg4[%add3A_277] : memref<320000xi32, #tpu.memory_space<hbm>> -> memref<128xi32, #tpu.memory_space<hbm>>
        tpu.enqueue_dma source(%dma_start3A_311 : memref<128xi32, #tpu.memory_space<hbm>>) target(%arg9 : memref<128xi32, #tpu.memory_space<vmem>>) target_semaphore(%run_scoped3A : memref<!tpu.dma_semaphore, #tpu.memory_space<semaphore_mem>>)
        %dma_wait3A_312 = tpu.memref_slice %arg4[%add3A_277] : memref<320000xi32, #tpu.memory_space<hbm>> -> memref<128xi32, #tpu.memory_space<hbm>>
        %dma_wait3A_313 = tpu.memref_slice %arg4[%add3A_277] : memref<320000xi32, #tpu.memory_space<hbm>> -> memref<128xi32, #tpu.memory_space<hbm>>
        tpu.wait_dma2 semaphore(%run_scoped3A : memref<!tpu.dma_semaphore, #tpu.memory_space<semaphore_mem>>) src(%dma_wait3A_313 : memref<128xi32, #tpu.memory_space<hbm>>) dst(%arg9 : memref<128xi32, #tpu.memory_space<vmem>>)
        tpu.yield
      }) : () -> ()
      %dma_start3A_285 = arith.constant 0 : i32
      %dma_start3A_286 = arith.constant 0 : i32
      %dma_start3A_287 = tpu.memref_slice %arg2[%dma_start3A_285, %dma_start3A_286] : memref<10000x128xf32, #tpu.memory_space<hbm>> -> memref<10000x128xf32, #tpu.memory_space<hbm>>
      tpu.enqueue_indirect_dma source(%dma_start3A_287 : memref<10000x128xf32, #tpu.memory_space<hbm>>) target(%arg13 : memref<128x128xf32, #tpu.memory_space<vmem>>) offsets(%arg8 : memref<128xi32, #tpu.memory_space<vmem>>) semaphore(%arg18 : memref<!tpu.dma_semaphore, #tpu.memory_space<semaphore_mem>>)
      %dma_wait3A_288 = arith.constant 0 : i32
      %dma_wait3A_289 = arith.constant 0 : i32
      %dma_wait3A_290 = tpu.memref_slice %arg2[%dma_wait3A_288, %dma_wait3A_289] : memref<10000x128xf32, #tpu.memory_space<hbm>> -> memref<10000x128xf32, #tpu.memory_space<hbm>>
      tpu.wait_indirect_dma semaphore(%arg17 : memref<!tpu.dma_semaphore, #tpu.memory_space<semaphore_mem>>) src(%dma_wait3A_290 : memref<10000x128xf32, #tpu.memory_space<hbm>>) dst(%arg12 : memref<128x128xf32, #tpu.memory_space<vmem>>)
      %dma_start3A_291 = arith.constant 0 : i32
      %dma_start3A_292 = arith.constant 0 : i32
      %dma_start3A_293 = tpu.memref_slice %arg16[%dma_start3A_291, %dma_start3A_292] : memref<10240x128xf32, #tpu.memory_space<vmem_shared>> -> memref<10240x128xf32, #tpu.memory_space<vmem_shared>>
      tpu.enqueue_indirect_dma source(%arg12 : memref<128x128xf32, #tpu.memory_space<vmem>>) target(%dma_start3A_293 : memref<10240x128xf32, #tpu.memory_space<vmem_shared>>) offsets(%arg7 : memref<128xi32, #tpu.memory_space<vmem>>) semaphore(%arg19 : memref<!tpu.dma_semaphore, #tpu.memory_space<semaphore_mem>>) {add = true}
      %dma_wait3A_294 = arith.constant 0 : i32
      %dma_wait3A_295 = arith.constant 0 : i32
      %dma_wait3A_296 = tpu.memref_slice %arg16[%dma_wait3A_294, %dma_wait3A_295] : memref<10240x128xf32, #tpu.memory_space<vmem_shared>> -> memref<10240x128xf32, #tpu.memory_space<vmem_shared>>
      tpu.wait_indirect_dma semaphore(%arg19 : memref<!tpu.dma_semaphore, #tpu.memory_space<semaphore_mem>>) src(%arg12 : memref<128x128xf32, #tpu.memory_space<vmem>>) dst(%dma_wait3A_296 : memref<10240x128xf32, #tpu.memory_space<vmem_shared>>)
      "tpu.region"() ({
        %run_scoped3A = tpu.sem_alloc : memref<!tpu.dma_semaphore, #tpu.memory_space<semaphore_mem>>
        %dma_start3A_310 = tpu.memref_slice %arg3[%add3A_284] : memref<320000xi32, #tpu.memory_space<hbm>> -> memref<128xi32, #tpu.memory_space<hbm>>
        %dma_start3A_311 = tpu.memref_slice %arg3[%add3A_284] : memref<320000xi32, #tpu.memory_space<hbm>> -> memref<128xi32, #tpu.memory_space<hbm>>
        tpu.enqueue_dma source(%dma_start3A_311 : memref<128xi32, #tpu.memory_space<hbm>>) target(%arg6 : memref<128xi32, #tpu.memory_space<vmem>>) target_semaphore(%run_scoped3A : memref<!tpu.dma_semaphore, #tpu.memory_space<semaphore_mem>>)
        %dma_wait3A_312 = tpu.memref_slice %arg3[%add3A_284] : memref<320000xi32, #tpu.memory_space<hbm>> -> memref<128xi32, #tpu.memory_space<hbm>>
        %dma_wait3A_313 = tpu.memref_slice %arg3[%add3A_284] : memref<320000xi32, #tpu.memory_space<hbm>> -> memref<128xi32, #tpu.memory_space<hbm>>
        tpu.wait_dma2 semaphore(%run_scoped3A : memref<!tpu.dma_semaphore, #tpu.memory_space<semaphore_mem>>) src(%dma_wait3A_313 : memref<128xi32, #tpu.memory_space<hbm>>) dst(%arg6 : memref<128xi32, #tpu.memory_space<vmem>>)
        tpu.yield
      }) : () -> ()
      "tpu.region"() ({
        %run_scoped3A = tpu.sem_alloc : memref<!tpu.dma_semaphore, #tpu.memory_space<semaphore_mem>>
        %dma_start3A_310 = tpu.memref_slice %arg4[%add3A_284] : memref<320000xi32, #tpu.memory_space<hbm>> -> memref<128xi32, #tpu.memory_space<hbm>>
        %dma_start3A_311 = tpu.memref_slice %arg4[%add3A_284] : memref<320000xi32, #tpu.memory_space<hbm>> -> memref<128xi32, #tpu.memory_space<hbm>>
        tpu.enqueue_dma source(%dma_start3A_311 : memref<128xi32, #tpu.memory_space<hbm>>) target(%arg7 : memref<128xi32, #tpu.memory_space<vmem>>) target_semaphore(%run_scoped3A : memref<!tpu.dma_semaphore, #tpu.memory_space<semaphore_mem>>)
        %dma_wait3A_312 = tpu.memref_slice %arg4[%add3A_284] : memref<320000xi32, #tpu.memory_space<hbm>> -> memref<128xi32, #tpu.memory_space<hbm>>
        %dma_wait3A_313 = tpu.memref_slice %arg4[%add3A_284] : memref<320000xi32, #tpu.memory_space<hbm>> -> memref<128xi32, #tpu.memory_space<hbm>>
        tpu.wait_dma2 semaphore(%run_scoped3A : memref<!tpu.dma_semaphore, #tpu.memory_space<semaphore_mem>>) src(%dma_wait3A_313 : memref<128xi32, #tpu.memory_space<hbm>>) dst(%arg7 : memref<128xi32, #tpu.memory_space<vmem>>)
        tpu.yield
      }) : () -> ()
      %dma_start3A_297 = arith.constant 0 : i32
      %dma_start3A_298 = arith.constant 0 : i32
      %dma_start3A_299 = tpu.memref_slice %arg2[%dma_start3A_297, %dma_start3A_298] : memref<10000x128xf32, #tpu.memory_space<hbm>> -> memref<10000x128xf32, #tpu.memory_space<hbm>>
      tpu.enqueue_indirect_dma source(%dma_start3A_299 : memref<10000x128xf32, #tpu.memory_space<hbm>>) target(%arg12 : memref<128x128xf32, #tpu.memory_space<vmem>>) offsets(%arg6 : memref<128xi32, #tpu.memory_space<vmem>>) semaphore(%arg17 : memref<!tpu.dma_semaphore, #tpu.memory_space<semaphore_mem>>)
      %dma_wait3A_300 = arith.constant 0 : i32
      %dma_wait3A_301 = arith.constant 0 : i32
      %dma_wait3A_302 = tpu.memref_slice %arg2[%dma_wait3A_300, %dma_wait3A_301] : memref<10000x128xf32, #tpu.memory_space<hbm>> -> memref<10000x128xf32, #tpu.memory_space<hbm>>
      tpu.wait_indirect_dma semaphore(%arg18 : memref<!tpu.dma_semaphore, #tpu.memory_space<semaphore_mem>>) src(%dma_wait3A_302 : memref<10000x128xf32, #tpu.memory_space<hbm>>) dst(%arg13 : memref<128x128xf32, #tpu.memory_space<vmem>>)
      %dma_start3A_303 = arith.constant 0 : i32
      %dma_start3A_304 = arith.constant 0 : i32
      %dma_start3A_305 = tpu.memref_slice %arg16[%dma_start3A_303, %dma_start3A_304] : memref<10240x128xf32, #tpu.memory_space<vmem_shared>> -> memref<10240x128xf32, #tpu.memory_space<vmem_shared>>
      tpu.enqueue_indirect_dma source(%arg13 : memref<128x128xf32, #tpu.memory_space<vmem>>) target(%dma_start3A_305 : memref<10240x128xf32, #tpu.memory_space<vmem_shared>>) offsets(%arg9 : memref<128xi32, #tpu.memory_space<vmem>>) semaphore(%arg20 : memref<!tpu.dma_semaphore, #tpu.memory_space<semaphore_mem>>) {add = true}
      %dma_wait3A_306 = arith.constant 0 : i32
      %dma_wait3A_307 = arith.constant 0 : i32
      %dma_wait3A_308 = tpu.memref_slice %arg16[%dma_wait3A_306, %dma_wait3A_307] : memref<10240x128xf32, #tpu.memory_space<vmem_shared>> -> memref<10240x128xf32, #tpu.memory_space<vmem_shared>>
      tpu.wait_indirect_dma semaphore(%arg20 : memref<!tpu.dma_semaphore, #tpu.memory_space<semaphore_mem>>) src(%arg13 : memref<128x128xf32, #tpu.memory_space<vmem>>) dst(%dma_wait3A_308 : memref<10240x128xf32, #tpu.memory_space<vmem_shared>>)
      %scan3A_309 = arith.constant 0 : i32
      scf.yield %scan3A_309 : i32
    }
    %scan3A_97 = arith.constant 38 : i32
    %add3A_98 = arith.constant 9856 : i32
    %add3A_99 = arith.addi %add3A_88, %add3A_98 : i32
    "tpu.region"() ({
      %run_scoped3A = tpu.sem_alloc : memref<!tpu.dma_semaphore, #tpu.memory_space<semaphore_mem>>
      %dma_start3A_269 = tpu.memref_slice %arg3[%add3A_99] : memref<320000xi32, #tpu.memory_space<hbm>> -> memref<128xi32, #tpu.memory_space<hbm>>
      %dma_start3A_270 = tpu.memref_slice %arg3[%add3A_99] : memref<320000xi32, #tpu.memory_space<hbm>> -> memref<128xi32, #tpu.memory_space<hbm>>
      tpu.enqueue_dma source(%dma_start3A_270 : memref<128xi32, #tpu.memory_space<hbm>>) target(%arg8 : memref<128xi32, #tpu.memory_space<vmem>>) target_semaphore(%run_scoped3A : memref<!tpu.dma_semaphore, #tpu.memory_space<semaphore_mem>>)
      %dma_wait3A_271 = tpu.memref_slice %arg3[%add3A_99] : memref<320000xi32, #tpu.memory_space<hbm>> -> memref<128xi32, #tpu.memory_space<hbm>>
      %dma_wait3A_272 = tpu.memref_slice %arg3[%add3A_99] : memref<320000xi32, #tpu.memory_space<hbm>> -> memref<128xi32, #tpu.memory_space<hbm>>
      tpu.wait_dma2 semaphore(%run_scoped3A : memref<!tpu.dma_semaphore, #tpu.memory_space<semaphore_mem>>) src(%dma_wait3A_272 : memref<128xi32, #tpu.memory_space<hbm>>) dst(%arg8 : memref<128xi32, #tpu.memory_space<vmem>>)
      tpu.yield
    }) : () -> ()
    "tpu.region"() ({
      %run_scoped3A = tpu.sem_alloc : memref<!tpu.dma_semaphore, #tpu.memory_space<semaphore_mem>>
      %dma_start3A_269 = tpu.memref_slice %arg4[%add3A_99] : memref<320000xi32, #tpu.memory_space<hbm>> -> memref<128xi32, #tpu.memory_space<hbm>>
      %dma_start3A_270 = tpu.memref_slice %arg4[%add3A_99] : memref<320000xi32, #tpu.memory_space<hbm>> -> memref<128xi32, #tpu.memory_space<hbm>>
      tpu.enqueue_dma source(%dma_start3A_270 : memref<128xi32, #tpu.memory_space<hbm>>) target(%arg9 : memref<128xi32, #tpu.memory_space<vmem>>) target_semaphore(%run_scoped3A : memref<!tpu.dma_semaphore, #tpu.memory_space<semaphore_mem>>)
      %dma_wait3A_271 = tpu.memref_slice %arg4[%add3A_99] : memref<320000xi32, #tpu.memory_space<hbm>> -> memref<128xi32, #tpu.memory_space<hbm>>
      %dma_wait3A_272 = tpu.memref_slice %arg4[%add3A_99] : memref<320000xi32, #tpu.memory_space<hbm>> -> memref<128xi32, #tpu.memory_space<hbm>>
      tpu.wait_dma2 semaphore(%run_scoped3A : memref<!tpu.dma_semaphore, #tpu.memory_space<semaphore_mem>>) src(%dma_wait3A_272 : memref<128xi32, #tpu.memory_space<hbm>>) dst(%arg9 : memref<128xi32, #tpu.memory_space<vmem>>)
      tpu.yield
    }) : () -> ()
    %dma_start3A_100 = arith.constant 0 : i32
    %dma_start3A_101 = arith.constant 0 : i32
    %dma_start3A_102 = tpu.memref_slice %arg2[%dma_start3A_100, %dma_start3A_101] : memref<10000x128xf32, #tpu.memory_space<hbm>> -> memref<10000x128xf32, #tpu.memory_space<hbm>>
    tpu.enqueue_indirect_dma source(%dma_start3A_102 : memref<10000x128xf32, #tpu.memory_space<hbm>>) target(%arg13 : memref<128x128xf32, #tpu.memory_space<vmem>>) offsets(%arg8 : memref<128xi32, #tpu.memory_space<vmem>>) semaphore(%arg18 : memref<!tpu.dma_semaphore, #tpu.memory_space<semaphore_mem>>)
    %dma_wait3A = arith.constant 0 : i32
    %dma_wait3A_103 = arith.constant 0 : i32
    %dma_wait3A_104 = tpu.memref_slice %arg2[%dma_wait3A, %dma_wait3A_103] : memref<10000x128xf32, #tpu.memory_space<hbm>> -> memref<10000x128xf32, #tpu.memory_space<hbm>>
    tpu.wait_indirect_dma semaphore(%arg17 : memref<!tpu.dma_semaphore, #tpu.memory_space<semaphore_mem>>) src(%dma_wait3A_104 : memref<10000x128xf32, #tpu.memory_space<hbm>>) dst(%arg12 : memref<128x128xf32, #tpu.memory_space<vmem>>)
    %dma_start3A_105 = arith.constant 0 : i32
    %dma_start3A_106 = arith.constant 0 : i32
    %dma_start3A_107 = tpu.memref_slice %arg16[%dma_start3A_105, %dma_start3A_106] : memref<10240x128xf32, #tpu.memory_space<vmem_shared>> -> memref<10240x128xf32, #tpu.memory_space<vmem_shared>>
    tpu.enqueue_indirect_dma source(%arg12 : memref<128x128xf32, #tpu.memory_space<vmem>>) target(%dma_start3A_107 : memref<10240x128xf32, #tpu.memory_space<vmem_shared>>) offsets(%arg7 : memref<128xi32, #tpu.memory_space<vmem>>) semaphore(%arg19 : memref<!tpu.dma_semaphore, #tpu.memory_space<semaphore_mem>>) {add = true}
    %add3A_108 = arith.constant 9984 : i32
    %add3A_109 = arith.addi %add3A_88, %add3A_108 : i32
    "tpu.region"() ({
      %run_scoped3A = tpu.sem_alloc : memref<!tpu.dma_semaphore, #tpu.memory_space<semaphore_mem>>
      %dma_start3A_269 = tpu.memref_slice %arg3[%add3A_109] : memref<320000xi32, #tpu.memory_space<hbm>> -> memref<16xi32, #tpu.memory_space<hbm>>
      %dma_start3A_270 = tpu.memref_slice %arg3[%add3A_109] : memref<320000xi32, #tpu.memory_space<hbm>> -> memref<16xi32, #tpu.memory_space<hbm>>
      tpu.enqueue_dma source(%dma_start3A_270 : memref<16xi32, #tpu.memory_space<hbm>>) target(%arg10 : memref<16xi32, #tpu.memory_space<vmem>>) target_semaphore(%run_scoped3A : memref<!tpu.dma_semaphore, #tpu.memory_space<semaphore_mem>>)
      %dma_wait3A_271 = tpu.memref_slice %arg3[%add3A_109] : memref<320000xi32, #tpu.memory_space<hbm>> -> memref<16xi32, #tpu.memory_space<hbm>>
      %dma_wait3A_272 = tpu.memref_slice %arg3[%add3A_109] : memref<320000xi32, #tpu.memory_space<hbm>> -> memref<16xi32, #tpu.memory_space<hbm>>
      tpu.wait_dma2 semaphore(%run_scoped3A : memref<!tpu.dma_semaphore, #tpu.memory_space<semaphore_mem>>) src(%dma_wait3A_272 : memref<16xi32, #tpu.memory_space<hbm>>) dst(%arg10 : memref<16xi32, #tpu.memory_space<vmem>>)
      tpu.yield
    }) : () -> ()
    "tpu.region"() ({
      %run_scoped3A = tpu.sem_alloc : memref<!tpu.dma_semaphore, #tpu.memory_space<semaphore_mem>>
      %dma_start3A_269 = tpu.memref_slice %arg4[%add3A_109] : memref<320000xi32, #tpu.memory_space<hbm>> -> memref<16xi32, #tpu.memory_space<hbm>>
      %dma_start3A_270 = tpu.memref_slice %arg4[%add3A_109] : memref<320000xi32, #tpu.memory_space<hbm>> -> memref<16xi32, #tpu.memory_space<hbm>>
      tpu.enqueue_dma source(%dma_start3A_270 : memref<16xi32, #tpu.memory_space<hbm>>) target(%arg11 : memref<16xi32, #tpu.memory_space<vmem>>) target_semaphore(%run_scoped3A : memref<!tpu.dma_semaphore, #tpu.memory_space<semaphore_mem>>)
      %dma_wait3A_271 = tpu.memref_slice %arg4[%add3A_109] : memref<320000xi32, #tpu.memory_space<hbm>> -> memref<16xi32, #tpu.memory_space<hbm>>
      %dma_wait3A_272 = tpu.memref_slice %arg4[%add3A_109] : memref<320000xi32, #tpu.memory_space<hbm>> -> memref<16xi32, #tpu.memory_space<hbm>>
      tpu.wait_dma2 semaphore(%run_scoped3A : memref<!tpu.dma_semaphore, #tpu.memory_space<semaphore_mem>>) src(%dma_wait3A_272 : memref<16xi32, #tpu.memory_space<hbm>>) dst(%arg11 : memref<16xi32, #tpu.memory_space<vmem>>)
      tpu.yield
    }) : () -> ()
    %dma_start3A_110 = arith.constant 0 : i32
    %dma_start3A_111 = arith.constant 0 : i32
    %dma_start3A_112 = tpu.memref_slice %arg2[%dma_start3A_110, %dma_start3A_111] : memref<10000x128xf32, #tpu.memory_space<hbm>> -> memref<10000x128xf32, #tpu.memory_space<hbm>>
    tpu.enqueue_indirect_dma source(%dma_start3A_112 : memref<10000x128xf32, #tpu.memory_space<hbm>>) target(%arg14 : memref<16x128xf32, #tpu.memory_space<vmem>>) offsets(%arg10 : memref<16xi32, #tpu.memory_space<vmem>>) semaphore(%arg17 : memref<!tpu.dma_semaphore, #tpu.memory_space<semaphore_mem>>)
    %dma_wait3A_113 = arith.constant 0 : i32
    %dma_wait3A_114 = arith.constant 0 : i32
    %dma_wait3A_115 = tpu.memref_slice %arg2[%dma_wait3A_113, %dma_wait3A_114] : memref<10000x128xf32, #tpu.memory_space<hbm>> -> memref<10000x128xf32, #tpu.memory_space<hbm>>
    tpu.wait_indirect_dma semaphore(%arg18 : memref<!tpu.dma_semaphore, #tpu.memory_space<semaphore_mem>>) src(%dma_wait3A_115 : memref<10000x128xf32, #tpu.memory_space<hbm>>) dst(%arg13 : memref<128x128xf32, #tpu.memory_space<vmem>>)
    %dma_start3A_116 = arith.constant 0 : i32
    %dma_start3A_117 = arith.constant 0 : i32
    %dma_start3A_118 = tpu.memref_slice %arg16[%dma_start3A_116, %dma_start3A_117] : memref<10240x128xf32, #tpu.memory_space<vmem_shared>> -> memref<10240x128xf32, #tpu.memory_space<vmem_shared>>
    tpu.enqueue_indirect_dma source(%arg13 : memref<128x128xf32, #tpu.memory_space<vmem>>) target(%dma_start3A_118 : memref<10240x128xf32, #tpu.memory_space<vmem_shared>>) offsets(%arg9 : memref<128xi32, #tpu.memory_space<vmem>>) semaphore(%arg20 : memref<!tpu.dma_semaphore, #tpu.memory_space<semaphore_mem>>) {add = true}
    %dma_wait3A_119 = arith.constant 0 : i32
    %dma_wait3A_120 = arith.constant 0 : i32
    %dma_wait3A_121 = tpu.memref_slice %arg2[%dma_wait3A_119, %dma_wait3A_120] : memref<10000x128xf32, #tpu.memory_space<hbm>> -> memref<10000x128xf32, #tpu.memory_space<hbm>>
    tpu.wait_indirect_dma semaphore(%arg17 : memref<!tpu.dma_semaphore, #tpu.memory_space<semaphore_mem>>) src(%dma_wait3A_121 : memref<10000x128xf32, #tpu.memory_space<hbm>>) dst(%arg14 : memref<16x128xf32, #tpu.memory_space<vmem>>)
    %dma_wait3A_122 = arith.constant 0 : i32
    %dma_wait3A_123 = arith.constant 0 : i32
    %dma_wait3A_124 = tpu.memref_slice %arg16[%dma_wait3A_122, %dma_wait3A_123] : memref<10240x128xf32, #tpu.memory_space<vmem_shared>> -> memref<10240x128xf32, #tpu.memory_space<vmem_shared>>
    tpu.wait_indirect_dma semaphore(%arg19 : memref<!tpu.dma_semaphore, #tpu.memory_space<semaphore_mem>>) src(%arg12 : memref<128x128xf32, #tpu.memory_space<vmem>>) dst(%dma_wait3A_124 : memref<10240x128xf32, #tpu.memory_space<vmem_shared>>)
    %dma_wait3A_125 = arith.constant 0 : i32
    %dma_wait3A_126 = arith.constant 0 : i32
    %dma_wait3A_127 = tpu.memref_slice %arg16[%dma_wait3A_125, %dma_wait3A_126] : memref<10240x128xf32, #tpu.memory_space<vmem_shared>> -> memref<10240x128xf32, #tpu.memory_space<vmem_shared>>
    tpu.wait_indirect_dma semaphore(%arg20 : memref<!tpu.dma_semaphore, #tpu.memory_space<semaphore_mem>>) src(%arg13 : memref<128x128xf32, #tpu.memory_space<vmem>>) dst(%dma_wait3A_127 : memref<10240x128xf32, #tpu.memory_space<vmem_shared>>)
    "tpu.region"() ({
      %run_scoped3A = tpu.sem_alloc : memref<!tpu.dma_semaphore, #tpu.memory_space<semaphore_mem>>
      %dma_start3A_269 = arith.constant 0 : i32
      %dma_start3A_270 = arith.constant 0 : i32
      %dma_start3A_271 = tpu.memref_slice %arg16[%dma_start3A_269, %dma_start3A_270] : memref<10240x128xf32, #tpu.memory_space<vmem_shared>> -> memref<10240x128xf32, #tpu.memory_space<vmem_shared>>
      tpu.enqueue_indirect_dma source(%arg14 : memref<16x128xf32, #tpu.memory_space<vmem>>) target(%dma_start3A_271 : memref<10240x128xf32, #tpu.memory_space<vmem_shared>>) offsets(%arg11 : memref<16xi32, #tpu.memory_space<vmem>>) semaphore(%run_scoped3A : memref<!tpu.dma_semaphore, #tpu.memory_space<semaphore_mem>>) {add = true}
      %dma_wait3A_272 = arith.constant 0 : i32
      %dma_wait3A_273 = arith.constant 0 : i32
      %dma_wait3A_274 = tpu.memref_slice %arg16[%dma_wait3A_272, %dma_wait3A_273] : memref<10240x128xf32, #tpu.memory_space<vmem_shared>> -> memref<10240x128xf32, #tpu.memory_space<vmem_shared>>
      tpu.wait_indirect_dma semaphore(%run_scoped3A : memref<!tpu.dma_semaphore, #tpu.memory_space<semaphore_mem>>) src(%arg14 : memref<16x128xf32, #tpu.memory_space<vmem>>) dst(%dma_wait3A_274 : memref<10240x128xf32, #tpu.memory_space<vmem_shared>>)
      tpu.yield
    }) : () -> ()
    %barrier3A_128 = arith.constant 0 : index
    tpu.barrier barrier_id(%barrier3A_128)
    %mul3A_129 = arith.constant 640 : i32
    %mul3A_130 = arith.muli %arg1, %mul3A_129 : i32
    %add3A_131 = arith.constant 0 : i32
    %add3A_132 = arith.addi %mul3A_130, %add3A_131 : i32
    "tpu.region"() ({
      %run_scoped3A = tpu.sem_alloc : memref<!tpu.dma_semaphore, #tpu.memory_space<semaphore_mem>>
      %dma_start3A_269 = arith.constant 0 : i32
      %dma_start3A_270 = tpu.memref_slice %arg16[%add3A_132, %dma_start3A_269] : memref<10240x128xf32, #tpu.memory_space<vmem_shared>> -> memref<32x128xf32, #tpu.memory_space<vmem_shared>>
      %dma_start3A_271 = arith.constant 0 : i32
      %dma_start3A_272 = tpu.memref_slice %arg16[%add3A_132, %dma_start3A_271] : memref<10240x128xf32, #tpu.memory_space<vmem_shared>> -> memref<32x128xf32, #tpu.memory_space<vmem_shared>>
      tpu.enqueue_dma source(%dma_start3A_272 : memref<32x128xf32, #tpu.memory_space<vmem_shared>>) target(%arg15 : memref<32x128xf32, #tpu.memory_space<vmem>>) target_semaphore(%run_scoped3A : memref<!tpu.dma_semaphore, #tpu.memory_space<semaphore_mem>>)
      %dma_wait3A_273 = arith.constant 0 : i32
      %dma_wait3A_274 = tpu.memref_slice %arg16[%add3A_132, %dma_wait3A_273] : memref<10240x128xf32, #tpu.memory_space<vmem_shared>> -> memref<32x128xf32, #tpu.memory_space<vmem_shared>>
      %dma_wait3A_275 = arith.constant 0 : i32
      %dma_wait3A_276 = tpu.memref_slice %arg16[%add3A_132, %dma_wait3A_275] : memref<10240x128xf32, #tpu.memory_space<vmem_shared>> -> memref<32x128xf32, #tpu.memory_space<vmem_shared>>
      tpu.wait_dma2 semaphore(%run_scoped3A : memref<!tpu.dma_semaphore, #tpu.memory_space<semaphore_mem>>) src(%dma_wait3A_276 : memref<32x128xf32, #tpu.memory_space<vmem_shared>>) dst(%arg15 : memref<32x128xf32, #tpu.memory_space<vmem>>)
      tpu.yield
    }) : () -> ()
    %mul3A_133 = arith.constant 10240 : i32
    %mul3A_134 = arith.muli %arg0, %mul3A_133 : i32
    %add3A_135 = arith.addi %mul3A_134, %add3A_132 : i32
    "tpu.region"() ({
      %run_scoped3A = tpu.sem_alloc : memref<!tpu.dma_semaphore, #tpu.memory_space<semaphore_mem>>
      %dma_start3A_269 = arith.constant 0 : i32
      %dma_start3A_270 = tpu.memref_slice %arg5[%add3A_135, %dma_start3A_269] : memref<20480x128xf32, #tpu.memory_space<hbm>> -> memref<32x128xf32, #tpu.memory_space<hbm>>
      %dma_start3A_271 = arith.constant 0 : i32
      %dma_start3A_272 = tpu.memref_slice %arg5[%add3A_135, %dma_start3A_271] : memref<20480x128xf32, #tpu.memory_space<hbm>> -> memref<32x128xf32, #tpu.memory_space<hbm>>
      tpu.enqueue_dma source(%arg15 : memref<32x128xf32, #tpu.memory_space<vmem>>) target(%dma_start3A_272 : memref<32x128xf32, #tpu.memory_space<hbm>>) target_semaphore(%run_scoped3A : memref<!tpu.dma_semaphore, #tpu.memory_space<semaphore_mem>>)
      %dma_wait3A_273 = arith.constant 0 : i32
      %dma_wait3A_274 = tpu.memref_slice %arg5[%add3A_135, %dma_wait3A_273] : memref<20480x128xf32, #tpu.memory_space<hbm>> -> memref<32x128xf32, #tpu.memory_space<hbm>>
      %dma_wait3A_275 = arith.constant 0 : i32
      %dma_wait3A_276 = tpu.memref_slice %arg5[%add3A_135, %dma_wait3A_275] : memref<20480x128xf32, #tpu.memory_space<hbm>> -> memref<32x128xf32, #tpu.memory_space<hbm>>
      tpu.wait_dma2 semaphore(%run_scoped3A : memref<!tpu.dma_semaphore, #tpu.memory_space<semaphore_mem>>) src(%arg15 : memref<32x128xf32, #tpu.memory_space<vmem>>) dst(%dma_wait3A_276 : memref<32x128xf32, #tpu.memory_space<hbm>>)
      tpu.yield
    }) : () -> ()
    %mul3A_136 = arith.constant 640 : i32
    %mul3A_137 = arith.muli %arg1, %mul3A_136 : i32
    %add3A_138 = arith.constant 32 : i32
    %add3A_139 = arith.addi %mul3A_137, %add3A_138 : i32
    "tpu.region"() ({
      %run_scoped3A = tpu.sem_alloc : memref<!tpu.dma_semaphore, #tpu.memory_space<semaphore_mem>>
      %dma_start3A_269 = arith.constant 0 : i32
      %dma_start3A_270 = tpu.memref_slice %arg16[%add3A_139, %dma_start3A_269] : memref<10240x128xf32, #tpu.memory_space<vmem_shared>> -> memref<32x128xf32, #tpu.memory_space<vmem_shared>>
      %dma_start3A_271 = arith.constant 0 : i32
      %dma_start3A_272 = tpu.memref_slice %arg16[%add3A_139, %dma_start3A_271] : memref<10240x128xf32, #tpu.memory_space<vmem_shared>> -> memref<32x128xf32, #tpu.memory_space<vmem_shared>>
      tpu.enqueue_dma source(%dma_start3A_272 : memref<32x128xf32, #tpu.memory_space<vmem_shared>>) target(%arg15 : memref<32x128xf32, #tpu.memory_space<vmem>>) target_semaphore(%run_scoped3A : memref<!tpu.dma_semaphore, #tpu.memory_space<semaphore_mem>>)
      %dma_wait3A_273 = arith.constant 0 : i32
      %dma_wait3A_274 = tpu.memref_slice %arg16[%add3A_139, %dma_wait3A_273] : memref<10240x128xf32, #tpu.memory_space<vmem_shared>> -> memref<32x128xf32, #tpu.memory_space<vmem_shared>>
      %dma_wait3A_275 = arith.constant 0 : i32
      %dma_wait3A_276 = tpu.memref_slice %arg16[%add3A_139, %dma_wait3A_275] : memref<10240x128xf32, #tpu.memory_space<vmem_shared>> -> memref<32x128xf32, #tpu.memory_space<vmem_shared>>
      tpu.wait_dma2 semaphore(%run_scoped3A : memref<!tpu.dma_semaphore, #tpu.memory_space<semaphore_mem>>) src(%dma_wait3A_276 : memref<32x128xf32, #tpu.memory_space<vmem_shared>>) dst(%arg15 : memref<32x128xf32, #tpu.memory_space<vmem>>)
      tpu.yield
    }) : () -> ()
    %mul3A_140 = arith.constant 10240 : i32
    %mul3A_141 = arith.muli %arg0, %mul3A_140 : i32
    %add3A_142 = arith.addi %mul3A_141, %add3A_139 : i32
    "tpu.region"() ({
      %run_scoped3A = tpu.sem_alloc : memref<!tpu.dma_semaphore, #tpu.memory_space<semaphore_mem>>
      %dma_start3A_269 = arith.constant 0 : i32
      %dma_start3A_270 = tpu.memref_slice %arg5[%add3A_142, %dma_start3A_269] : memref<20480x128xf32, #tpu.memory_space<hbm>> -> memref<32x128xf32, #tpu.memory_space<hbm>>
      %dma_start3A_271 = arith.constant 0 : i32
      %dma_start3A_272 = tpu.memref_slice %arg5[%add3A_142, %dma_start3A_271] : memref<20480x128xf32, #tpu.memory_space<hbm>> -> memref<32x128xf32, #tpu.memory_space<hbm>>
      tpu.enqueue_dma source(%arg15 : memref<32x128xf32, #tpu.memory_space<vmem>>) target(%dma_start3A_272 : memref<32x128xf32, #tpu.memory_space<hbm>>) target_semaphore(%run_scoped3A : memref<!tpu.dma_semaphore, #tpu.memory_space<semaphore_mem>>)
      %dma_wait3A_273 = arith.constant 0 : i32
      %dma_wait3A_274 = tpu.memref_slice %arg5[%add3A_142, %dma_wait3A_273] : memref<20480x128xf32, #tpu.memory_space<hbm>> -> memref<32x128xf32, #tpu.memory_space<hbm>>
      %dma_wait3A_275 = arith.constant 0 : i32
      %dma_wait3A_276 = tpu.memref_slice %arg5[%add3A_142, %dma_wait3A_275] : memref<20480x128xf32, #tpu.memory_space<hbm>> -> memref<32x128xf32, #tpu.memory_space<hbm>>
      tpu.wait_dma2 semaphore(%run_scoped3A : memref<!tpu.dma_semaphore, #tpu.memory_space<semaphore_mem>>) src(%arg15 : memref<32x128xf32, #tpu.memory_space<vmem>>) dst(%dma_wait3A_276 : memref<32x128xf32, #tpu.memory_space<hbm>>)
      tpu.yield
    }) : () -> ()
    %mul3A_143 = arith.constant 640 : i32
    %mul3A_144 = arith.muli %arg1, %mul3A_143 : i32
    %add3A_145 = arith.constant 64 : i32
    %add3A_146 = arith.addi %mul3A_144, %add3A_145 : i32
    "tpu.region"() ({
      %run_scoped3A = tpu.sem_alloc : memref<!tpu.dma_semaphore, #tpu.memory_space<semaphore_mem>>
      %dma_start3A_269 = arith.constant 0 : i32
      %dma_start3A_270 = tpu.memref_slice %arg16[%add3A_146, %dma_start3A_269] : memref<10240x128xf32, #tpu.memory_space<vmem_shared>> -> memref<32x128xf32, #tpu.memory_space<vmem_shared>>
      %dma_start3A_271 = arith.constant 0 : i32
      %dma_start3A_272 = tpu.memref_slice %arg16[%add3A_146, %dma_start3A_271] : memref<10240x128xf32, #tpu.memory_space<vmem_shared>> -> memref<32x128xf32, #tpu.memory_space<vmem_shared>>
      tpu.enqueue_dma source(%dma_start3A_272 : memref<32x128xf32, #tpu.memory_space<vmem_shared>>) target(%arg15 : memref<32x128xf32, #tpu.memory_space<vmem>>) target_semaphore(%run_scoped3A : memref<!tpu.dma_semaphore, #tpu.memory_space<semaphore_mem>>)
      %dma_wait3A_273 = arith.constant 0 : i32
      %dma_wait3A_274 = tpu.memref_slice %arg16[%add3A_146, %dma_wait3A_273] : memref<10240x128xf32, #tpu.memory_space<vmem_shared>> -> memref<32x128xf32, #tpu.memory_space<vmem_shared>>
      %dma_wait3A_275 = arith.constant 0 : i32
      %dma_wait3A_276 = tpu.memref_slice %arg16[%add3A_146, %dma_wait3A_275] : memref<10240x128xf32, #tpu.memory_space<vmem_shared>> -> memref<32x128xf32, #tpu.memory_space<vmem_shared>>
      tpu.wait_dma2 semaphore(%run_scoped3A : memref<!tpu.dma_semaphore, #tpu.memory_space<semaphore_mem>>) src(%dma_wait3A_276 : memref<32x128xf32, #tpu.memory_space<vmem_shared>>) dst(%arg15 : memref<32x128xf32, #tpu.memory_space<vmem>>)
      tpu.yield
    }) : () -> ()
    %mul3A_147 = arith.constant 10240 : i32
    %mul3A_148 = arith.muli %arg0, %mul3A_147 : i32
    %add3A_149 = arith.addi %mul3A_148, %add3A_146 : i32
    "tpu.region"() ({
      %run_scoped3A = tpu.sem_alloc : memref<!tpu.dma_semaphore, #tpu.memory_space<semaphore_mem>>
      %dma_start3A_269 = arith.constant 0 : i32
      %dma_start3A_270 = tpu.memref_slice %arg5[%add3A_149, %dma_start3A_269] : memref<20480x128xf32, #tpu.memory_space<hbm>> -> memref<32x128xf32, #tpu.memory_space<hbm>>
      %dma_start3A_271 = arith.constant 0 : i32
      %dma_start3A_272 = tpu.memref_slice %arg5[%add3A_149, %dma_start3A_271] : memref<20480x128xf32, #tpu.memory_space<hbm>> -> memref<32x128xf32, #tpu.memory_space<hbm>>
      tpu.enqueue_dma source(%arg15 : memref<32x128xf32, #tpu.memory_space<vmem>>) target(%dma_start3A_272 : memref<32x128xf32, #tpu.memory_space<hbm>>) target_semaphore(%run_scoped3A : memref<!tpu.dma_semaphore, #tpu.memory_space<semaphore_mem>>)
      %dma_wait3A_273 = arith.constant 0 : i32
      %dma_wait3A_274 = tpu.memref_slice %arg5[%add3A_149, %dma_wait3A_273] : memref<20480x128xf32, #tpu.memory_space<hbm>> -> memref<32x128xf32, #tpu.memory_space<hbm>>
      %dma_wait3A_275 = arith.constant 0 : i32
      %dma_wait3A_276 = tpu.memref_slice %arg5[%add3A_149, %dma_wait3A_275] : memref<20480x128xf32, #tpu.memory_space<hbm>> -> memref<32x128xf32, #tpu.memory_space<hbm>>
      tpu.wait_dma2 semaphore(%run_scoped3A : memref<!tpu.dma_semaphore, #tpu.memory_space<semaphore_mem>>) src(%arg15 : memref<32x128xf32, #tpu.memory_space<vmem>>) dst(%dma_wait3A_276 : memref<32x128xf32, #tpu.memory_space<hbm>>)
      tpu.yield
    }) : () -> ()
    %mul3A_150 = arith.constant 640 : i32
    %mul3A_151 = arith.muli %arg1, %mul3A_150 : i32
    %add3A_152 = arith.constant 96 : i32
    %add3A_153 = arith.addi %mul3A_151, %add3A_152 : i32
    "tpu.region"() ({
      %run_scoped3A = tpu.sem_alloc : memref<!tpu.dma_semaphore, #tpu.memory_space<semaphore_mem>>
      %dma_start3A_269 = arith.constant 0 : i32
      %dma_start3A_270 = tpu.memref_slice %arg16[%add3A_153, %dma_start3A_269] : memref<10240x128xf32, #tpu.memory_space<vmem_shared>> -> memref<32x128xf32, #tpu.memory_space<vmem_shared>>
      %dma_start3A_271 = arith.constant 0 : i32
      %dma_start3A_272 = tpu.memref_slice %arg16[%add3A_153, %dma_start3A_271] : memref<10240x128xf32, #tpu.memory_space<vmem_shared>> -> memref<32x128xf32, #tpu.memory_space<vmem_shared>>
      tpu.enqueue_dma source(%dma_start3A_272 : memref<32x128xf32, #tpu.memory_space<vmem_shared>>) target(%arg15 : memref<32x128xf32, #tpu.memory_space<vmem>>) target_semaphore(%run_scoped3A : memref<!tpu.dma_semaphore, #tpu.memory_space<semaphore_mem>>)
      %dma_wait3A_273 = arith.constant 0 : i32
      %dma_wait3A_274 = tpu.memref_slice %arg16[%add3A_153, %dma_wait3A_273] : memref<10240x128xf32, #tpu.memory_space<vmem_shared>> -> memref<32x128xf32, #tpu.memory_space<vmem_shared>>
      %dma_wait3A_275 = arith.constant 0 : i32
      %dma_wait3A_276 = tpu.memref_slice %arg16[%add3A_153, %dma_wait3A_275] : memref<10240x128xf32, #tpu.memory_space<vmem_shared>> -> memref<32x128xf32, #tpu.memory_space<vmem_shared>>
      tpu.wait_dma2 semaphore(%run_scoped3A : memref<!tpu.dma_semaphore, #tpu.memory_space<semaphore_mem>>) src(%dma_wait3A_276 : memref<32x128xf32, #tpu.memory_space<vmem_shared>>) dst(%arg15 : memref<32x128xf32, #tpu.memory_space<vmem>>)
      tpu.yield
    }) : () -> ()
    %mul3A_154 = arith.constant 10240 : i32
    %mul3A_155 = arith.muli %arg0, %mul3A_154 : i32
    %add3A_156 = arith.addi %mul3A_155, %add3A_153 : i32
    "tpu.region"() ({
      %run_scoped3A = tpu.sem_alloc : memref<!tpu.dma_semaphore, #tpu.memory_space<semaphore_mem>>
      %dma_start3A_269 = arith.constant 0 : i32
      %dma_start3A_270 = tpu.memref_slice %arg5[%add3A_156, %dma_start3A_269] : memref<20480x128xf32, #tpu.memory_space<hbm>> -> memref<32x128xf32, #tpu.memory_space<hbm>>
      %dma_start3A_271 = arith.constant 0 : i32
      %dma_start3A_272 = tpu.memref_slice %arg5[%add3A_156, %dma_start3A_271] : memref<20480x128xf32, #tpu.memory_space<hbm>> -> memref<32x128xf32, #tpu.memory_space<hbm>>
      tpu.enqueue_dma source(%arg15 : memref<32x128xf32, #tpu.memory_space<vmem>>) target(%dma_start3A_272 : memref<32x128xf32, #tpu.memory_space<hbm>>) target_semaphore(%run_scoped3A : memref<!tpu.dma_semaphore, #tpu.memory_space<semaphore_mem>>)
      %dma_wait3A_273 = arith.constant 0 : i32
      %dma_wait3A_274 = tpu.memref_slice %arg5[%add3A_156, %dma_wait3A_273] : memref<20480x128xf32, #tpu.memory_space<hbm>> -> memref<32x128xf32, #tpu.memory_space<hbm>>
      %dma_wait3A_275 = arith.constant 0 : i32
      %dma_wait3A_276 = tpu.memref_slice %arg5[%add3A_156, %dma_wait3A_275] : memref<20480x128xf32, #tpu.memory_space<hbm>> -> memref<32x128xf32, #tpu.memory_space<hbm>>
      tpu.wait_dma2 semaphore(%run_scoped3A : memref<!tpu.dma_semaphore, #tpu.memory_space<semaphore_mem>>) src(%arg15 : memref<32x128xf32, #tpu.memory_space<vmem>>) dst(%dma_wait3A_276 : memref<32x128xf32, #tpu.memory_space<hbm>>)
      tpu.yield
    }) : () -> ()
    %mul3A_157 = arith.constant 640 : i32
    %mul3A_158 = arith.muli %arg1, %mul3A_157 : i32
    %add3A_159 = arith.constant 128 : i32
    %add3A_160 = arith.addi %mul3A_158, %add3A_159 : i32
    "tpu.region"() ({
      %run_scoped3A = tpu.sem_alloc : memref<!tpu.dma_semaphore, #tpu.memory_space<semaphore_mem>>
      %dma_start3A_269 = arith.constant 0 : i32
      %dma_start3A_270 = tpu.memref_slice %arg16[%add3A_160, %dma_start3A_269] : memref<10240x128xf32, #tpu.memory_space<vmem_shared>> -> memref<32x128xf32, #tpu.memory_space<vmem_shared>>
      %dma_start3A_271 = arith.constant 0 : i32
      %dma_start3A_272 = tpu.memref_slice %arg16[%add3A_160, %dma_start3A_271] : memref<10240x128xf32, #tpu.memory_space<vmem_shared>> -> memref<32x128xf32, #tpu.memory_space<vmem_shared>>
      tpu.enqueue_dma source(%dma_start3A_272 : memref<32x128xf32, #tpu.memory_space<vmem_shared>>) target(%arg15 : memref<32x128xf32, #tpu.memory_space<vmem>>) target_semaphore(%run_scoped3A : memref<!tpu.dma_semaphore, #tpu.memory_space<semaphore_mem>>)
      %dma_wait3A_273 = arith.constant 0 : i32
      %dma_wait3A_274 = tpu.memref_slice %arg16[%add3A_160, %dma_wait3A_273] : memref<10240x128xf32, #tpu.memory_space<vmem_shared>> -> memref<32x128xf32, #tpu.memory_space<vmem_shared>>
      %dma_wait3A_275 = arith.constant 0 : i32
      %dma_wait3A_276 = tpu.memref_slice %arg16[%add3A_160, %dma_wait3A_275] : memref<10240x128xf32, #tpu.memory_space<vmem_shared>> -> memref<32x128xf32, #tpu.memory_space<vmem_shared>>
      tpu.wait_dma2 semaphore(%run_scoped3A : memref<!tpu.dma_semaphore, #tpu.memory_space<semaphore_mem>>) src(%dma_wait3A_276 : memref<32x128xf32, #tpu.memory_space<vmem_shared>>) dst(%arg15 : memref<32x128xf32, #tpu.memory_space<vmem>>)
      tpu.yield
    }) : () -> ()
    %mul3A_161 = arith.constant 10240 : i32
    %mul3A_162 = arith.muli %arg0, %mul3A_161 : i32
    %add3A_163 = arith.addi %mul3A_162, %add3A_160 : i32
    "tpu.region"() ({
      %run_scoped3A = tpu.sem_alloc : memref<!tpu.dma_semaphore, #tpu.memory_space<semaphore_mem>>
      %dma_start3A_269 = arith.constant 0 : i32
      %dma_start3A_270 = tpu.memref_slice %arg5[%add3A_163, %dma_start3A_269] : memref<20480x128xf32, #tpu.memory_space<hbm>> -> memref<32x128xf32, #tpu.memory_space<hbm>>
      %dma_start3A_271 = arith.constant 0 : i32
      %dma_start3A_272 = tpu.memref_slice %arg5[%add3A_163, %dma_start3A_271] : memref<20480x128xf32, #tpu.memory_space<hbm>> -> memref<32x128xf32, #tpu.memory_space<hbm>>
      tpu.enqueue_dma source(%arg15 : memref<32x128xf32, #tpu.memory_space<vmem>>) target(%dma_start3A_272 : memref<32x128xf32, #tpu.memory_space<hbm>>) target_semaphore(%run_scoped3A : memref<!tpu.dma_semaphore, #tpu.memory_space<semaphore_mem>>)
      %dma_wait3A_273 = arith.constant 0 : i32
      %dma_wait3A_274 = tpu.memref_slice %arg5[%add3A_163, %dma_wait3A_273] : memref<20480x128xf32, #tpu.memory_space<hbm>> -> memref<32x128xf32, #tpu.memory_space<hbm>>
      %dma_wait3A_275 = arith.constant 0 : i32
      %dma_wait3A_276 = tpu.memref_slice %arg5[%add3A_163, %dma_wait3A_275] : memref<20480x128xf32, #tpu.memory_space<hbm>> -> memref<32x128xf32, #tpu.memory_space<hbm>>
      tpu.wait_dma2 semaphore(%run_scoped3A : memref<!tpu.dma_semaphore, #tpu.memory_space<semaphore_mem>>) src(%arg15 : memref<32x128xf32, #tpu.memory_space<vmem>>) dst(%dma_wait3A_276 : memref<32x128xf32, #tpu.memory_space<hbm>>)
      tpu.yield
    }) : () -> ()
    %mul3A_164 = arith.constant 640 : i32
    %mul3A_165 = arith.muli %arg1, %mul3A_164 : i32
    %add3A_166 = arith.constant 160 : i32
    %add3A_167 = arith.addi %mul3A_165, %add3A_166 : i32
    "tpu.region"() ({
      %run_scoped3A = tpu.sem_alloc : memref<!tpu.dma_semaphore, #tpu.memory_space<semaphore_mem>>
      %dma_start3A_269 = arith.constant 0 : i32
      %dma_start3A_270 = tpu.memref_slice %arg16[%add3A_167, %dma_start3A_269] : memref<10240x128xf32, #tpu.memory_space<vmem_shared>> -> memref<32x128xf32, #tpu.memory_space<vmem_shared>>
      %dma_start3A_271 = arith.constant 0 : i32
      %dma_start3A_272 = tpu.memref_slice %arg16[%add3A_167, %dma_start3A_271] : memref<10240x128xf32, #tpu.memory_space<vmem_shared>> -> memref<32x128xf32, #tpu.memory_space<vmem_shared>>
      tpu.enqueue_dma source(%dma_start3A_272 : memref<32x128xf32, #tpu.memory_space<vmem_shared>>) target(%arg15 : memref<32x128xf32, #tpu.memory_space<vmem>>) target_semaphore(%run_scoped3A : memref<!tpu.dma_semaphore, #tpu.memory_space<semaphore_mem>>)
      %dma_wait3A_273 = arith.constant 0 : i32
      %dma_wait3A_274 = tpu.memref_slice %arg16[%add3A_167, %dma_wait3A_273] : memref<10240x128xf32, #tpu.memory_space<vmem_shared>> -> memref<32x128xf32, #tpu.memory_space<vmem_shared>>
      %dma_wait3A_275 = arith.constant 0 : i32
      %dma_wait3A_276 = tpu.memref_slice %arg16[%add3A_167, %dma_wait3A_275] : memref<10240x128xf32, #tpu.memory_space<vmem_shared>> -> memref<32x128xf32, #tpu.memory_space<vmem_shared>>
      tpu.wait_dma2 semaphore(%run_scoped3A : memref<!tpu.dma_semaphore, #tpu.memory_space<semaphore_mem>>) src(%dma_wait3A_276 : memref<32x128xf32, #tpu.memory_space<vmem_shared>>) dst(%arg15 : memref<32x128xf32, #tpu.memory_space<vmem>>)
      tpu.yield
    }) : () -> ()
    %mul3A_168 = arith.constant 10240 : i32
    %mul3A_169 = arith.muli %arg0, %mul3A_168 : i32
    %add3A_170 = arith.addi %mul3A_169, %add3A_167 : i32
    "tpu.region"() ({
      %run_scoped3A = tpu.sem_alloc : memref<!tpu.dma_semaphore, #tpu.memory_space<semaphore_mem>>
      %dma_start3A_269 = arith.constant 0 : i32
      %dma_start3A_270 = tpu.memref_slice %arg5[%add3A_170, %dma_start3A_269] : memref<20480x128xf32, #tpu.memory_space<hbm>> -> memref<32x128xf32, #tpu.memory_space<hbm>>
      %dma_start3A_271 = arith.constant 0 : i32
      %dma_start3A_272 = tpu.memref_slice %arg5[%add3A_170, %dma_start3A_271] : memref<20480x128xf32, #tpu.memory_space<hbm>> -> memref<32x128xf32, #tpu.memory_space<hbm>>
      tpu.enqueue_dma source(%arg15 : memref<32x128xf32, #tpu.memory_space<vmem>>) target(%dma_start3A_272 : memref<32x128xf32, #tpu.memory_space<hbm>>) target_semaphore(%run_scoped3A : memref<!tpu.dma_semaphore, #tpu.memory_space<semaphore_mem>>)
      %dma_wait3A_273 = arith.constant 0 : i32
      %dma_wait3A_274 = tpu.memref_slice %arg5[%add3A_170, %dma_wait3A_273] : memref<20480x128xf32, #tpu.memory_space<hbm>> -> memref<32x128xf32, #tpu.memory_space<hbm>>
      %dma_wait3A_275 = arith.constant 0 : i32
      %dma_wait3A_276 = tpu.memref_slice %arg5[%add3A_170, %dma_wait3A_275] : memref<20480x128xf32, #tpu.memory_space<hbm>> -> memref<32x128xf32, #tpu.memory_space<hbm>>
      tpu.wait_dma2 semaphore(%run_scoped3A : memref<!tpu.dma_semaphore, #tpu.memory_space<semaphore_mem>>) src(%arg15 : memref<32x128xf32, #tpu.memory_space<vmem>>) dst(%dma_wait3A_276 : memref<32x128xf32, #tpu.memory_space<hbm>>)
      tpu.yield
    }) : () -> ()
    %mul3A_171 = arith.constant 640 : i32
    %mul3A_172 = arith.muli %arg1, %mul3A_171 : i32
    %add3A_173 = arith.constant 192 : i32
    %add3A_174 = arith.addi %mul3A_172, %add3A_173 : i32
    "tpu.region"() ({
      %run_scoped3A = tpu.sem_alloc : memref<!tpu.dma_semaphore, #tpu.memory_space<semaphore_mem>>
      %dma_start3A_269 = arith.constant 0 : i32
      %dma_start3A_270 = tpu.memref_slice %arg16[%add3A_174, %dma_start3A_269] : memref<10240x128xf32, #tpu.memory_space<vmem_shared>> -> memref<32x128xf32, #tpu.memory_space<vmem_shared>>
      %dma_start3A_271 = arith.constant 0 : i32
      %dma_start3A_272 = tpu.memref_slice %arg16[%add3A_174, %dma_start3A_271] : memref<10240x128xf32, #tpu.memory_space<vmem_shared>> -> memref<32x128xf32, #tpu.memory_space<vmem_shared>>
      tpu.enqueue_dma source(%dma_start3A_272 : memref<32x128xf32, #tpu.memory_space<vmem_shared>>) target(%arg15 : memref<32x128xf32, #tpu.memory_space<vmem>>) target_semaphore(%run_scoped3A : memref<!tpu.dma_semaphore, #tpu.memory_space<semaphore_mem>>)
      %dma_wait3A_273 = arith.constant 0 : i32
      %dma_wait3A_274 = tpu.memref_slice %arg16[%add3A_174, %dma_wait3A_273] : memref<10240x128xf32, #tpu.memory_space<vmem_shared>> -> memref<32x128xf32, #tpu.memory_space<vmem_shared>>
      %dma_wait3A_275 = arith.constant 0 : i32
      %dma_wait3A_276 = tpu.memref_slice %arg16[%add3A_174, %dma_wait3A_275] : memref<10240x128xf32, #tpu.memory_space<vmem_shared>> -> memref<32x128xf32, #tpu.memory_space<vmem_shared>>
      tpu.wait_dma2 semaphore(%run_scoped3A : memref<!tpu.dma_semaphore, #tpu.memory_space<semaphore_mem>>) src(%dma_wait3A_276 : memref<32x128xf32, #tpu.memory_space<vmem_shared>>) dst(%arg15 : memref<32x128xf32, #tpu.memory_space<vmem>>)
      tpu.yield
    }) : () -> ()
    %mul3A_175 = arith.constant 10240 : i32
    %mul3A_176 = arith.muli %arg0, %mul3A_175 : i32
    %add3A_177 = arith.addi %mul3A_176, %add3A_174 : i32
    "tpu.region"() ({
      %run_scoped3A = tpu.sem_alloc : memref<!tpu.dma_semaphore, #tpu.memory_space<semaphore_mem>>
      %dma_start3A_269 = arith.constant 0 : i32
      %dma_start3A_270 = tpu.memref_slice %arg5[%add3A_177, %dma_start3A_269] : memref<20480x128xf32, #tpu.memory_space<hbm>> -> memref<32x128xf32, #tpu.memory_space<hbm>>
      %dma_start3A_271 = arith.constant 0 : i32
      %dma_start3A_272 = tpu.memref_slice %arg5[%add3A_177, %dma_start3A_271] : memref<20480x128xf32, #tpu.memory_space<hbm>> -> memref<32x128xf32, #tpu.memory_space<hbm>>
      tpu.enqueue_dma source(%arg15 : memref<32x128xf32, #tpu.memory_space<vmem>>) target(%dma_start3A_272 : memref<32x128xf32, #tpu.memory_space<hbm>>) target_semaphore(%run_scoped3A : memref<!tpu.dma_semaphore, #tpu.memory_space<semaphore_mem>>)
      %dma_wait3A_273 = arith.constant 0 : i32
      %dma_wait3A_274 = tpu.memref_slice %arg5[%add3A_177, %dma_wait3A_273] : memref<20480x128xf32, #tpu.memory_space<hbm>> -> memref<32x128xf32, #tpu.memory_space<hbm>>
      %dma_wait3A_275 = arith.constant 0 : i32
      %dma_wait3A_276 = tpu.memref_slice %arg5[%add3A_177, %dma_wait3A_275] : memref<20480x128xf32, #tpu.memory_space<hbm>> -> memref<32x128xf32, #tpu.memory_space<hbm>>
      tpu.wait_dma2 semaphore(%run_scoped3A : memref<!tpu.dma_semaphore, #tpu.memory_space<semaphore_mem>>) src(%arg15 : memref<32x128xf32, #tpu.memory_space<vmem>>) dst(%dma_wait3A_276 : memref<32x128xf32, #tpu.memory_space<hbm>>)
      tpu.yield
    }) : () -> ()
    %mul3A_178 = arith.constant 640 : i32
    %mul3A_179 = arith.muli %arg1, %mul3A_178 : i32
    %add3A_180 = arith.constant 224 : i32
    %add3A_181 = arith.addi %mul3A_179, %add3A_180 : i32
    "tpu.region"() ({
      %run_scoped3A = tpu.sem_alloc : memref<!tpu.dma_semaphore, #tpu.memory_space<semaphore_mem>>
      %dma_start3A_269 = arith.constant 0 : i32
      %dma_start3A_270 = tpu.memref_slice %arg16[%add3A_181, %dma_start3A_269] : memref<10240x128xf32, #tpu.memory_space<vmem_shared>> -> memref<32x128xf32, #tpu.memory_space<vmem_shared>>
      %dma_start3A_271 = arith.constant 0 : i32
      %dma_start3A_272 = tpu.memref_slice %arg16[%add3A_181, %dma_start3A_271] : memref<10240x128xf32, #tpu.memory_space<vmem_shared>> -> memref<32x128xf32, #tpu.memory_space<vmem_shared>>
      tpu.enqueue_dma source(%dma_start3A_272 : memref<32x128xf32, #tpu.memory_space<vmem_shared>>) target(%arg15 : memref<32x128xf32, #tpu.memory_space<vmem>>) target_semaphore(%run_scoped3A : memref<!tpu.dma_semaphore, #tpu.memory_space<semaphore_mem>>)
      %dma_wait3A_273 = arith.constant 0 : i32
      %dma_wait3A_274 = tpu.memref_slice %arg16[%add3A_181, %dma_wait3A_273] : memref<10240x128xf32, #tpu.memory_space<vmem_shared>> -> memref<32x128xf32, #tpu.memory_space<vmem_shared>>
      %dma_wait3A_275 = arith.constant 0 : i32
      %dma_wait3A_276 = tpu.memref_slice %arg16[%add3A_181, %dma_wait3A_275] : memref<10240x128xf32, #tpu.memory_space<vmem_shared>> -> memref<32x128xf32, #tpu.memory_space<vmem_shared>>
      tpu.wait_dma2 semaphore(%run_scoped3A : memref<!tpu.dma_semaphore, #tpu.memory_space<semaphore_mem>>) src(%dma_wait3A_276 : memref<32x128xf32, #tpu.memory_space<vmem_shared>>) dst(%arg15 : memref<32x128xf32, #tpu.memory_space<vmem>>)
      tpu.yield
    }) : () -> ()
    %mul3A_182 = arith.constant 10240 : i32
    %mul3A_183 = arith.muli %arg0, %mul3A_182 : i32
    %add3A_184 = arith.addi %mul3A_183, %add3A_181 : i32
    "tpu.region"() ({
      %run_scoped3A = tpu.sem_alloc : memref<!tpu.dma_semaphore, #tpu.memory_space<semaphore_mem>>
      %dma_start3A_269 = arith.constant 0 : i32
      %dma_start3A_270 = tpu.memref_slice %arg5[%add3A_184, %dma_start3A_269] : memref<20480x128xf32, #tpu.memory_space<hbm>> -> memref<32x128xf32, #tpu.memory_space<hbm>>
      %dma_start3A_271 = arith.constant 0 : i32
      %dma_start3A_272 = tpu.memref_slice %arg5[%add3A_184, %dma_start3A_271] : memref<20480x128xf32, #tpu.memory_space<hbm>> -> memref<32x128xf32, #tpu.memory_space<hbm>>
      tpu.enqueue_dma source(%arg15 : memref<32x128xf32, #tpu.memory_space<vmem>>) target(%dma_start3A_272 : memref<32x128xf32, #tpu.memory_space<hbm>>) target_semaphore(%run_scoped3A : memref<!tpu.dma_semaphore, #tpu.memory_space<semaphore_mem>>)
      %dma_wait3A_273 = arith.constant 0 : i32
      %dma_wait3A_274 = tpu.memref_slice %arg5[%add3A_184, %dma_wait3A_273] : memref<20480x128xf32, #tpu.memory_space<hbm>> -> memref<32x128xf32, #tpu.memory_space<hbm>>
      %dma_wait3A_275 = arith.constant 0 : i32
      %dma_wait3A_276 = tpu.memref_slice %arg5[%add3A_184, %dma_wait3A_275] : memref<20480x128xf32, #tpu.memory_space<hbm>> -> memref<32x128xf32, #tpu.memory_space<hbm>>
      tpu.wait_dma2 semaphore(%run_scoped3A : memref<!tpu.dma_semaphore, #tpu.memory_space<semaphore_mem>>) src(%arg15 : memref<32x128xf32, #tpu.memory_space<vmem>>) dst(%dma_wait3A_276 : memref<32x128xf32, #tpu.memory_space<hbm>>)
      tpu.yield
    }) : () -> ()
    %mul3A_185 = arith.constant 640 : i32
    %mul3A_186 = arith.muli %arg1, %mul3A_185 : i32
    %add3A_187 = arith.constant 256 : i32
    %add3A_188 = arith.addi %mul3A_186, %add3A_187 : i32
    "tpu.region"() ({
      %run_scoped3A = tpu.sem_alloc : memref<!tpu.dma_semaphore, #tpu.memory_space<semaphore_mem>>
      %dma_start3A_269 = arith.constant 0 : i32
      %dma_start3A_270 = tpu.memref_slice %arg16[%add3A_188, %dma_start3A_269] : memref<10240x128xf32, #tpu.memory_space<vmem_shared>> -> memref<32x128xf32, #tpu.memory_space<vmem_shared>>
      %dma_start3A_271 = arith.constant 0 : i32
      %dma_start3A_272 = tpu.memref_slice %arg16[%add3A_188, %dma_start3A_271] : memref<10240x128xf32, #tpu.memory_space<vmem_shared>> -> memref<32x128xf32, #tpu.memory_space<vmem_shared>>
      tpu.enqueue_dma source(%dma_start3A_272 : memref<32x128xf32, #tpu.memory_space<vmem_shared>>) target(%arg15 : memref<32x128xf32, #tpu.memory_space<vmem>>) target_semaphore(%run_scoped3A : memref<!tpu.dma_semaphore, #tpu.memory_space<semaphore_mem>>)
      %dma_wait3A_273 = arith.constant 0 : i32
      %dma_wait3A_274 = tpu.memref_slice %arg16[%add3A_188, %dma_wait3A_273] : memref<10240x128xf32, #tpu.memory_space<vmem_shared>> -> memref<32x128xf32, #tpu.memory_space<vmem_shared>>
      %dma_wait3A_275 = arith.constant 0 : i32
      %dma_wait3A_276 = tpu.memref_slice %arg16[%add3A_188, %dma_wait3A_275] : memref<10240x128xf32, #tpu.memory_space<vmem_shared>> -> memref<32x128xf32, #tpu.memory_space<vmem_shared>>
      tpu.wait_dma2 semaphore(%run_scoped3A : memref<!tpu.dma_semaphore, #tpu.memory_space<semaphore_mem>>) src(%dma_wait3A_276 : memref<32x128xf32, #tpu.memory_space<vmem_shared>>) dst(%arg15 : memref<32x128xf32, #tpu.memory_space<vmem>>)
      tpu.yield
    }) : () -> ()
    %mul3A_189 = arith.constant 10240 : i32
    %mul3A_190 = arith.muli %arg0, %mul3A_189 : i32
    %add3A_191 = arith.addi %mul3A_190, %add3A_188 : i32
    "tpu.region"() ({
      %run_scoped3A = tpu.sem_alloc : memref<!tpu.dma_semaphore, #tpu.memory_space<semaphore_mem>>
      %dma_start3A_269 = arith.constant 0 : i32
      %dma_start3A_270 = tpu.memref_slice %arg5[%add3A_191, %dma_start3A_269] : memref<20480x128xf32, #tpu.memory_space<hbm>> -> memref<32x128xf32, #tpu.memory_space<hbm>>
      %dma_start3A_271 = arith.constant 0 : i32
      %dma_start3A_272 = tpu.memref_slice %arg5[%add3A_191, %dma_start3A_271] : memref<20480x128xf32, #tpu.memory_space<hbm>> -> memref<32x128xf32, #tpu.memory_space<hbm>>
      tpu.enqueue_dma source(%arg15 : memref<32x128xf32, #tpu.memory_space<vmem>>) target(%dma_start3A_272 : memref<32x128xf32, #tpu.memory_space<hbm>>) target_semaphore(%run_scoped3A : memref<!tpu.dma_semaphore, #tpu.memory_space<semaphore_mem>>)
      %dma_wait3A_273 = arith.constant 0 : i32
      %dma_wait3A_274 = tpu.memref_slice %arg5[%add3A_191, %dma_wait3A_273] : memref<20480x128xf32, #tpu.memory_space<hbm>> -> memref<32x128xf32, #tpu.memory_space<hbm>>
      %dma_wait3A_275 = arith.constant 0 : i32
      %dma_wait3A_276 = tpu.memref_slice %arg5[%add3A_191, %dma_wait3A_275] : memref<20480x128xf32, #tpu.memory_space<hbm>> -> memref<32x128xf32, #tpu.memory_space<hbm>>
      tpu.wait_dma2 semaphore(%run_scoped3A : memref<!tpu.dma_semaphore, #tpu.memory_space<semaphore_mem>>) src(%arg15 : memref<32x128xf32, #tpu.memory_space<vmem>>) dst(%dma_wait3A_276 : memref<32x128xf32, #tpu.memory_space<hbm>>)
      tpu.yield
    }) : () -> ()
    %mul3A_192 = arith.constant 640 : i32
    %mul3A_193 = arith.muli %arg1, %mul3A_192 : i32
    %add3A_194 = arith.constant 288 : i32
    %add3A_195 = arith.addi %mul3A_193, %add3A_194 : i32
    "tpu.region"() ({
      %run_scoped3A = tpu.sem_alloc : memref<!tpu.dma_semaphore, #tpu.memory_space<semaphore_mem>>
      %dma_start3A_269 = arith.constant 0 : i32
      %dma_start3A_270 = tpu.memref_slice %arg16[%add3A_195, %dma_start3A_269] : memref<10240x128xf32, #tpu.memory_space<vmem_shared>> -> memref<32x128xf32, #tpu.memory_space<vmem_shared>>
      %dma_start3A_271 = arith.constant 0 : i32
      %dma_start3A_272 = tpu.memref_slice %arg16[%add3A_195, %dma_start3A_271] : memref<10240x128xf32, #tpu.memory_space<vmem_shared>> -> memref<32x128xf32, #tpu.memory_space<vmem_shared>>
      tpu.enqueue_dma source(%dma_start3A_272 : memref<32x128xf32, #tpu.memory_space<vmem_shared>>) target(%arg15 : memref<32x128xf32, #tpu.memory_space<vmem>>) target_semaphore(%run_scoped3A : memref<!tpu.dma_semaphore, #tpu.memory_space<semaphore_mem>>)
      %dma_wait3A_273 = arith.constant 0 : i32
      %dma_wait3A_274 = tpu.memref_slice %arg16[%add3A_195, %dma_wait3A_273] : memref<10240x128xf32, #tpu.memory_space<vmem_shared>> -> memref<32x128xf32, #tpu.memory_space<vmem_shared>>
      %dma_wait3A_275 = arith.constant 0 : i32
      %dma_wait3A_276 = tpu.memref_slice %arg16[%add3A_195, %dma_wait3A_275] : memref<10240x128xf32, #tpu.memory_space<vmem_shared>> -> memref<32x128xf32, #tpu.memory_space<vmem_shared>>
      tpu.wait_dma2 semaphore(%run_scoped3A : memref<!tpu.dma_semaphore, #tpu.memory_space<semaphore_mem>>) src(%dma_wait3A_276 : memref<32x128xf32, #tpu.memory_space<vmem_shared>>) dst(%arg15 : memref<32x128xf32, #tpu.memory_space<vmem>>)
      tpu.yield
    }) : () -> ()
    %mul3A_196 = arith.constant 10240 : i32
    %mul3A_197 = arith.muli %arg0, %mul3A_196 : i32
    %add3A_198 = arith.addi %mul3A_197, %add3A_195 : i32
    "tpu.region"() ({
      %run_scoped3A = tpu.sem_alloc : memref<!tpu.dma_semaphore, #tpu.memory_space<semaphore_mem>>
      %dma_start3A_269 = arith.constant 0 : i32
      %dma_start3A_270 = tpu.memref_slice %arg5[%add3A_198, %dma_start3A_269] : memref<20480x128xf32, #tpu.memory_space<hbm>> -> memref<32x128xf32, #tpu.memory_space<hbm>>
      %dma_start3A_271 = arith.constant 0 : i32
      %dma_start3A_272 = tpu.memref_slice %arg5[%add3A_198, %dma_start3A_271] : memref<20480x128xf32, #tpu.memory_space<hbm>> -> memref<32x128xf32, #tpu.memory_space<hbm>>
      tpu.enqueue_dma source(%arg15 : memref<32x128xf32, #tpu.memory_space<vmem>>) target(%dma_start3A_272 : memref<32x128xf32, #tpu.memory_space<hbm>>) target_semaphore(%run_scoped3A : memref<!tpu.dma_semaphore, #tpu.memory_space<semaphore_mem>>)
      %dma_wait3A_273 = arith.constant 0 : i32
      %dma_wait3A_274 = tpu.memref_slice %arg5[%add3A_198, %dma_wait3A_273] : memref<20480x128xf32, #tpu.memory_space<hbm>> -> memref<32x128xf32, #tpu.memory_space<hbm>>
      %dma_wait3A_275 = arith.constant 0 : i32
      %dma_wait3A_276 = tpu.memref_slice %arg5[%add3A_198, %dma_wait3A_275] : memref<20480x128xf32, #tpu.memory_space<hbm>> -> memref<32x128xf32, #tpu.memory_space<hbm>>
      tpu.wait_dma2 semaphore(%run_scoped3A : memref<!tpu.dma_semaphore, #tpu.memory_space<semaphore_mem>>) src(%arg15 : memref<32x128xf32, #tpu.memory_space<vmem>>) dst(%dma_wait3A_276 : memref<32x128xf32, #tpu.memory_space<hbm>>)
      tpu.yield
    }) : () -> ()
    %mul3A_199 = arith.constant 640 : i32
    %mul3A_200 = arith.muli %arg1, %mul3A_199 : i32
    %add3A_201 = arith.constant 320 : i32
    %add3A_202 = arith.addi %mul3A_200, %add3A_201 : i32
    "tpu.region"() ({
      %run_scoped3A = tpu.sem_alloc : memref<!tpu.dma_semaphore, #tpu.memory_space<semaphore_mem>>
      %dma_start3A_269 = arith.constant 0 : i32
      %dma_start3A_270 = tpu.memref_slice %arg16[%add3A_202, %dma_start3A_269] : memref<10240x128xf32, #tpu.memory_space<vmem_shared>> -> memref<32x128xf32, #tpu.memory_space<vmem_shared>>
      %dma_start3A_271 = arith.constant 0 : i32
      %dma_start3A_272 = tpu.memref_slice %arg16[%add3A_202, %dma_start3A_271] : memref<10240x128xf32, #tpu.memory_space<vmem_shared>> -> memref<32x128xf32, #tpu.memory_space<vmem_shared>>
      tpu.enqueue_dma source(%dma_start3A_272 : memref<32x128xf32, #tpu.memory_space<vmem_shared>>) target(%arg15 : memref<32x128xf32, #tpu.memory_space<vmem>>) target_semaphore(%run_scoped3A : memref<!tpu.dma_semaphore, #tpu.memory_space<semaphore_mem>>)
      %dma_wait3A_273 = arith.constant 0 : i32
      %dma_wait3A_274 = tpu.memref_slice %arg16[%add3A_202, %dma_wait3A_273] : memref<10240x128xf32, #tpu.memory_space<vmem_shared>> -> memref<32x128xf32, #tpu.memory_space<vmem_shared>>
      %dma_wait3A_275 = arith.constant 0 : i32
      %dma_wait3A_276 = tpu.memref_slice %arg16[%add3A_202, %dma_wait3A_275] : memref<10240x128xf32, #tpu.memory_space<vmem_shared>> -> memref<32x128xf32, #tpu.memory_space<vmem_shared>>
      tpu.wait_dma2 semaphore(%run_scoped3A : memref<!tpu.dma_semaphore, #tpu.memory_space<semaphore_mem>>) src(%dma_wait3A_276 : memref<32x128xf32, #tpu.memory_space<vmem_shared>>) dst(%arg15 : memref<32x128xf32, #tpu.memory_space<vmem>>)
      tpu.yield
    }) : () -> ()
    %mul3A_203 = arith.constant 10240 : i32
    %mul3A_204 = arith.muli %arg0, %mul3A_203 : i32
    %add3A_205 = arith.addi %mul3A_204, %add3A_202 : i32
    "tpu.region"() ({
      %run_scoped3A = tpu.sem_alloc : memref<!tpu.dma_semaphore, #tpu.memory_space<semaphore_mem>>
      %dma_start3A_269 = arith.constant 0 : i32
      %dma_start3A_270 = tpu.memref_slice %arg5[%add3A_205, %dma_start3A_269] : memref<20480x128xf32, #tpu.memory_space<hbm>> -> memref<32x128xf32, #tpu.memory_space<hbm>>
      %dma_start3A_271 = arith.constant 0 : i32
      %dma_start3A_272 = tpu.memref_slice %arg5[%add3A_205, %dma_start3A_271] : memref<20480x128xf32, #tpu.memory_space<hbm>> -> memref<32x128xf32, #tpu.memory_space<hbm>>
      tpu.enqueue_dma source(%arg15 : memref<32x128xf32, #tpu.memory_space<vmem>>) target(%dma_start3A_272 : memref<32x128xf32, #tpu.memory_space<hbm>>) target_semaphore(%run_scoped3A : memref<!tpu.dma_semaphore, #tpu.memory_space<semaphore_mem>>)
      %dma_wait3A_273 = arith.constant 0 : i32
      %dma_wait3A_274 = tpu.memref_slice %arg5[%add3A_205, %dma_wait3A_273] : memref<20480x128xf32, #tpu.memory_space<hbm>> -> memref<32x128xf32, #tpu.memory_space<hbm>>
      %dma_wait3A_275 = arith.constant 0 : i32
      %dma_wait3A_276 = tpu.memref_slice %arg5[%add3A_205, %dma_wait3A_275] : memref<20480x128xf32, #tpu.memory_space<hbm>> -> memref<32x128xf32, #tpu.memory_space<hbm>>
      tpu.wait_dma2 semaphore(%run_scoped3A : memref<!tpu.dma_semaphore, #tpu.memory_space<semaphore_mem>>) src(%arg15 : memref<32x128xf32, #tpu.memory_space<vmem>>) dst(%dma_wait3A_276 : memref<32x128xf32, #tpu.memory_space<hbm>>)
      tpu.yield
    }) : () -> ()
    %mul3A_206 = arith.constant 640 : i32
    %mul3A_207 = arith.muli %arg1, %mul3A_206 : i32
    %add3A_208 = arith.constant 352 : i32
    %add3A_209 = arith.addi %mul3A_207, %add3A_208 : i32
    "tpu.region"() ({
      %run_scoped3A = tpu.sem_alloc : memref<!tpu.dma_semaphore, #tpu.memory_space<semaphore_mem>>
      %dma_start3A_269 = arith.constant 0 : i32
      %dma_start3A_270 = tpu.memref_slice %arg16[%add3A_209, %dma_start3A_269] : memref<10240x128xf32, #tpu.memory_space<vmem_shared>> -> memref<32x128xf32, #tpu.memory_space<vmem_shared>>
      %dma_start3A_271 = arith.constant 0 : i32
      %dma_start3A_272 = tpu.memref_slice %arg16[%add3A_209, %dma_start3A_271] : memref<10240x128xf32, #tpu.memory_space<vmem_shared>> -> memref<32x128xf32, #tpu.memory_space<vmem_shared>>
      tpu.enqueue_dma source(%dma_start3A_272 : memref<32x128xf32, #tpu.memory_space<vmem_shared>>) target(%arg15 : memref<32x128xf32, #tpu.memory_space<vmem>>) target_semaphore(%run_scoped3A : memref<!tpu.dma_semaphore, #tpu.memory_space<semaphore_mem>>)
      %dma_wait3A_273 = arith.constant 0 : i32
      %dma_wait3A_274 = tpu.memref_slice %arg16[%add3A_209, %dma_wait3A_273] : memref<10240x128xf32, #tpu.memory_space<vmem_shared>> -> memref<32x128xf32, #tpu.memory_space<vmem_shared>>
      %dma_wait3A_275 = arith.constant 0 : i32
      %dma_wait3A_276 = tpu.memref_slice %arg16[%add3A_209, %dma_wait3A_275] : memref<10240x128xf32, #tpu.memory_space<vmem_shared>> -> memref<32x128xf32, #tpu.memory_space<vmem_shared>>
      tpu.wait_dma2 semaphore(%run_scoped3A : memref<!tpu.dma_semaphore, #tpu.memory_space<semaphore_mem>>) src(%dma_wait3A_276 : memref<32x128xf32, #tpu.memory_space<vmem_shared>>) dst(%arg15 : memref<32x128xf32, #tpu.memory_space<vmem>>)
      tpu.yield
    }) : () -> ()
    %mul3A_210 = arith.constant 10240 : i32
    %mul3A_211 = arith.muli %arg0, %mul3A_210 : i32
    %add3A_212 = arith.addi %mul3A_211, %add3A_209 : i32
    "tpu.region"() ({
      %run_scoped3A = tpu.sem_alloc : memref<!tpu.dma_semaphore, #tpu.memory_space<semaphore_mem>>
      %dma_start3A_269 = arith.constant 0 : i32
      %dma_start3A_270 = tpu.memref_slice %arg5[%add3A_212, %dma_start3A_269] : memref<20480x128xf32, #tpu.memory_space<hbm>> -> memref<32x128xf32, #tpu.memory_space<hbm>>
      %dma_start3A_271 = arith.constant 0 : i32
      %dma_start3A_272 = tpu.memref_slice %arg5[%add3A_212, %dma_start3A_271] : memref<20480x128xf32, #tpu.memory_space<hbm>> -> memref<32x128xf32, #tpu.memory_space<hbm>>
      tpu.enqueue_dma source(%arg15 : memref<32x128xf32, #tpu.memory_space<vmem>>) target(%dma_start3A_272 : memref<32x128xf32, #tpu.memory_space<hbm>>) target_semaphore(%run_scoped3A : memref<!tpu.dma_semaphore, #tpu.memory_space<semaphore_mem>>)
      %dma_wait3A_273 = arith.constant 0 : i32
      %dma_wait3A_274 = tpu.memref_slice %arg5[%add3A_212, %dma_wait3A_273] : memref<20480x128xf32, #tpu.memory_space<hbm>> -> memref<32x128xf32, #tpu.memory_space<hbm>>
      %dma_wait3A_275 = arith.constant 0 : i32
      %dma_wait3A_276 = tpu.memref_slice %arg5[%add3A_212, %dma_wait3A_275] : memref<20480x128xf32, #tpu.memory_space<hbm>> -> memref<32x128xf32, #tpu.memory_space<hbm>>
      tpu.wait_dma2 semaphore(%run_scoped3A : memref<!tpu.dma_semaphore, #tpu.memory_space<semaphore_mem>>) src(%arg15 : memref<32x128xf32, #tpu.memory_space<vmem>>) dst(%dma_wait3A_276 : memref<32x128xf32, #tpu.memory_space<hbm>>)
      tpu.yield
    }) : () -> ()
    %mul3A_213 = arith.constant 640 : i32
    %mul3A_214 = arith.muli %arg1, %mul3A_213 : i32
    %add3A_215 = arith.constant 384 : i32
    %add3A_216 = arith.addi %mul3A_214, %add3A_215 : i32
    "tpu.region"() ({
      %run_scoped3A = tpu.sem_alloc : memref<!tpu.dma_semaphore, #tpu.memory_space<semaphore_mem>>
      %dma_start3A_269 = arith.constant 0 : i32
      %dma_start3A_270 = tpu.memref_slice %arg16[%add3A_216, %dma_start3A_269] : memref<10240x128xf32, #tpu.memory_space<vmem_shared>> -> memref<32x128xf32, #tpu.memory_space<vmem_shared>>
      %dma_start3A_271 = arith.constant 0 : i32
      %dma_start3A_272 = tpu.memref_slice %arg16[%add3A_216, %dma_start3A_271] : memref<10240x128xf32, #tpu.memory_space<vmem_shared>> -> memref<32x128xf32, #tpu.memory_space<vmem_shared>>
      tpu.enqueue_dma source(%dma_start3A_272 : memref<32x128xf32, #tpu.memory_space<vmem_shared>>) target(%arg15 : memref<32x128xf32, #tpu.memory_space<vmem>>) target_semaphore(%run_scoped3A : memref<!tpu.dma_semaphore, #tpu.memory_space<semaphore_mem>>)
      %dma_wait3A_273 = arith.constant 0 : i32
      %dma_wait3A_274 = tpu.memref_slice %arg16[%add3A_216, %dma_wait3A_273] : memref<10240x128xf32, #tpu.memory_space<vmem_shared>> -> memref<32x128xf32, #tpu.memory_space<vmem_shared>>
      %dma_wait3A_275 = arith.constant 0 : i32
      %dma_wait3A_276 = tpu.memref_slice %arg16[%add3A_216, %dma_wait3A_275] : memref<10240x128xf32, #tpu.memory_space<vmem_shared>> -> memref<32x128xf32, #tpu.memory_space<vmem_shared>>
      tpu.wait_dma2 semaphore(%run_scoped3A : memref<!tpu.dma_semaphore, #tpu.memory_space<semaphore_mem>>) src(%dma_wait3A_276 : memref<32x128xf32, #tpu.memory_space<vmem_shared>>) dst(%arg15 : memref<32x128xf32, #tpu.memory_space<vmem>>)
      tpu.yield
    }) : () -> ()
    %mul3A_217 = arith.constant 10240 : i32
    %mul3A_218 = arith.muli %arg0, %mul3A_217 : i32
    %add3A_219 = arith.addi %mul3A_218, %add3A_216 : i32
    "tpu.region"() ({
      %run_scoped3A = tpu.sem_alloc : memref<!tpu.dma_semaphore, #tpu.memory_space<semaphore_mem>>
      %dma_start3A_269 = arith.constant 0 : i32
      %dma_start3A_270 = tpu.memref_slice %arg5[%add3A_219, %dma_start3A_269] : memref<20480x128xf32, #tpu.memory_space<hbm>> -> memref<32x128xf32, #tpu.memory_space<hbm>>
      %dma_start3A_271 = arith.constant 0 : i32
      %dma_start3A_272 = tpu.memref_slice %arg5[%add3A_219, %dma_start3A_271] : memref<20480x128xf32, #tpu.memory_space<hbm>> -> memref<32x128xf32, #tpu.memory_space<hbm>>
      tpu.enqueue_dma source(%arg15 : memref<32x128xf32, #tpu.memory_space<vmem>>) target(%dma_start3A_272 : memref<32x128xf32, #tpu.memory_space<hbm>>) target_semaphore(%run_scoped3A : memref<!tpu.dma_semaphore, #tpu.memory_space<semaphore_mem>>)
      %dma_wait3A_273 = arith.constant 0 : i32
      %dma_wait3A_274 = tpu.memref_slice %arg5[%add3A_219, %dma_wait3A_273] : memref<20480x128xf32, #tpu.memory_space<hbm>> -> memref<32x128xf32, #tpu.memory_space<hbm>>
      %dma_wait3A_275 = arith.constant 0 : i32
      %dma_wait3A_276 = tpu.memref_slice %arg5[%add3A_219, %dma_wait3A_275] : memref<20480x128xf32, #tpu.memory_space<hbm>> -> memref<32x128xf32, #tpu.memory_space<hbm>>
      tpu.wait_dma2 semaphore(%run_scoped3A : memref<!tpu.dma_semaphore, #tpu.memory_space<semaphore_mem>>) src(%arg15 : memref<32x128xf32, #tpu.memory_space<vmem>>) dst(%dma_wait3A_276 : memref<32x128xf32, #tpu.memory_space<hbm>>)
      tpu.yield
    }) : () -> ()
    %mul3A_220 = arith.constant 640 : i32
    %mul3A_221 = arith.muli %arg1, %mul3A_220 : i32
    %add3A_222 = arith.constant 416 : i32
    %add3A_223 = arith.addi %mul3A_221, %add3A_222 : i32
    "tpu.region"() ({
      %run_scoped3A = tpu.sem_alloc : memref<!tpu.dma_semaphore, #tpu.memory_space<semaphore_mem>>
      %dma_start3A_269 = arith.constant 0 : i32
      %dma_start3A_270 = tpu.memref_slice %arg16[%add3A_223, %dma_start3A_269] : memref<10240x128xf32, #tpu.memory_space<vmem_shared>> -> memref<32x128xf32, #tpu.memory_space<vmem_shared>>
      %dma_start3A_271 = arith.constant 0 : i32
      %dma_start3A_272 = tpu.memref_slice %arg16[%add3A_223, %dma_start3A_271] : memref<10240x128xf32, #tpu.memory_space<vmem_shared>> -> memref<32x128xf32, #tpu.memory_space<vmem_shared>>
      tpu.enqueue_dma source(%dma_start3A_272 : memref<32x128xf32, #tpu.memory_space<vmem_shared>>) target(%arg15 : memref<32x128xf32, #tpu.memory_space<vmem>>) target_semaphore(%run_scoped3A : memref<!tpu.dma_semaphore, #tpu.memory_space<semaphore_mem>>)
      %dma_wait3A_273 = arith.constant 0 : i32
      %dma_wait3A_274 = tpu.memref_slice %arg16[%add3A_223, %dma_wait3A_273] : memref<10240x128xf32, #tpu.memory_space<vmem_shared>> -> memref<32x128xf32, #tpu.memory_space<vmem_shared>>
      %dma_wait3A_275 = arith.constant 0 : i32
      %dma_wait3A_276 = tpu.memref_slice %arg16[%add3A_223, %dma_wait3A_275] : memref<10240x128xf32, #tpu.memory_space<vmem_shared>> -> memref<32x128xf32, #tpu.memory_space<vmem_shared>>
      tpu.wait_dma2 semaphore(%run_scoped3A : memref<!tpu.dma_semaphore, #tpu.memory_space<semaphore_mem>>) src(%dma_wait3A_276 : memref<32x128xf32, #tpu.memory_space<vmem_shared>>) dst(%arg15 : memref<32x128xf32, #tpu.memory_space<vmem>>)
      tpu.yield
    }) : () -> ()
    %mul3A_224 = arith.constant 10240 : i32
    %mul3A_225 = arith.muli %arg0, %mul3A_224 : i32
    %add3A_226 = arith.addi %mul3A_225, %add3A_223 : i32
    "tpu.region"() ({
      %run_scoped3A = tpu.sem_alloc : memref<!tpu.dma_semaphore, #tpu.memory_space<semaphore_mem>>
      %dma_start3A_269 = arith.constant 0 : i32
      %dma_start3A_270 = tpu.memref_slice %arg5[%add3A_226, %dma_start3A_269] : memref<20480x128xf32, #tpu.memory_space<hbm>> -> memref<32x128xf32, #tpu.memory_space<hbm>>
      %dma_start3A_271 = arith.constant 0 : i32
      %dma_start3A_272 = tpu.memref_slice %arg5[%add3A_226, %dma_start3A_271] : memref<20480x128xf32, #tpu.memory_space<hbm>> -> memref<32x128xf32, #tpu.memory_space<hbm>>
      tpu.enqueue_dma source(%arg15 : memref<32x128xf32, #tpu.memory_space<vmem>>) target(%dma_start3A_272 : memref<32x128xf32, #tpu.memory_space<hbm>>) target_semaphore(%run_scoped3A : memref<!tpu.dma_semaphore, #tpu.memory_space<semaphore_mem>>)
      %dma_wait3A_273 = arith.constant 0 : i32
      %dma_wait3A_274 = tpu.memref_slice %arg5[%add3A_226, %dma_wait3A_273] : memref<20480x128xf32, #tpu.memory_space<hbm>> -> memref<32x128xf32, #tpu.memory_space<hbm>>
      %dma_wait3A_275 = arith.constant 0 : i32
      %dma_wait3A_276 = tpu.memref_slice %arg5[%add3A_226, %dma_wait3A_275] : memref<20480x128xf32, #tpu.memory_space<hbm>> -> memref<32x128xf32, #tpu.memory_space<hbm>>
      tpu.wait_dma2 semaphore(%run_scoped3A : memref<!tpu.dma_semaphore, #tpu.memory_space<semaphore_mem>>) src(%arg15 : memref<32x128xf32, #tpu.memory_space<vmem>>) dst(%dma_wait3A_276 : memref<32x128xf32, #tpu.memory_space<hbm>>)
      tpu.yield
    }) : () -> ()
    %mul3A_227 = arith.constant 640 : i32
    %mul3A_228 = arith.muli %arg1, %mul3A_227 : i32
    %add3A_229 = arith.constant 448 : i32
    %add3A_230 = arith.addi %mul3A_228, %add3A_229 : i32
    "tpu.region"() ({
      %run_scoped3A = tpu.sem_alloc : memref<!tpu.dma_semaphore, #tpu.memory_space<semaphore_mem>>
      %dma_start3A_269 = arith.constant 0 : i32
      %dma_start3A_270 = tpu.memref_slice %arg16[%add3A_230, %dma_start3A_269] : memref<10240x128xf32, #tpu.memory_space<vmem_shared>> -> memref<32x128xf32, #tpu.memory_space<vmem_shared>>
      %dma_start3A_271 = arith.constant 0 : i32
      %dma_start3A_272 = tpu.memref_slice %arg16[%add3A_230, %dma_start3A_271] : memref<10240x128xf32, #tpu.memory_space<vmem_shared>> -> memref<32x128xf32, #tpu.memory_space<vmem_shared>>
      tpu.enqueue_dma source(%dma_start3A_272 : memref<32x128xf32, #tpu.memory_space<vmem_shared>>) target(%arg15 : memref<32x128xf32, #tpu.memory_space<vmem>>) target_semaphore(%run_scoped3A : memref<!tpu.dma_semaphore, #tpu.memory_space<semaphore_mem>>)
      %dma_wait3A_273 = arith.constant 0 : i32
      %dma_wait3A_274 = tpu.memref_slice %arg16[%add3A_230, %dma_wait3A_273] : memref<10240x128xf32, #tpu.memory_space<vmem_shared>> -> memref<32x128xf32, #tpu.memory_space<vmem_shared>>
      %dma_wait3A_275 = arith.constant 0 : i32
      %dma_wait3A_276 = tpu.memref_slice %arg16[%add3A_230, %dma_wait3A_275] : memref<10240x128xf32, #tpu.memory_space<vmem_shared>> -> memref<32x128xf32, #tpu.memory_space<vmem_shared>>
      tpu.wait_dma2 semaphore(%run_scoped3A : memref<!tpu.dma_semaphore, #tpu.memory_space<semaphore_mem>>) src(%dma_wait3A_276 : memref<32x128xf32, #tpu.memory_space<vmem_shared>>) dst(%arg15 : memref<32x128xf32, #tpu.memory_space<vmem>>)
      tpu.yield
    }) : () -> ()
    %mul3A_231 = arith.constant 10240 : i32
    %mul3A_232 = arith.muli %arg0, %mul3A_231 : i32
    %add3A_233 = arith.addi %mul3A_232, %add3A_230 : i32
    "tpu.region"() ({
      %run_scoped3A = tpu.sem_alloc : memref<!tpu.dma_semaphore, #tpu.memory_space<semaphore_mem>>
      %dma_start3A_269 = arith.constant 0 : i32
      %dma_start3A_270 = tpu.memref_slice %arg5[%add3A_233, %dma_start3A_269] : memref<20480x128xf32, #tpu.memory_space<hbm>> -> memref<32x128xf32, #tpu.memory_space<hbm>>
      %dma_start3A_271 = arith.constant 0 : i32
      %dma_start3A_272 = tpu.memref_slice %arg5[%add3A_233, %dma_start3A_271] : memref<20480x128xf32, #tpu.memory_space<hbm>> -> memref<32x128xf32, #tpu.memory_space<hbm>>
      tpu.enqueue_dma source(%arg15 : memref<32x128xf32, #tpu.memory_space<vmem>>) target(%dma_start3A_272 : memref<32x128xf32, #tpu.memory_space<hbm>>) target_semaphore(%run_scoped3A : memref<!tpu.dma_semaphore, #tpu.memory_space<semaphore_mem>>)
      %dma_wait3A_273 = arith.constant 0 : i32
      %dma_wait3A_274 = tpu.memref_slice %arg5[%add3A_233, %dma_wait3A_273] : memref<20480x128xf32, #tpu.memory_space<hbm>> -> memref<32x128xf32, #tpu.memory_space<hbm>>
      %dma_wait3A_275 = arith.constant 0 : i32
      %dma_wait3A_276 = tpu.memref_slice %arg5[%add3A_233, %dma_wait3A_275] : memref<20480x128xf32, #tpu.memory_space<hbm>> -> memref<32x128xf32, #tpu.memory_space<hbm>>
      tpu.wait_dma2 semaphore(%run_scoped3A : memref<!tpu.dma_semaphore, #tpu.memory_space<semaphore_mem>>) src(%arg15 : memref<32x128xf32, #tpu.memory_space<vmem>>) dst(%dma_wait3A_276 : memref<32x128xf32, #tpu.memory_space<hbm>>)
      tpu.yield
    }) : () -> ()
    %mul3A_234 = arith.constant 640 : i32
    %mul3A_235 = arith.muli %arg1, %mul3A_234 : i32
    %add3A_236 = arith.constant 480 : i32
    %add3A_237 = arith.addi %mul3A_235, %add3A_236 : i32
    "tpu.region"() ({
      %run_scoped3A = tpu.sem_alloc : memref<!tpu.dma_semaphore, #tpu.memory_space<semaphore_mem>>
      %dma_start3A_269 = arith.constant 0 : i32
      %dma_start3A_270 = tpu.memref_slice %arg16[%add3A_237, %dma_start3A_269] : memref<10240x128xf32, #tpu.memory_space<vmem_shared>> -> memref<32x128xf32, #tpu.memory_space<vmem_shared>>
      %dma_start3A_271 = arith.constant 0 : i32
      %dma_start3A_272 = tpu.memref_slice %arg16[%add3A_237, %dma_start3A_271] : memref<10240x128xf32, #tpu.memory_space<vmem_shared>> -> memref<32x128xf32, #tpu.memory_space<vmem_shared>>
      tpu.enqueue_dma source(%dma_start3A_272 : memref<32x128xf32, #tpu.memory_space<vmem_shared>>) target(%arg15 : memref<32x128xf32, #tpu.memory_space<vmem>>) target_semaphore(%run_scoped3A : memref<!tpu.dma_semaphore, #tpu.memory_space<semaphore_mem>>)
      %dma_wait3A_273 = arith.constant 0 : i32
      %dma_wait3A_274 = tpu.memref_slice %arg16[%add3A_237, %dma_wait3A_273] : memref<10240x128xf32, #tpu.memory_space<vmem_shared>> -> memref<32x128xf32, #tpu.memory_space<vmem_shared>>
      %dma_wait3A_275 = arith.constant 0 : i32
      %dma_wait3A_276 = tpu.memref_slice %arg16[%add3A_237, %dma_wait3A_275] : memref<10240x128xf32, #tpu.memory_space<vmem_shared>> -> memref<32x128xf32, #tpu.memory_space<vmem_shared>>
      tpu.wait_dma2 semaphore(%run_scoped3A : memref<!tpu.dma_semaphore, #tpu.memory_space<semaphore_mem>>) src(%dma_wait3A_276 : memref<32x128xf32, #tpu.memory_space<vmem_shared>>) dst(%arg15 : memref<32x128xf32, #tpu.memory_space<vmem>>)
      tpu.yield
    }) : () -> ()
    %mul3A_238 = arith.constant 10240 : i32
    %mul3A_239 = arith.muli %arg0, %mul3A_238 : i32
    %add3A_240 = arith.addi %mul3A_239, %add3A_237 : i32
    "tpu.region"() ({
      %run_scoped3A = tpu.sem_alloc : memref<!tpu.dma_semaphore, #tpu.memory_space<semaphore_mem>>
      %dma_start3A_269 = arith.constant 0 : i32
      %dma_start3A_270 = tpu.memref_slice %arg5[%add3A_240, %dma_start3A_269] : memref<20480x128xf32, #tpu.memory_space<hbm>> -> memref<32x128xf32, #tpu.memory_space<hbm>>
      %dma_start3A_271 = arith.constant 0 : i32
      %dma_start3A_272 = tpu.memref_slice %arg5[%add3A_240, %dma_start3A_271] : memref<20480x128xf32, #tpu.memory_space<hbm>> -> memref<32x128xf32, #tpu.memory_space<hbm>>
      tpu.enqueue_dma source(%arg15 : memref<32x128xf32, #tpu.memory_space<vmem>>) target(%dma_start3A_272 : memref<32x128xf32, #tpu.memory_space<hbm>>) target_semaphore(%run_scoped3A : memref<!tpu.dma_semaphore, #tpu.memory_space<semaphore_mem>>)
      %dma_wait3A_273 = arith.constant 0 : i32
      %dma_wait3A_274 = tpu.memref_slice %arg5[%add3A_240, %dma_wait3A_273] : memref<20480x128xf32, #tpu.memory_space<hbm>> -> memref<32x128xf32, #tpu.memory_space<hbm>>
      %dma_wait3A_275 = arith.constant 0 : i32
      %dma_wait3A_276 = tpu.memref_slice %arg5[%add3A_240, %dma_wait3A_275] : memref<20480x128xf32, #tpu.memory_space<hbm>> -> memref<32x128xf32, #tpu.memory_space<hbm>>
      tpu.wait_dma2 semaphore(%run_scoped3A : memref<!tpu.dma_semaphore, #tpu.memory_space<semaphore_mem>>) src(%arg15 : memref<32x128xf32, #tpu.memory_space<vmem>>) dst(%dma_wait3A_276 : memref<32x128xf32, #tpu.memory_space<hbm>>)
      tpu.yield
    }) : () -> ()
    %mul3A_241 = arith.constant 640 : i32
    %mul3A_242 = arith.muli %arg1, %mul3A_241 : i32
    %add3A_243 = arith.constant 512 : i32
    %add3A_244 = arith.addi %mul3A_242, %add3A_243 : i32
    "tpu.region"() ({
      %run_scoped3A = tpu.sem_alloc : memref<!tpu.dma_semaphore, #tpu.memory_space<semaphore_mem>>
      %dma_start3A_269 = arith.constant 0 : i32
      %dma_start3A_270 = tpu.memref_slice %arg16[%add3A_244, %dma_start3A_269] : memref<10240x128xf32, #tpu.memory_space<vmem_shared>> -> memref<32x128xf32, #tpu.memory_space<vmem_shared>>
      %dma_start3A_271 = arith.constant 0 : i32
      %dma_start3A_272 = tpu.memref_slice %arg16[%add3A_244, %dma_start3A_271] : memref<10240x128xf32, #tpu.memory_space<vmem_shared>> -> memref<32x128xf32, #tpu.memory_space<vmem_shared>>
      tpu.enqueue_dma source(%dma_start3A_272 : memref<32x128xf32, #tpu.memory_space<vmem_shared>>) target(%arg15 : memref<32x128xf32, #tpu.memory_space<vmem>>) target_semaphore(%run_scoped3A : memref<!tpu.dma_semaphore, #tpu.memory_space<semaphore_mem>>)
      %dma_wait3A_273 = arith.constant 0 : i32
      %dma_wait3A_274 = tpu.memref_slice %arg16[%add3A_244, %dma_wait3A_273] : memref<10240x128xf32, #tpu.memory_space<vmem_shared>> -> memref<32x128xf32, #tpu.memory_space<vmem_shared>>
      %dma_wait3A_275 = arith.constant 0 : i32
      %dma_wait3A_276 = tpu.memref_slice %arg16[%add3A_244, %dma_wait3A_275] : memref<10240x128xf32, #tpu.memory_space<vmem_shared>> -> memref<32x128xf32, #tpu.memory_space<vmem_shared>>
      tpu.wait_dma2 semaphore(%run_scoped3A : memref<!tpu.dma_semaphore, #tpu.memory_space<semaphore_mem>>) src(%dma_wait3A_276 : memref<32x128xf32, #tpu.memory_space<vmem_shared>>) dst(%arg15 : memref<32x128xf32, #tpu.memory_space<vmem>>)
      tpu.yield
    }) : () -> ()
    %mul3A_245 = arith.constant 10240 : i32
    %mul3A_246 = arith.muli %arg0, %mul3A_245 : i32
    %add3A_247 = arith.addi %mul3A_246, %add3A_244 : i32
    "tpu.region"() ({
      %run_scoped3A = tpu.sem_alloc : memref<!tpu.dma_semaphore, #tpu.memory_space<semaphore_mem>>
      %dma_start3A_269 = arith.constant 0 : i32
      %dma_start3A_270 = tpu.memref_slice %arg5[%add3A_247, %dma_start3A_269] : memref<20480x128xf32, #tpu.memory_space<hbm>> -> memref<32x128xf32, #tpu.memory_space<hbm>>
      %dma_start3A_271 = arith.constant 0 : i32
      %dma_start3A_272 = tpu.memref_slice %arg5[%add3A_247, %dma_start3A_271] : memref<20480x128xf32, #tpu.memory_space<hbm>> -> memref<32x128xf32, #tpu.memory_space<hbm>>
      tpu.enqueue_dma source(%arg15 : memref<32x128xf32, #tpu.memory_space<vmem>>) target(%dma_start3A_272 : memref<32x128xf32, #tpu.memory_space<hbm>>) target_semaphore(%run_scoped3A : memref<!tpu.dma_semaphore, #tpu.memory_space<semaphore_mem>>)
      %dma_wait3A_273 = arith.constant 0 : i32
      %dma_wait3A_274 = tpu.memref_slice %arg5[%add3A_247, %dma_wait3A_273] : memref<20480x128xf32, #tpu.memory_space<hbm>> -> memref<32x128xf32, #tpu.memory_space<hbm>>
      %dma_wait3A_275 = arith.constant 0 : i32
      %dma_wait3A_276 = tpu.memref_slice %arg5[%add3A_247, %dma_wait3A_275] : memref<20480x128xf32, #tpu.memory_space<hbm>> -> memref<32x128xf32, #tpu.memory_space<hbm>>
      tpu.wait_dma2 semaphore(%run_scoped3A : memref<!tpu.dma_semaphore, #tpu.memory_space<semaphore_mem>>) src(%arg15 : memref<32x128xf32, #tpu.memory_space<vmem>>) dst(%dma_wait3A_276 : memref<32x128xf32, #tpu.memory_space<hbm>>)
      tpu.yield
    }) : () -> ()
    %mul3A_248 = arith.constant 640 : i32
    %mul3A_249 = arith.muli %arg1, %mul3A_248 : i32
    %add3A_250 = arith.constant 544 : i32
    %add3A_251 = arith.addi %mul3A_249, %add3A_250 : i32
    "tpu.region"() ({
      %run_scoped3A = tpu.sem_alloc : memref<!tpu.dma_semaphore, #tpu.memory_space<semaphore_mem>>
      %dma_start3A_269 = arith.constant 0 : i32
      %dma_start3A_270 = tpu.memref_slice %arg16[%add3A_251, %dma_start3A_269] : memref<10240x128xf32, #tpu.memory_space<vmem_shared>> -> memref<32x128xf32, #tpu.memory_space<vmem_shared>>
      %dma_start3A_271 = arith.constant 0 : i32
      %dma_start3A_272 = tpu.memref_slice %arg16[%add3A_251, %dma_start3A_271] : memref<10240x128xf32, #tpu.memory_space<vmem_shared>> -> memref<32x128xf32, #tpu.memory_space<vmem_shared>>
      tpu.enqueue_dma source(%dma_start3A_272 : memref<32x128xf32, #tpu.memory_space<vmem_shared>>) target(%arg15 : memref<32x128xf32, #tpu.memory_space<vmem>>) target_semaphore(%run_scoped3A : memref<!tpu.dma_semaphore, #tpu.memory_space<semaphore_mem>>)
      %dma_wait3A_273 = arith.constant 0 : i32
      %dma_wait3A_274 = tpu.memref_slice %arg16[%add3A_251, %dma_wait3A_273] : memref<10240x128xf32, #tpu.memory_space<vmem_shared>> -> memref<32x128xf32, #tpu.memory_space<vmem_shared>>
      %dma_wait3A_275 = arith.constant 0 : i32
      %dma_wait3A_276 = tpu.memref_slice %arg16[%add3A_251, %dma_wait3A_275] : memref<10240x128xf32, #tpu.memory_space<vmem_shared>> -> memref<32x128xf32, #tpu.memory_space<vmem_shared>>
      tpu.wait_dma2 semaphore(%run_scoped3A : memref<!tpu.dma_semaphore, #tpu.memory_space<semaphore_mem>>) src(%dma_wait3A_276 : memref<32x128xf32, #tpu.memory_space<vmem_shared>>) dst(%arg15 : memref<32x128xf32, #tpu.memory_space<vmem>>)
      tpu.yield
    }) : () -> ()
    %mul3A_252 = arith.constant 10240 : i32
    %mul3A_253 = arith.muli %arg0, %mul3A_252 : i32
    %add3A_254 = arith.addi %mul3A_253, %add3A_251 : i32
    "tpu.region"() ({
      %run_scoped3A = tpu.sem_alloc : memref<!tpu.dma_semaphore, #tpu.memory_space<semaphore_mem>>
      %dma_start3A_269 = arith.constant 0 : i32
      %dma_start3A_270 = tpu.memref_slice %arg5[%add3A_254, %dma_start3A_269] : memref<20480x128xf32, #tpu.memory_space<hbm>> -> memref<32x128xf32, #tpu.memory_space<hbm>>
      %dma_start3A_271 = arith.constant 0 : i32
      %dma_start3A_272 = tpu.memref_slice %arg5[%add3A_254, %dma_start3A_271] : memref<20480x128xf32, #tpu.memory_space<hbm>> -> memref<32x128xf32, #tpu.memory_space<hbm>>
      tpu.enqueue_dma source(%arg15 : memref<32x128xf32, #tpu.memory_space<vmem>>) target(%dma_start3A_272 : memref<32x128xf32, #tpu.memory_space<hbm>>) target_semaphore(%run_scoped3A : memref<!tpu.dma_semaphore, #tpu.memory_space<semaphore_mem>>)
      %dma_wait3A_273 = arith.constant 0 : i32
      %dma_wait3A_274 = tpu.memref_slice %arg5[%add3A_254, %dma_wait3A_273] : memref<20480x128xf32, #tpu.memory_space<hbm>> -> memref<32x128xf32, #tpu.memory_space<hbm>>
      %dma_wait3A_275 = arith.constant 0 : i32
      %dma_wait3A_276 = tpu.memref_slice %arg5[%add3A_254, %dma_wait3A_275] : memref<20480x128xf32, #tpu.memory_space<hbm>> -> memref<32x128xf32, #tpu.memory_space<hbm>>
      tpu.wait_dma2 semaphore(%run_scoped3A : memref<!tpu.dma_semaphore, #tpu.memory_space<semaphore_mem>>) src(%arg15 : memref<32x128xf32, #tpu.memory_space<vmem>>) dst(%dma_wait3A_276 : memref<32x128xf32, #tpu.memory_space<hbm>>)
      tpu.yield
    }) : () -> ()
    %mul3A_255 = arith.constant 640 : i32
    %mul3A_256 = arith.muli %arg1, %mul3A_255 : i32
    %add3A_257 = arith.constant 576 : i32
    %add3A_258 = arith.addi %mul3A_256, %add3A_257 : i32
    "tpu.region"() ({
      %run_scoped3A = tpu.sem_alloc : memref<!tpu.dma_semaphore, #tpu.memory_space<semaphore_mem>>
      %dma_start3A_269 = arith.constant 0 : i32
      %dma_start3A_270 = tpu.memref_slice %arg16[%add3A_258, %dma_start3A_269] : memref<10240x128xf32, #tpu.memory_space<vmem_shared>> -> memref<32x128xf32, #tpu.memory_space<vmem_shared>>
      %dma_start3A_271 = arith.constant 0 : i32
      %dma_start3A_272 = tpu.memref_slice %arg16[%add3A_258, %dma_start3A_271] : memref<10240x128xf32, #tpu.memory_space<vmem_shared>> -> memref<32x128xf32, #tpu.memory_space<vmem_shared>>
      tpu.enqueue_dma source(%dma_start3A_272 : memref<32x128xf32, #tpu.memory_space<vmem_shared>>) target(%arg15 : memref<32x128xf32, #tpu.memory_space<vmem>>) target_semaphore(%run_scoped3A : memref<!tpu.dma_semaphore, #tpu.memory_space<semaphore_mem>>)
      %dma_wait3A_273 = arith.constant 0 : i32
      %dma_wait3A_274 = tpu.memref_slice %arg16[%add3A_258, %dma_wait3A_273] : memref<10240x128xf32, #tpu.memory_space<vmem_shared>> -> memref<32x128xf32, #tpu.memory_space<vmem_shared>>
      %dma_wait3A_275 = arith.constant 0 : i32
      %dma_wait3A_276 = tpu.memref_slice %arg16[%add3A_258, %dma_wait3A_275] : memref<10240x128xf32, #tpu.memory_space<vmem_shared>> -> memref<32x128xf32, #tpu.memory_space<vmem_shared>>
      tpu.wait_dma2 semaphore(%run_scoped3A : memref<!tpu.dma_semaphore, #tpu.memory_space<semaphore_mem>>) src(%dma_wait3A_276 : memref<32x128xf32, #tpu.memory_space<vmem_shared>>) dst(%arg15 : memref<32x128xf32, #tpu.memory_space<vmem>>)
      tpu.yield
    }) : () -> ()
    %mul3A_259 = arith.constant 10240 : i32
    %mul3A_260 = arith.muli %arg0, %mul3A_259 : i32
    %add3A_261 = arith.addi %mul3A_260, %add3A_258 : i32
    "tpu.region"() ({
      %run_scoped3A = tpu.sem_alloc : memref<!tpu.dma_semaphore, #tpu.memory_space<semaphore_mem>>
      %dma_start3A_269 = arith.constant 0 : i32
      %dma_start3A_270 = tpu.memref_slice %arg5[%add3A_261, %dma_start3A_269] : memref<20480x128xf32, #tpu.memory_space<hbm>> -> memref<32x128xf32, #tpu.memory_space<hbm>>
      %dma_start3A_271 = arith.constant 0 : i32
      %dma_start3A_272 = tpu.memref_slice %arg5[%add3A_261, %dma_start3A_271] : memref<20480x128xf32, #tpu.memory_space<hbm>> -> memref<32x128xf32, #tpu.memory_space<hbm>>
      tpu.enqueue_dma source(%arg15 : memref<32x128xf32, #tpu.memory_space<vmem>>) target(%dma_start3A_272 : memref<32x128xf32, #tpu.memory_space<hbm>>) target_semaphore(%run_scoped3A : memref<!tpu.dma_semaphore, #tpu.memory_space<semaphore_mem>>)
      %dma_wait3A_273 = arith.constant 0 : i32
      %dma_wait3A_274 = tpu.memref_slice %arg5[%add3A_261, %dma_wait3A_273] : memref<20480x128xf32, #tpu.memory_space<hbm>> -> memref<32x128xf32, #tpu.memory_space<hbm>>
      %dma_wait3A_275 = arith.constant 0 : i32
      %dma_wait3A_276 = tpu.memref_slice %arg5[%add3A_261, %dma_wait3A_275] : memref<20480x128xf32, #tpu.memory_space<hbm>> -> memref<32x128xf32, #tpu.memory_space<hbm>>
      tpu.wait_dma2 semaphore(%run_scoped3A : memref<!tpu.dma_semaphore, #tpu.memory_space<semaphore_mem>>) src(%arg15 : memref<32x128xf32, #tpu.memory_space<vmem>>) dst(%dma_wait3A_276 : memref<32x128xf32, #tpu.memory_space<hbm>>)
      tpu.yield
    }) : () -> ()
    %mul3A_262 = arith.constant 640 : i32
    %mul3A_263 = arith.muli %arg1, %mul3A_262 : i32
    %add3A_264 = arith.constant 608 : i32
    %add3A_265 = arith.addi %mul3A_263, %add3A_264 : i32
    "tpu.region"() ({
      %run_scoped3A = tpu.sem_alloc : memref<!tpu.dma_semaphore, #tpu.memory_space<semaphore_mem>>
      %dma_start3A_269 = arith.constant 0 : i32
      %dma_start3A_270 = tpu.memref_slice %arg16[%add3A_265, %dma_start3A_269] : memref<10240x128xf32, #tpu.memory_space<vmem_shared>> -> memref<32x128xf32, #tpu.memory_space<vmem_shared>>
      %dma_start3A_271 = arith.constant 0 : i32
      %dma_start3A_272 = tpu.memref_slice %arg16[%add3A_265, %dma_start3A_271] : memref<10240x128xf32, #tpu.memory_space<vmem_shared>> -> memref<32x128xf32, #tpu.memory_space<vmem_shared>>
      tpu.enqueue_dma source(%dma_start3A_272 : memref<32x128xf32, #tpu.memory_space<vmem_shared>>) target(%arg15 : memref<32x128xf32, #tpu.memory_space<vmem>>) target_semaphore(%run_scoped3A : memref<!tpu.dma_semaphore, #tpu.memory_space<semaphore_mem>>)
      %dma_wait3A_273 = arith.constant 0 : i32
      %dma_wait3A_274 = tpu.memref_slice %arg16[%add3A_265, %dma_wait3A_273] : memref<10240x128xf32, #tpu.memory_space<vmem_shared>> -> memref<32x128xf32, #tpu.memory_space<vmem_shared>>
      %dma_wait3A_275 = arith.constant 0 : i32
      %dma_wait3A_276 = tpu.memref_slice %arg16[%add3A_265, %dma_wait3A_275] : memref<10240x128xf32, #tpu.memory_space<vmem_shared>> -> memref<32x128xf32, #tpu.memory_space<vmem_shared>>
      tpu.wait_dma2 semaphore(%run_scoped3A : memref<!tpu.dma_semaphore, #tpu.memory_space<semaphore_mem>>) src(%dma_wait3A_276 : memref<32x128xf32, #tpu.memory_space<vmem_shared>>) dst(%arg15 : memref<32x128xf32, #tpu.memory_space<vmem>>)
      tpu.yield
    }) : () -> ()
    %mul3A_266 = arith.constant 10240 : i32
    %mul3A_267 = arith.muli %arg0, %mul3A_266 : i32
    %add3A_268 = arith.addi %mul3A_267, %add3A_265 : i32
    "tpu.region"() ({
      %run_scoped3A = tpu.sem_alloc : memref<!tpu.dma_semaphore, #tpu.memory_space<semaphore_mem>>
      %dma_start3A_269 = arith.constant 0 : i32
      %dma_start3A_270 = tpu.memref_slice %arg5[%add3A_268, %dma_start3A_269] : memref<20480x128xf32, #tpu.memory_space<hbm>> -> memref<32x128xf32, #tpu.memory_space<hbm>>
      %dma_start3A_271 = arith.constant 0 : i32
      %dma_start3A_272 = tpu.memref_slice %arg5[%add3A_268, %dma_start3A_271] : memref<20480x128xf32, #tpu.memory_space<hbm>> -> memref<32x128xf32, #tpu.memory_space<hbm>>
      tpu.enqueue_dma source(%arg15 : memref<32x128xf32, #tpu.memory_space<vmem>>) target(%dma_start3A_272 : memref<32x128xf32, #tpu.memory_space<hbm>>) target_semaphore(%run_scoped3A : memref<!tpu.dma_semaphore, #tpu.memory_space<semaphore_mem>>)
      %dma_wait3A_273 = arith.constant 0 : i32
      %dma_wait3A_274 = tpu.memref_slice %arg5[%add3A_268, %dma_wait3A_273] : memref<20480x128xf32, #tpu.memory_space<hbm>> -> memref<32x128xf32, #tpu.memory_space<hbm>>
      %dma_wait3A_275 = arith.constant 0 : i32
      %dma_wait3A_276 = tpu.memref_slice %arg5[%add3A_268, %dma_wait3A_275] : memref<20480x128xf32, #tpu.memory_space<hbm>> -> memref<32x128xf32, #tpu.memory_space<hbm>>
      tpu.wait_dma2 semaphore(%run_scoped3A : memref<!tpu.dma_semaphore, #tpu.memory_space<semaphore_mem>>) src(%arg15 : memref<32x128xf32, #tpu.memory_space<vmem>>) dst(%dma_wait3A_276 : memref<32x128xf32, #tpu.memory_space<hbm>>)
      tpu.yield
    }) : () -> ()
    return
  }
}

#map = affine_map<(d0, d1) -> (0)>
module attributes {stable_mosaic.version = 14 : i64} {
  func.func @_deg_sc_body(%arg0: i32, %arg1: i32, %arg2: memref<320000xi32, #tpu.memory_space<hbm>>, %arg3: memref<327680xf32, #tpu.memory_space<hbm>>, %arg4: memref<128xi32, #tpu.memory_space<vmem>>, %arg5: memref<16xi32, #tpu.memory_space<vmem>>, %arg6: memref<128x16xf32, #tpu.memory_space<vmem>>, %arg7: memref<16x16xf32, #tpu.memory_space<vmem>>, %arg8: memref<640x16xf32, #tpu.memory_space<vmem>>, %arg9: memref<10240xf32, #tpu.memory_space<vmem>>, %arg10: memref<10240x16xf32, #tpu.memory_space<vmem_shared>>) attributes {dimension_semantics = [#tpu.dimension_semantics<core_parallel>, #tpu.dimension_semantics<subcore_parallel>], iteration_bounds = array<i64: 2, 16>, scalar_prefetch = 0 : i64, scratch_operands = 7 : i64, tpu.core_type = #tpu.core_type<sc_vector_subcore>, window_params = [{transform_indices = #map}, {transform_indices = #map}]} {
    %scan3A = arith.constant 0 : i32
    %scan3A_0 = arith.constant 0 : i32
    %scan3A_1 = arith.constant 640 : i32
    %scan3A_2 = arith.addi %scan3A_0, %scan3A_1 : i32
    %scan3A_3 = arith.constant 1 : i32
    %scan3A_4 = scf.for %scan3A_37 = %scan3A_0 to %scan3A_2 step %scan3A_3 iter_args(%scan3A_38 = %scan3A) -> (i32)  : i32 {
      %broadcast_in_dim3A = arith.constant 0.000000e+00 : f32
      %broadcast_in_dim3A_39 = vector.broadcast %broadcast_in_dim3A : f32 to vector<16xf32>
      %swap3A = arith.index_cast %scan3A_37 : i32 to index
      %swap3A_40 = arith.constant 0 : index
      %swap3A_41 = tpu.vector_load %arg8[%swap3A, %swap3A_40] {strides = array<i32>} : memref<640x16xf32, #tpu.memory_space<vmem>>, vector<1x16xf32>,
      %swap3A_42 = vector.shape_cast %swap3A_41 : vector<1x16xf32> to vector<16xf32>
      %swap3A_43 = vector.shape_cast %broadcast_in_dim3A_39 : vector<16xf32> to vector<1x16xf32>
      tpu.vector_store %arg8[%swap3A, %swap3A_40], %swap3A_43 {strides = array<i32>} : memref<640x16xf32, #tpu.memory_space<vmem>>, vector<1x16xf32>,
      %broadcast_in_dim3A_44 = arith.constant 1.000000e+00 : f32
      %broadcast_in_dim3A_45 = vector.broadcast %broadcast_in_dim3A_44 : f32 to vector<16xf32>
      %jit3A = arith.constant 128 : i32
      %eq3A = arith.constant 0 : i32
      %eq3A_46 = arith.cmpi eq, %jit3A, %eq3A : i32
      %jit3A_47 = arith.constant 1 : i32
      %select_n3A = arith.select %eq3A_46, %jit3A_47, %jit3A : i32
      %rem3A = arith.remsi %scan3A_37, %select_n3A : i32
      %ne3A = arith.constant 0 : i32
      %ne3A_48 = arith.cmpi ne, %rem3A, %ne3A : i32
      %lt3A = arith.constant 0 : i32
      %lt3A_49 = arith.cmpi slt, %rem3A, %lt3A : i32
      %lt3A_50 = arith.constant 0 : i32
      %lt3A_51 = arith.cmpi slt, %select_n3A, %lt3A_50 : i32
      %ne3A_52 = arith.xori %lt3A_49, %lt3A_51 : i1
      %and3A = arith.andi %ne3A_52, %ne3A_48 : i1
      %add3A_53 = arith.addi %rem3A, %select_n3A : i32
      %select_n3A_54 = arith.select %and3A, %add3A_53, %rem3A : i32
      %swap3A_55 = arith.index_cast %select_n3A_54 : i32 to index
      %swap3A_56 = arith.constant 0 : index
      %swap3A_57 = tpu.vector_load %arg6[%swap3A_55, %swap3A_56] {strides = array<i32>} : memref<128x16xf32, #tpu.memory_space<vmem>>, vector<1x16xf32>,
      %swap3A_58 = vector.shape_cast %swap3A_57 : vector<1x16xf32> to vector<16xf32>
      %swap3A_59 = vector.shape_cast %broadcast_in_dim3A_45 : vector<16xf32> to vector<1x16xf32>
      tpu.vector_store %arg6[%swap3A_55, %swap3A_56], %swap3A_59 {strides = array<i32>} : memref<128x16xf32, #tpu.memory_space<vmem>>, vector<1x16xf32>,
      %broadcast_in_dim3A_60 = arith.constant 1.000000e+00 : f32
      %broadcast_in_dim3A_61 = vector.broadcast %broadcast_in_dim3A_60 : f32 to vector<16xf32>
      %jit3A_62 = arith.constant 16 : i32
      %eq3A_63 = arith.constant 0 : i32
      %eq3A_64 = arith.cmpi eq, %jit3A_62, %eq3A_63 : i32
      %jit3A_65 = arith.constant 1 : i32
      %select_n3A_66 = arith.select %eq3A_64, %jit3A_65, %jit3A_62 : i32
      %rem3A_67 = arith.remsi %scan3A_37, %select_n3A_66 : i32
      %ne3A_68 = arith.constant 0 : i32
      %ne3A_69 = arith.cmpi ne, %rem3A_67, %ne3A_68 : i32
      %lt3A_70 = arith.constant 0 : i32
      %lt3A_71 = arith.cmpi slt, %rem3A_67, %lt3A_70 : i32
      %lt3A_72 = arith.constant 0 : i32
      %lt3A_73 = arith.cmpi slt, %select_n3A_66, %lt3A_72 : i32
      %ne3A_74 = arith.xori %lt3A_71, %lt3A_73 : i1
      %and3A_75 = arith.andi %ne3A_74, %ne3A_69 : i1
      %add3A_76 = arith.addi %rem3A_67, %select_n3A_66 : i32
      %select_n3A_77 = arith.select %and3A_75, %add3A_76, %rem3A_67 : i32
      %swap3A_78 = arith.index_cast %select_n3A_77 : i32 to index
      %swap3A_79 = arith.constant 0 : index
      %swap3A_80 = tpu.vector_load %arg7[%swap3A_78, %swap3A_79] {strides = array<i32>} : memref<16x16xf32, #tpu.memory_space<vmem>>, vector<1x16xf32>,
      %swap3A_81 = vector.shape_cast %swap3A_80 : vector<1x16xf32> to vector<16xf32>
      %swap3A_82 = vector.shape_cast %broadcast_in_dim3A_61 : vector<16xf32> to vector<1x16xf32>
      tpu.vector_store %arg7[%swap3A_78, %swap3A_79], %swap3A_82 {strides = array<i32>} : memref<16x16xf32, #tpu.memory_space<vmem>>, vector<1x16xf32>,
      %scan3A_83 = arith.constant 0 : i32
      scf.yield %scan3A_83 : i32
    }
    %scan3A_5 = arith.constant 640 : i32
    %mul3A = arith.constant 640 : i32
    %mul3A_6 = arith.muli %arg1, %mul3A : i32
    "tpu.region"() ({
      %run_scoped3A = tpu.sem_alloc : memref<!tpu.dma_semaphore, #tpu.memory_space<semaphore_mem>>
      %dma_start3A = arith.constant 0 : i32
      %dma_start3A_37 = tpu.memref_slice %arg10[%mul3A_6, %dma_start3A] : memref<10240x16xf32, #tpu.memory_space<vmem_shared>> -> memref<640x16xf32, #tpu.memory_space<vmem_shared>>
      %dma_start3A_38 = arith.constant 0 : i32
      %dma_start3A_39 = tpu.memref_slice %arg10[%mul3A_6, %dma_start3A_38] : memref<10240x16xf32, #tpu.memory_space<vmem_shared>> -> memref<640x16xf32, #tpu.memory_space<vmem_shared>>
      tpu.enqueue_dma source(%arg8 : memref<640x16xf32, #tpu.memory_space<vmem>>) target(%dma_start3A_39 : memref<640x16xf32, #tpu.memory_space<vmem_shared>>) target_semaphore(%run_scoped3A : memref<!tpu.dma_semaphore, #tpu.memory_space<semaphore_mem>>)
      %dma_wait3A = arith.constant 0 : i32
      %dma_wait3A_40 = tpu.memref_slice %arg10[%mul3A_6, %dma_wait3A] : memref<10240x16xf32, #tpu.memory_space<vmem_shared>> -> memref<640x16xf32, #tpu.memory_space<vmem_shared>>
      %dma_wait3A_41 = arith.constant 0 : i32
      %dma_wait3A_42 = tpu.memref_slice %arg10[%mul3A_6, %dma_wait3A_41] : memref<10240x16xf32, #tpu.memory_space<vmem_shared>> -> memref<640x16xf32, #tpu.memory_space<vmem_shared>>
      tpu.wait_dma2 semaphore(%run_scoped3A : memref<!tpu.dma_semaphore, #tpu.memory_space<semaphore_mem>>) src(%arg8 : memref<640x16xf32, #tpu.memory_space<vmem>>) dst(%dma_wait3A_42 : memref<640x16xf32, #tpu.memory_space<vmem_shared>>)
      tpu.yield
    }) : () -> ()
    %barrier3A = arith.constant 0 : index
    tpu.barrier barrier_id(%barrier3A)
    %mul3A_7 = arith.constant 160000 : i32
    %mul3A_8 = arith.muli %arg0, %mul3A_7 : i32
    %mul3A_9 = arith.constant 10000 : i32
    %mul3A_10 = arith.muli %arg1, %mul3A_9 : i32
    %add3A = arith.addi %mul3A_8, %mul3A_10 : i32
    %scan3A_11 = arith.constant 0 : i32
    %scan3A_12 = arith.constant 0 : i32
    %scan3A_13 = arith.constant 78 : i32
    %scan3A_14 = arith.addi %scan3A_12, %scan3A_13 : i32
    %scan3A_15 = arith.constant 1 : i32
    %scan3A_16 = scf.for %scan3A_37 = %scan3A_12 to %scan3A_14 step %scan3A_15 iter_args(%scan3A_38 = %scan3A_11) -> (i32)  : i32 {
      %mul3A_39 = arith.constant 128 : i32
      %mul3A_40 = arith.muli %scan3A_37, %mul3A_39 : i32
      %add3A_41 = arith.addi %add3A, %mul3A_40 : i32
      "tpu.region"() ({
        %run_scoped3A = tpu.sem_alloc : memref<!tpu.dma_semaphore, #tpu.memory_space<semaphore_mem>>
        %dma_start3A = tpu.memref_slice %arg2[%add3A_41] : memref<320000xi32, #tpu.memory_space<hbm>> -> memref<128xi32, #tpu.memory_space<hbm>>
        %dma_start3A_43 = tpu.memref_slice %arg2[%add3A_41] : memref<320000xi32, #tpu.memory_space<hbm>> -> memref<128xi32, #tpu.memory_space<hbm>>
        tpu.enqueue_dma source(%dma_start3A_43 : memref<128xi32, #tpu.memory_space<hbm>>) target(%arg4 : memref<128xi32, #tpu.memory_space<vmem>>) target_semaphore(%run_scoped3A : memref<!tpu.dma_semaphore, #tpu.memory_space<semaphore_mem>>)
        %dma_wait3A = tpu.memref_slice %arg2[%add3A_41] : memref<320000xi32, #tpu.memory_space<hbm>> -> memref<128xi32, #tpu.memory_space<hbm>>
        %dma_wait3A_44 = tpu.memref_slice %arg2[%add3A_41] : memref<320000xi32, #tpu.memory_space<hbm>> -> memref<128xi32, #tpu.memory_space<hbm>>
        tpu.wait_dma2 semaphore(%run_scoped3A : memref<!tpu.dma_semaphore, #tpu.memory_space<semaphore_mem>>) src(%dma_wait3A_44 : memref<128xi32, #tpu.memory_space<hbm>>) dst(%arg4 : memref<128xi32, #tpu.memory_space<vmem>>)
        tpu.yield
      }) : () -> ()
      "tpu.region"() ({
        %run_scoped3A = tpu.sem_alloc : memref<!tpu.dma_semaphore, #tpu.memory_space<semaphore_mem>>
        %dma_start3A = arith.constant 0 : i32
        %dma_start3A_43 = arith.constant 0 : i32
        %dma_start3A_44 = tpu.memref_slice %arg10[%dma_start3A, %dma_start3A_43] : memref<10240x16xf32, #tpu.memory_space<vmem_shared>> -> memref<10240x16xf32, #tpu.memory_space<vmem_shared>>
        tpu.enqueue_indirect_dma source(%arg6 : memref<128x16xf32, #tpu.memory_space<vmem>>) target(%dma_start3A_44 : memref<10240x16xf32, #tpu.memory_space<vmem_shared>>) offsets(%arg4 : memref<128xi32, #tpu.memory_space<vmem>>) semaphore(%run_scoped3A : memref<!tpu.dma_semaphore, #tpu.memory_space<semaphore_mem>>) {add = true}
        %dma_wait3A = arith.constant 0 : i32
        %dma_wait3A_45 = arith.constant 0 : i32
        %dma_wait3A_46 = tpu.memref_slice %arg10[%dma_wait3A, %dma_wait3A_45] : memref<10240x16xf32, #tpu.memory_space<vmem_shared>> -> memref<10240x16xf32, #tpu.memory_space<vmem_shared>>
        tpu.wait_indirect_dma semaphore(%run_scoped3A : memref<!tpu.dma_semaphore, #tpu.memory_space<semaphore_mem>>) src(%arg6 : memref<128x16xf32, #tpu.memory_space<vmem>>) dst(%dma_wait3A_46 : memref<10240x16xf32, #tpu.memory_space<vmem_shared>>)
        tpu.yield
      }) : () -> ()
      %scan3A_42 = arith.constant 0 : i32
      scf.yield %scan3A_42 : i32
    }
    %scan3A_17 = arith.constant 78 : i32
    %add3A_18 = arith.constant 9984 : i32
    %add3A_19 = arith.addi %add3A, %add3A_18 : i32
    "tpu.region"() ({
      %run_scoped3A = tpu.sem_alloc : memref<!tpu.dma_semaphore, #tpu.memory_space<semaphore_mem>>
      %dma_start3A = tpu.memref_slice %arg2[%add3A_19] : memref<320000xi32, #tpu.memory_space<hbm>> -> memref<16xi32, #tpu.memory_space<hbm>>
      %dma_start3A_37 = tpu.memref_slice %arg2[%add3A_19] : memref<320000xi32, #tpu.memory_space<hbm>> -> memref<16xi32, #tpu.memory_space<hbm>>
      tpu.enqueue_dma source(%dma_start3A_37 : memref<16xi32, #tpu.memory_space<hbm>>) target(%arg5 : memref<16xi32, #tpu.memory_space<vmem>>) target_semaphore(%run_scoped3A : memref<!tpu.dma_semaphore, #tpu.memory_space<semaphore_mem>>)
      %dma_wait3A = tpu.memref_slice %arg2[%add3A_19] : memref<320000xi32, #tpu.memory_space<hbm>> -> memref<16xi32, #tpu.memory_space<hbm>>
      %dma_wait3A_38 = tpu.memref_slice %arg2[%add3A_19] : memref<320000xi32, #tpu.memory_space<hbm>> -> memref<16xi32, #tpu.memory_space<hbm>>
      tpu.wait_dma2 semaphore(%run_scoped3A : memref<!tpu.dma_semaphore, #tpu.memory_space<semaphore_mem>>) src(%dma_wait3A_38 : memref<16xi32, #tpu.memory_space<hbm>>) dst(%arg5 : memref<16xi32, #tpu.memory_space<vmem>>)
      tpu.yield
    }) : () -> ()
    "tpu.region"() ({
      %run_scoped3A = tpu.sem_alloc : memref<!tpu.dma_semaphore, #tpu.memory_space<semaphore_mem>>
      %dma_start3A = arith.constant 0 : i32
      %dma_start3A_37 = arith.constant 0 : i32
      %dma_start3A_38 = tpu.memref_slice %arg10[%dma_start3A, %dma_start3A_37] : memref<10240x16xf32, #tpu.memory_space<vmem_shared>> -> memref<10240x16xf32, #tpu.memory_space<vmem_shared>>
      tpu.enqueue_indirect_dma source(%arg7 : memref<16x16xf32, #tpu.memory_space<vmem>>) target(%dma_start3A_38 : memref<10240x16xf32, #tpu.memory_space<vmem_shared>>) offsets(%arg5 : memref<16xi32, #tpu.memory_space<vmem>>) semaphore(%run_scoped3A : memref<!tpu.dma_semaphore, #tpu.memory_space<semaphore_mem>>) {add = true}
      %dma_wait3A = arith.constant 0 : i32
      %dma_wait3A_39 = arith.constant 0 : i32
      %dma_wait3A_40 = tpu.memref_slice %arg10[%dma_wait3A, %dma_wait3A_39] : memref<10240x16xf32, #tpu.memory_space<vmem_shared>> -> memref<10240x16xf32, #tpu.memory_space<vmem_shared>>
      tpu.wait_indirect_dma semaphore(%run_scoped3A : memref<!tpu.dma_semaphore, #tpu.memory_space<semaphore_mem>>) src(%arg7 : memref<16x16xf32, #tpu.memory_space<vmem>>) dst(%dma_wait3A_40 : memref<10240x16xf32, #tpu.memory_space<vmem_shared>>)
      tpu.yield
    }) : () -> ()
    %barrier3A_20 = arith.constant 0 : index
    tpu.barrier barrier_id(%barrier3A_20)
    %mul3A_21 = arith.constant 640 : i32
    %mul3A_22 = arith.muli %arg1, %mul3A_21 : i32
    "tpu.region"() ({
      %run_scoped3A = tpu.sem_alloc : memref<!tpu.dma_semaphore, #tpu.memory_space<semaphore_mem>>
      %dma_start3A = arith.constant 0 : i32
      %dma_start3A_37 = tpu.memref_slice %arg10[%mul3A_22, %dma_start3A] : memref<10240x16xf32, #tpu.memory_space<vmem_shared>> -> memref<640x16xf32, #tpu.memory_space<vmem_shared>>
      %dma_start3A_38 = arith.constant 0 : i32
      %dma_start3A_39 = tpu.memref_slice %arg10[%mul3A_22, %dma_start3A_38] : memref<10240x16xf32, #tpu.memory_space<vmem_shared>> -> memref<640x16xf32, #tpu.memory_space<vmem_shared>>
      tpu.enqueue_dma source(%dma_start3A_39 : memref<640x16xf32, #tpu.memory_space<vmem_shared>>) target(%arg8 : memref<640x16xf32, #tpu.memory_space<vmem>>) target_semaphore(%run_scoped3A : memref<!tpu.dma_semaphore, #tpu.memory_space<semaphore_mem>>)
      %dma_wait3A = arith.constant 0 : i32
      %dma_wait3A_40 = tpu.memref_slice %arg10[%mul3A_22, %dma_wait3A] : memref<10240x16xf32, #tpu.memory_space<vmem_shared>> -> memref<640x16xf32, #tpu.memory_space<vmem_shared>>
      %dma_wait3A_41 = arith.constant 0 : i32
      %dma_wait3A_42 = tpu.memref_slice %arg10[%mul3A_22, %dma_wait3A_41] : memref<10240x16xf32, #tpu.memory_space<vmem_shared>> -> memref<640x16xf32, #tpu.memory_space<vmem_shared>>
      tpu.wait_dma2 semaphore(%run_scoped3A : memref<!tpu.dma_semaphore, #tpu.memory_space<semaphore_mem>>) src(%dma_wait3A_42 : memref<640x16xf32, #tpu.memory_space<vmem_shared>>) dst(%arg8 : memref<640x16xf32, #tpu.memory_space<vmem>>)
      tpu.yield
    }) : () -> ()
    %scan3A_23 = arith.constant 0 : i32
    %scan3A_24 = arith.constant 0 : i32
    %scan3A_25 = arith.constant 640 : i32
    %scan3A_26 = arith.addi %scan3A_24, %scan3A_25 : i32
    %scan3A_27 = arith.constant 1 : i32
    %scan3A_28 = scf.for %scan3A_37 = %scan3A_24 to %scan3A_26 step %scan3A_27 iter_args(%scan3A_38 = %scan3A_23) -> (i32)  : i32 {
      %get3A = arith.index_cast %scan3A_37 : i32 to index
      %get3A_39 = arith.constant 0 : index
      %get3A_40 = tpu.vector_load %arg8[%get3A, %get3A_39] {strides = array<i32>} : memref<640x16xf32, #tpu.memory_space<vmem>>, vector<1x16xf32>,
      %get3A_41 = vector.shape_cast %get3A_40 : vector<1x16xf32> to vector<16xf32>
      %mul3A_42 = arith.constant 16 : i32
      %mul3A_43 = arith.muli %scan3A_37, %mul3A_42 : i32
      %swap3A = arith.index_cast %mul3A_43 : i32 to index
      %swap3A_44 = tpu.vector_load %arg9[%swap3A] {strides = array<i32>} : memref<10240xf32, #tpu.memory_space<vmem>>, vector<16xf32>,
      %swap3A_45 = vector.shape_cast %swap3A_44 : vector<16xf32> to vector<16xf32>
      %swap3A_46 = vector.shape_cast %get3A_41 : vector<16xf32> to vector<16xf32>
      tpu.vector_store %arg9[%swap3A], %swap3A_46 {strides = array<i32>} : memref<10240xf32, #tpu.memory_space<vmem>>, vector<16xf32>,
      %scan3A_47 = arith.constant 0 : i32
      scf.yield %scan3A_47 : i32
    }
    %scan3A_29 = arith.constant 640 : i32
    %mul3A_30 = arith.constant 10240 : i32
    %mul3A_31 = arith.muli %arg0, %mul3A_30 : i32
    %mul3A_32 = arith.constant 640 : i32
    %mul3A_33 = arith.muli %arg1, %mul3A_32 : i32
    %add3A_34 = arith.addi %mul3A_31, %mul3A_33 : i32
    %mul3A_35 = arith.constant 16 : i32
    %mul3A_36 = arith.muli %add3A_34, %mul3A_35 : i32
    "tpu.region"() ({
      %run_scoped3A = tpu.sem_alloc : memref<!tpu.dma_semaphore, #tpu.memory_space<semaphore_mem>>
      %dma_start3A = tpu.memref_slice %arg3[%mul3A_36] : memref<327680xf32, #tpu.memory_space<hbm>> -> memref<10240xf32, #tpu.memory_space<hbm>>
      %dma_start3A_37 = tpu.memref_slice %arg3[%mul3A_36] : memref<327680xf32, #tpu.memory_space<hbm>> -> memref<10240xf32, #tpu.memory_space<hbm>>
      tpu.enqueue_dma source(%arg9 : memref<10240xf32, #tpu.memory_space<vmem>>) target(%dma_start3A_37 : memref<10240xf32, #tpu.memory_space<hbm>>) target_semaphore(%run_scoped3A : memref<!tpu.dma_semaphore, #tpu.memory_space<semaphore_mem>>)
      %dma_wait3A = tpu.memref_slice %arg3[%mul3A_36] : memref<327680xf32, #tpu.memory_space<hbm>> -> memref<10240xf32, #tpu.memory_space<hbm>>
      %dma_wait3A_38 = tpu.memref_slice %arg3[%mul3A_36] : memref<327680xf32, #tpu.memory_space<hbm>> -> memref<10240xf32, #tpu.memory_space<hbm>>
      tpu.wait_dma2 semaphore(%run_scoped3A : memref<!tpu.dma_semaphore, #tpu.memory_space<semaphore_mem>>) src(%arg9 : memref<10240xf32, #tpu.memory_space<vmem>>) dst(%dma_wait3A_38 : memref<10240xf32, #tpu.memory_space<hbm>>)
      tpu.yield
    }) : () -> ()
    return
  }
}

module attributes {stable_mosaic.version = 14 : i64} {
  func.func @_tc2_body(%arg0: i32, %arg1: memref<2x1000x16xf32, #tpu.memory_space<vmem>>, %arg2: memref<2x1000x128xf32, #tpu.memory_space<vmem>>, %arg3: memref<1000x128xf32, #tpu.memory_space<vmem>>, %arg4: memref<1x128xf32, #tpu.memory_space<vmem>>, %arg5: memref<1x128xf32, #tpu.memory_space<vmem>>, %arg6: memref<1x128xf32, #tpu.memory_space<vmem>>, %arg7: memref<1xf32, #tpu.memory_space<smem>>, %arg8: memref<128x128xf32, #tpu.memory_space<vmem>>, %arg9: memref<1000x128xf32, #tpu.memory_space<vmem>>) attributes {dimension_semantics = [#tpu.dimension_semantics<arbitrary>], iteration_bounds = array<i64: 10>, scalar_prefetch = 0 : i64, scratch_operands = 0 : i64, tpu.core_type = #tpu.core_type<tc>, window_params = [{transform_indices = @transform_0, window_bounds = array<i64: 2, 1000, 16>}, {transform_indices = @transform_1, window_bounds = array<i64: 2, 1000, 128>}, {transform_indices = @transform_2, window_bounds = array<i64: 1000, 128>}, {pipeline_mode = #tpu.pipeline_mode<synchronous>, transform_indices = @transform_3, window_bounds = array<i64: 1, 128>}, {pipeline_mode = #tpu.pipeline_mode<synchronous>, transform_indices = @transform_4, window_bounds = array<i64: 1, 128>}, {pipeline_mode = #tpu.pipeline_mode<synchronous>, transform_indices = @transform_5, window_bounds = array<i64: 1, 128>}, {transform_indices = @transform_6, window_bounds = array<i64: 1>}, {pipeline_mode = #tpu.pipeline_mode<synchronous>, transform_indices = @transform_7, window_bounds = array<i64: 128, 128>}, {transform_indices = @transform_8, window_bounds = array<i64: 1000, 128>}]} {
    %get3A = arith.constant 0 : index
    %get3A_0 = arith.constant 0 : index
    %get3A_1 = arith.constant 0 : index
    %get3A_2 = vector.load %arg1[%get3A, %get3A_0, %get3A_1] : memref<2x1000x16xf32, #tpu.memory_space<vmem>>, vector<1x1000x1xf32>
    %get3A_3 = vector.shape_cast %get3A_2 : vector<1x1000x1xf32> to vector<1000x1xf32>
    %add3A = arith.constant 1.000000e+00 : f32
    %add3A_4 = vector.broadcast %add3A : f32 to vector<1000x1xf32>
    %add3A_5 = arith.addf %add3A_4, %get3A_3 : vector<1000x1xf32>
    %get3A_6 = arith.constant 1 : index
    %get3A_7 = arith.constant 0 : index
    %get3A_8 = arith.constant 0 : index
    %get3A_9 = vector.load %arg1[%get3A_6, %get3A_7, %get3A_8] : memref<2x1000x16xf32, #tpu.memory_space<vmem>>, vector<1x1000x1xf32>
    %get3A_10 = vector.shape_cast %get3A_9 : vector<1x1000x1xf32> to vector<1000x1xf32>
    %add3A_11 = arith.addf %add3A_5, %get3A_10 : vector<1000x1xf32>
    %rsqrt3A = math.rsqrt %add3A_11 : vector<1000x1xf32>
    %get3A_12 = arith.constant 0 : index
    %get3A_13 = arith.constant 0 : index
    %get3A_14 = arith.constant 0 : index
    %get3A_15 = vector.load %arg2[%get3A_12, %get3A_13, %get3A_14] : memref<2x1000x128xf32, #tpu.memory_space<vmem>>, vector<1x1000x128xf32>
    %get3A_16 = vector.shape_cast %get3A_15 : vector<1x1000x128xf32> to vector<1000x128xf32>
    %get3A_17 = arith.constant 1 : index
    %get3A_18 = arith.constant 0 : index
    %get3A_19 = arith.constant 0 : index
    %get3A_20 = vector.load %arg2[%get3A_17, %get3A_18, %get3A_19] : memref<2x1000x128xf32, #tpu.memory_space<vmem>>, vector<1x1000x128xf32>
    %get3A_21 = vector.shape_cast %get3A_20 : vector<1x1000x128xf32> to vector<1000x128xf32>
    %add3A_22 = arith.addf %get3A_16, %get3A_21 : vector<1000x128xf32>
    %get3A_23 = arith.constant 0 : index
    %get3A_24 = arith.constant 0 : index
    %get3A_25 = vector.load %arg3[%get3A_23, %get3A_24] : memref<1000x128xf32, #tpu.memory_space<vmem>>, vector<1000x128xf32>
    %add3A_26 = arith.addf %add3A_22, %get3A_25 : vector<1000x128xf32>
    %mul3A = vector.broadcast %rsqrt3A : vector<1000x1xf32> to vector<1000x128xf32>
    %mul3A_27 = arith.mulf %add3A_26, %mul3A : vector<1000x128xf32>
    %get3A_28 = arith.constant 0 : index
    %get3A_29 = arith.constant 0 : index
    %get3A_30 = vector.load %arg4[%get3A_28, %get3A_29] : memref<1x128xf32, #tpu.memory_space<vmem>>, vector<1x128xf32>
    %add3A_31 = vector.broadcast %get3A_30 : vector<1x128xf32> to vector<1000x128xf32>
    %add3A_32 = arith.addf %mul3A_27, %add3A_31 : vector<1000x128xf32>
    %reduce_sum3A = arith.constant dense<0.000000e+00> : vector<1000xf32>
    %reduce_sum3A_33 = vector.multi_reduction <add>, %add3A_32, %reduce_sum3A [1] : vector<1000x128xf32> to vector<1000xf32>
    %broadcast_in_dim3A = vector.shape_cast %reduce_sum3A_33 : vector<1000xf32> to vector<1000x1xf32>
    %div3A = arith.constant 1.280000e+02 : f32
    %div3A_34 = vector.broadcast %div3A : f32 to vector<1000x1xf32>
    %div3A_35 = arith.divf %broadcast_in_dim3A, %div3A_34 : vector<1000x1xf32>
    %sub3A = vector.broadcast %div3A_35 : vector<1000x1xf32> to vector<1000x128xf32>
    %sub3A_36 = arith.subf %add3A_32, %sub3A : vector<1000x128xf32>
    %mul3A_37 = arith.mulf %sub3A_36, %sub3A_36 : vector<1000x128xf32>
    %reduce_sum3A_38 = arith.constant dense<0.000000e+00> : vector<1000xf32>
    %reduce_sum3A_39 = vector.multi_reduction <add>, %mul3A_37, %reduce_sum3A_38 [1] : vector<1000x128xf32> to vector<1000xf32>
    %broadcast_in_dim3A_40 = vector.shape_cast %reduce_sum3A_39 : vector<1000xf32> to vector<1000x1xf32>
    %div3A_41 = arith.constant 1.280000e+02 : f32
    %div3A_42 = vector.broadcast %div3A_41 : f32 to vector<1000x1xf32>
    %div3A_43 = arith.divf %broadcast_in_dim3A_40, %div3A_42 : vector<1000x1xf32>
    %add3A_44 = arith.constant 9.99999974E-6 : f32
    %add3A_45 = vector.broadcast %add3A_44 : f32 to vector<1000x1xf32>
    %add3A_46 = arith.addf %div3A_43, %add3A_45 : vector<1000x1xf32>
    %rsqrt3A_47 = math.rsqrt %add3A_46 : vector<1000x1xf32>
    %mul3A_48 = vector.broadcast %rsqrt3A_47 : vector<1000x1xf32> to vector<1000x128xf32>
    %mul3A_49 = arith.mulf %sub3A_36, %mul3A_48 : vector<1000x128xf32>
    %get3A_50 = arith.constant 0 : index
    %get3A_51 = arith.constant 0 : index
    %get3A_52 = vector.load %arg5[%get3A_50, %get3A_51] : memref<1x128xf32, #tpu.memory_space<vmem>>, vector<1x128xf32>
    %mul3A_53 = vector.broadcast %get3A_52 : vector<1x128xf32> to vector<1000x128xf32>
    %mul3A_54 = arith.mulf %mul3A_49, %mul3A_53 : vector<1000x128xf32>
    %get3A_55 = arith.constant 0 : index
    %get3A_56 = arith.constant 0 : index
    %get3A_57 = vector.load %arg6[%get3A_55, %get3A_56] : memref<1x128xf32, #tpu.memory_space<vmem>>, vector<1x128xf32>
    %add3A_58 = vector.broadcast %get3A_57 : vector<1x128xf32> to vector<1000x128xf32>
    %add3A_59 = arith.addf %mul3A_54, %add3A_58 : vector<1000x128xf32>
    %get3A_60 = arith.constant 0 : index
    %get3A_61 = memref.load %arg7[%get3A_60] : memref<1xf32, #tpu.memory_space<smem>>
    %ge3A = arith.constant 0.000000e+00 : f32
    %ge3A_62 = vector.broadcast %ge3A : f32 to vector<1000x128xf32>
    %ge3A_63 = arith.cmpf oge, %add3A_59, %ge3A_62 : vector<1000x128xf32>
    %mul3A_64 = vector.broadcast %get3A_61 : f32 to vector<1000x128xf32>
    %mul3A_65 = arith.mulf %mul3A_64, %add3A_59 : vector<1000x128xf32>
    %select_n3A = arith.select %ge3A_63, %add3A_59, %mul3A_65 : vector<1000x128xi1>, vector<1000x128xf32>
    %get3A_66 = arith.constant 0 : index
    %get3A_67 = arith.constant 0 : index
    %get3A_68 = vector.load %arg8[%get3A_66, %get3A_67] : memref<128x128xf32, #tpu.memory_space<vmem>>, vector<128x128xf32>
    %dot_general3A = arith.constant dense<0.000000e+00> : vector<1000x128xf32>
    %dot_general3A_69 = tpu.matmul %select_n3A, %get3A_68, %dot_general3A {dimension_numbers = #tpu.dot_dimension_numbers<[1], [0], [0], [1], [0, 0, 1, 1], [], []>, transpose_lhs_hint = false} : vector<1000x128xf32>, vector<128x128xf32>, vector<1000x128xf32> -> vector<1000x128xf32>
    %mul3A_70 = vector.broadcast %rsqrt3A : vector<1000x1xf32> to vector<1000x128xf32>
    %mul3A_71 = arith.mulf %dot_general3A_69, %mul3A_70 : vector<1000x128xf32>
    %swap3A = arith.constant 0 : index
    %swap3A_72 = arith.constant 0 : index
    %swap3A_73 = vector.load %arg9[%swap3A, %swap3A_72] : memref<1000x128xf32, #tpu.memory_space<vmem>>, vector<1000x128xf32>
    tpu.vector_store %arg9[%swap3A, %swap3A_72], %mul3A_71 {strides = array<i32>} : memref<1000x128xf32, #tpu.memory_space<vmem>>, vector<1000x128xf32>,
    return
  }
  func.func @transform_0(%arg0: i32) -> (i32, i32, i32) {
    %c0_i32 = arith.constant 0 : i32
    %c0_i32_0 = arith.constant 0 : i32
    %c0_i32_1 = arith.constant 0 : i32
    return %c0_i32, %arg0, %c0_i32_0 : i32, i32, i32
  }
  func.func @transform_1(%arg0: i32) -> (i32, i32, i32) {
    %c0_i32 = arith.constant 0 : i32
    %c0_i32_0 = arith.constant 0 : i32
    %c0_i32_1 = arith.constant 0 : i32
    return %c0_i32, %arg0, %c0_i32_0 : i32, i32, i32
  }
  func.func @transform_2(%arg0: i32) -> (i32, i32) {
    %c0_i32 = arith.constant 0 : i32
    %c0_i32_0 = arith.constant 0 : i32
    return %arg0, %c0_i32 : i32, i32
  }
  func.func @transform_3(%arg0: i32) -> (i32, i32) {
    %c0_i32 = arith.constant 0 : i32
    %c0_i32_0 = arith.constant 0 : i32
    %c0_i32_1 = arith.constant 0 : i32
    return %c0_i32, %c0_i32_0 : i32, i32
  }
  func.func @transform_4(%arg0: i32) -> (i32, i32) {
    %c0_i32 = arith.constant 0 : i32
    %c0_i32_0 = arith.constant 0 : i32
    %c0_i32_1 = arith.constant 0 : i32
    return %c0_i32, %c0_i32_0 : i32, i32
  }
  func.func @transform_5(%arg0: i32) -> (i32, i32) {
    %c0_i32 = arith.constant 0 : i32
    %c0_i32_0 = arith.constant 0 : i32
    %c0_i32_1 = arith.constant 0 : i32
    return %c0_i32, %c0_i32_0 : i32, i32
  }
  func.func @transform_6(%arg0: i32) -> i32 {
    %c0_i32 = arith.constant 0 : i32
    %c0_i32_0 = arith.constant 0 : i32
    return %c0_i32 : i32
  }
  func.func @transform_7(%arg0: i32) -> (i32, i32) {
    %c0_i32 = arith.constant 0 : i32
    %c0_i32_0 = arith.constant 0 : i32
    %c0_i32_1 = arith.constant 0 : i32
    return %c0_i32, %c0_i32_0 : i32, i32
  }
  func.func @transform_8(%arg0: i32) -> (i32, i32) {
    %c0_i32 = arith.constant 0 : i32
    %c0_i32_0 = arith.constant 0 : i32
    return %arg0, %c0_i32 : i32, i32
  }
}

module attributes {stable_mosaic.version = 14 : i64} {
  func.func @_tc1_body(%arg0: i32, %arg1: memref<2x1000x16xf32, #tpu.memory_space<vmem>>, %arg2: memref<1000x128xf32, #tpu.memory_space<vmem>>, %arg3: memref<128x128xf32, #tpu.memory_space<vmem>>, %arg4: memref<1000x128xf32, #tpu.memory_space<vmem>>) attributes {dimension_semantics = [#tpu.dimension_semantics<arbitrary>], iteration_bounds = array<i64: 10>, scalar_prefetch = 0 : i64, scratch_operands = 0 : i64, tpu.core_type = #tpu.core_type<tc>, window_params = [{transform_indices = @transform_0, window_bounds = array<i64: 2, 1000, 16>}, {transform_indices = @transform_1, window_bounds = array<i64: 1000, 128>}, {pipeline_mode = #tpu.pipeline_mode<synchronous>, transform_indices = @transform_2, window_bounds = array<i64: 128, 128>}, {transform_indices = @transform_3, window_bounds = array<i64: 1000, 128>}]} {
    %get3A = arith.constant 0 : index
    %get3A_0 = arith.constant 0 : index
    %get3A_1 = arith.constant 0 : index
    %get3A_2 = vector.load %arg1[%get3A, %get3A_0, %get3A_1] : memref<2x1000x16xf32, #tpu.memory_space<vmem>>, vector<1x1000x1xf32>
    %get3A_3 = vector.shape_cast %get3A_2 : vector<1x1000x1xf32> to vector<1000x1xf32>
    %add3A = arith.constant 1.000000e+00 : f32
    %add3A_4 = vector.broadcast %add3A : f32 to vector<1000x1xf32>
    %add3A_5 = arith.addf %add3A_4, %get3A_3 : vector<1000x1xf32>
    %get3A_6 = arith.constant 1 : index
    %get3A_7 = arith.constant 0 : index
    %get3A_8 = arith.constant 0 : index
    %get3A_9 = vector.load %arg1[%get3A_6, %get3A_7, %get3A_8] : memref<2x1000x16xf32, #tpu.memory_space<vmem>>, vector<1x1000x1xf32>
    %get3A_10 = vector.shape_cast %get3A_9 : vector<1x1000x1xf32> to vector<1000x1xf32>
    %add3A_11 = arith.addf %add3A_5, %get3A_10 : vector<1000x1xf32>
    %rsqrt3A = math.rsqrt %add3A_11 : vector<1000x1xf32>
    %get3A_12 = arith.constant 0 : index
    %get3A_13 = arith.constant 0 : index
    %get3A_14 = vector.load %arg2[%get3A_12, %get3A_13] : memref<1000x128xf32, #tpu.memory_space<vmem>>, vector<1000x128xf32>
    %get3A_15 = arith.constant 0 : index
    %get3A_16 = arith.constant 0 : index
    %get3A_17 = vector.load %arg3[%get3A_15, %get3A_16] : memref<128x128xf32, #tpu.memory_space<vmem>>, vector<128x128xf32>
    %dot_general3A = arith.constant dense<0.000000e+00> : vector<1000x128xf32>
    %dot_general3A_18 = tpu.matmul %get3A_14, %get3A_17, %dot_general3A {dimension_numbers = #tpu.dot_dimension_numbers<[1], [0], [0], [1], [0, 0, 1, 1], [], []>, transpose_lhs_hint = false} : vector<1000x128xf32>, vector<128x128xf32>, vector<1000x128xf32> -> vector<1000x128xf32>
    %mul3A = vector.broadcast %rsqrt3A : vector<1000x1xf32> to vector<1000x128xf32>
    %mul3A_19 = arith.mulf %dot_general3A_18, %mul3A : vector<1000x128xf32>
    %swap3A = arith.constant 0 : index
    %swap3A_20 = arith.constant 0 : index
    %swap3A_21 = vector.load %arg4[%swap3A, %swap3A_20] : memref<1000x128xf32, #tpu.memory_space<vmem>>, vector<1000x128xf32>
    tpu.vector_store %arg4[%swap3A, %swap3A_20], %mul3A_19 {strides = array<i32>} : memref<1000x128xf32, #tpu.memory_space<vmem>>, vector<1000x128xf32>,
    return
  }
  func.func @transform_0(%arg0: i32) -> (i32, i32, i32) {
    %c0_i32 = arith.constant 0 : i32
    %c0_i32_0 = arith.constant 0 : i32
    %c0_i32_1 = arith.constant 0 : i32
    return %c0_i32, %arg0, %c0_i32_0 : i32, i32, i32
  }
  func.func @transform_1(%arg0: i32) -> (i32, i32) {
    %c0_i32 = arith.constant 0 : i32
    %c0_i32_0 = arith.constant 0 : i32
    return %arg0, %c0_i32 : i32, i32
  }
  func.func @transform_2(%arg0: i32) -> (i32, i32) {
    %c0_i32 = arith.constant 0 : i32
    %c0_i32_0 = arith.constant 0 : i32
    %c0_i32_1 = arith.constant 0 : i32
    return %c0_i32, %c0_i32_0 : i32, i32
  }
  func.func @transform_3(%arg0: i32) -> (i32, i32) {
    %c0_i32 = arith.constant 0 : i32
    %c0_i32_0 = arith.constant 0 : i32
    return %arg0, %c0_i32 : i32, i32
  }
}

module attributes {stable_mosaic.version = 14 : i64} {
  func.func @_tc3_body(%arg0: i32, %arg1: memref<2x1000x16xf32, #tpu.memory_space<vmem>>, %arg2: memref<2x1000x128xf32, #tpu.memory_space<vmem>>, %arg3: memref<1000x128xf32, #tpu.memory_space<vmem>>, %arg4: memref<1x128xf32, #tpu.memory_space<vmem>>, %arg5: memref<1x128xf32, #tpu.memory_space<vmem>>, %arg6: memref<1x128xf32, #tpu.memory_space<vmem>>, %arg7: memref<1xf32, #tpu.memory_space<smem>>, %arg8: memref<1000x128xf32, #tpu.memory_space<vmem>>) attributes {dimension_semantics = [#tpu.dimension_semantics<arbitrary>], iteration_bounds = array<i64: 10>, scalar_prefetch = 0 : i64, scratch_operands = 0 : i64, tpu.core_type = #tpu.core_type<tc>, window_params = [{transform_indices = @transform_0, window_bounds = array<i64: 2, 1000, 16>}, {transform_indices = @transform_1, window_bounds = array<i64: 2, 1000, 128>}, {transform_indices = @transform_2, window_bounds = array<i64: 1000, 128>}, {pipeline_mode = #tpu.pipeline_mode<synchronous>, transform_indices = @transform_3, window_bounds = array<i64: 1, 128>}, {pipeline_mode = #tpu.pipeline_mode<synchronous>, transform_indices = @transform_4, window_bounds = array<i64: 1, 128>}, {pipeline_mode = #tpu.pipeline_mode<synchronous>, transform_indices = @transform_5, window_bounds = array<i64: 1, 128>}, {transform_indices = @transform_6, window_bounds = array<i64: 1>}, {transform_indices = @transform_7, window_bounds = array<i64: 1000, 128>}]} {
    %get3A = arith.constant 0 : index
    %get3A_0 = arith.constant 0 : index
    %get3A_1 = arith.constant 0 : index
    %get3A_2 = vector.load %arg1[%get3A, %get3A_0, %get3A_1] : memref<2x1000x16xf32, #tpu.memory_space<vmem>>, vector<1x1000x1xf32>
    %get3A_3 = vector.shape_cast %get3A_2 : vector<1x1000x1xf32> to vector<1000x1xf32>
    %add3A = arith.constant 1.000000e+00 : f32
    %add3A_4 = vector.broadcast %add3A : f32 to vector<1000x1xf32>
    %add3A_5 = arith.addf %add3A_4, %get3A_3 : vector<1000x1xf32>
    %get3A_6 = arith.constant 1 : index
    %get3A_7 = arith.constant 0 : index
    %get3A_8 = arith.constant 0 : index
    %get3A_9 = vector.load %arg1[%get3A_6, %get3A_7, %get3A_8] : memref<2x1000x16xf32, #tpu.memory_space<vmem>>, vector<1x1000x1xf32>
    %get3A_10 = vector.shape_cast %get3A_9 : vector<1x1000x1xf32> to vector<1000x1xf32>
    %add3A_11 = arith.addf %add3A_5, %get3A_10 : vector<1000x1xf32>
    %rsqrt3A = math.rsqrt %add3A_11 : vector<1000x1xf32>
    %get3A_12 = arith.constant 0 : index
    %get3A_13 = arith.constant 0 : index
    %get3A_14 = arith.constant 0 : index
    %get3A_15 = vector.load %arg2[%get3A_12, %get3A_13, %get3A_14] : memref<2x1000x128xf32, #tpu.memory_space<vmem>>, vector<1x1000x128xf32>
    %get3A_16 = vector.shape_cast %get3A_15 : vector<1x1000x128xf32> to vector<1000x128xf32>
    %get3A_17 = arith.constant 1 : index
    %get3A_18 = arith.constant 0 : index
    %get3A_19 = arith.constant 0 : index
    %get3A_20 = vector.load %arg2[%get3A_17, %get3A_18, %get3A_19] : memref<2x1000x128xf32, #tpu.memory_space<vmem>>, vector<1x1000x128xf32>
    %get3A_21 = vector.shape_cast %get3A_20 : vector<1x1000x128xf32> to vector<1000x128xf32>
    %add3A_22 = arith.addf %get3A_16, %get3A_21 : vector<1000x128xf32>
    %get3A_23 = arith.constant 0 : index
    %get3A_24 = arith.constant 0 : index
    %get3A_25 = vector.load %arg3[%get3A_23, %get3A_24] : memref<1000x128xf32, #tpu.memory_space<vmem>>, vector<1000x128xf32>
    %add3A_26 = arith.addf %add3A_22, %get3A_25 : vector<1000x128xf32>
    %mul3A = vector.broadcast %rsqrt3A : vector<1000x1xf32> to vector<1000x128xf32>
    %mul3A_27 = arith.mulf %add3A_26, %mul3A : vector<1000x128xf32>
    %get3A_28 = arith.constant 0 : index
    %get3A_29 = arith.constant 0 : index
    %get3A_30 = vector.load %arg4[%get3A_28, %get3A_29] : memref<1x128xf32, #tpu.memory_space<vmem>>, vector<1x128xf32>
    %add3A_31 = vector.broadcast %get3A_30 : vector<1x128xf32> to vector<1000x128xf32>
    %add3A_32 = arith.addf %mul3A_27, %add3A_31 : vector<1000x128xf32>
    %reduce_sum3A = arith.constant dense<0.000000e+00> : vector<1000xf32>
    %reduce_sum3A_33 = vector.multi_reduction <add>, %add3A_32, %reduce_sum3A [1] : vector<1000x128xf32> to vector<1000xf32>
    %broadcast_in_dim3A = vector.shape_cast %reduce_sum3A_33 : vector<1000xf32> to vector<1000x1xf32>
    %div3A = arith.constant 1.280000e+02 : f32
    %div3A_34 = vector.broadcast %div3A : f32 to vector<1000x1xf32>
    %div3A_35 = arith.divf %broadcast_in_dim3A, %div3A_34 : vector<1000x1xf32>
    %sub3A = vector.broadcast %div3A_35 : vector<1000x1xf32> to vector<1000x128xf32>
    %sub3A_36 = arith.subf %add3A_32, %sub3A : vector<1000x128xf32>
    %mul3A_37 = arith.mulf %sub3A_36, %sub3A_36 : vector<1000x128xf32>
    %reduce_sum3A_38 = arith.constant dense<0.000000e+00> : vector<1000xf32>
    %reduce_sum3A_39 = vector.multi_reduction <add>, %mul3A_37, %reduce_sum3A_38 [1] : vector<1000x128xf32> to vector<1000xf32>
    %broadcast_in_dim3A_40 = vector.shape_cast %reduce_sum3A_39 : vector<1000xf32> to vector<1000x1xf32>
    %div3A_41 = arith.constant 1.280000e+02 : f32
    %div3A_42 = vector.broadcast %div3A_41 : f32 to vector<1000x1xf32>
    %div3A_43 = arith.divf %broadcast_in_dim3A_40, %div3A_42 : vector<1000x1xf32>
    %add3A_44 = arith.constant 9.99999974E-6 : f32
    %add3A_45 = vector.broadcast %add3A_44 : f32 to vector<1000x1xf32>
    %add3A_46 = arith.addf %div3A_43, %add3A_45 : vector<1000x1xf32>
    %rsqrt3A_47 = math.rsqrt %add3A_46 : vector<1000x1xf32>
    %mul3A_48 = vector.broadcast %rsqrt3A_47 : vector<1000x1xf32> to vector<1000x128xf32>
    %mul3A_49 = arith.mulf %sub3A_36, %mul3A_48 : vector<1000x128xf32>
    %get3A_50 = arith.constant 0 : index
    %get3A_51 = arith.constant 0 : index
    %get3A_52 = vector.load %arg5[%get3A_50, %get3A_51] : memref<1x128xf32, #tpu.memory_space<vmem>>, vector<1x128xf32>
    %mul3A_53 = vector.broadcast %get3A_52 : vector<1x128xf32> to vector<1000x128xf32>
    %mul3A_54 = arith.mulf %mul3A_49, %mul3A_53 : vector<1000x128xf32>
    %get3A_55 = arith.constant 0 : index
    %get3A_56 = arith.constant 0 : index
    %get3A_57 = vector.load %arg6[%get3A_55, %get3A_56] : memref<1x128xf32, #tpu.memory_space<vmem>>, vector<1x128xf32>
    %add3A_58 = vector.broadcast %get3A_57 : vector<1x128xf32> to vector<1000x128xf32>
    %add3A_59 = arith.addf %mul3A_54, %add3A_58 : vector<1000x128xf32>
    %get3A_60 = arith.constant 0 : index
    %get3A_61 = memref.load %arg7[%get3A_60] : memref<1xf32, #tpu.memory_space<smem>>
    %ge3A = arith.constant 0.000000e+00 : f32
    %ge3A_62 = vector.broadcast %ge3A : f32 to vector<1000x128xf32>
    %ge3A_63 = arith.cmpf oge, %add3A_59, %ge3A_62 : vector<1000x128xf32>
    %mul3A_64 = vector.broadcast %get3A_61 : f32 to vector<1000x128xf32>
    %mul3A_65 = arith.mulf %mul3A_64, %add3A_59 : vector<1000x128xf32>
    %select_n3A = arith.select %ge3A_63, %add3A_59, %mul3A_65 : vector<1000x128xi1>, vector<1000x128xf32>
    %swap3A = arith.constant 0 : index
    %swap3A_66 = arith.constant 0 : index
    %swap3A_67 = vector.load %arg8[%swap3A, %swap3A_66] : memref<1000x128xf32, #tpu.memory_space<vmem>>, vector<1000x128xf32>
    tpu.vector_store %arg8[%swap3A, %swap3A_66], %select_n3A {strides = array<i32>} : memref<1000x128xf32, #tpu.memory_space<vmem>>, vector<1000x128xf32>,
    return
  }
  func.func @transform_0(%arg0: i32) -> (i32, i32, i32) {
    %c0_i32 = arith.constant 0 : i32
    %c0_i32_0 = arith.constant 0 : i32
    %c0_i32_1 = arith.constant 0 : i32
    return %c0_i32, %arg0, %c0_i32_0 : i32, i32, i32
  }
  func.func @transform_1(%arg0: i32) -> (i32, i32, i32) {
    %c0_i32 = arith.constant 0 : i32
    %c0_i32_0 = arith.constant 0 : i32
    %c0_i32_1 = arith.constant 0 : i32
    return %c0_i32, %arg0, %c0_i32_0 : i32, i32, i32
  }
  func.func @transform_2(%arg0: i32) -> (i32, i32) {
    %c0_i32 = arith.constant 0 : i32
    %c0_i32_0 = arith.constant 0 : i32
    return %arg0, %c0_i32 : i32, i32
  }
  func.func @transform_3(%arg0: i32) -> (i32, i32) {
    %c0_i32 = arith.constant 0 : i32
    %c0_i32_0 = arith.constant 0 : i32
    %c0_i32_1 = arith.constant 0 : i32
    return %c0_i32, %c0_i32_0 : i32, i32
  }
  func.func @transform_4(%arg0: i32) -> (i32, i32) {
    %c0_i32 = arith.constant 0 : i32
    %c0_i32_0 = arith.constant 0 : i32
    %c0_i32_1 = arith.constant 0 : i32
    return %c0_i32, %c0_i32_0 : i32, i32
  }
  func.func @transform_5(%arg0: i32) -> (i32, i32) {
    %c0_i32 = arith.constant 0 : i32
    %c0_i32_0 = arith.constant 0 : i32
    %c0_i32_1 = arith.constant 0 : i32
    return %c0_i32, %c0_i32_0 : i32, i32
  }
  func.func @transform_6(%arg0: i32) -> i32 {
    %c0_i32 = arith.constant 0 : i32
    %c0_i32_0 = arith.constant 0 : i32
    return %c0_i32 : i32
  }
  func.func @transform_7(%arg0: i32) -> (i32, i32) {
    %c0_i32 = arith.constant 0 : i32
    %c0_i32_0 = arith.constant 0 : i32
    return %arg0, %c0_i32 : i32, i32
  }
}

</mosaic_0001>

<sc_bundles>
// kernel: kernel.11.cloned.1.call-start
scs
__scs_entry_jumppad:
0x0: {  	(pc) =	sbr.rel $0x88, $3  }
0x1: {  	(tag) =	ssettag $0x0;
	lr =	simm.s32 $0x1  }
0x2: {  	[smem:$0x3F95] =	sst lr;
	_ =	strace $0xD0000000  }
0x3: {  	_ = 	snop  }
0x4: {  	_ = 	snop  }
0x5: {  	_ = 	snop  }
0x6: {  	_ = 	snop  }
0x7: {  	_ = 	snop  }
__scs_overlays_trampoline_lowered:
0x8: {  	[smem:$0x3FA4] =	sst s0  }
0x9: {  	[smem:$0x3FA5] =	sst s1  }
0xa: {  	[smem:$0x3FA6] =	sst s2  }
0xb: {  	[smem:$0x3FA7] =	sst s3  }
0xc: {  	[smem:$0x3FA8] =	sst s4  }
0xd: {  	[smem:$0x3FA9] =	sst s5  }
0xe: {  	[smem:$0x3FAA] =	sst s6  }
0xf: {  	[smem:$0x3FAB] =	sst s7  }
0x10: {  	[smem:$0x3FAC] =	sst s8  }
0x11: {  	[smem:$0x3FAD] =	sst s9;
	s0 =	simm.s32 @!p0 $0x0  }
0x12: {  	s1 =	sld [smem:$0x3F93];
	s0 =	simm.s32 @p0 $0x1  }
0x13: {  	[smem:$0x3FAE] =	sst s0;
	s0 =	simm.s32 @!p1 $0x0  }
0x14: {  	s2 =	sld [smem:$0x3F92];
	s0 =	simm.s32 @p1 $0x1  }
0x15: {  	[smem:$0x3FAF] =	sst s0;
	s0 =	simm.s32 @!p2 $0x0  }
0x16: {  	s3 =	sld [smem:$0x3FDB];
	s0 =	simm.s32 @p2 $0x1  }
0x17: {  	s4 =	simm.s32 $0x1BF5;
	[smem:$0x3FB1] =	sst s0  }
0x18: {  	s0 =	sld [smem:$0x3F94];
	_ =	swait.ge [sflag:s4], $0x0  }
0x19: {  	s7 =	sld [smem:$0x3F95]  }
0x1a: {  	s8 =	sadd.s32 $0xFFFFE003, lr  }
0x1b: {  	s9 =	sadd.s32 $0xFFFFFEF7, lr;
	s5 =	simm.s32 $0xFFFFFFFF;
	p2 =	slt.u32 s8, $0xFFFFF086  }
0x1c: {  	p1 =	slt.u32 s9, $0xF7A;
	s5 =	simm.s32 @!p2 $0x0  }
0x1d: {  	s5 =	simm.s32 @p1 $0x1;
	p0 =	seq.s32 s7, s2  }
0x1e: {  	s7 =	smul.u32 @!p0 $0xF7A, s2;
	p2 =	seq.s32 @!p0 s5, $0x0  }
0x1f: {  	s9 =	smul.u32 $0xF7A, s1;
	s8 =	simm.s32 @!p0 $0x1BF5;
	p2 =	por !p2, p0  }
0x20: {  	[sflag:s8] =	ssyncset.s32 @!p0 $0xFFFFF086;
	s6 =	sadd.s32 @!p0 s3, s7;
	s7 =	simm.s32 @!p0 $0x108  }
0x21: {  	s3 =	sadd.s32 s3, s9;
	s6 =	sadd.s32 @!p0 $0x88, s6;
	s7 =	simm.s32 @p2 $0x1082  }
0x22: {  	[simem:s7], [sflag:s8] =	dma.local @!p0 [hbm:s6], $0xF7A  }
0x23: {  	s9 =	sor.u32 $0xD0000000, s2;
	s6 =	simm.s32 $0x108;
	_ =	swait.ge @!p0 [sflag:s8], $0x0  }
0x24: {  	s3 =	sadd.s32 $0x88, s3;
	s6 =	simm.s32 @!p1 $0x1082;
	[sflag:s4] =	ssyncset.s32 $0xFFFFF086  }
0x25: {  	[simem:s6], [sflag:s4] =	dma.local [hbm:s3], $0xF7A  }
0x26: {  	[smem:$0x3F95] =	sst s1;
	(tag) =	ssettag s2;
	_ =	strace s9  }
0x27: {  	s1 =	sld [smem:$0x3FA5]  }
0x28: {  	s2 =	sld [smem:$0x3FA6]  }
0x29: {  	s4 =	sld [smem:$0x3FA8]  }
0x2a: {  	p0 =	seq.s32 s5, $0x0;
	s5 =	sld [smem:$0x3FA9]  }
0x2b: {  	s6 =	sld [smem:$0x3FAA]  }
0x2c: {  	s7 =	sld [smem:$0x3FAB]  }
0x2d: {  	s3 =	simm.s32 $0x108;
	s8 =	sld [smem:$0x3FAC]  }
0x2e: {  	s3 =	simm.s32 @!p0 $0x1082;
	s9 =	sld [smem:$0x3FAD]  }
0x2f: {  	lr =	sadd.s32 s0, s3;
	s0 =	sld [smem:$0x3FA4]  }
0x30: {  	s3 =	sld [smem:$0x3FA7]  }
0x31: {  	[smem:$0x3FB0] =	sst s10  }
0x32: {  	s10 =	sld [smem:$0x3FAE];
	_ =	sdelay $0x3  }
0x33: {  	p0 =	seq.s32 s10, $0x1;
	s10 =	sld [smem:$0x3FB0];
	_ =	sdelay $0x3  }
0x34: {  	[smem:$0x3FB0] =	sst s10  }
0x35: {  	s10 =	sld [smem:$0x3FAF];
	_ =	sdelay $0x3  }
0x36: {  	p1 =	seq.s32 s10, $0x1;
	s10 =	sld [smem:$0x3FB0];
	_ =	sdelay $0x3  }
0x37: {  	[smem:$0x3FB0] =	sst s10  }
0x38: {  	s10 =	sld [smem:$0x3FB1]  }
0x39: {  	_ = 	snop;
	(pc) =	sbr.ind lr, $3  }
0x3a: {  	_ = 	snop  }
0x3b: {  	_ = 	snop  }
0x3c: {  	p2 =	seq.s32 s10, $0x1;
	s10 =	sld [smem:$0x3FB0]  }
0x3d: {  	_ =	shalt  }
0x3e: {  	_ =	shalt  }
0x3f: {  	_ =	shalt  }
0x40: {  	_ =	shalt  }
0x41: {  	_ =	shalt  }
0x42: {  	_ =	shalt  }
0x43: {  	_ =	shalt  }
0x44: {  	_ =	shalt  }
0x45: {  	_ =	shalt  }
0x46: {  	_ =	shalt  }
0x47: {  	_ =	shalt  }
0x48: {  	_ =	shalt  }
0x49: {  	_ =	shalt  }
0x4a: {  	_ =	shalt  }
0x4b: {  	_ =	shalt  }
0x4c: {  	_ =	shalt  }
0x4d: {  	_ =	shalt  }
0x4e: {  	_ =	shalt  }
0x4f: {  	_ =	shalt  }
0x50: {  	_ =	shalt  }
0x51: {  	_ =	shalt  }
0x52: {  	_ =	shalt  }
0x53: {  	_ =	shalt  }
0x54: {  	_ =	shalt  }
0x55: {  	_ =	shalt  }
0x56: {  	_ =	shalt  }
0x57: {  	_ =	shalt  }
0x58: {  	_ =	shalt  }
0x59: {  	_ =	shalt  }
0x5a: {  	_ =	shalt  }
0x5b: {  	_ =	shalt  }
0x5c: {  	_ =	shalt  }
0x5d: {  	_ =	shalt  }
0x5e: {  	_ =	shalt  }
0x5f: {  	_ =	shalt  }
0x60: {  	_ =	shalt  }
0x61: {  	_ =	shalt  }
0x62: {  	_ =	shalt  }
0x63: {  	_ =	shalt  }
0x64: {  	_ =	shalt  }
0x65: {  	_ =	shalt  }
0x66: {  	_ =	shalt  }
0x67: {  	_ =	shalt  }
0x68: {  	_ =	shalt  }
0x69: {  	_ =	shalt  }
0x6a: {  	_ =	shalt  }
0x6b: {  	_ =	shalt  }
0x6c: {  	_ =	shalt  }
0x6d: {  	_ =	shalt  }
0x6e: {  	_ =	shalt  }
0x6f: {  	_ =	shalt  }
0x70: {  	_ =	shalt  }
0x71: {  	_ =	shalt  }
0x72: {  	_ =	shalt  }
0x73: {  	_ =	shalt  }
0x74: {  	_ =	shalt  }
0x75: {  	_ =	shalt  }
0x76: {  	_ =	shalt  }
0x77: {  	_ =	shalt  }
0x78: {  	_ =	shalt  }
0x79: {  	_ =	shalt  }
0x7a: {  	_ =	shalt  }
0x7b: {  	_ =	shalt  }
0x7c: {  	_ =	shalt  }
0x7d: {  	_ =	shalt  }
0x7e: {  	_ =	shalt  }
0x7f: {  	_ =	shalt  }
0x80: {  	_ =	shalt  }
0x81: {  	_ =	shalt  }
0x82: {  	_ =	shalt  }
0x83: {  	_ =	shalt  }
0x84: {  	_ =	shalt  }
0x85: {  	_ =	shalt  }
0x86: {  	_ =	shalt  }
0x87: {  	_ =	shalt  }
.Lfunc_end0:
.L_simem_size_0:
called_computation.1_lowered:
.L_overlay_start_0:
0x88: {  	s2 =	sld [smem:$0x3FD9]  }
0x89: {  	s3 =	sld [smem:$0x3FFE];
	_ =	sdelay $0x1  }
0x8a: {  	s1 =	srdreg.scid  }
0x8b: {  	s0 =	sand.u32 $0x1, s1  }
0x8c: {  	s17 =	sshll.u32 s0, $0xA;
	s2 =	sadd.s32 s3, s2  }
0x8d: {  	s2 =	sadd.s32 s2, s17  }
0x8e: {  	[smem:$0x3FBC] =	sst s2  }
0x8f: {  	_ = 	snop  }
0x90: {  	s2 =	sld [smem:$0x3FD0];
	(tm) =	ssettm $0x1  }
0x91: {  	s18 =	sld [smem:$0x3FFB];
	_ =	sdelay $0x3  }
0x92: {  	_ =	strace s18  }
0x93: {  	s3 =	sld [smem:$0x3FFC];
	_ =	sdelay $0x3  }
0x94: {  	_ =	strace s3  }
0x95: {  	s3 =	sld [smem:$0x3FFD];
	_ =	sdelay $0x3  }
0x96: {  	_ =	strace s3  }
0x97: {  	_ =	strace $0x8FFFFFFF  }
0x98: {  	s19 =	sld [smem:$0x3FDB];
	_ =	sdelay $0x1  }
0x99: {  	s4 =	simm.s32 $_scs_section_size  }
0x9a: {  	s5 =	simm.s32 $_size__tile_overlayer_lowered;
	s6 =	simm.s32 $_tile_overlayer_lowered  }
0x9b: {  	s22 =	simm.s32 $0x1BFF;
	s21 =	sshll.u32 s6, $0x1;
	s3 =	sadd.s32 s4, s19  }
0x9c: {  	s7 =	simm.s32 $0x0;
	s20 =	sshll.u32 s5, $0x1;
	s5 =	sadd.s32 s21, s3  }
0x9d: {  	[timem:s7], [sflag:s22] =	dma.local [hbm:s5], s20  }
0x9e: {  	_ =	swait.ge [sflag:s22], s20  }
0x9f: {  	s4 =	ssub.s32 $0x0, s20;
	[sflag:s22] =	ssyncset.done $0x0  }
0xa0: {  	[sflag:s22] =	ssyncadd.s32 s4;
	_ =	sdelay $0x1  }
0xa1: {  	s23 =	simm.s32 $0x1B8B  }
0xa2: {  	_ =	swait.ge [sflag:s23], $0x1  }
0xa3: {  	[sflag:s23] =	ssyncset.done $0x0  }
0xa4: {  	s25 =	simm.s32 $0x1B8E;
	s24 =	sld [smem:$0x3FFE];
	[sflag:s23] =	ssyncadd.s32 $0xFFFFFFFF  }
0xa5: {  	s26 =	simm.s32 $execute0_lowered;
	[smem:$0x3FD2] =	sst s25  }
0xa6: {  	s5 =	sshll.u32 s26, $0x1;
	_ =	strace $0x80000049;
	[dreg:$0x1] =	wrdreg $0xFFFFFFFF  }
0xa7: {  	s28 =	simm.s32 $_size_execute0_lowered;
	s3 =	sadd.s32 s3, s5;
	[dreg:$0x0] =	wrdreg $0x0  }
0xa8: {  	s5 =	sshll.u32 s28, $0x1;
	[dreg:$0x2] =	wrdreg s3  }
0xa9: {  	[dreg:$0x3] =	wrdreg s5  }
0xaa: {  	[dreg:$0x4] =	wrdreg $0xC0  }
0xab: {  	_ =	task [dreg:s7], $0x5FFFF  }
0xac: {  	[dreg:$0x1] =	wrdreg $0xFFFFFFFF  }
0xad: {  	[dreg:$0x0] =	wrdreg $0x60  }
0xae: {  	[dreg:$0x2] =	wrdreg s2  }
0xaf: {  	[dreg:$0x3] =	wrdreg s24  }
0xb0: {  	[dreg:$0x4] =	wrdreg $0x9A200  }
0xb1: {  	[dreg:$0x5] =	wrdreg $0x9  }
0xb2: {  	_ =	task.clear_ibuf [dreg:s7], $0x6FFFF;
	_ =	strace $0x90000049  }
0xb3: {  	s29 =	simm.s32 $0x9;
	_ =	strace $0x8000004B  }
0xb4: {  	_ =	swait.ge [sflag:s29], $0x1  }
0xb5: {  	[sflag:s29] =	ssyncadd.s32 $0xFFFFFFFF  }
0xb6: {  	_ =	strace $0x9000004B  }
0xb7: {  	_ =	sfence  }
0xb8: {  	s30 =	sld [smem:$0x0];
	_ =	sdelay $0x2  }
0xb9: {  	s31 =	sshll.u32 s1, $0xD;
	s1 =	sshrl.u32 s1, $0x2  }
0xba: {  	s3 =	sand.u32 $0x4000, s31;
	s1 =	sadd.s32 s1, s30  }
0xbb: {  	s0 =	sor.u32 s3, s0;
	s1 =	sshll.u32 s1, $0x11  }
0xbc: {  	s0 =	sor.u32 s1, s0  }
0xbd: {  	s0 =	sadd.s32 $0x8F2B, s0  }
0xbe: {  	[sflag:s0] =	ssyncadd.remote.s32 $0x1  }
0xbf: {  	_ =	sfence.sel $0xFFFF  }
0xc0: {  	[dreg:$0x0] =	wrdreg $0xFFFFFFFF;
	(pc) =	sbr.abs _section_cstart, $3  }
0xc1: {  	[dreg:$0x1] =	wrdreg $0xFFFFFFFF  }
0xc2: {  	_ =	task.clear_ibuf [dreg:s7], $0x2FFFF;
	_ =	strace $0x9FFFFFFF  }
0xc3: {  	(tm) =	ssettm $0x7FFFFFFF  }
tec
execute0_lowered:
.L_overlay_start_1:
0x0: {  	(tag) =	ssettag $0x1  }
0x1: {  	s28 =	stileid.u32  }
0x2: {  	s0 =	srdreg.scid;
	s21 =	smul.u32 $0x280, s28  }
0x3: {  	s2 =	sand.u32 $0x1, s0;
	s25 =	smul.u32 $0x2710, s28  }
0x4: {  	s15 =	rddreg [dreg:$0x1];
	s0 =	ssub.s32 $0x2, s2;
	s14 =	smul.u32 $0x27100, s2  }
0x5: {  	s23 =	smul.u32 $0x2800, s2;
	s3 =	sshrl.u32 s0, $0x1;
	s24 =	sor.u32 $0x20, s21  }
0x6: {  	s22 =	sor.u32 $0x40, s21;
	s19 =	sor.u32 $0x60, s21;
	s20 =	sadd.s32 $0x80, s21  }
0x7: {  	s18 =	sadd.s32 $0xA0, s21;
	s16 =	sadd.s32 $0xC0, s21;
	s17 =	sadd.s32 $0xE0, s21  }
0x8: {  	s13 =	sadd.s32 $0x100, s21;
	s5 =	sadd.s32 $0x120, s21;
	s6 =	sadd.s32 $0x140, s21  }
0x9: {  	s7 =	sadd.s32 $0x160, s21;
	s8 =	sadd.s32 $0x180, s21;
	s9 =	sadd.s32 $0x1A0, s21  }
0xa: {  	s10 =	sadd.s32 $0x1C0, s21;
	s11 =	sadd.s32 $0x1E0, s21;
	s12 =	sadd.s32 $0x200, s21  }
0xb: {  	s4 =	sadd.s32 $0x220, s21;
	s0 =	ssub.s32 s0, s3;
	s3 =	sadd.s32 $0x240, s21  }
0xc: {  	s2 =	sadd.s32 s25, s14;
	s14 =	sadd.s32 $0x260, s21;
	s21 =	sadd.s32 s21, s23  }
0xd: {  	s25 =	sadd.s32 $0x16C00, s15;
	s21 =	sshll.u32 s21, $0x4  }
0xe: {  	s26 =	sadd.s32 s23, s24;
	s21 =	sadd.s32 s25, s21  }
0xf: {  	[dreg:$0x4] =	wrdreg s21;
	s21 =	sshll.u32 s26, $0x4  }
0x10: {  	s26 =	sadd.s32 s23, s22;
	s21 =	sadd.s32 s25, s21  }
0x11: {  	[dreg:$0x5] =	wrdreg s21;
	s21 =	sshll.u32 s26, $0x4  }
0x12: {  	s26 =	sadd.s32 s23, s19;
	s21 =	sadd.s32 s25, s21  }
0x13: {  	[dreg:$0x6] =	wrdreg s21;
	s21 =	sshll.u32 s26, $0x4  }
0x14: {  	s26 =	sadd.s32 s23, s20;
	s21 =	sadd.s32 s25, s21  }
0x15: {  	[dreg:$0x7] =	wrdreg s21;
	s21 =	sshll.u32 s26, $0x4  }
0x16: {  	s26 =	sadd.s32 s23, s18;
	s21 =	sadd.s32 s25, s21  }
0x17: {  	[dreg:$0x8] =	wrdreg s21;
	s21 =	sshll.u32 s26, $0x4  }
0x18: {  	s26 =	sadd.s32 s23, s16;
	s21 =	sadd.s32 s25, s21  }
0x19: {  	[dreg:$0x9] =	wrdreg s21;
	s21 =	sshll.u32 s26, $0x4  }
0x1a: {  	s26 =	sadd.s32 s23, s17;
	s21 =	sadd.s32 s25, s21  }
0x1b: {  	[dreg:$0xa] =	wrdreg s21;
	s21 =	sshll.u32 s26, $0x4  }
0x1c: {  	s26 =	sadd.s32 s23, s13;
	s21 =	sadd.s32 s25, s21  }
0x1d: {  	[dreg:$0xb] =	wrdreg s21;
	s21 =	sshll.u32 s26, $0x4  }
0x1e: {  	s26 =	sadd.s32 s23, s5;
	s21 =	sadd.s32 s25, s21  }
0x1f: {  	[dreg:$0xc] =	wrdreg s21;
	s21 =	sshll.u32 s26, $0x4  }
0x20: {  	s26 =	sadd.s32 s23, s6;
	s21 =	sadd.s32 s25, s21  }
0x21: {  	[dreg:$0xd] =	wrdreg s21;
	s21 =	sshll.u32 s26, $0x4  }
0x22: {  	s26 =	sadd.s32 s23, s7;
	s21 =	sadd.s32 s25, s21  }
0x23: {  	[dreg:$0xe] =	wrdreg s21;
	s21 =	sshll.u32 s26, $0x4  }
0x24: {  	s26 =	sadd.s32 s23, s8;
	s21 =	sadd.s32 s25, s21  }
0x25: {  	[dreg:$0xf] =	wrdreg s21;
	s21 =	sshll.u32 s26, $0x4  }
0x26: {  	s26 =	sadd.s32 s23, s9;
	s21 =	sadd.s32 s25, s21  }
0x27: {  	[dreg:$0x10] =	wrdreg s21;
	s21 =	sshll.u32 s26, $0x4  }
0x28: {  	s1 =	simm.s32 $0x0;
	s26 =	sadd.s32 s23, s10;
	s21 =	sadd.s32 s25, s21  }
0x29: {  	s29 =	simm.s32 $0x100;
	[dreg:$0x11] =	wrdreg s21;
	s21 =	sshll.u32 s26, $0x4  }
0x2a: {  	s30 =	simm.s32 $0x180;
	s26 =	sadd.s32 s23, s11;
	s21 =	sadd.s32 s25, s21  }
0x2b: {  	s31 =	simm.s32 $0x4220;
	[dreg:$0x12] =	wrdreg s21;
	s21 =	sshll.u32 s26, $0x4  }
0x2c: {  	[smem:$0x7FF] =	sst s1;
	s26 =	sadd.s32 s23, s12;
	s21 =	sadd.s32 s25, s21  }
0x2d: {  	s28 =	smul.u32 $0x50000, s28;
	[dreg:$0x13] =	wrdreg s21;
	s21 =	sshll.u32 s26, $0x4  }
0x2e: {  	s24 =	sshll.u32 s24, $0x7;
	s26 =	sadd.s32 s23, s4;
	s21 =	sadd.s32 s25, s21  }
0x2f: {  	s0 =	smax.u32 s0, $0x1;
	[dreg:$0x14] =	wrdreg s21;
	s21 =	sshll.u32 s26, $0x4  }
0x30: {  	s13 =	sshll.u32 s13, $0x7;
	s26 =	sadd.s32 s23, s3;
	s21 =	sadd.s32 s25, s21  }
0x31: {  	s5 =	sshll.u32 s5, $0x7;
	s26 =	sshll.u32 s26, $0x4;
	[dreg:$0x15] =	wrdreg s21  }
0x32: {  	s6 =	sshll.u32 s6, $0x7;
	s21 =	rddreg [dreg:$0x0];
	s26 =	sadd.s32 s25, s26  }
0x33: {  	s4 =	sshll.u32 s4, $0x7;
	[dreg:$0x16] =	wrdreg s26;
	s26 =	sadd.s32 s23, s14  }
0x34: {  	s3 =	sshll.u32 s3, $0x7;
	s23 =	rddreg [dreg:$0x2];
	s26 =	sshll.u32 s26, $0x4  }
0x35: {  	s24 =	sadd.s32 s24, s23;
	s13 =	sadd.s32 s13, s23;
	s25 =	sadd.s32 s25, s26  }
0x36: {  	s5 =	sadd.s32 s5, s23;
	s26 =	sadd.s32 $0xCE00, s15;
	[dreg:$0x17] =	wrdreg s25  }
0x37: {  	s25 =	sadd.s32 $0x3000, s15;
	_ =	strace $0x8000004A;
	[dreg:$0x19] =	wrdreg s24  }
0x38: {  	s15 =	sshrl.u32 s28, $0x2;
	s28 =	simm.s32 $0x220;
	[smem:$0x7F0] =	sst s13  }
0x39: {  	s15 =	sadd.s32 s15, s23;
	s24 =	sshll.u32 s22, $0x7;
	[smem:$0x7F1] =	sst s5  }
0x3a: {  	s22 =	sshll.u32 s19, $0x7;
	s13 =	sadd.s32 s4, s23;
	[smem:$0x7FD] =	sst s0  }
0x3b: {  	s0 =	simm.s32 $0x3;
	[dreg:$0x18] =	wrdreg s15;
	s15 =	sadd.s32 s24, s23  }
0x3c: {  	s24 =	sshll.u32 s20, $0x7;
	s20 =	sshll.u32 s18, $0x7;
	s18 =	sshll.u32 s7, $0x7  }
0x3d: {  	s7 =	sshll.u32 s12, $0x7;
	[dreg:$0x1a] =	wrdreg s15;
	s15 =	sadd.s32 s22, s23  }
0x3e: {  	s12 =	sshrl.u32 s2, $0x3;
	s19 =	sadd.s32 s24, s23;
	[dreg:$0x1b] =	wrdreg s15  }
0x3f: {  	s24 =	sshll.u32 s17, $0x7;
	s17 =	sadd.s32 s6, s23;
	[dreg:$0x1c] =	wrdreg s19  }
0x40: {  	s22 =	sshll.u32 s16, $0x7;
	s5 =	sadd.s32 s18, s23;
	[smem:$0x7F2] =	sst s17  }
0x41: {  	s6 =	sshll.u32 s11, $0x7;
	s15 =	sadd.s32 s20, s23;
	[smem:$0x7F3] =	sst s5  }
0x42: {  	s11 =	sshll.u32 s14, $0x7;
	s16 =	sadd.s32 s24, s23;
	[dreg:$0x1d] =	wrdreg s15  }
0x43: {  	s14 =	sadd.s32 s3, s23;
	s5 =	sadd.s32 s6, s23;
	[dreg:$0x1f] =	wrdreg s16  }
0x44: {  	s19 =	sshll.u32 s8, $0x7;
	s8 =	sadd.s32 s7, s23;
	[smem:$0x7F5] =	sst s5  }
0x45: {  	s18 =	sadd.s32 $0x4D0, s12;
	s17 =	sadd.s32 s26, s12;
	[smem:$0x7F6] =	sst s8  }
0x46: {  	s3 =	sadd.s32 $0x4E0, s12;
	s4 =	sadd.s32 s26, s18;
	[smem:$0x7F8] =	sst s17  }
0x47: {  	s20 =	sshll.u32 s9, $0x7;
	s15 =	sadd.s32 s22, s23;
	[smem:$0x7FA] =	sst s4  }
0x48: {  	s24 =	sshll.u32 s10, $0x7;
	s22 =	sadd.s32 s20, s23;
	[dreg:$0x1e] =	wrdreg s15  }
0x49: {  	s9 =	sadd.s32 s19, s23;
	s16 =	sadd.s32 s25, s12;
	[smem:$0x7F4] =	sst s22  }
0x4a: {  	s10 =	sadd.s32 s24, s23;
	s19 =	sadd.s32 s25, s18;
	[smem:$0x7F7] =	sst s16  }
0x4b: {  	s20 =	sadd.s32 $0x80, s2;
	s24 =	sadd.s32 s25, s3;
	[smem:$0x7F9] =	sst s19  }
0x4c: {  	s3 =	sadd.s32 s26, s3;
	s4 =	simm.s32 $0x0;
	[smem:$0x7FB] =	sst s24  }
0x4d: {  	s15 =	sadd.s32 s11, s23;
	s22 =	sshrl.u32 s20, $0x3;
	[smem:$0x7FC] =	sst s3  }
0x4e: {  	s19 =	sadd.s32 $0x100, s2;
	s24 =	simm.s32 $0x5;
	s16 =	simm.s32 $0x80  }
0x4f: {  	s20 =	simm.s32 $0x1;
	s2 =	simm.s32 $0x2;
	s3 =	simm.s32 $0x4  }
0x50: {  	v0 =	vimm.f32 $0.0e+00;
	s17 =	sadd.s32 s22, s26;
	s18 =	sadd.s32 s22, s25;
	s22 =	simm.s32 $0x8A20  }
.LBB2_1:
0x51: {  	s5 =	sand.u32 $0x3E00, s1  }
0x52: {  	s6 =	sand.u32 $0x70, s1;
	s7 =	sshrl.u32 s5, $0x2  }
0x53: {  	s5 =	simm.s32 $0x40;
	s7 =	sor.u32 s6, s7;
	s6 =	simm.s32 $0x0  }
.LBB2_2:
0x54: {  	p0 =	sne.s32 s5, $0x3FC0  }
0x55: {  	[tilespmem:s7+$0x8A20] =	vst v0;
	s6 =	sadd.s32 $0x10, s6;
	s7 =	smov.u32 s5;
	s5 =	sadd.s32 $0x40, s5  }
.Ltmp0:
0x56: {  	(pc) =	sbr.rel @p0 .LBB2_2-.Ltmp0, $4  }
0x57: {  	_ = 	snop  }
0x58: {  	s7 =	sand.u32 $0x3E00, s7  }
0x59: {  	s8 =	sand.u32 $0x70, s6;
	s7 =	sshrl.u32 s7, $0x2  }
0x5a: {  	s7 =	sor.u32 s8, s7  }
0x5b: {  	[tilespmem:s7+$0x8A20] =	vst v0;
	s5 =	rddreg [dreg:$0x18]  }
0x5c: {  	[spmem:s5] =	stream.linear.scatter [tilespmem:s22], [sflag:$0x5], $0x1000, $0x38;
	[tilespmem:$0x1DA20] =	vst v63  }
0x5d: {  	_ =	swait.ge [sflag:s24], $0x1000  }
0x5e: {  	[sflag:s24] =	ssyncset.done $0x0  }
0x5f: {  	s12 =	rddreg [dreg:$0x19];
	[sflag:s24] =	ssyncadd.s32 $0xFFFFF000  }
0x60: {  	[spmem:s12] =	stream.linear.scatter [tilespmem:s22], [sflag:$0x5], $0x1000, $0x38;
	[tilespmem:$0x1DA20] =	vst v63  }
0x61: {  	_ =	swait.ge [sflag:s24], $0x1000  }
0x62: {  	[sflag:s24] =	ssyncset.done $0x0  }
0x63: {  	s6 =	rddreg [dreg:$0x1a];
	[sflag:s24] =	ssyncadd.s32 $0xFFFFF000  }
0x64: {  	[spmem:s6] =	stream.linear.scatter [tilespmem:s22], [sflag:$0x5], $0x1000, $0x38;
	[tilespmem:$0x1DA20] =	vst v63  }
0x65: {  	_ =	swait.ge [sflag:s24], $0x1000  }
0x66: {  	[sflag:s24] =	ssyncset.done $0x0  }
0x67: {  	s7 =	rddreg [dreg:$0x1b];
	[sflag:s24] =	ssyncadd.s32 $0xFFFFF000  }
0x68: {  	[spmem:s7] =	stream.linear.scatter [tilespmem:s22], [sflag:$0x5], $0x1000, $0x38;
	[tilespmem:$0x1DA20] =	vst v63  }
0x69: {  	_ =	swait.ge [sflag:s24], $0x1000  }
0x6a: {  	[sflag:s24] =	ssyncset.done $0x0  }
0x6b: {  	s8 =	rddreg [dreg:$0x1c];
	[sflag:s24] =	ssyncadd.s32 $0xFFFFF000  }
0x6c: {  	[spmem:s8] =	stream.linear.scatter [tilespmem:s22], [sflag:$0x5], $0x1000, $0x38;
	[tilespmem:$0x1DA20] =	vst v63  }
0x6d: {  	_ =	swait.ge [sflag:s24], $0x1000  }
0x6e: {  	[sflag:s24] =	ssyncset.done $0x0  }
0x6f: {  	s11 =	rddreg [dreg:$0x1d];
	[sflag:s24] =	ssyncadd.s32 $0xFFFFF000  }
0x70: {  	[spmem:s11] =	stream.linear.scatter [tilespmem:s22], [sflag:$0x5], $0x1000, $0x38;
	[tilespmem:$0x1DA20] =	vst v63  }
0x71: {  	_ =	swait.ge [sflag:s24], $0x1000  }
0x72: {  	[sflag:s24] =	ssyncset.done $0x0  }
0x73: {  	s12 =	rddreg [dreg:$0x1e];
	[sflag:s24] =	ssyncadd.s32 $0xFFFFF000  }
0x74: {  	[spmem:s12] =	stream.linear.scatter [tilespmem:s22], [sflag:$0x5], $0x1000, $0x38;
	[tilespmem:$0x1DA20] =	vst v63  }
0x75: {  	_ =	swait.ge [sflag:s24], $0x1000  }
0x76: {  	[sflag:s24] =	ssyncset.done $0x0  }
0x77: {  	s6 =	rddreg [dreg:$0x1f];
	[sflag:s24] =	ssyncadd.s32 $0xFFFFF000  }
0x78: {  	[spmem:s6] =	stream.linear.scatter [tilespmem:s22], [sflag:$0x5], $0x1000, $0x38;
	[tilespmem:$0x1DA20] =	vst v63  }
0x79: {  	_ =	swait.ge [sflag:s24], $0x1000  }
0x7a: {  	s7 =	sld [smem:$0x7F0]  }
0x7b: {  	[sflag:s24] =	ssyncset.done $0x0  }
0x7c: {  	[sflag:s24] =	ssyncadd.s32 $0xFFFFF000  }
0x7d: {  	[spmem:s7] =	stream.linear.scatter [tilespmem:s22], [sflag:$0x5], $0x1000, $0x38;
	[tilespmem:$0x1DA20] =	vst v63  }
0x7e: {  	_ =	swait.ge [sflag:s24], $0x1000  }
0x7f: {  	s8 =	sld [smem:$0x7F1]  }
0x80: {  	[sflag:s24] =	ssyncset.done $0x0  }
0x81: {  	[sflag:s24] =	ssyncadd.s32 $0xFFFFF000  }
0x82: {  	[spmem:s8] =	stream.linear.scatter [tilespmem:s22], [sflag:$0x5], $0x1000, $0x38;
	[tilespmem:$0x1DA20] =	vst v63  }
0x83: {  	_ =	swait.ge [sflag:s24], $0x1000  }
0x84: {  	s11 =	sld [smem:$0x7F2]  }
0x85: {  	[sflag:s24] =	ssyncset.done $0x0  }
0x86: {  	[sflag:s24] =	ssyncadd.s32 $0xFFFFF000  }
0x87: {  	[spmem:s11] =	stream.linear.scatter [tilespmem:s22], [sflag:$0x5], $0x1000, $0x38;
	[tilespmem:$0x1DA20] =	vst v63  }
0x88: {  	_ =	swait.ge [sflag:s24], $0x1000  }
0x89: {  	s12 =	sld [smem:$0x7F3]  }
0x8a: {  	[sflag:s24] =	ssyncset.done $0x0  }
0x8b: {  	[sflag:s24] =	ssyncadd.s32 $0xFFFFF000  }
0x8c: {  	[spmem:s12] =	stream.linear.scatter [tilespmem:s22], [sflag:$0x5], $0x1000, $0x38;
	[tilespmem:$0x1DA20] =	vst v63  }
0x8d: {  	_ =	swait.ge [sflag:s24], $0x1000  }
0x8e: {  	[sflag:s24] =	ssyncset.done $0x0  }
0x8f: {  	[sflag:s24] =	ssyncadd.s32 $0xFFFFF000  }
0x90: {  	[spmem:s9] =	stream.linear.scatter [tilespmem:s22], [sflag:$0x5], $0x1000, $0x38;
	[tilespmem:$0x1DA20] =	vst v63  }
0x91: {  	_ =	swait.ge [sflag:s24], $0x1000  }
0x92: {  	s6 =	sld [smem:$0x7F4]  }
0x93: {  	[sflag:s24] =	ssyncset.done $0x0  }
0x94: {  	[sflag:s24] =	ssyncadd.s32 $0xFFFFF000  }
0x95: {  	[spmem:s6] =	stream.linear.scatter [tilespmem:s22], [sflag:$0x5], $0x1000, $0x38;
	[tilespmem:$0x1DA20] =	vst v63  }
0x96: {  	_ =	swait.ge [sflag:s24], $0x1000  }
0x97: {  	[sflag:s24] =	ssyncset.done $0x0  }
0x98: {  	[sflag:s24] =	ssyncadd.s32 $0xFFFFF000  }
0x99: {  	[spmem:s10] =	stream.linear.scatter [tilespmem:s22], [sflag:$0x5], $0x1000, $0x38;
	[tilespmem:$0x1DA20] =	vst v63  }
0x9a: {  	_ =	swait.ge [sflag:s24], $0x1000  }
0x9b: {  	s7 =	sld [smem:$0x7F5]  }
0x9c: {  	[sflag:s24] =	ssyncset.done $0x0  }
0x9d: {  	[sflag:s24] =	ssyncadd.s32 $0xFFFFF000  }
0x9e: {  	[spmem:s7] =	stream.linear.scatter [tilespmem:s22], [sflag:$0x5], $0x1000, $0x38;
	[tilespmem:$0x1DA20] =	vst v63  }
0x9f: {  	_ =	swait.ge [sflag:s24], $0x1000  }
0xa0: {  	s8 =	sld [smem:$0x7F6]  }
0xa1: {  	[sflag:s24] =	ssyncset.done $0x0  }
0xa2: {  	[sflag:s24] =	ssyncadd.s32 $0xFFFFF000  }
0xa3: {  	[spmem:s8] =	stream.linear.scatter [tilespmem:s22], [sflag:$0x5], $0x1000, $0x38;
	[tilespmem:$0x1DA20] =	vst v63  }
0xa4: {  	_ =	swait.ge [sflag:s24], $0x1000  }
0xa5: {  	[sflag:s24] =	ssyncset.done $0x0  }
0xa6: {  	[sflag:s24] =	ssyncadd.s32 $0xFFFFF000  }
0xa7: {  	[spmem:s13] =	stream.linear.scatter [tilespmem:s22], [sflag:$0x5], $0x1000, $0x38;
	[tilespmem:$0x1DA20] =	vst v63  }
0xa8: {  	_ =	swait.ge [sflag:s24], $0x1000  }
0xa9: {  	[sflag:s24] =	ssyncset.done $0x0  }
0xaa: {  	[sflag:s24] =	ssyncadd.s32 $0xFFFFF000  }
0xab: {  	[spmem:s14] =	stream.linear.scatter [tilespmem:s22], [sflag:$0x5], $0x1000, $0x38;
	[tilespmem:$0x1DA20] =	vst v63  }
0xac: {  	_ =	swait.ge [sflag:s24], $0x1000  }
0xad: {  	[sflag:s24] =	ssyncset.done $0x0  }
0xae: {  	[sflag:s24] =	ssyncadd.s32 $0xFFFFF000  }
0xaf: {  	[spmem:s15] =	stream.linear.scatter [tilespmem:s22], [sflag:$0x5], $0x1000, $0x38;
	[tilespmem:$0x1DA20] =	vst v63  }
0xb0: {  	_ =	swait.ge [sflag:s24], $0x1000  }
0xb1: {  	[sflag:s24] =	ssyncset.done $0x0  }
0xb2: {  	[sflag:s24] =	ssyncadd.s32 $0xFFFFF000  }
0xb3: {  	[bflag:$0x0] =	sbarrier.arrive $0xFFFF  }
0xb4: {  	s6 =	sld [smem:$0x7F7];
	_ =	sdelay $0x1  }
0xb5: {  	s11 =	smov.u32 s9;
	s9 =	simm.s32 $0x0  }
0xb6: {  	[tilespmem:s9], [sflag:$0x5] =	stream.linear.gather [hbm4b:s6+s9], $0x80, $0x38;
	[tilespmem:$0x1DA20] =	vst v63  }
0xb7: {  	_ =	swait.ge [sflag:s24], $0x80  }
0xb8: {  	s12 =	smov.u32 s10;
	s10 =	sld [smem:$0x7F8]  }
0xb9: {  	[sflag:s24] =	ssyncset.done $0x0  }
0xba: {  	[sflag:s24] =	ssyncadd.s32 $0xFFFFFF80  }
0xbb: {  	[tilespmem:s16], [sflag:$0x5] =	stream.linear.gather [hbm4b:s10+s9], $0x80, $0x38;
	[tilespmem:$0x1DA20] =	vst v63  }
0xbc: {  	_ =	swait.ge [sflag:s24], $0x80  }
0xbd: {  	[sflag:s24] =	ssyncset.done $0x0  }
0xbe: {  	[sflag:s24] =	ssyncadd.s32 $0xFFFFFF80  }
0xbf: {  	[tilespmem:s28], [sflag:$0x1] =	stream.indirect.gather [hbm4b:s21+s16], $0x80, s9, s16, $0xb8;
	[tilespmem:$0x1DA20] =	vst v63  }
0xc0: {  	s7 =	sadd.s32 $0x0, s18  }
0xc1: {  	[tilespmem:s29], [sflag:$0x5] =	stream.linear.gather [hbm4b:s7+s1], $0x80, $0x38;
	[tilespmem:$0x1DA20] =	vst v63  }
0xc2: {  	_ =	swait.ge [sflag:s24], $0x80  }
0xc3: {  	[sflag:s24] =	ssyncset.done $0x0  }
0xc4: {  	s8 =	sadd.s32 $0x0, s17;
	[sflag:s24] =	ssyncadd.s32 $0xFFFFFF80  }
0xc5: {  	[tilespmem:s30], [sflag:$0x5] =	stream.linear.gather [hbm4b:s8+s1], $0x80, $0x38;
	[tilespmem:$0x1DA20] =	vst v63  }
0xc6: {  	_ =	swait.ge [sflag:s24], $0x80  }
0xc7: {  	[sflag:s24] =	ssyncset.done $0x0  }
0xc8: {  	[sflag:s24] =	ssyncadd.s32 $0xFFFFFF80  }
0xc9: {  	[tilespmem:s31], [sflag:$0x2] =	stream.indirect.gather [hbm4b:s21+s16], $0x80, s29, s16, $0xb8;
	[tilespmem:$0x1DA20] =	vst v63  }
0xca: {  	_ =	swait.ge [sflag:s20], $0x4000  }
0xcb: {  	[sflag:s20] =	ssyncset.done $0x0  }
0xcc: {  	[sflag:s20] =	ssyncadd.s32 $0xFFFFC000  }
0xcd: {  	[spmem:s23] =	stream.indirect.scatter.add.f32 [tilespmem:s28], [sflag:$0x3], $0x80, s16, s16, $0xb8;
	[tilespmem:$0x1DA20] =	vst v63  }
0xce: {  	_ =	swait.ge [sflag:s0], $0x4000  }
0xcf: {  	s9 =	sshrl.u32 s19, $0x3;
	[sflag:s0] =	ssyncset.done $0x0  }
0xd0: {  	s10 =	sadd.s32 s25, s9;
	[sflag:s0] =	ssyncadd.s32 $0xFFFFC000  }
0xd1: {  	[tilespmem:s1], [sflag:$0x5] =	stream.linear.gather [hbm4b:s10+s1], $0x80, $0x38;
	[tilespmem:$0x1DA20] =	vst v63  }
0xd2: {  	_ =	swait.ge [sflag:s24], $0x80  }
0xd3: {  	[sflag:s24] =	ssyncset.done $0x0  }
0xd4: {  	s5 =	sadd.s32 s26, s9;
	[sflag:s24] =	ssyncadd.s32 $0xFFFFFF80  }
0xd5: {  	[tilespmem:s16], [sflag:$0x5] =	stream.linear.gather [hbm4b:s5+s1], $0x80, $0x38;
	[tilespmem:$0x1DA20] =	vst v63  }
0xd6: {  	_ =	swait.ge [sflag:s24], $0x80  }
0xd7: {  	[sflag:s24] =	ssyncset.done $0x0  }
0xd8: {  	[sflag:s24] =	ssyncadd.s32 $0xFFFFFF80  }
0xd9: {  	[tilespmem:s28], [sflag:$0x1] =	stream.indirect.gather [hbm4b:s21+s16], $0x80, s1, s16, $0xb8;
	[tilespmem:$0x1DA20] =	vst v63  }
0xda: {  	_ =	swait.ge [sflag:s2], $0x4000  }
0xdb: {  	[sflag:s2] =	ssyncset.done $0x0  }
0xdc: {  	[sflag:s2] =	ssyncadd.s32 $0xFFFFC000  }
0xdd: {  	[spmem:s23] =	stream.indirect.scatter.add.f32 [tilespmem:s31], [sflag:$0x4], $0x80, s30, s16, $0xb8;
	[tilespmem:$0x1DA20] =	vst v63  }
0xde: {  	s6 =	simm.s32 $0x20;
	_ =	swait.ge [sflag:s3], $0x4000  }
0xdf: {  	s7 =	simm.s32 $0x40;
	s5 =	sadd.s32 $0x100, s19;
	[sflag:s3] =	ssyncset.done $0x0  }
.LBB2_4:
0xe0: {  	s9 =	sadd.s32 s6, s18  }
0xe1: {  	[sflag:s3] =	ssyncadd.s32 $0xFFFFC000;
	s10 =	smov.u32 s7;
	s8 =	sadd.s32 $0x20, s7  }
0xe2: {  	[tilespmem:s29], [sflag:$0x5] =	stream.linear.gather [hbm4b:s9+s1], $0x80, $0x38;
	[tilespmem:$0x1DA20] =	vst v63  }
0xe3: {  	p0 =	sne.s32 s7, $0x4A0;
	_ =	swait.ge [sflag:s24], $0x80  }
0xe4: {  	[sflag:s24] =	ssyncset.done $0x0  }
0xe5: {  	s7 =	sadd.s32 s6, s17;
	s6 =	smov.u32 s10;
	[sflag:s24] =	ssyncadd.s32 $0xFFFFFF80  }
0xe6: {  	[tilespmem:s30], [sflag:$0x5] =	stream.linear.gather [hbm4b:s7+s1], $0x80, $0x38;
	[tilespmem:$0x1DA20] =	vst v63  }
0xe7: {  	_ =	swait.ge [sflag:s24], $0x80  }
0xe8: {  	[sflag:s24] =	ssyncset.done $0x0  }
0xe9: {  	[sflag:s24] =	ssyncadd.s32 $0xFFFFFF80  }
0xea: {  	[tilespmem:s31], [sflag:$0x2] =	stream.indirect.gather [hbm4b:s21+s16], $0x80, s29, s16, $0xb8;
	[tilespmem:$0x1DA20] =	vst v63  }
0xeb: {  	_ =	swait.ge [sflag:s20], $0x4000  }
0xec: {  	[sflag:s20] =	ssyncset.done $0x0  }
0xed: {  	[sflag:s20] =	ssyncadd.s32 $0xFFFFC000  }
0xee: {  	[spmem:s23] =	stream.indirect.scatter.add.f32 [tilespmem:s28], [sflag:$0x3], $0x80, s16, s16, $0xb8;
	[tilespmem:$0x1DA20] =	vst v63  }
0xef: {  	_ =	swait.ge [sflag:s0], $0x4000  }
0xf0: {  	s7 =	sshrl.u32 s5, $0x3;
	[sflag:s0] =	ssyncset.done $0x0  }
0xf1: {  	s9 =	sadd.s32 s25, s7;
	[sflag:s0] =	ssyncadd.s32 $0xFFFFC000  }
0xf2: {  	[tilespmem:s1], [sflag:$0x5] =	stream.linear.gather [hbm4b:s9+s1], $0x80, $0x38;
	[tilespmem:$0x1DA20] =	vst v63  }
0xf3: {  	_ =	swait.ge [sflag:s24], $0x80  }
0xf4: {  	[sflag:s24] =	ssyncset.done $0x0  }
0xf5: {  	s7 =	sadd.s32 s26, s7;
	[sflag:s24] =	ssyncadd.s32 $0xFFFFFF80  }
0xf6: {  	[tilespmem:s16], [sflag:$0x5] =	stream.linear.gather [hbm4b:s7+s1], $0x80, $0x38;
	[tilespmem:$0x1DA20] =	vst v63  }
0xf7: {  	_ =	swait.ge [sflag:s24], $0x80  }
0xf8: {  	[sflag:s24] =	ssyncset.done $0x0  }
0xf9: {  	[sflag:s24] =	ssyncadd.s32 $0xFFFFFF80  }
0xfa: {  	[tilespmem:s28], [sflag:$0x1] =	stream.indirect.gather [hbm4b:s21+s16], $0x80, s1, s16, $0xb8;
	[tilespmem:$0x1DA20] =	vst v63  }
0xfb: {  	_ =	swait.ge [sflag:s2], $0x4000  }
.Ltmp1:
0xfc: {  	[sflag:s2] =	ssyncset.done $0x0;
	(pc) =	sbr.rel @p0 .LBB2_4-.Ltmp1, $4  }
0xfd: {  	[sflag:s2] =	ssyncadd.s32 $0xFFFFC000  }
0xfe: {  	[spmem:s23] =	stream.indirect.scatter.add.f32 [tilespmem:s31], [sflag:$0x4], $0x80, s30, s16, $0xb8;
	[tilespmem:$0x1DA20] =	vst v63  }
0xff: {  	_ =	swait.ge [sflag:s3], $0x4000  }
0x100: {  	s5 =	sadd.s32 $0x100, s5;
	s7 =	smov.u32 s8;
	[sflag:s3] =	ssyncset.done $0x0  }
0x101: {  	s7 =	sadd.s32 s6, s18;
	[sflag:s3] =	ssyncadd.s32 $0xFFFFC000  }
0x102: {  	[tilespmem:s29], [sflag:$0x5] =	stream.linear.gather [hbm4b:s7+s1], $0x80, $0x38;
	[tilespmem:$0x1DA20] =	vst v63  }
0x103: {  	_ =	swait.ge [sflag:s24], $0x80  }
0x104: {  	[sflag:s24] =	ssyncset.done $0x0  }
0x105: {  	s7 =	sadd.s32 s6, s17;
	[sflag:s24] =	ssyncadd.s32 $0xFFFFFF80  }
0x106: {  	[tilespmem:s30], [sflag:$0x5] =	stream.linear.gather [hbm4b:s7+s1], $0x80, $0x38;
	[tilespmem:$0x1DA20] =	vst v63  }
0x107: {  	_ =	swait.ge [sflag:s24], $0x80  }
0x108: {  	[sflag:s24] =	ssyncset.done $0x0  }
0x109: {  	[sflag:s24] =	ssyncadd.s32 $0xFFFFFF80  }
0x10a: {  	[tilespmem:s31], [sflag:$0x2] =	stream.indirect.gather [hbm4b:s21+s16], $0x80, s29, s16, $0xb8;
	[tilespmem:$0x1DA20] =	vst v63  }
0x10b: {  	_ =	swait.ge [sflag:s20], $0x4000  }
0x10c: {  	[sflag:s20] =	ssyncset.done $0x0  }
0x10d: {  	[sflag:s20] =	ssyncadd.s32 $0xFFFFC000  }
0x10e: {  	[spmem:s23] =	stream.indirect.scatter.add.f32 [tilespmem:s28], [sflag:$0x3], $0x80, s16, s16, $0xb8;
	[tilespmem:$0x1DA20] =	vst v63  }
0x10f: {  	_ =	swait.ge [sflag:s0], $0x4000  }
0x110: {  	s5 =	sshrl.u32 s5, $0x3;
	[sflag:s0] =	ssyncset.done $0x0  }
0x111: {  	s8 =	sadd.s32 s25, s5;
	[sflag:s0] =	ssyncadd.s32 $0xFFFFC000  }
0x112: {  	[tilespmem:s1], [sflag:$0x5] =	stream.linear.gather [hbm4b:s8+s1], $0x80, $0x38;
	[tilespmem:$0x1DA20] =	vst v63  }
0x113: {  	_ =	swait.ge [sflag:s24], $0x80  }
0x114: {  	[sflag:s24] =	ssyncset.done $0x0  }
0x115: {  	s5 =	sadd.s32 s26, s5;
	[sflag:s24] =	ssyncadd.s32 $0xFFFFFF80  }
0x116: {  	[tilespmem:s16], [sflag:$0x5] =	stream.linear.gather [hbm4b:s5+s1], $0x80, $0x38;
	[tilespmem:$0x1DA20] =	vst v63  }
0x117: {  	_ =	swait.ge [sflag:s24], $0x80  }
0x118: {  	[sflag:s24] =	ssyncset.done $0x0  }
0x119: {  	[sflag:s24] =	ssyncadd.s32 $0xFFFFFF80  }
0x11a: {  	[tilespmem:s28], [sflag:$0x1] =	stream.indirect.gather [hbm4b:s21+s16], $0x80, s1, s16, $0xb8;
	[tilespmem:$0x1DA20] =	vst v63  }
0x11b: {  	_ =	swait.ge [sflag:s2], $0x4000  }
0x11c: {  	[sflag:s2] =	ssyncset.done $0x0  }
0x11d: {  	[sflag:s2] =	ssyncadd.s32 $0xFFFFC000  }
0x11e: {  	[spmem:s23] =	stream.indirect.scatter.add.f32 [tilespmem:s31], [sflag:$0x4], $0x80, s30, s16, $0xb8;
	[tilespmem:$0x1DA20] =	vst v63  }
0x11f: {  	_ =	swait.ge [sflag:s3], $0x4000  }
0x120: {  	s9 =	sld [smem:$0x7F9]  }
0x121: {  	[sflag:s3] =	ssyncset.done $0x0  }
0x122: {  	[sflag:s3] =	ssyncadd.s32 $0xFFFFC000  }
0x123: {  	[tilespmem:s29], [sflag:$0x5] =	stream.linear.gather [hbm4b:s9+s1], $0x80, $0x38;
	[tilespmem:$0x1DA20] =	vst v63  }
0x124: {  	_ =	swait.ge [sflag:s24], $0x80  }
0x125: {  	s10 =	sld [smem:$0x7FA]  }
0x126: {  	[sflag:s24] =	ssyncset.done $0x0  }
0x127: {  	[sflag:s24] =	ssyncadd.s32 $0xFFFFFF80  }
0x128: {  	[tilespmem:s30], [sflag:$0x5] =	stream.linear.gather [hbm4b:s10+s1], $0x80, $0x38;
	[tilespmem:$0x1DA20] =	vst v63  }
0x129: {  	_ =	swait.ge [sflag:s24], $0x80  }
0x12a: {  	[sflag:s24] =	ssyncset.done $0x0  }
0x12b: {  	[sflag:s24] =	ssyncadd.s32 $0xFFFFFF80  }
0x12c: {  	[tilespmem:s31], [sflag:$0x2] =	stream.indirect.gather [hbm4b:s21+s16], $0x80, s29, s16, $0xb8;
	[tilespmem:$0x1DA20] =	vst v63  }
0x12d: {  	_ =	swait.ge [sflag:s20], $0x4000  }
0x12e: {  	[sflag:s20] =	ssyncset.done $0x0  }
0x12f: {  	s6 =	sld [smem:$0x7FB];
	[sflag:s20] =	ssyncadd.s32 $0xFFFFC000  }
0x130: {  	[spmem:s23] =	stream.indirect.scatter.add.f32 [tilespmem:s28], [sflag:$0x3], $0x80, s16, s16, $0xb8;
	[tilespmem:$0x1DA20] =	vst v63  }
0x131: {  	s7 =	simm.s32 $0x200  }
0x132: {  	[tilespmem:s7], [sflag:$0x5] =	stream.linear.gather [hbm4b:s6+s1], $0x10, $0x38;
	[tilespmem:$0x1DA20] =	vst v63  }
0x133: {  	_ =	swait.ge [sflag:s24], $0x10  }
0x134: {  	s8 =	sld [smem:$0x7FC]  }
0x135: {  	[sflag:s24] =	ssyncset.done $0x0  }
0x136: {  	s9 =	simm.s32 $0x210;
	[sflag:s24] =	ssyncadd.s32 $0xFFFFFFF0  }
0x137: {  	[tilespmem:s9], [sflag:$0x5] =	stream.linear.gather [hbm4b:s8+s1], $0x10, $0x38;
	[tilespmem:$0x1DA20] =	vst v63  }
0x138: {  	_ =	swait.ge [sflag:s24], $0x10  }
0x139: {  	[sflag:s24] =	ssyncset.done $0x0  }
0x13a: {  	s10 =	simm.s32 $0x10;
	s8 =	simm.s32 $0x8220;
	[sflag:s24] =	ssyncadd.s32 $0xFFFFFFF0  }
0x13b: {  	[tilespmem:s8], [sflag:$0x1] =	stream.indirect.gather [hbm4b:s21+s10], $0x80, s7, s10, $0xb8;
	[tilespmem:$0x1DA20] =	vst v63  }
0x13c: {  	_ =	swait.ge [sflag:s2], $0x4000  }
0x13d: {  	[sflag:s2] =	ssyncset.done $0x0  }
0x13e: {  	[sflag:s2] =	ssyncadd.s32 $0xFFFFC000  }
0x13f: {  	[spmem:s23] =	stream.indirect.scatter.add.f32 [tilespmem:s31], [sflag:$0x4], $0x80, s30, s16, $0xb8;
	[tilespmem:$0x1DA20] =	vst v63  }
0x140: {  	_ =	swait.ge [sflag:s20], $0x800  }
0x141: {  	[sflag:s20] =	ssyncset.done $0x0  }
0x142: {  	[sflag:s20] =	ssyncadd.s32 $0xFFFFF800  }
0x143: {  	_ =	swait.ge [sflag:s0], $0x4000  }
0x144: {  	[sflag:s0] =	ssyncset.done $0x0  }
0x145: {  	[sflag:s0] =	ssyncadd.s32 $0xFFFFC000  }
0x146: {  	_ =	swait.ge [sflag:s3], $0x4000  }
0x147: {  	[sflag:s3] =	ssyncset.done $0x0  }
0x148: {  	[sflag:s3] =	ssyncadd.s32 $0xFFFFC000  }
0x149: {  	[spmem:s23] =	stream.indirect.scatter.add.f32 [tilespmem:s8], [sflag:$0x5], $0x80, s9, s10, $0xb8;
	[tilespmem:$0x1DA20] =	vst v63  }
0x14a: {  	_ =	swait.ge [sflag:s24], $0x800  }
0x14b: {  	[sflag:s24] =	ssyncset.done $0x0  }
0x14c: {  	[sflag:s24] =	ssyncadd.s32 $0xFFFFF800  }
0x14d: {  	[bflag:$0x0] =	sbarrier.arrive $0xFFFF  }
0x14e: {  	s6 =	rddreg [dreg:$0x18]  }
0x14f: {  	[tilespmem:s22], [sflag:$0x5] =	stream.linear.gather [spmem:s6], $0x1000, $0x38;
	[tilespmem:$0x1DA20] =	vst v63  }
0x150: {  	_ =	swait.ge [sflag:s24], $0x1000  }
0x151: {  	[sflag:s24] =	ssyncset.done $0x0  }
0x152: {  	s7 =	rddreg [dreg:$0x4];
	[sflag:s24] =	ssyncadd.s32 $0xFFFFF000  }
0x153: {  	[hbm4b:s7+s1] =	stream.linear.scatter [tilespmem:s22], [sflag:$0x5], $0x1000, $0x38;
	[tilespmem:$0x1DA20] =	vst v63  }
0x154: {  	_ =	swait.ge [sflag:s24], $0x1000  }
0x155: {  	[sflag:s24] =	ssyncset.done $0x0  }
0x156: {  	s8 =	rddreg [dreg:$0x19];
	[sflag:s24] =	ssyncadd.s32 $0xFFFFF000  }
0x157: {  	[tilespmem:s22], [sflag:$0x5] =	stream.linear.gather [spmem:s8], $0x1000, $0x38;
	[tilespmem:$0x1DA20] =	vst v63  }
0x158: {  	_ =	swait.ge [sflag:s24], $0x1000  }
0x159: {  	[sflag:s24] =	ssyncset.done $0x0  }
0x15a: {  	s9 =	rddreg [dreg:$0x5];
	[sflag:s24] =	ssyncadd.s32 $0xFFFFF000  }
0x15b: {  	[hbm4b:s9+s1] =	stream.linear.scatter [tilespmem:s22], [sflag:$0x5], $0x1000, $0x38;
	[tilespmem:$0x1DA20] =	vst v63  }
0x15c: {  	_ =	swait.ge [sflag:s24], $0x1000  }
0x15d: {  	[sflag:s24] =	ssyncset.done $0x0  }
0x15e: {  	s10 =	rddreg [dreg:$0x1a];
	[sflag:s24] =	ssyncadd.s32 $0xFFFFF000  }
0x15f: {  	[tilespmem:s22], [sflag:$0x5] =	stream.linear.gather [spmem:s10], $0x1000, $0x38;
	[tilespmem:$0x1DA20] =	vst v63  }
0x160: {  	_ =	swait.ge [sflag:s24], $0x1000  }
0x161: {  	[sflag:s24] =	ssyncset.done $0x0  }
0x162: {  	s6 =	rddreg [dreg:$0x6];
	[sflag:s24] =	ssyncadd.s32 $0xFFFFF000  }
0x163: {  	[hbm4b:s6+s1] =	stream.linear.scatter [tilespmem:s22], [sflag:$0x5], $0x1000, $0x38;
	[tilespmem:$0x1DA20] =	vst v63  }
0x164: {  	_ =	swait.ge [sflag:s24], $0x1000  }
0x165: {  	[sflag:s24] =	ssyncset.done $0x0  }
0x166: {  	s7 =	rddreg [dreg:$0x1b];
	[sflag:s24] =	ssyncadd.s32 $0xFFFFF000  }
0x167: {  	[tilespmem:s22], [sflag:$0x5] =	stream.linear.gather [spmem:s7], $0x1000, $0x38;
	[tilespmem:$0x1DA20] =	vst v63  }
0x168: {  	_ =	swait.ge [sflag:s24], $0x1000  }
0x169: {  	[sflag:s24] =	ssyncset.done $0x0  }
0x16a: {  	s8 =	rddreg [dreg:$0x7];
	[sflag:s24] =	ssyncadd.s32 $0xFFFFF000  }
0x16b: {  	[hbm4b:s8+s1] =	stream.linear.scatter [tilespmem:s22], [sflag:$0x5], $0x1000, $0x38;
	[tilespmem:$0x1DA20] =	vst v63  }
0x16c: {  	_ =	swait.ge [sflag:s24], $0x1000  }
0x16d: {  	[sflag:s24] =	ssyncset.done $0x0  }
0x16e: {  	s9 =	rddreg [dreg:$0x1c];
	[sflag:s24] =	ssyncadd.s32 $0xFFFFF000  }
0x16f: {  	[tilespmem:s22], [sflag:$0x5] =	stream.linear.gather [spmem:s9], $0x1000, $0x38;
	[tilespmem:$0x1DA20] =	vst v63  }
0x170: {  	_ =	swait.ge [sflag:s24], $0x1000  }
0x171: {  	[sflag:s24] =	ssyncset.done $0x0  }
0x172: {  	s10 =	rddreg [dreg:$0x8];
	[sflag:s24] =	ssyncadd.s32 $0xFFFFF000  }
0x173: {  	[hbm4b:s10+s1] =	stream.linear.scatter [tilespmem:s22], [sflag:$0x5], $0x1000, $0x38;
	[tilespmem:$0x1DA20] =	vst v63  }
0x174: {  	_ =	swait.ge [sflag:s24], $0x1000  }
0x175: {  	[sflag:s24] =	ssyncset.done $0x0  }
0x176: {  	s6 =	rddreg [dreg:$0x1d];
	[sflag:s24] =	ssyncadd.s32 $0xFFFFF000  }
0x177: {  	[tilespmem:s22], [sflag:$0x5] =	stream.linear.gather [spmem:s6], $0x1000, $0x38;
	[tilespmem:$0x1DA20] =	vst v63  }
0x178: {  	_ =	swait.ge [sflag:s24], $0x1000  }
0x179: {  	[sflag:s24] =	ssyncset.done $0x0  }
0x17a: {  	s7 =	rddreg [dreg:$0x9];
	[sflag:s24] =	ssyncadd.s32 $0xFFFFF000  }
0x17b: {  	[hbm4b:s7+s1] =	stream.linear.scatter [tilespmem:s22], [sflag:$0x5], $0x1000, $0x38;
	[tilespmem:$0x1DA20] =	vst v63  }
0x17c: {  	_ =	swait.ge [sflag:s24], $0x1000  }
0x17d: {  	[sflag:s24] =	ssyncset.done $0x0  }
0x17e: {  	s8 =	rddreg [dreg:$0x1e];
	[sflag:s24] =	ssyncadd.s32 $0xFFFFF000  }
0x17f: {  	[tilespmem:s22], [sflag:$0x5] =	stream.linear.gather [spmem:s8], $0x1000, $0x38;
	[tilespmem:$0x1DA20] =	vst v63  }
0x180: {  	_ =	swait.ge [sflag:s24], $0x1000  }
0x181: {  	[sflag:s24] =	ssyncset.done $0x0  }
0x182: {  	s9 =	rddreg [dreg:$0xa];
	[sflag:s24] =	ssyncadd.s32 $0xFFFFF000  }
0x183: {  	[hbm4b:s9+s1] =	stream.linear.scatter [tilespmem:s22], [sflag:$0x5], $0x1000, $0x38;
	[tilespmem:$0x1DA20] =	vst v63  }
0x184: {  	_ =	swait.ge [sflag:s24], $0x1000  }
0x185: {  	[sflag:s24] =	ssyncset.done $0x0  }
0x186: {  	s10 =	rddreg [dreg:$0x1f];
	[sflag:s24] =	ssyncadd.s32 $0xFFFFF000  }
0x187: {  	[tilespmem:s22], [sflag:$0x5] =	stream.linear.gather [spmem:s10], $0x1000, $0x38;
	[tilespmem:$0x1DA20] =	vst v63  }
0x188: {  	_ =	swait.ge [sflag:s24], $0x1000  }
0x189: {  	[sflag:s24] =	ssyncset.done $0x0  }
0x18a: {  	s6 =	rddreg [dreg:$0xb];
	[sflag:s24] =	ssyncadd.s32 $0xFFFFF000  }
0x18b: {  	[hbm4b:s6+s1] =	stream.linear.scatter [tilespmem:s22], [sflag:$0x5], $0x1000, $0x38;
	[tilespmem:$0x1DA20] =	vst v63  }
0x18c: {  	_ =	swait.ge [sflag:s24], $0x1000  }
0x18d: {  	s7 =	sld [smem:$0x7F0]  }
0x18e: {  	[sflag:s24] =	ssyncset.done $0x0  }
0x18f: {  	[sflag:s24] =	ssyncadd.s32 $0xFFFFF000  }
0x190: {  	[tilespmem:s22], [sflag:$0x5] =	stream.linear.gather [spmem:s7], $0x1000, $0x38;
	[tilespmem:$0x1DA20] =	vst v63  }
0x191: {  	_ =	swait.ge [sflag:s24], $0x1000  }
0x192: {  	[sflag:s24] =	ssyncset.done $0x0  }
0x193: {  	s8 =	rddreg [dreg:$0xc];
	[sflag:s24] =	ssyncadd.s32 $0xFFFFF000  }
0x194: {  	[hbm4b:s8+s1] =	stream.linear.scatter [tilespmem:s22], [sflag:$0x5], $0x1000, $0x38;
	[tilespmem:$0x1DA20] =	vst v63  }
0x195: {  	_ =	swait.ge [sflag:s24], $0x1000  }
0x196: {  	s9 =	sld [smem:$0x7F1]  }
0x197: {  	[sflag:s24] =	ssyncset.done $0x0  }
0x198: {  	[sflag:s24] =	ssyncadd.s32 $0xFFFFF000  }
0x199: {  	[tilespmem:s22], [sflag:$0x5] =	stream.linear.gather [spmem:s9], $0x1000, $0x38;
	[tilespmem:$0x1DA20] =	vst v63  }
0x19a: {  	_ =	swait.ge [sflag:s24], $0x1000  }
0x19b: {  	[sflag:s24] =	ssyncset.done $0x0  }
0x19c: {  	s10 =	rddreg [dreg:$0xd];
	[sflag:s24] =	ssyncadd.s32 $0xFFFFF000  }
0x19d: {  	[hbm4b:s10+s1] =	stream.linear.scatter [tilespmem:s22], [sflag:$0x5], $0x1000, $0x38;
	[tilespmem:$0x1DA20] =	vst v63  }
0x19e: {  	_ =	swait.ge [sflag:s24], $0x1000  }
0x19f: {  	s6 =	sld [smem:$0x7F2]  }
0x1a0: {  	[sflag:s24] =	ssyncset.done $0x0  }
0x1a1: {  	[sflag:s24] =	ssyncadd.s32 $0xFFFFF000  }
0x1a2: {  	[tilespmem:s22], [sflag:$0x5] =	stream.linear.gather [spmem:s6], $0x1000, $0x38;
	[tilespmem:$0x1DA20] =	vst v63  }
0x1a3: {  	_ =	swait.ge [sflag:s24], $0x1000  }
0x1a4: {  	[sflag:s24] =	ssyncset.done $0x0  }
0x1a5: {  	s7 =	rddreg [dreg:$0xe];
	[sflag:s24] =	ssyncadd.s32 $0xFFFFF000  }
0x1a6: {  	[hbm4b:s7+s1] =	stream.linear.scatter [tilespmem:s22], [sflag:$0x5], $0x1000, $0x38;
	[tilespmem:$0x1DA20] =	vst v63  }
0x1a7: {  	_ =	swait.ge [sflag:s24], $0x1000  }
0x1a8: {  	s8 =	sld [smem:$0x7F3]  }
0x1a9: {  	[sflag:s24] =	ssyncset.done $0x0  }
0x1aa: {  	[sflag:s24] =	ssyncadd.s32 $0xFFFFF000  }
0x1ab: {  	[tilespmem:s22], [sflag:$0x5] =	stream.linear.gather [spmem:s8], $0x1000, $0x38;
	[tilespmem:$0x1DA20] =	vst v63  }
0x1ac: {  	_ =	swait.ge [sflag:s24], $0x1000  }
0x1ad: {  	[sflag:s24] =	ssyncset.done $0x0  }
0x1ae: {  	s9 =	rddreg [dreg:$0xf];
	[sflag:s24] =	ssyncadd.s32 $0xFFFFF000  }
0x1af: {  	[hbm4b:s9+s1] =	stream.linear.scatter [tilespmem:s22], [sflag:$0x5], $0x1000, $0x38;
	[tilespmem:$0x1DA20] =	vst v63  }
0x1b0: {  	_ =	swait.ge [sflag:s24], $0x1000  }
0x1b1: {  	[sflag:s24] =	ssyncset.done $0x0  }
0x1b2: {  	[sflag:s24] =	ssyncadd.s32 $0xFFFFF000  }
0x1b3: {  	[tilespmem:s22], [sflag:$0x5] =	stream.linear.gather [spmem:s11], $0x1000, $0x38;
	[tilespmem:$0x1DA20] =	vst v63  }
0x1b4: {  	_ =	swait.ge [sflag:s24], $0x1000  }
0x1b5: {  	[sflag:s24] =	ssyncset.done $0x0  }
0x1b6: {  	s10 =	rddreg [dreg:$0x10];
	[sflag:s24] =	ssyncadd.s32 $0xFFFFF000  }
0x1b7: {  	[hbm4b:s10+s1] =	stream.linear.scatter [tilespmem:s22], [sflag:$0x5], $0x1000, $0x38;
	[tilespmem:$0x1DA20] =	vst v63  }
0x1b8: {  	_ =	swait.ge [sflag:s24], $0x1000  }
0x1b9: {  	s9 =	smov.u32 s11;
	s11 =	sld [smem:$0x7F4]  }
0x1ba: {  	[sflag:s24] =	ssyncset.done $0x0  }
0x1bb: {  	[sflag:s24] =	ssyncadd.s32 $0xFFFFF000  }
0x1bc: {  	[tilespmem:s22], [sflag:$0x5] =	stream.linear.gather [spmem:s11], $0x1000, $0x38;
	[tilespmem:$0x1DA20] =	vst v63  }
0x1bd: {  	_ =	swait.ge [sflag:s24], $0x1000  }
0x1be: {  	[sflag:s24] =	ssyncset.done $0x0  }
0x1bf: {  	s6 =	rddreg [dreg:$0x11];
	[sflag:s24] =	ssyncadd.s32 $0xFFFFF000  }
0x1c0: {  	[hbm4b:s6+s1] =	stream.linear.scatter [tilespmem:s22], [sflag:$0x5], $0x1000, $0x38;
	[tilespmem:$0x1DA20] =	vst v63  }
0x1c1: {  	_ =	swait.ge [sflag:s24], $0x1000  }
0x1c2: {  	[sflag:s24] =	ssyncset.done $0x0  }
0x1c3: {  	[sflag:s24] =	ssyncadd.s32 $0xFFFFF000  }
0x1c4: {  	[tilespmem:s22], [sflag:$0x5] =	stream.linear.gather [spmem:s12], $0x1000, $0x38;
	[tilespmem:$0x1DA20] =	vst v63  }
0x1c5: {  	_ =	swait.ge [sflag:s24], $0x1000  }
0x1c6: {  	[sflag:s24] =	ssyncset.done $0x0  }
0x1c7: {  	s7 =	rddreg [dreg:$0x12];
	[sflag:s24] =	ssyncadd.s32 $0xFFFFF000  }
0x1c8: {  	[hbm4b:s7+s1] =	stream.linear.scatter [tilespmem:s22], [sflag:$0x5], $0x1000, $0x38;
	[tilespmem:$0x1DA20] =	vst v63  }
0x1c9: {  	_ =	swait.ge [sflag:s24], $0x1000  }
0x1ca: {  	s8 =	sld [smem:$0x7F5]  }
0x1cb: {  	[sflag:s24] =	ssyncset.done $0x0  }
0x1cc: {  	[sflag:s24] =	ssyncadd.s32 $0xFFFFF000  }
0x1cd: {  	[tilespmem:s22], [sflag:$0x5] =	stream.linear.gather [spmem:s8], $0x1000, $0x38;
	[tilespmem:$0x1DA20] =	vst v63  }
0x1ce: {  	_ =	swait.ge [sflag:s24], $0x1000  }
0x1cf: {  	[sflag:s24] =	ssyncset.done $0x0  }
0x1d0: {  	s11 =	rddreg [dreg:$0x13];
	[sflag:s24] =	ssyncadd.s32 $0xFFFFF000  }
0x1d1: {  	[hbm4b:s11+s1] =	stream.linear.scatter [tilespmem:s22], [sflag:$0x5], $0x1000, $0x38;
	[tilespmem:$0x1DA20] =	vst v63  }
0x1d2: {  	_ =	swait.ge [sflag:s24], $0x1000  }
0x1d3: {  	s10 =	smov.u32 s12;
	s12 =	sld [smem:$0x7F6]  }
0x1d4: {  	[sflag:s24] =	ssyncset.done $0x0  }
0x1d5: {  	[sflag:s24] =	ssyncadd.s32 $0xFFFFF000  }
0x1d6: {  	[tilespmem:s22], [sflag:$0x5] =	stream.linear.gather [spmem:s12], $0x1000, $0x38;
	[tilespmem:$0x1DA20] =	vst v63  }
0x1d7: {  	_ =	swait.ge [sflag:s24], $0x1000  }
0x1d8: {  	[sflag:s24] =	ssyncset.done $0x0  }
0x1d9: {  	s6 =	rddreg [dreg:$0x14];
	[sflag:s24] =	ssyncadd.s32 $0xFFFFF000  }
0x1da: {  	[hbm4b:s6+s1] =	stream.linear.scatter [tilespmem:s22], [sflag:$0x5], $0x1000, $0x38;
	[tilespmem:$0x1DA20] =	vst v63  }
0x1db: {  	_ =	swait.ge [sflag:s24], $0x1000  }
0x1dc: {  	[sflag:s24] =	ssyncset.done $0x0  }
0x1dd: {  	[sflag:s24] =	ssyncadd.s32 $0xFFFFF000  }
0x1de: {  	[tilespmem:s22], [sflag:$0x5] =	stream.linear.gather [spmem:s13], $0x1000, $0x38;
	[tilespmem:$0x1DA20] =	vst v63  }
0x1df: {  	_ =	swait.ge [sflag:s24], $0x1000  }
0x1e0: {  	[sflag:s24] =	ssyncset.done $0x0  }
0x1e1: {  	s7 =	rddreg [dreg:$0x15];
	[sflag:s24] =	ssyncadd.s32 $0xFFFFF000  }
0x1e2: {  	[hbm4b:s7+s1] =	stream.linear.scatter [tilespmem:s22], [sflag:$0x5], $0x1000, $0x38;
	[tilespmem:$0x1DA20] =	vst v63  }
0x1e3: {  	_ =	swait.ge [sflag:s24], $0x1000  }
0x1e4: {  	[sflag:s24] =	ssyncset.done $0x0  }
0x1e5: {  	[sflag:s24] =	ssyncadd.s32 $0xFFFFF000  }
0x1e6: {  	[tilespmem:s22], [sflag:$0x5] =	stream.linear.gather [spmem:s14], $0x1000, $0x38;
	[tilespmem:$0x1DA20] =	vst v63  }
0x1e7: {  	_ =	swait.ge [sflag:s24], $0x1000  }
0x1e8: {  	[sflag:s24] =	ssyncset.done $0x0  }
0x1e9: {  	s8 =	rddreg [dreg:$0x16];
	[sflag:s24] =	ssyncadd.s32 $0xFFFFF000  }
0x1ea: {  	[hbm4b:s8+s1] =	stream.linear.scatter [tilespmem:s22], [sflag:$0x5], $0x1000, $0x38;
	[tilespmem:$0x1DA20] =	vst v63  }
0x1eb: {  	_ =	swait.ge [sflag:s24], $0x1000  }
0x1ec: {  	[sflag:s24] =	ssyncset.done $0x0  }
0x1ed: {  	[sflag:s24] =	ssyncadd.s32 $0xFFFFF000  }
0x1ee: {  	[tilespmem:s22], [sflag:$0x5] =	stream.linear.gather [spmem:s15], $0x1000, $0x38;
	[tilespmem:$0x1DA20] =	vst v63  }
0x1ef: {  	_ =	swait.ge [sflag:s24], $0x1000  }
0x1f0: {  	[sflag:s24] =	ssyncset.done $0x0  }
0x1f1: {  	s11 =	rddreg [dreg:$0x17];
	[sflag:s24] =	ssyncadd.s32 $0xFFFFF000  }
0x1f2: {  	[hbm4b:s11+s1] =	stream.linear.scatter [tilespmem:s22], [sflag:$0x5], $0x1000, $0x38;
	[tilespmem:$0x1DA20] =	vst v63  }
0x1f3: {  	_ =	swait.ge [sflag:s24], $0x1000  }
0x1f4: {  	s12 =	sld [smem:$0x7FD];
	_ =	sdelay $0x1  }
0x1f5: {  	s4 =	sadd.s32 $0x1, s4  }
0x1f6: {  	p0 =	sne.s32 s4, s12  }
.Ltmp2:
0x1f7: {  	_ = 	snop;
	(pc) =	sbr.rel @p0 .LBB2_1-.Ltmp2, $3  }
0x1f8: {  	_ =	sdelay $0x1  }
0x1f9: {  	[sflag:s24] =	ssyncset.done $0x0  }
0x1fa: {  	[sflag:s24] =	ssyncadd.s32 $0xFFFFF000  }
0x1fb: {  	_ =	sfence.sel $0x180000  }
0x1fc: {  	[bflag:$0x0] =	sbarrier.arrive $0xFFFF  }
0x1fd: {  	_ =	strace $0x9000004A  }
0x1fe: {  	s0 =	stileid.u32;
	[bflag:$0x2] =	sbarrier.arrive $0xFFFF  }
0x1ff: {  	p0 =	sne.s32 s0, $0x0;
	s0 =	rddreg [dreg:$0x3]  }
0x200: {  	s0 =	sadd.s32 @!p0 $0x100000, s0  }
0x201: {  	[sflag:s0] =	ssyncadd.tile.s32 @!p0 $0x1;
	_ =	shalt  }
.Lfunc_end2:
_tile_overlayer_lowered:
.L_overlay_start_2:
0x202: {  	(tag) =	ssettag $0x2  }
0x203: {  	s0 =	rddreg [dreg:$0x0];
	s2 =	stileid.u32  }
0x204: {  	s1 =	rddreg [dreg:$0x1];
	p0 =	sne.s32 s2, $0x0  }
0x205: {  	s3 =	rddreg [dreg:$0x2];
	[bflag:$0x3] =	sbarrier.arrive $0xFFFF;
	s2 =	simm.s32 @!p0 $0x1C05  }
0x206: {  	[timem:s3], [sflag:s2] =	dma.local @!p0 [hbm:s0], s1  }
0x207: {  	s0 =	simm.s32 @!p0 $0x5  }
0x208: {  	_ =	swait.ge @!p0 [sflag:s0], s1  }
0x209: {  	s1 =	ssub.s32 @!p0 $0x0, s1;
	[sflag:s0] =	ssyncset.done @!p0 $0x0  }
0x20a: {  	[sflag:s0] =	ssyncadd.s32 @!p0 s1  }
0x20b: {  	[bflag:$0x3] =	sbarrier.arrive $0xFFFF  }
0x20c: {  	_ =	shalt  }

// kernel: kernel.14.cloned.1.call-start
scs
__scs_entry_jumppad:
0x0: {  	(pc) =	sbr.rel $0x88, $3  }
0x1: {  	(tag) =	ssettag $0x0;
	lr =	simm.s32 $0x1  }
0x2: {  	[smem:$0x3F95] =	sst lr;
	_ =	strace $0xD0000000  }
0x3: {  	_ = 	snop  }
0x4: {  	_ = 	snop  }
0x5: {  	_ = 	snop  }
0x6: {  	_ = 	snop  }
0x7: {  	_ = 	snop  }
__scs_overlays_trampoline_lowered:
0x8: {  	[smem:$0x3FA4] =	sst s0  }
0x9: {  	[smem:$0x3FA5] =	sst s1  }
0xa: {  	[smem:$0x3FA6] =	sst s2  }
0xb: {  	[smem:$0x3FA7] =	sst s3  }
0xc: {  	[smem:$0x3FA8] =	sst s4  }
0xd: {  	[smem:$0x3FA9] =	sst s5  }
0xe: {  	[smem:$0x3FAA] =	sst s6  }
0xf: {  	[smem:$0x3FAB] =	sst s7  }
0x10: {  	[smem:$0x3FAC] =	sst s8  }
0x11: {  	[smem:$0x3FAD] =	sst s9;
	s0 =	simm.s32 @!p0 $0x0  }
0x12: {  	s1 =	sld [smem:$0x3F93];
	s0 =	simm.s32 @p0 $0x1  }
0x13: {  	[smem:$0x3FAE] =	sst s0;
	s0 =	simm.s32 @!p1 $0x0  }
0x14: {  	s2 =	sld [smem:$0x3F92];
	s0 =	simm.s32 @p1 $0x1  }
0x15: {  	[smem:$0x3FAF] =	sst s0;
	s0 =	simm.s32 @!p2 $0x0  }
0x16: {  	s3 =	sld [smem:$0x3FDB];
	s0 =	simm.s32 @p2 $0x1  }
0x17: {  	s4 =	simm.s32 $0x1BF5;
	[smem:$0x3FB1] =	sst s0  }
0x18: {  	s0 =	sld [smem:$0x3F94];
	_ =	swait.ge [sflag:s4], $0x0  }
0x19: {  	s7 =	sld [smem:$0x3F95]  }
0x1a: {  	s8 =	sadd.s32 $0xFFFFE003, lr  }
0x1b: {  	s9 =	sadd.s32 $0xFFFFFEF7, lr;
	s5 =	simm.s32 $0xFFFFFFFF;
	p2 =	slt.u32 s8, $0xFFFFF086  }
0x1c: {  	p1 =	slt.u32 s9, $0xF7A;
	s5 =	simm.s32 @!p2 $0x0  }
0x1d: {  	s5 =	simm.s32 @p1 $0x1;
	p0 =	seq.s32 s7, s2  }
0x1e: {  	s7 =	smul.u32 @!p0 $0xF7A, s2;
	p2 =	seq.s32 @!p0 s5, $0x0  }
0x1f: {  	s9 =	smul.u32 $0xF7A, s1;
	s8 =	simm.s32 @!p0 $0x1BF5;
	p2 =	por !p2, p0  }
0x20: {  	[sflag:s8] =	ssyncset.s32 @!p0 $0xFFFFF086;
	s6 =	sadd.s32 @!p0 s3, s7;
	s7 =	simm.s32 @!p0 $0x108  }
0x21: {  	s3 =	sadd.s32 s3, s9;
	s6 =	sadd.s32 @!p0 $0x88, s6;
	s7 =	simm.s32 @p2 $0x1082  }
0x22: {  	[simem:s7], [sflag:s8] =	dma.local @!p0 [hbm:s6], $0xF7A  }
0x23: {  	s9 =	sor.u32 $0xD0000000, s2;
	s6 =	simm.s32 $0x108;
	_ =	swait.ge @!p0 [sflag:s8], $0x0  }
0x24: {  	s3 =	sadd.s32 $0x88, s3;
	s6 =	simm.s32 @!p1 $0x1082;
	[sflag:s4] =	ssyncset.s32 $0xFFFFF086  }
0x25: {  	[simem:s6], [sflag:s4] =	dma.local [hbm:s3], $0xF7A  }
0x26: {  	[smem:$0x3F95] =	sst s1;
	(tag) =	ssettag s2;
	_ =	strace s9  }
0x27: {  	s1 =	sld [smem:$0x3FA5]  }
0x28: {  	s2 =	sld [smem:$0x3FA6]  }
0x29: {  	s4 =	sld [smem:$0x3FA8]  }
0x2a: {  	p0 =	seq.s32 s5, $0x0;
	s5 =	sld [smem:$0x3FA9]  }
0x2b: {  	s6 =	sld [smem:$0x3FAA]  }
0x2c: {  	s7 =	sld [smem:$0x3FAB]  }
0x2d: {  	s3 =	simm.s32 $0x108;
	s8 =	sld [smem:$0x3FAC]  }
0x2e: {  	s3 =	simm.s32 @!p0 $0x1082;
	s9 =	sld [smem:$0x3FAD]  }
0x2f: {  	lr =	sadd.s32 s0, s3;
	s0 =	sld [smem:$0x3FA4]  }
0x30: {  	s3 =	sld [smem:$0x3FA7]  }
0x31: {  	[smem:$0x3FB0] =	sst s10  }
0x32: {  	s10 =	sld [smem:$0x3FAE];
	_ =	sdelay $0x3  }
0x33: {  	p0 =	seq.s32 s10, $0x1;
	s10 =	sld [smem:$0x3FB0];
	_ =	sdelay $0x3  }
0x34: {  	[smem:$0x3FB0] =	sst s10  }
0x35: {  	s10 =	sld [smem:$0x3FAF];
	_ =	sdelay $0x3  }
0x36: {  	p1 =	seq.s32 s10, $0x1;
	s10 =	sld [smem:$0x3FB0];
	_ =	sdelay $0x3  }
0x37: {  	[smem:$0x3FB0] =	sst s10  }
0x38: {  	s10 =	sld [smem:$0x3FB1]  }
0x39: {  	_ = 	snop;
	(pc) =	sbr.ind lr, $3  }
0x3a: {  	_ = 	snop  }
0x3b: {  	_ = 	snop  }
0x3c: {  	p2 =	seq.s32 s10, $0x1;
	s10 =	sld [smem:$0x3FB0]  }
0x3d: {  	_ =	shalt  }
0x3e: {  	_ =	shalt  }
0x3f: {  	_ =	shalt  }
0x40: {  	_ =	shalt  }
0x41: {  	_ =	shalt  }
0x42: {  	_ =	shalt  }
0x43: {  	_ =	shalt  }
0x44: {  	_ =	shalt  }
0x45: {  	_ =	shalt  }
0x46: {  	_ =	shalt  }
0x47: {  	_ =	shalt  }
0x48: {  	_ =	shalt  }
0x49: {  	_ =	shalt  }
0x4a: {  	_ =	shalt  }
0x4b: {  	_ =	shalt  }
0x4c: {  	_ =	shalt  }
0x4d: {  	_ =	shalt  }
0x4e: {  	_ =	shalt  }
0x4f: {  	_ =	shalt  }
0x50: {  	_ =	shalt  }
0x51: {  	_ =	shalt  }
0x52: {  	_ =	shalt  }
0x53: {  	_ =	shalt  }
0x54: {  	_ =	shalt  }
0x55: {  	_ =	shalt  }
0x56: {  	_ =	shalt  }
0x57: {  	_ =	shalt  }
0x58: {  	_ =	shalt  }
0x59: {  	_ =	shalt  }
0x5a: {  	_ =	shalt  }
0x5b: {  	_ =	shalt  }
0x5c: {  	_ =	shalt  }
0x5d: {  	_ =	shalt  }
0x5e: {  	_ =	shalt  }
0x5f: {  	_ =	shalt  }
0x60: {  	_ =	shalt  }
0x61: {  	_ =	shalt  }
0x62: {  	_ =	shalt  }
0x63: {  	_ =	shalt  }
0x64: {  	_ =	shalt  }
0x65: {  	_ =	shalt  }
0x66: {  	_ =	shalt  }
0x67: {  	_ =	shalt  }
0x68: {  	_ =	shalt  }
0x69: {  	_ =	shalt  }
0x6a: {  	_ =	shalt  }
0x6b: {  	_ =	shalt  }
0x6c: {  	_ =	shalt  }
0x6d: {  	_ =	shalt  }
0x6e: {  	_ =	shalt  }
0x6f: {  	_ =	shalt  }
0x70: {  	_ =	shalt  }
0x71: {  	_ =	shalt  }
0x72: {  	_ =	shalt  }
0x73: {  	_ =	shalt  }
0x74: {  	_ =	shalt  }
0x75: {  	_ =	shalt  }
0x76: {  	_ =	shalt  }
0x77: {  	_ =	shalt  }
0x78: {  	_ =	shalt  }
0x79: {  	_ =	shalt  }
0x7a: {  	_ =	shalt  }
0x7b: {  	_ =	shalt  }
0x7c: {  	_ =	shalt  }
0x7d: {  	_ =	shalt  }
0x7e: {  	_ =	shalt  }
0x7f: {  	_ =	shalt  }
0x80: {  	_ =	shalt  }
0x81: {  	_ =	shalt  }
0x82: {  	_ =	shalt  }
0x83: {  	_ =	shalt  }
0x84: {  	_ =	shalt  }
0x85: {  	_ =	shalt  }
0x86: {  	_ =	shalt  }
0x87: {  	_ =	shalt  }
.Lfunc_end0:
.L_simem_size_0:
called_computation.2_lowered:
.L_overlay_start_0:
0x88: {  	s2 =	sld [smem:$0x3FD9]  }
0x89: {  	s3 =	sld [smem:$0x3FFE];
	_ =	sdelay $0x1  }
0x8a: {  	s1 =	srdreg.scid  }
0x8b: {  	s0 =	sand.u32 $0x1, s1  }
0x8c: {  	s17 =	sshll.u32 s0, $0xA;
	s2 =	sadd.s32 s3, s2  }
0x8d: {  	s2 =	sadd.s32 s2, s17  }
0x8e: {  	[smem:$0x3FBC] =	sst s2  }
0x8f: {  	_ = 	snop  }
0x90: {  	s2 =	sld [smem:$0x3FD0];
	(tm) =	ssettm $0x1  }
0x91: {  	s18 =	sld [smem:$0x3FFB];
	_ =	sdelay $0x3  }
0x92: {  	_ =	strace s18  }
0x93: {  	s3 =	sld [smem:$0x3FFC];
	_ =	sdelay $0x3  }
0x94: {  	_ =	strace s3  }
0x95: {  	s3 =	sld [smem:$0x3FFD];
	_ =	sdelay $0x3  }
0x96: {  	_ =	strace s3  }
0x97: {  	_ =	strace $0x8FFFFFFF  }
0x98: {  	s19 =	sld [smem:$0x3FDB];
	_ =	sdelay $0x1  }
0x99: {  	s4 =	simm.s32 $_scs_section_size  }
0x9a: {  	s5 =	simm.s32 $_size__tile_overlayer_lowered;
	s6 =	simm.s32 $_tile_overlayer_lowered  }
0x9b: {  	s22 =	simm.s32 $0x1BFF;
	s21 =	sshll.u32 s6, $0x1;
	s3 =	sadd.s32 s4, s19  }
0x9c: {  	s7 =	simm.s32 $0x0;
	s20 =	sshll.u32 s5, $0x1;
	s5 =	sadd.s32 s21, s3  }
0x9d: {  	[timem:s7], [sflag:s22] =	dma.local [hbm:s5], s20  }
0x9e: {  	_ =	swait.ge [sflag:s22], s20  }
0x9f: {  	s4 =	ssub.s32 $0x0, s20;
	[sflag:s22] =	ssyncset.done $0x0  }
0xa0: {  	[sflag:s22] =	ssyncadd.s32 s4;
	_ =	sdelay $0x1  }
0xa1: {  	s23 =	simm.s32 $0x1B8B  }
0xa2: {  	_ =	swait.ge [sflag:s23], $0x1  }
0xa3: {  	[sflag:s23] =	ssyncset.done $0x0  }
0xa4: {  	s25 =	simm.s32 $0x1B8E;
	s24 =	sld [smem:$0x3FFE];
	[sflag:s23] =	ssyncadd.s32 $0xFFFFFFFF  }
0xa5: {  	s26 =	simm.s32 $execute0_lowered;
	[smem:$0x3FD2] =	sst s25  }
0xa6: {  	s5 =	sshll.u32 s26, $0x1;
	_ =	strace $0x8000004C;
	[dreg:$0x1] =	wrdreg $0xFFFFFFFF  }
0xa7: {  	s28 =	simm.s32 $_size_execute0_lowered;
	s3 =	sadd.s32 s3, s5;
	[dreg:$0x0] =	wrdreg $0x0  }
0xa8: {  	s5 =	sshll.u32 s28, $0x1;
	[dreg:$0x2] =	wrdreg s3  }
0xa9: {  	[dreg:$0x3] =	wrdreg s5  }
0xaa: {  	[dreg:$0x4] =	wrdreg $0xC0  }
0xab: {  	_ =	task [dreg:s7], $0x5FFFF  }
0xac: {  	[dreg:$0x1] =	wrdreg $0xFFFFFFFF  }
0xad: {  	[dreg:$0x0] =	wrdreg $0x60  }
0xae: {  	[dreg:$0x2] =	wrdreg s2  }
0xaf: {  	[dreg:$0x3] =	wrdreg s24  }
0xb0: {  	[dreg:$0x4] =	wrdreg $0x9A200  }
0xb1: {  	[dreg:$0x5] =	wrdreg $0x9  }
0xb2: {  	_ =	task.clear_ibuf [dreg:s7], $0x6FFFF;
	_ =	strace $0x9000004C  }
0xb3: {  	s29 =	simm.s32 $0x9;
	_ =	strace $0x8000004E  }
0xb4: {  	_ =	swait.ge [sflag:s29], $0x1  }
0xb5: {  	[sflag:s29] =	ssyncadd.s32 $0xFFFFFFFF  }
0xb6: {  	_ =	strace $0x9000004E  }
0xb7: {  	_ =	sfence  }
0xb8: {  	s30 =	sld [smem:$0x0];
	_ =	sdelay $0x2  }
0xb9: {  	s31 =	sshll.u32 s1, $0xD;
	s1 =	sshrl.u32 s1, $0x2  }
0xba: {  	s3 =	sand.u32 $0x4000, s31;
	s1 =	sadd.s32 s1, s30  }
0xbb: {  	s0 =	sor.u32 s3, s0;
	s1 =	sshll.u32 s1, $0x11  }
0xbc: {  	s0 =	sor.u32 s1, s0  }
0xbd: {  	s0 =	sadd.s32 $0x8F2B, s0  }
0xbe: {  	[sflag:s0] =	ssyncadd.remote.s32 $0x1  }
0xbf: {  	_ =	sfence.sel $0xFFFF  }
0xc0: {  	[dreg:$0x0] =	wrdreg $0xFFFFFFFF;
	(pc) =	sbr.abs _section_cstart, $3  }
0xc1: {  	[dreg:$0x1] =	wrdreg $0xFFFFFFFF  }
0xc2: {  	_ =	task.clear_ibuf [dreg:s7], $0x2FFFF;
	_ =	strace $0x9FFFFFFF  }
0xc3: {  	(tm) =	ssettm $0x7FFFFFFF  }
tec
execute0_lowered:
.L_overlay_start_1:
0x0: {  	(tag) =	ssettag $0x1  }
0x1: {  	s28 =	stileid.u32  }
0x2: {  	s0 =	srdreg.scid;
	s21 =	smul.u32 $0x280, s28  }
0x3: {  	s2 =	sand.u32 $0x1, s0;
	s25 =	smul.u32 $0x2710, s28  }
0x4: {  	s15 =	rddreg [dreg:$0x1];
	s0 =	ssub.s32 $0x2, s2;
	s14 =	smul.u32 $0x27100, s2  }
0x5: {  	s23 =	smul.u32 $0x2800, s2;
	s3 =	sshrl.u32 s0, $0x1;
	s24 =	sor.u32 $0x20, s21  }
0x6: {  	s22 =	sor.u32 $0x40, s21;
	s19 =	sor.u32 $0x60, s21;
	s20 =	sadd.s32 $0x80, s21  }
0x7: {  	s18 =	sadd.s32 $0xA0, s21;
	s16 =	sadd.s32 $0xC0, s21;
	s17 =	sadd.s32 $0xE0, s21  }
0x8: {  	s13 =	sadd.s32 $0x100, s21;
	s5 =	sadd.s32 $0x120, s21;
	s6 =	sadd.s32 $0x140, s21  }
0x9: {  	s7 =	sadd.s32 $0x160, s21;
	s8 =	sadd.s32 $0x180, s21;
	s9 =	sadd.s32 $0x1A0, s21  }
0xa: {  	s10 =	sadd.s32 $0x1C0, s21;
	s11 =	sadd.s32 $0x1E0, s21;
	s12 =	sadd.s32 $0x200, s21  }
0xb: {  	s4 =	sadd.s32 $0x220, s21;
	s0 =	ssub.s32 s0, s3;
	s3 =	sadd.s32 $0x240, s21  }
0xc: {  	s2 =	sadd.s32 s25, s14;
	s14 =	sadd.s32 $0x260, s21;
	s21 =	sadd.s32 s21, s23  }
0xd: {  	s25 =	sadd.s32 $0x16C00, s15;
	s21 =	sshll.u32 s21, $0x4  }
0xe: {  	s26 =	sadd.s32 s23, s24;
	s21 =	sadd.s32 s25, s21  }
0xf: {  	[dreg:$0x4] =	wrdreg s21;
	s21 =	sshll.u32 s26, $0x4  }
0x10: {  	s26 =	sadd.s32 s23, s22;
	s21 =	sadd.s32 s25, s21  }
0x11: {  	[dreg:$0x5] =	wrdreg s21;
	s21 =	sshll.u32 s26, $0x4  }
0x12: {  	s26 =	sadd.s32 s23, s19;
	s21 =	sadd.s32 s25, s21  }
0x13: {  	[dreg:$0x6] =	wrdreg s21;
	s21 =	sshll.u32 s26, $0x4  }
0x14: {  	s26 =	sadd.s32 s23, s20;
	s21 =	sadd.s32 s25, s21  }
0x15: {  	[dreg:$0x7] =	wrdreg s21;
	s21 =	sshll.u32 s26, $0x4  }
0x16: {  	s26 =	sadd.s32 s23, s18;
	s21 =	sadd.s32 s25, s21  }
0x17: {  	[dreg:$0x8] =	wrdreg s21;
	s21 =	sshll.u32 s26, $0x4  }
0x18: {  	s26 =	sadd.s32 s23, s16;
	s21 =	sadd.s32 s25, s21  }
0x19: {  	[dreg:$0x9] =	wrdreg s21;
	s21 =	sshll.u32 s26, $0x4  }
0x1a: {  	s26 =	sadd.s32 s23, s17;
	s21 =	sadd.s32 s25, s21  }
0x1b: {  	[dreg:$0xa] =	wrdreg s21;
	s21 =	sshll.u32 s26, $0x4  }
0x1c: {  	s26 =	sadd.s32 s23, s13;
	s21 =	sadd.s32 s25, s21  }
0x1d: {  	[dreg:$0xb] =	wrdreg s21;
	s21 =	sshll.u32 s26, $0x4  }
0x1e: {  	s26 =	sadd.s32 s23, s5;
	s21 =	sadd.s32 s25, s21  }
0x1f: {  	[dreg:$0xc] =	wrdreg s21;
	s21 =	sshll.u32 s26, $0x4  }
0x20: {  	s26 =	sadd.s32 s23, s6;
	s21 =	sadd.s32 s25, s21  }
0x21: {  	[dreg:$0xd] =	wrdreg s21;
	s21 =	sshll.u32 s26, $0x4  }
0x22: {  	s26 =	sadd.s32 s23, s7;
	s21 =	sadd.s32 s25, s21  }
0x23: {  	[dreg:$0xe] =	wrdreg s21;
	s21 =	sshll.u32 s26, $0x4  }
0x24: {  	s26 =	sadd.s32 s23, s8;
	s21 =	sadd.s32 s25, s21  }
0x25: {  	[dreg:$0xf] =	wrdreg s21;
	s21 =	sshll.u32 s26, $0x4  }
0x26: {  	s26 =	sadd.s32 s23, s9;
	s21 =	sadd.s32 s25, s21  }
0x27: {  	[dreg:$0x10] =	wrdreg s21;
	s21 =	sshll.u32 s26, $0x4  }
0x28: {  	s1 =	simm.s32 $0x0;
	s26 =	sadd.s32 s23, s10;
	s21 =	sadd.s32 s25, s21  }
0x29: {  	s29 =	simm.s32 $0x100;
	[dreg:$0x11] =	wrdreg s21;
	s21 =	sshll.u32 s26, $0x4  }
0x2a: {  	s30 =	simm.s32 $0x180;
	s26 =	sadd.s32 s23, s11;
	s21 =	sadd.s32 s25, s21  }
0x2b: {  	s31 =	simm.s32 $0x4220;
	[dreg:$0x12] =	wrdreg s21;
	s21 =	sshll.u32 s26, $0x4  }
0x2c: {  	[smem:$0x7FF] =	sst s1;
	s26 =	sadd.s32 s23, s12;
	s21 =	sadd.s32 s25, s21  }
0x2d: {  	s28 =	smul.u32 $0x50000, s28;
	[dreg:$0x13] =	wrdreg s21;
	s21 =	sshll.u32 s26, $0x4  }
0x2e: {  	s24 =	sshll.u32 s24, $0x7;
	s26 =	sadd.s32 s23, s4;
	s21 =	sadd.s32 s25, s21  }
0x2f: {  	s0 =	smax.u32 s0, $0x1;
	[dreg:$0x14] =	wrdreg s21;
	s21 =	sshll.u32 s26, $0x4  }
0x30: {  	s13 =	sshll.u32 s13, $0x7;
	s26 =	sadd.s32 s23, s3;
	s21 =	sadd.s32 s25, s21  }
0x31: {  	s5 =	sshll.u32 s5, $0x7;
	s26 =	sshll.u32 s26, $0x4;
	[dreg:$0x15] =	wrdreg s21  }
0x32: {  	s6 =	sshll.u32 s6, $0x7;
	s21 =	rddreg [dreg:$0x0];
	s26 =	sadd.s32 s25, s26  }
0x33: {  	s4 =	sshll.u32 s4, $0x7;
	[dreg:$0x16] =	wrdreg s26;
	s26 =	sadd.s32 s23, s14  }
0x34: {  	s3 =	sshll.u32 s3, $0x7;
	s23 =	rddreg [dreg:$0x2];
	s26 =	sshll.u32 s26, $0x4  }
0x35: {  	s24 =	sadd.s32 s24, s23;
	s13 =	sadd.s32 s13, s23;
	s25 =	sadd.s32 s25, s26  }
0x36: {  	s5 =	sadd.s32 s5, s23;
	s26 =	sadd.s32 $0xCE00, s15;
	[dreg:$0x17] =	wrdreg s25  }
0x37: {  	s25 =	sadd.s32 $0x3000, s15;
	_ =	strace $0x8000004D;
	[dreg:$0x19] =	wrdreg s24  }
0x38: {  	s15 =	sshrl.u32 s28, $0x2;
	s28 =	simm.s32 $0x220;
	[smem:$0x7F0] =	sst s13  }
0x39: {  	s15 =	sadd.s32 s15, s23;
	s24 =	sshll.u32 s22, $0x7;
	[smem:$0x7F1] =	sst s5  }
0x3a: {  	s22 =	sshll.u32 s19, $0x7;
	s13 =	sadd.s32 s4, s23;
	[smem:$0x7FD] =	sst s0  }
0x3b: {  	s0 =	simm.s32 $0x3;
	[dreg:$0x18] =	wrdreg s15;
	s15 =	sadd.s32 s24, s23  }
0x3c: {  	s24 =	sshll.u32 s20, $0x7;
	s20 =	sshll.u32 s18, $0x7;
	s18 =	sshll.u32 s7, $0x7  }
0x3d: {  	s7 =	sshll.u32 s12, $0x7;
	[dreg:$0x1a] =	wrdreg s15;
	s15 =	sadd.s32 s22, s23  }
0x3e: {  	s12 =	sshrl.u32 s2, $0x3;
	s19 =	sadd.s32 s24, s23;
	[dreg:$0x1b] =	wrdreg s15  }
0x3f: {  	s24 =	sshll.u32 s17, $0x7;
	s17 =	sadd.s32 s6, s23;
	[dreg:$0x1c] =	wrdreg s19  }
0x40: {  	s22 =	sshll.u32 s16, $0x7;
	s5 =	sadd.s32 s18, s23;
	[smem:$0x7F2] =	sst s17  }
0x41: {  	s6 =	sshll.u32 s11, $0x7;
	s15 =	sadd.s32 s20, s23;
	[smem:$0x7F3] =	sst s5  }
0x42: {  	s11 =	sshll.u32 s14, $0x7;
	s16 =	sadd.s32 s24, s23;
	[dreg:$0x1d] =	wrdreg s15  }
0x43: {  	s14 =	sadd.s32 s3, s23;
	s5 =	sadd.s32 s6, s23;
	[dreg:$0x1f] =	wrdreg s16  }
0x44: {  	s19 =	sshll.u32 s8, $0x7;
	s8 =	sadd.s32 s7, s23;
	[smem:$0x7F5] =	sst s5  }
0x45: {  	s18 =	sadd.s32 $0x4D0, s12;
	s17 =	sadd.s32 s26, s12;
	[smem:$0x7F6] =	sst s8  }
0x46: {  	s3 =	sadd.s32 $0x4E0, s12;
	s4 =	sadd.s32 s26, s18;
	[smem:$0x7F8] =	sst s17  }
0x47: {  	s20 =	sshll.u32 s9, $0x7;
	s15 =	sadd.s32 s22, s23;
	[smem:$0x7FA] =	sst s4  }
0x48: {  	s24 =	sshll.u32 s10, $0x7;
	s22 =	sadd.s32 s20, s23;
	[dreg:$0x1e] =	wrdreg s15  }
0x49: {  	s9 =	sadd.s32 s19, s23;
	s16 =	sadd.s32 s25, s12;
	[smem:$0x7F4] =	sst s22  }
0x4a: {  	s10 =	sadd.s32 s24, s23;
	s19 =	sadd.s32 s25, s18;
	[smem:$0x7F7] =	sst s16  }
0x4b: {  	s20 =	sadd.s32 $0x80, s2;
	s24 =	sadd.s32 s25, s3;
	[smem:$0x7F9] =	sst s19  }
0x4c: {  	s3 =	sadd.s32 s26, s3;
	s4 =	simm.s32 $0x0;
	[smem:$0x7FB] =	sst s24  }
0x4d: {  	s15 =	sadd.s32 s11, s23;
	s22 =	sshrl.u32 s20, $0x3;
	[smem:$0x7FC] =	sst s3  }
0x4e: {  	s19 =	sadd.s32 $0x100, s2;
	s24 =	simm.s32 $0x5;
	s16 =	simm.s32 $0x80  }
0x4f: {  	s20 =	simm.s32 $0x1;
	s2 =	simm.s32 $0x2;
	s3 =	simm.s32 $0x4  }
0x50: {  	v0 =	vimm.f32 $0.0e+00;
	s17 =	sadd.s32 s22, s26;
	s18 =	sadd.s32 s22, s25;
	s22 =	simm.s32 $0x8A20  }
.LBB2_1:
0x51: {  	s5 =	sand.u32 $0x3E00, s1  }
0x52: {  	s6 =	sand.u32 $0x70, s1;
	s7 =	sshrl.u32 s5, $0x2  }
0x53: {  	s5 =	simm.s32 $0x40;
	s7 =	sor.u32 s6, s7;
	s6 =	simm.s32 $0x0  }
.LBB2_2:
0x54: {  	p0 =	sne.s32 s5, $0x3FC0  }
0x55: {  	[tilespmem:s7+$0x8A20] =	vst v0;
	s6 =	sadd.s32 $0x10, s6;
	s7 =	smov.u32 s5;
	s5 =	sadd.s32 $0x40, s5  }
.Ltmp0:
0x56: {  	(pc) =	sbr.rel @p0 .LBB2_2-.Ltmp0, $4  }
0x57: {  	_ = 	snop  }
0x58: {  	s7 =	sand.u32 $0x3E00, s7  }
0x59: {  	s8 =	sand.u32 $0x70, s6;
	s7 =	sshrl.u32 s7, $0x2  }
0x5a: {  	s7 =	sor.u32 s8, s7  }
0x5b: {  	[tilespmem:s7+$0x8A20] =	vst v0;
	s5 =	rddreg [dreg:$0x18]  }
0x5c: {  	[spmem:s5] =	stream.linear.scatter [tilespmem:s22], [sflag:$0x5], $0x1000, $0x38;
	[tilespmem:$0x1DA20] =	vst v63  }
0x5d: {  	_ =	swait.ge [sflag:s24], $0x1000  }
0x5e: {  	[sflag:s24] =	ssyncset.done $0x0  }
0x5f: {  	s12 =	rddreg [dreg:$0x19];
	[sflag:s24] =	ssyncadd.s32 $0xFFFFF000  }
0x60: {  	[spmem:s12] =	stream.linear.scatter [tilespmem:s22], [sflag:$0x5], $0x1000, $0x38;
	[tilespmem:$0x1DA20] =	vst v63  }
0x61: {  	_ =	swait.ge [sflag:s24], $0x1000  }
0x62: {  	[sflag:s24] =	ssyncset.done $0x0  }
0x63: {  	s6 =	rddreg [dreg:$0x1a];
	[sflag:s24] =	ssyncadd.s32 $0xFFFFF000  }
0x64: {  	[spmem:s6] =	stream.linear.scatter [tilespmem:s22], [sflag:$0x5], $0x1000, $0x38;
	[tilespmem:$0x1DA20] =	vst v63  }
0x65: {  	_ =	swait.ge [sflag:s24], $0x1000  }
0x66: {  	[sflag:s24] =	ssyncset.done $0x0  }
0x67: {  	s7 =	rddreg [dreg:$0x1b];
	[sflag:s24] =	ssyncadd.s32 $0xFFFFF000  }
0x68: {  	[spmem:s7] =	stream.linear.scatter [tilespmem:s22], [sflag:$0x5], $0x1000, $0x38;
	[tilespmem:$0x1DA20] =	vst v63  }
0x69: {  	_ =	swait.ge [sflag:s24], $0x1000  }
0x6a: {  	[sflag:s24] =	ssyncset.done $0x0  }
0x6b: {  	s8 =	rddreg [dreg:$0x1c];
	[sflag:s24] =	ssyncadd.s32 $0xFFFFF000  }
0x6c: {  	[spmem:s8] =	stream.linear.scatter [tilespmem:s22], [sflag:$0x5], $0x1000, $0x38;
	[tilespmem:$0x1DA20] =	vst v63  }
0x6d: {  	_ =	swait.ge [sflag:s24], $0x1000  }
0x6e: {  	[sflag:s24] =	ssyncset.done $0x0  }
0x6f: {  	s11 =	rddreg [dreg:$0x1d];
	[sflag:s24] =	ssyncadd.s32 $0xFFFFF000  }
0x70: {  	[spmem:s11] =	stream.linear.scatter [tilespmem:s22], [sflag:$0x5], $0x1000, $0x38;
	[tilespmem:$0x1DA20] =	vst v63  }
0x71: {  	_ =	swait.ge [sflag:s24], $0x1000  }
0x72: {  	[sflag:s24] =	ssyncset.done $0x0  }
0x73: {  	s12 =	rddreg [dreg:$0x1e];
	[sflag:s24] =	ssyncadd.s32 $0xFFFFF000  }
0x74: {  	[spmem:s12] =	stream.linear.scatter [tilespmem:s22], [sflag:$0x5], $0x1000, $0x38;
	[tilespmem:$0x1DA20] =	vst v63  }
0x75: {  	_ =	swait.ge [sflag:s24], $0x1000  }
0x76: {  	[sflag:s24] =	ssyncset.done $0x0  }
0x77: {  	s6 =	rddreg [dreg:$0x1f];
	[sflag:s24] =	ssyncadd.s32 $0xFFFFF000  }
0x78: {  	[spmem:s6] =	stream.linear.scatter [tilespmem:s22], [sflag:$0x5], $0x1000, $0x38;
	[tilespmem:$0x1DA20] =	vst v63  }
0x79: {  	_ =	swait.ge [sflag:s24], $0x1000  }
0x7a: {  	s7 =	sld [smem:$0x7F0]  }
0x7b: {  	[sflag:s24] =	ssyncset.done $0x0  }
0x7c: {  	[sflag:s24] =	ssyncadd.s32 $0xFFFFF000  }
0x7d: {  	[spmem:s7] =	stream.linear.scatter [tilespmem:s22], [sflag:$0x5], $0x1000, $0x38;
	[tilespmem:$0x1DA20] =	vst v63  }
0x7e: {  	_ =	swait.ge [sflag:s24], $0x1000  }
0x7f: {  	s8 =	sld [smem:$0x7F1]  }
0x80: {  	[sflag:s24] =	ssyncset.done $0x0  }
0x81: {  	[sflag:s24] =	ssyncadd.s32 $0xFFFFF000  }
0x82: {  	[spmem:s8] =	stream.linear.scatter [tilespmem:s22], [sflag:$0x5], $0x1000, $0x38;
	[tilespmem:$0x1DA20] =	vst v63  }
0x83: {  	_ =	swait.ge [sflag:s24], $0x1000  }
0x84: {  	s11 =	sld [smem:$0x7F2]  }
0x85: {  	[sflag:s24] =	ssyncset.done $0x0  }
0x86: {  	[sflag:s24] =	ssyncadd.s32 $0xFFFFF000  }
0x87: {  	[spmem:s11] =	stream.linear.scatter [tilespmem:s22], [sflag:$0x5], $0x1000, $0x38;
	[tilespmem:$0x1DA20] =	vst v63  }
0x88: {  	_ =	swait.ge [sflag:s24], $0x1000  }
0x89: {  	s12 =	sld [smem:$0x7F3]  }
0x8a: {  	[sflag:s24] =	ssyncset.done $0x0  }
0x8b: {  	[sflag:s24] =	ssyncadd.s32 $0xFFFFF000  }
0x8c: {  	[spmem:s12] =	stream.linear.scatter [tilespmem:s22], [sflag:$0x5], $0x1000, $0x38;
	[tilespmem:$0x1DA20] =	vst v63  }
0x8d: {  	_ =	swait.ge [sflag:s24], $0x1000  }
0x8e: {  	[sflag:s24] =	ssyncset.done $0x0  }
0x8f: {  	[sflag:s24] =	ssyncadd.s32 $0xFFFFF000  }
0x90: {  	[spmem:s9] =	stream.linear.scatter [tilespmem:s22], [sflag:$0x5], $0x1000, $0x38;
	[tilespmem:$0x1DA20] =	vst v63  }
0x91: {  	_ =	swait.ge [sflag:s24], $0x1000  }
0x92: {  	s6 =	sld [smem:$0x7F4]  }
0x93: {  	[sflag:s24] =	ssyncset.done $0x0  }
0x94: {  	[sflag:s24] =	ssyncadd.s32 $0xFFFFF000  }
0x95: {  	[spmem:s6] =	stream.linear.scatter [tilespmem:s22], [sflag:$0x5], $0x1000, $0x38;
	[tilespmem:$0x1DA20] =	vst v63  }
0x96: {  	_ =	swait.ge [sflag:s24], $0x1000  }
0x97: {  	[sflag:s24] =	ssyncset.done $0x0  }
0x98: {  	[sflag:s24] =	ssyncadd.s32 $0xFFFFF000  }
0x99: {  	[spmem:s10] =	stream.linear.scatter [tilespmem:s22], [sflag:$0x5], $0x1000, $0x38;
	[tilespmem:$0x1DA20] =	vst v63  }
0x9a: {  	_ =	swait.ge [sflag:s24], $0x1000  }
0x9b: {  	s7 =	sld [smem:$0x7F5]  }
0x9c: {  	[sflag:s24] =	ssyncset.done $0x0  }
0x9d: {  	[sflag:s24] =	ssyncadd.s32 $0xFFFFF000  }
0x9e: {  	[spmem:s7] =	stream.linear.scatter [tilespmem:s22], [sflag:$0x5], $0x1000, $0x38;
	[tilespmem:$0x1DA20] =	vst v63  }
0x9f: {  	_ =	swait.ge [sflag:s24], $0x1000  }
0xa0: {  	s8 =	sld [smem:$0x7F6]  }
0xa1: {  	[sflag:s24] =	ssyncset.done $0x0  }
0xa2: {  	[sflag:s24] =	ssyncadd.s32 $0xFFFFF000  }
0xa3: {  	[spmem:s8] =	stream.linear.scatter [tilespmem:s22], [sflag:$0x5], $0x1000, $0x38;
	[tilespmem:$0x1DA20] =	vst v63  }
0xa4: {  	_ =	swait.ge [sflag:s24], $0x1000  }
0xa5: {  	[sflag:s24] =	ssyncset.done $0x0  }
0xa6: {  	[sflag:s24] =	ssyncadd.s32 $0xFFFFF000  }
0xa7: {  	[spmem:s13] =	stream.linear.scatter [tilespmem:s22], [sflag:$0x5], $0x1000, $0x38;
	[tilespmem:$0x1DA20] =	vst v63  }
0xa8: {  	_ =	swait.ge [sflag:s24], $0x1000  }
0xa9: {  	[sflag:s24] =	ssyncset.done $0x0  }
0xaa: {  	[sflag:s24] =	ssyncadd.s32 $0xFFFFF000  }
0xab: {  	[spmem:s14] =	stream.linear.scatter [tilespmem:s22], [sflag:$0x5], $0x1000, $0x38;
	[tilespmem:$0x1DA20] =	vst v63  }
0xac: {  	_ =	swait.ge [sflag:s24], $0x1000  }
0xad: {  	[sflag:s24] =	ssyncset.done $0x0  }
0xae: {  	[sflag:s24] =	ssyncadd.s32 $0xFFFFF000  }
0xaf: {  	[spmem:s15] =	stream.linear.scatter [tilespmem:s22], [sflag:$0x5], $0x1000, $0x38;
	[tilespmem:$0x1DA20] =	vst v63  }
0xb0: {  	_ =	swait.ge [sflag:s24], $0x1000  }
0xb1: {  	[sflag:s24] =	ssyncset.done $0x0  }
0xb2: {  	[sflag:s24] =	ssyncadd.s32 $0xFFFFF000  }
0xb3: {  	[bflag:$0x0] =	sbarrier.arrive $0xFFFF  }
0xb4: {  	s6 =	sld [smem:$0x7F7];
	_ =	sdelay $0x1  }
0xb5: {  	s11 =	smov.u32 s9;
	s9 =	simm.s32 $0x0  }
0xb6: {  	[tilespmem:s9], [sflag:$0x5] =	stream.linear.gather [hbm4b:s6+s9], $0x80, $0x38;
	[tilespmem:$0x1DA20] =	vst v63  }
0xb7: {  	_ =	swait.ge [sflag:s24], $0x80  }
0xb8: {  	s12 =	smov.u32 s10;
	s10 =	sld [smem:$0x7F8]  }
0xb9: {  	[sflag:s24] =	ssyncset.done $0x0  }
0xba: {  	[sflag:s24] =	ssyncadd.s32 $0xFFFFFF80  }
0xbb: {  	[tilespmem:s16], [sflag:$0x5] =	stream.linear.gather [hbm4b:s10+s9], $0x80, $0x38;
	[tilespmem:$0x1DA20] =	vst v63  }
0xbc: {  	_ =	swait.ge [sflag:s24], $0x80  }
0xbd: {  	[sflag:s24] =	ssyncset.done $0x0  }
0xbe: {  	[sflag:s24] =	ssyncadd.s32 $0xFFFFFF80  }
0xbf: {  	[tilespmem:s28], [sflag:$0x1] =	stream.indirect.gather [hbm4b:s21+s16], $0x80, s9, s16, $0xb8;
	[tilespmem:$0x1DA20] =	vst v63  }
0xc0: {  	s7 =	sadd.s32 $0x0, s18  }
0xc1: {  	[tilespmem:s29], [sflag:$0x5] =	stream.linear.gather [hbm4b:s7+s1], $0x80, $0x38;
	[tilespmem:$0x1DA20] =	vst v63  }
0xc2: {  	_ =	swait.ge [sflag:s24], $0x80  }
0xc3: {  	[sflag:s24] =	ssyncset.done $0x0  }
0xc4: {  	s8 =	sadd.s32 $0x0, s17;
	[sflag:s24] =	ssyncadd.s32 $0xFFFFFF80  }
0xc5: {  	[tilespmem:s30], [sflag:$0x5] =	stream.linear.gather [hbm4b:s8+s1], $0x80, $0x38;
	[tilespmem:$0x1DA20] =	vst v63  }
0xc6: {  	_ =	swait.ge [sflag:s24], $0x80  }
0xc7: {  	[sflag:s24] =	ssyncset.done $0x0  }
0xc8: {  	[sflag:s24] =	ssyncadd.s32 $0xFFFFFF80  }
0xc9: {  	[tilespmem:s31], [sflag:$0x2] =	stream.indirect.gather [hbm4b:s21+s16], $0x80, s29, s16, $0xb8;
	[tilespmem:$0x1DA20] =	vst v63  }
0xca: {  	_ =	swait.ge [sflag:s20], $0x4000  }
0xcb: {  	[sflag:s20] =	ssyncset.done $0x0  }
0xcc: {  	[sflag:s20] =	ssyncadd.s32 $0xFFFFC000  }
0xcd: {  	[spmem:s23] =	stream.indirect.scatter.add.f32 [tilespmem:s28], [sflag:$0x3], $0x80, s16, s16, $0xb8;
	[tilespmem:$0x1DA20] =	vst v63  }
0xce: {  	_ =	swait.ge [sflag:s0], $0x4000  }
0xcf: {  	s9 =	sshrl.u32 s19, $0x3;
	[sflag:s0] =	ssyncset.done $0x0  }
0xd0: {  	s10 =	sadd.s32 s25, s9;
	[sflag:s0] =	ssyncadd.s32 $0xFFFFC000  }
0xd1: {  	[tilespmem:s1], [sflag:$0x5] =	stream.linear.gather [hbm4b:s10+s1], $0x80, $0x38;
	[tilespmem:$0x1DA20] =	vst v63  }
0xd2: {  	_ =	swait.ge [sflag:s24], $0x80  }
0xd3: {  	[sflag:s24] =	ssyncset.done $0x0  }
0xd4: {  	s5 =	sadd.s32 s26, s9;
	[sflag:s24] =	ssyncadd.s32 $0xFFFFFF80  }
0xd5: {  	[tilespmem:s16], [sflag:$0x5] =	stream.linear.gather [hbm4b:s5+s1], $0x80, $0x38;
	[tilespmem:$0x1DA20] =	vst v63  }
0xd6: {  	_ =	swait.ge [sflag:s24], $0x80  }
0xd7: {  	[sflag:s24] =	ssyncset.done $0x0  }
0xd8: {  	[sflag:s24] =	ssyncadd.s32 $0xFFFFFF80  }
0xd9: {  	[tilespmem:s28], [sflag:$0x1] =	stream.indirect.gather [hbm4b:s21+s16], $0x80, s1, s16, $0xb8;
	[tilespmem:$0x1DA20] =	vst v63  }
0xda: {  	_ =	swait.ge [sflag:s2], $0x4000  }
0xdb: {  	[sflag:s2] =	ssyncset.done $0x0  }
0xdc: {  	[sflag:s2] =	ssyncadd.s32 $0xFFFFC000  }
0xdd: {  	[spmem:s23] =	stream.indirect.scatter.add.f32 [tilespmem:s31], [sflag:$0x4], $0x80, s30, s16, $0xb8;
	[tilespmem:$0x1DA20] =	vst v63  }
0xde: {  	s6 =	simm.s32 $0x20;
	_ =	swait.ge [sflag:s3], $0x4000  }
0xdf: {  	s7 =	simm.s32 $0x40;
	s5 =	sadd.s32 $0x100, s19;
	[sflag:s3] =	ssyncset.done $0x0  }
.LBB2_4:
0xe0: {  	s9 =	sadd.s32 s6, s18  }
0xe1: {  	[sflag:s3] =	ssyncadd.s32 $0xFFFFC000;
	s10 =	smov.u32 s7;
	s8 =	sadd.s32 $0x20, s7  }
0xe2: {  	[tilespmem:s29], [sflag:$0x5] =	stream.linear.gather [hbm4b:s9+s1], $0x80, $0x38;
	[tilespmem:$0x1DA20] =	vst v63  }
0xe3: {  	p0 =	sne.s32 s7, $0x4A0;
	_ =	swait.ge [sflag:s24], $0x80  }
0xe4: {  	[sflag:s24] =	ssyncset.done $0x0  }
0xe5: {  	s7 =	sadd.s32 s6, s17;
	s6 =	smov.u32 s10;
	[sflag:s24] =	ssyncadd.s32 $0xFFFFFF80  }
0xe6: {  	[tilespmem:s30], [sflag:$0x5] =	stream.linear.gather [hbm4b:s7+s1], $0x80, $0x38;
	[tilespmem:$0x1DA20] =	vst v63  }
0xe7: {  	_ =	swait.ge [sflag:s24], $0x80  }
0xe8: {  	[sflag:s24] =	ssyncset.done $0x0  }
0xe9: {  	[sflag:s24] =	ssyncadd.s32 $0xFFFFFF80  }
0xea: {  	[tilespmem:s31], [sflag:$0x2] =	stream.indirect.gather [hbm4b:s21+s16], $0x80, s29, s16, $0xb8;
	[tilespmem:$0x1DA20] =	vst v63  }
0xeb: {  	_ =	swait.ge [sflag:s20], $0x4000  }
0xec: {  	[sflag:s20] =	ssyncset.done $0x0  }
0xed: {  	[sflag:s20] =	ssyncadd.s32 $0xFFFFC000  }
0xee: {  	[spmem:s23] =	stream.indirect.scatter.add.f32 [tilespmem:s28], [sflag:$0x3], $0x80, s16, s16, $0xb8;
	[tilespmem:$0x1DA20] =	vst v63  }
0xef: {  	_ =	swait.ge [sflag:s0], $0x4000  }
0xf0: {  	s7 =	sshrl.u32 s5, $0x3;
	[sflag:s0] =	ssyncset.done $0x0  }
0xf1: {  	s9 =	sadd.s32 s25, s7;
	[sflag:s0] =	ssyncadd.s32 $0xFFFFC000  }
0xf2: {  	[tilespmem:s1], [sflag:$0x5] =	stream.linear.gather [hbm4b:s9+s1], $0x80, $0x38;
	[tilespmem:$0x1DA20] =	vst v63  }
0xf3: {  	_ =	swait.ge [sflag:s24], $0x80  }
0xf4: {  	[sflag:s24] =	ssyncset.done $0x0  }
0xf5: {  	s7 =	sadd.s32 s26, s7;
	[sflag:s24] =	ssyncadd.s32 $0xFFFFFF80  }
0xf6: {  	[tilespmem:s16], [sflag:$0x5] =	stream.linear.gather [hbm4b:s7+s1], $0x80, $0x38;
	[tilespmem:$0x1DA20] =	vst v63  }
0xf7: {  	_ =	swait.ge [sflag:s24], $0x80  }
0xf8: {  	[sflag:s24] =	ssyncset.done $0x0  }
0xf9: {  	[sflag:s24] =	ssyncadd.s32 $0xFFFFFF80  }
0xfa: {  	[tilespmem:s28], [sflag:$0x1] =	stream.indirect.gather [hbm4b:s21+s16], $0x80, s1, s16, $0xb8;
	[tilespmem:$0x1DA20] =	vst v63  }
0xfb: {  	_ =	swait.ge [sflag:s2], $0x4000  }
.Ltmp1:
0xfc: {  	[sflag:s2] =	ssyncset.done $0x0;
	(pc) =	sbr.rel @p0 .LBB2_4-.Ltmp1, $4  }
0xfd: {  	[sflag:s2] =	ssyncadd.s32 $0xFFFFC000  }
0xfe: {  	[spmem:s23] =	stream.indirect.scatter.add.f32 [tilespmem:s31], [sflag:$0x4], $0x80, s30, s16, $0xb8;
	[tilespmem:$0x1DA20] =	vst v63  }
0xff: {  	_ =	swait.ge [sflag:s3], $0x4000  }
0x100: {  	s5 =	sadd.s32 $0x100, s5;
	s7 =	smov.u32 s8;
	[sflag:s3] =	ssyncset.done $0x0  }
0x101: {  	s7 =	sadd.s32 s6, s18;
	[sflag:s3] =	ssyncadd.s32 $0xFFFFC000  }
0x102: {  	[tilespmem:s29], [sflag:$0x5] =	stream.linear.gather [hbm4b:s7+s1], $0x80, $0x38;
	[tilespmem:$0x1DA20] =	vst v63  }
0x103: {  	_ =	swait.ge [sflag:s24], $0x80  }
0x104: {  	[sflag:s24] =	ssyncset.done $0x0  }
0x105: {  	s7 =	sadd.s32 s6, s17;
	[sflag:s24] =	ssyncadd.s32 $0xFFFFFF80  }
0x106: {  	[tilespmem:s30], [sflag:$0x5] =	stream.linear.gather [hbm4b:s7+s1], $0x80, $0x38;
	[tilespmem:$0x1DA20] =	vst v63  }
0x107: {  	_ =	swait.ge [sflag:s24], $0x80  }
0x108: {  	[sflag:s24] =	ssyncset.done $0x0  }
0x109: {  	[sflag:s24] =	ssyncadd.s32 $0xFFFFFF80  }
0x10a: {  	[tilespmem:s31], [sflag:$0x2] =	stream.indirect.gather [hbm4b:s21+s16], $0x80, s29, s16, $0xb8;
	[tilespmem:$0x1DA20] =	vst v63  }
0x10b: {  	_ =	swait.ge [sflag:s20], $0x4000  }
0x10c: {  	[sflag:s20] =	ssyncset.done $0x0  }
0x10d: {  	[sflag:s20] =	ssyncadd.s32 $0xFFFFC000  }
0x10e: {  	[spmem:s23] =	stream.indirect.scatter.add.f32 [tilespmem:s28], [sflag:$0x3], $0x80, s16, s16, $0xb8;
	[tilespmem:$0x1DA20] =	vst v63  }
0x10f: {  	_ =	swait.ge [sflag:s0], $0x4000  }
0x110: {  	s5 =	sshrl.u32 s5, $0x3;
	[sflag:s0] =	ssyncset.done $0x0  }
0x111: {  	s8 =	sadd.s32 s25, s5;
	[sflag:s0] =	ssyncadd.s32 $0xFFFFC000  }
0x112: {  	[tilespmem:s1], [sflag:$0x5] =	stream.linear.gather [hbm4b:s8+s1], $0x80, $0x38;
	[tilespmem:$0x1DA20] =	vst v63  }
0x113: {  	_ =	swait.ge [sflag:s24], $0x80  }
0x114: {  	[sflag:s24] =	ssyncset.done $0x0  }
0x115: {  	s5 =	sadd.s32 s26, s5;
	[sflag:s24] =	ssyncadd.s32 $0xFFFFFF80  }
0x116: {  	[tilespmem:s16], [sflag:$0x5] =	stream.linear.gather [hbm4b:s5+s1], $0x80, $0x38;
	[tilespmem:$0x1DA20] =	vst v63  }
0x117: {  	_ =	swait.ge [sflag:s24], $0x80  }
0x118: {  	[sflag:s24] =	ssyncset.done $0x0  }
0x119: {  	[sflag:s24] =	ssyncadd.s32 $0xFFFFFF80  }
0x11a: {  	[tilespmem:s28], [sflag:$0x1] =	stream.indirect.gather [hbm4b:s21+s16], $0x80, s1, s16, $0xb8;
	[tilespmem:$0x1DA20] =	vst v63  }
0x11b: {  	_ =	swait.ge [sflag:s2], $0x4000  }
0x11c: {  	[sflag:s2] =	ssyncset.done $0x0  }
0x11d: {  	[sflag:s2] =	ssyncadd.s32 $0xFFFFC000  }
0x11e: {  	[spmem:s23] =	stream.indirect.scatter.add.f32 [tilespmem:s31], [sflag:$0x4], $0x80, s30, s16, $0xb8;
	[tilespmem:$0x1DA20] =	vst v63  }
0x11f: {  	_ =	swait.ge [sflag:s3], $0x4000  }
0x120: {  	s9 =	sld [smem:$0x7F9]  }
0x121: {  	[sflag:s3] =	ssyncset.done $0x0  }
0x122: {  	[sflag:s3] =	ssyncadd.s32 $0xFFFFC000  }
0x123: {  	[tilespmem:s29], [sflag:$0x5] =	stream.linear.gather [hbm4b:s9+s1], $0x80, $0x38;
	[tilespmem:$0x1DA20] =	vst v63  }
0x124: {  	_ =	swait.ge [sflag:s24], $0x80  }
0x125: {  	s10 =	sld [smem:$0x7FA]  }
0x126: {  	[sflag:s24] =	ssyncset.done $0x0  }
0x127: {  	[sflag:s24] =	ssyncadd.s32 $0xFFFFFF80  }
0x128: {  	[tilespmem:s30], [sflag:$0x5] =	stream.linear.gather [hbm4b:s10+s1], $0x80, $0x38;
	[tilespmem:$0x1DA20] =	vst v63  }
0x129: {  	_ =	swait.ge [sflag:s24], $0x80  }
0x12a: {  	[sflag:s24] =	ssyncset.done $0x0  }
0x12b: {  	[sflag:s24] =	ssyncadd.s32 $0xFFFFFF80  }
0x12c: {  	[tilespmem:s31], [sflag:$0x2] =	stream.indirect.gather [hbm4b:s21+s16], $0x80, s29, s16, $0xb8;
	[tilespmem:$0x1DA20] =	vst v63  }
0x12d: {  	_ =	swait.ge [sflag:s20], $0x4000  }
0x12e: {  	[sflag:s20] =	ssyncset.done $0x0  }
0x12f: {  	s6 =	sld [smem:$0x7FB];
	[sflag:s20] =	ssyncadd.s32 $0xFFFFC000  }
0x130: {  	[spmem:s23] =	stream.indirect.scatter.add.f32 [tilespmem:s28], [sflag:$0x3], $0x80, s16, s16, $0xb8;
	[tilespmem:$0x1DA20] =	vst v63  }
0x131: {  	s7 =	simm.s32 $0x200  }
0x132: {  	[tilespmem:s7], [sflag:$0x5] =	stream.linear.gather [hbm4b:s6+s1], $0x10, $0x38;
	[tilespmem:$0x1DA20] =	vst v63  }
0x133: {  	_ =	swait.ge [sflag:s24], $0x10  }
0x134: {  	s8 =	sld [smem:$0x7FC]  }
0x135: {  	[sflag:s24] =	ssyncset.done $0x0  }
0x136: {  	s9 =	simm.s32 $0x210;
	[sflag:s24] =	ssyncadd.s32 $0xFFFFFFF0  }
0x137: {  	[tilespmem:s9], [sflag:$0x5] =	stream.linear.gather [hbm4b:s8+s1], $0x10, $0x38;
	[tilespmem:$0x1DA20] =	vst v63  }
0x138: {  	_ =	swait.ge [sflag:s24], $0x10  }
0x139: {  	[sflag:s24] =	ssyncset.done $0x0  }
0x13a: {  	s10 =	simm.s32 $0x10;
	s8 =	simm.s32 $0x8220;
	[sflag:s24] =	ssyncadd.s32 $0xFFFFFFF0  }
0x13b: {  	[tilespmem:s8], [sflag:$0x1] =	stream.indirect.gather [hbm4b:s21+s10], $0x80, s7, s10, $0xb8;
	[tilespmem:$0x1DA20] =	vst v63  }
0x13c: {  	_ =	swait.ge [sflag:s2], $0x4000  }
0x13d: {  	[sflag:s2] =	ssyncset.done $0x0  }
0x13e: {  	[sflag:s2] =	ssyncadd.s32 $0xFFFFC000  }
0x13f: {  	[spmem:s23] =	stream.indirect.scatter.add.f32 [tilespmem:s31], [sflag:$0x4], $0x80, s30, s16, $0xb8;
	[tilespmem:$0x1DA20] =	vst v63  }
0x140: {  	_ =	swait.ge [sflag:s20], $0x800  }
0x141: {  	[sflag:s20] =	ssyncset.done $0x0  }
0x142: {  	[sflag:s20] =	ssyncadd.s32 $0xFFFFF800  }
0x143: {  	_ =	swait.ge [sflag:s0], $0x4000  }
0x144: {  	[sflag:s0] =	ssyncset.done $0x0  }
0x145: {  	[sflag:s0] =	ssyncadd.s32 $0xFFFFC000  }
0x146: {  	_ =	swait.ge [sflag:s3], $0x4000  }
0x147: {  	[sflag:s3] =	ssyncset.done $0x0  }
0x148: {  	[sflag:s3] =	ssyncadd.s32 $0xFFFFC000  }
0x149: {  	[spmem:s23] =	stream.indirect.scatter.add.f32 [tilespmem:s8], [sflag:$0x5], $0x80, s9, s10, $0xb8;
	[tilespmem:$0x1DA20] =	vst v63  }
0x14a: {  	_ =	swait.ge [sflag:s24], $0x800  }
0x14b: {  	[sflag:s24] =	ssyncset.done $0x0  }
0x14c: {  	[sflag:s24] =	ssyncadd.s32 $0xFFFFF800  }
0x14d: {  	[bflag:$0x0] =	sbarrier.arrive $0xFFFF  }
0x14e: {  	s6 =	rddreg [dreg:$0x18]  }
0x14f: {  	[tilespmem:s22], [sflag:$0x5] =	stream.linear.gather [spmem:s6], $0x1000, $0x38;
	[tilespmem:$0x1DA20] =	vst v63  }
0x150: {  	_ =	swait.ge [sflag:s24], $0x1000  }
0x151: {  	[sflag:s24] =	ssyncset.done $0x0  }
0x152: {  	s7 =	rddreg [dreg:$0x4];
	[sflag:s24] =	ssyncadd.s32 $0xFFFFF000  }
0x153: {  	[hbm4b:s7+s1] =	stream.linear.scatter [tilespmem:s22], [sflag:$0x5], $0x1000, $0x38;
	[tilespmem:$0x1DA20] =	vst v63  }
0x154: {  	_ =	swait.ge [sflag:s24], $0x1000  }
0x155: {  	[sflag:s24] =	ssyncset.done $0x0  }
0x156: {  	s8 =	rddreg [dreg:$0x19];
	[sflag:s24] =	ssyncadd.s32 $0xFFFFF000  }
0x157: {  	[tilespmem:s22], [sflag:$0x5] =	stream.linear.gather [spmem:s8], $0x1000, $0x38;
	[tilespmem:$0x1DA20] =	vst v63  }
0x158: {  	_ =	swait.ge [sflag:s24], $0x1000  }
0x159: {  	[sflag:s24] =	ssyncset.done $0x0  }
0x15a: {  	s9 =	rddreg [dreg:$0x5];
	[sflag:s24] =	ssyncadd.s32 $0xFFFFF000  }
0x15b: {  	[hbm4b:s9+s1] =	stream.linear.scatter [tilespmem:s22], [sflag:$0x5], $0x1000, $0x38;
	[tilespmem:$0x1DA20] =	vst v63  }
0x15c: {  	_ =	swait.ge [sflag:s24], $0x1000  }
0x15d: {  	[sflag:s24] =	ssyncset.done $0x0  }
0x15e: {  	s10 =	rddreg [dreg:$0x1a];
	[sflag:s24] =	ssyncadd.s32 $0xFFFFF000  }
0x15f: {  	[tilespmem:s22], [sflag:$0x5] =	stream.linear.gather [spmem:s10], $0x1000, $0x38;
	[tilespmem:$0x1DA20] =	vst v63  }
0x160: {  	_ =	swait.ge [sflag:s24], $0x1000  }
0x161: {  	[sflag:s24] =	ssyncset.done $0x0  }
0x162: {  	s6 =	rddreg [dreg:$0x6];
	[sflag:s24] =	ssyncadd.s32 $0xFFFFF000  }
0x163: {  	[hbm4b:s6+s1] =	stream.linear.scatter [tilespmem:s22], [sflag:$0x5], $0x1000, $0x38;
	[tilespmem:$0x1DA20] =	vst v63  }
0x164: {  	_ =	swait.ge [sflag:s24], $0x1000  }
0x165: {  	[sflag:s24] =	ssyncset.done $0x0  }
0x166: {  	s7 =	rddreg [dreg:$0x1b];
	[sflag:s24] =	ssyncadd.s32 $0xFFFFF000  }
0x167: {  	[tilespmem:s22], [sflag:$0x5] =	stream.linear.gather [spmem:s7], $0x1000, $0x38;
	[tilespmem:$0x1DA20] =	vst v63  }
0x168: {  	_ =	swait.ge [sflag:s24], $0x1000  }
0x169: {  	[sflag:s24] =	ssyncset.done $0x0  }
0x16a: {  	s8 =	rddreg [dreg:$0x7];
	[sflag:s24] =	ssyncadd.s32 $0xFFFFF000  }
0x16b: {  	[hbm4b:s8+s1] =	stream.linear.scatter [tilespmem:s22], [sflag:$0x5], $0x1000, $0x38;
	[tilespmem:$0x1DA20] =	vst v63  }
0x16c: {  	_ =	swait.ge [sflag:s24], $0x1000  }
0x16d: {  	[sflag:s24] =	ssyncset.done $0x0  }
0x16e: {  	s9 =	rddreg [dreg:$0x1c];
	[sflag:s24] =	ssyncadd.s32 $0xFFFFF000  }
0x16f: {  	[tilespmem:s22], [sflag:$0x5] =	stream.linear.gather [spmem:s9], $0x1000, $0x38;
	[tilespmem:$0x1DA20] =	vst v63  }
0x170: {  	_ =	swait.ge [sflag:s24], $0x1000  }
0x171: {  	[sflag:s24] =	ssyncset.done $0x0  }
0x172: {  	s10 =	rddreg [dreg:$0x8];
	[sflag:s24] =	ssyncadd.s32 $0xFFFFF000  }
0x173: {  	[hbm4b:s10+s1] =	stream.linear.scatter [tilespmem:s22], [sflag:$0x5], $0x1000, $0x38;
	[tilespmem:$0x1DA20] =	vst v63  }
0x174: {  	_ =	swait.ge [sflag:s24], $0x1000  }
0x175: {  	[sflag:s24] =	ssyncset.done $0x0  }
0x176: {  	s6 =	rddreg [dreg:$0x1d];
	[sflag:s24] =	ssyncadd.s32 $0xFFFFF000  }
0x177: {  	[tilespmem:s22], [sflag:$0x5] =	stream.linear.gather [spmem:s6], $0x1000, $0x38;
	[tilespmem:$0x1DA20] =	vst v63  }
0x178: {  	_ =	swait.ge [sflag:s24], $0x1000  }
0x179: {  	[sflag:s24] =	ssyncset.done $0x0  }
0x17a: {  	s7 =	rddreg [dreg:$0x9];
	[sflag:s24] =	ssyncadd.s32 $0xFFFFF000  }
0x17b: {  	[hbm4b:s7+s1] =	stream.linear.scatter [tilespmem:s22], [sflag:$0x5], $0x1000, $0x38;
	[tilespmem:$0x1DA20] =	vst v63  }
0x17c: {  	_ =	swait.ge [sflag:s24], $0x1000  }
0x17d: {  	[sflag:s24] =	ssyncset.done $0x0  }
0x17e: {  	s8 =	rddreg [dreg:$0x1e];
	[sflag:s24] =	ssyncadd.s32 $0xFFFFF000  }
0x17f: {  	[tilespmem:s22], [sflag:$0x5] =	stream.linear.gather [spmem:s8], $0x1000, $0x38;
	[tilespmem:$0x1DA20] =	vst v63  }
0x180: {  	_ =	swait.ge [sflag:s24], $0x1000  }
0x181: {  	[sflag:s24] =	ssyncset.done $0x0  }
0x182: {  	s9 =	rddreg [dreg:$0xa];
	[sflag:s24] =	ssyncadd.s32 $0xFFFFF000  }
0x183: {  	[hbm4b:s9+s1] =	stream.linear.scatter [tilespmem:s22], [sflag:$0x5], $0x1000, $0x38;
	[tilespmem:$0x1DA20] =	vst v63  }
0x184: {  	_ =	swait.ge [sflag:s24], $0x1000  }
0x185: {  	[sflag:s24] =	ssyncset.done $0x0  }
0x186: {  	s10 =	rddreg [dreg:$0x1f];
	[sflag:s24] =	ssyncadd.s32 $0xFFFFF000  }
0x187: {  	[tilespmem:s22], [sflag:$0x5] =	stream.linear.gather [spmem:s10], $0x1000, $0x38;
	[tilespmem:$0x1DA20] =	vst v63  }
0x188: {  	_ =	swait.ge [sflag:s24], $0x1000  }
0x189: {  	[sflag:s24] =	ssyncset.done $0x0  }
0x18a: {  	s6 =	rddreg [dreg:$0xb];
	[sflag:s24] =	ssyncadd.s32 $0xFFFFF000  }
0x18b: {  	[hbm4b:s6+s1] =	stream.linear.scatter [tilespmem:s22], [sflag:$0x5], $0x1000, $0x38;
	[tilespmem:$0x1DA20] =	vst v63  }
0x18c: {  	_ =	swait.ge [sflag:s24], $0x1000  }
0x18d: {  	s7 =	sld [smem:$0x7F0]  }
0x18e: {  	[sflag:s24] =	ssyncset.done $0x0  }
0x18f: {  	[sflag:s24] =	ssyncadd.s32 $0xFFFFF000  }
0x190: {  	[tilespmem:s22], [sflag:$0x5] =	stream.linear.gather [spmem:s7], $0x1000, $0x38;
	[tilespmem:$0x1DA20] =	vst v63  }
0x191: {  	_ =	swait.ge [sflag:s24], $0x1000  }
0x192: {  	[sflag:s24] =	ssyncset.done $0x0  }
0x193: {  	s8 =	rddreg [dreg:$0xc];
	[sflag:s24] =	ssyncadd.s32 $0xFFFFF000  }
0x194: {  	[hbm4b:s8+s1] =	stream.linear.scatter [tilespmem:s22], [sflag:$0x5], $0x1000, $0x38;
	[tilespmem:$0x1DA20] =	vst v63  }
0x195: {  	_ =	swait.ge [sflag:s24], $0x1000  }
0x196: {  	s9 =	sld [smem:$0x7F1]  }
0x197: {  	[sflag:s24] =	ssyncset.done $0x0  }
0x198: {  	[sflag:s24] =	ssyncadd.s32 $0xFFFFF000  }
0x199: {  	[tilespmem:s22], [sflag:$0x5] =	stream.linear.gather [spmem:s9], $0x1000, $0x38;
	[tilespmem:$0x1DA20] =	vst v63  }
0x19a: {  	_ =	swait.ge [sflag:s24], $0x1000  }
0x19b: {  	[sflag:s24] =	ssyncset.done $0x0  }
0x19c: {  	s10 =	rddreg [dreg:$0xd];
	[sflag:s24] =	ssyncadd.s32 $0xFFFFF000  }
0x19d: {  	[hbm4b:s10+s1] =	stream.linear.scatter [tilespmem:s22], [sflag:$0x5], $0x1000, $0x38;
	[tilespmem:$0x1DA20] =	vst v63  }
0x19e: {  	_ =	swait.ge [sflag:s24], $0x1000  }
0x19f: {  	s6 =	sld [smem:$0x7F2]  }
0x1a0: {  	[sflag:s24] =	ssyncset.done $0x0  }
0x1a1: {  	[sflag:s24] =	ssyncadd.s32 $0xFFFFF000  }
0x1a2: {  	[tilespmem:s22], [sflag:$0x5] =	stream.linear.gather [spmem:s6], $0x1000, $0x38;
	[tilespmem:$0x1DA20] =	vst v63  }
0x1a3: {  	_ =	swait.ge [sflag:s24], $0x1000  }
0x1a4: {  	[sflag:s24] =	ssyncset.done $0x0  }
0x1a5: {  	s7 =	rddreg [dreg:$0xe];
	[sflag:s24] =	ssyncadd.s32 $0xFFFFF000  }
0x1a6: {  	[hbm4b:s7+s1] =	stream.linear.scatter [tilespmem:s22], [sflag:$0x5], $0x1000, $0x38;
	[tilespmem:$0x1DA20] =	vst v63  }
0x1a7: {  	_ =	swait.ge [sflag:s24], $0x1000  }
0x1a8: {  	s8 =	sld [smem:$0x7F3]  }
0x1a9: {  	[sflag:s24] =	ssyncset.done $0x0  }
0x1aa: {  	[sflag:s24] =	ssyncadd.s32 $0xFFFFF000  }
0x1ab: {  	[tilespmem:s22], [sflag:$0x5] =	stream.linear.gather [spmem:s8], $0x1000, $0x38;
	[tilespmem:$0x1DA20] =	vst v63  }
0x1ac: {  	_ =	swait.ge [sflag:s24], $0x1000  }
0x1ad: {  	[sflag:s24] =	ssyncset.done $0x0  }
0x1ae: {  	s9 =	rddreg [dreg:$0xf];
	[sflag:s24] =	ssyncadd.s32 $0xFFFFF000  }
0x1af: {  	[hbm4b:s9+s1] =	stream.linear.scatter [tilespmem:s22], [sflag:$0x5], $0x1000, $0x38;
	[tilespmem:$0x1DA20] =	vst v63  }
0x1b0: {  	_ =	swait.ge [sflag:s24], $0x1000  }
0x1b1: {  	[sflag:s24] =	ssyncset.done $0x0  }
0x1b2: {  	[sflag:s24] =	ssyncadd.s32 $0xFFFFF000  }
0x1b3: {  	[tilespmem:s22], [sflag:$0x5] =	stream.linear.gather [spmem:s11], $0x1000, $0x38;
	[tilespmem:$0x1DA20] =	vst v63  }
0x1b4: {  	_ =	swait.ge [sflag:s24], $0x1000  }
0x1b5: {  	[sflag:s24] =	ssyncset.done $0x0  }
0x1b6: {  	s10 =	rddreg [dreg:$0x10];
	[sflag:s24] =	ssyncadd.s32 $0xFFFFF000  }
0x1b7: {  	[hbm4b:s10+s1] =	stream.linear.scatter [tilespmem:s22], [sflag:$0x5], $0x1000, $0x38;
	[tilespmem:$0x1DA20] =	vst v63  }
0x1b8: {  	_ =	swait.ge [sflag:s24], $0x1000  }
0x1b9: {  	s9 =	smov.u32 s11;
	s11 =	sld [smem:$0x7F4]  }
0x1ba: {  	[sflag:s24] =	ssyncset.done $0x0  }
0x1bb: {  	[sflag:s24] =	ssyncadd.s32 $0xFFFFF000  }
0x1bc: {  	[tilespmem:s22], [sflag:$0x5] =	stream.linear.gather [spmem:s11], $0x1000, $0x38;
	[tilespmem:$0x1DA20] =	vst v63  }
0x1bd: {  	_ =	swait.ge [sflag:s24], $0x1000  }
0x1be: {  	[sflag:s24] =	ssyncset.done $0x0  }
0x1bf: {  	s6 =	rddreg [dreg:$0x11];
	[sflag:s24] =	ssyncadd.s32 $0xFFFFF000  }
0x1c0: {  	[hbm4b:s6+s1] =	stream.linear.scatter [tilespmem:s22], [sflag:$0x5], $0x1000, $0x38;
	[tilespmem:$0x1DA20] =	vst v63  }
0x1c1: {  	_ =	swait.ge [sflag:s24], $0x1000  }
0x1c2: {  	[sflag:s24] =	ssyncset.done $0x0  }
0x1c3: {  	[sflag:s24] =	ssyncadd.s32 $0xFFFFF000  }
0x1c4: {  	[tilespmem:s22], [sflag:$0x5] =	stream.linear.gather [spmem:s12], $0x1000, $0x38;
	[tilespmem:$0x1DA20] =	vst v63  }
0x1c5: {  	_ =	swait.ge [sflag:s24], $0x1000  }
0x1c6: {  	[sflag:s24] =	ssyncset.done $0x0  }
0x1c7: {  	s7 =	rddreg [dreg:$0x12];
	[sflag:s24] =	ssyncadd.s32 $0xFFFFF000  }
0x1c8: {  	[hbm4b:s7+s1] =	stream.linear.scatter [tilespmem:s22], [sflag:$0x5], $0x1000, $0x38;
	[tilespmem:$0x1DA20] =	vst v63  }
0x1c9: {  	_ =	swait.ge [sflag:s24], $0x1000  }
0x1ca: {  	s8 =	sld [smem:$0x7F5]  }
0x1cb: {  	[sflag:s24] =	ssyncset.done $0x0  }
0x1cc: {  	[sflag:s24] =	ssyncadd.s32 $0xFFFFF000  }
0x1cd: {  	[tilespmem:s22], [sflag:$0x5] =	stream.linear.gather [spmem:s8], $0x1000, $0x38;
	[tilespmem:$0x1DA20] =	vst v63  }
0x1ce: {  	_ =	swait.ge [sflag:s24], $0x1000  }
0x1cf: {  	[sflag:s24] =	ssyncset.done $0x0  }
0x1d0: {  	s11 =	rddreg [dreg:$0x13];
	[sflag:s24] =	ssyncadd.s32 $0xFFFFF000  }
0x1d1: {  	[hbm4b:s11+s1] =	stream.linear.scatter [tilespmem:s22], [sflag:$0x5], $0x1000, $0x38;
	[tilespmem:$0x1DA20] =	vst v63  }
0x1d2: {  	_ =	swait.ge [sflag:s24], $0x1000  }
0x1d3: {  	s10 =	smov.u32 s12;
	s12 =	sld [smem:$0x7F6]  }
0x1d4: {  	[sflag:s24] =	ssyncset.done $0x0  }
0x1d5: {  	[sflag:s24] =	ssyncadd.s32 $0xFFFFF000  }
0x1d6: {  	[tilespmem:s22], [sflag:$0x5] =	stream.linear.gather [spmem:s12], $0x1000, $0x38;
	[tilespmem:$0x1DA20] =	vst v63  }
0x1d7: {  	_ =	swait.ge [sflag:s24], $0x1000  }
0x1d8: {  	[sflag:s24] =	ssyncset.done $0x0  }
0x1d9: {  	s6 =	rddreg [dreg:$0x14];
	[sflag:s24] =	ssyncadd.s32 $0xFFFFF000  }
0x1da: {  	[hbm4b:s6+s1] =	stream.linear.scatter [tilespmem:s22], [sflag:$0x5], $0x1000, $0x38;
	[tilespmem:$0x1DA20] =	vst v63  }
0x1db: {  	_ =	swait.ge [sflag:s24], $0x1000  }
0x1dc: {  	[sflag:s24] =	ssyncset.done $0x0  }
0x1dd: {  	[sflag:s24] =	ssyncadd.s32 $0xFFFFF000  }
0x1de: {  	[tilespmem:s22], [sflag:$0x5] =	stream.linear.gather [spmem:s13], $0x1000, $0x38;
	[tilespmem:$0x1DA20] =	vst v63  }
0x1df: {  	_ =	swait.ge [sflag:s24], $0x1000  }
0x1e0: {  	[sflag:s24] =	ssyncset.done $0x0  }
0x1e1: {  	s7 =	rddreg [dreg:$0x15];
	[sflag:s24] =	ssyncadd.s32 $0xFFFFF000  }
0x1e2: {  	[hbm4b:s7+s1] =	stream.linear.scatter [tilespmem:s22], [sflag:$0x5], $0x1000, $0x38;
	[tilespmem:$0x1DA20] =	vst v63  }
0x1e3: {  	_ =	swait.ge [sflag:s24], $0x1000  }
0x1e4: {  	[sflag:s24] =	ssyncset.done $0x0  }
0x1e5: {  	[sflag:s24] =	ssyncadd.s32 $0xFFFFF000  }
0x1e6: {  	[tilespmem:s22], [sflag:$0x5] =	stream.linear.gather [spmem:s14], $0x1000, $0x38;
	[tilespmem:$0x1DA20] =	vst v63  }
0x1e7: {  	_ =	swait.ge [sflag:s24], $0x1000  }
0x1e8: {  	[sflag:s24] =	ssyncset.done $0x0  }
0x1e9: {  	s8 =	rddreg [dreg:$0x16];
	[sflag:s24] =	ssyncadd.s32 $0xFFFFF000  }
0x1ea: {  	[hbm4b:s8+s1] =	stream.linear.scatter [tilespmem:s22], [sflag:$0x5], $0x1000, $0x38;
	[tilespmem:$0x1DA20] =	vst v63  }
0x1eb: {  	_ =	swait.ge [sflag:s24], $0x1000  }
0x1ec: {  	[sflag:s24] =	ssyncset.done $0x0  }
0x1ed: {  	[sflag:s24] =	ssyncadd.s32 $0xFFFFF000  }
0x1ee: {  	[tilespmem:s22], [sflag:$0x5] =	stream.linear.gather [spmem:s15], $0x1000, $0x38;
	[tilespmem:$0x1DA20] =	vst v63  }
0x1ef: {  	_ =	swait.ge [sflag:s24], $0x1000  }
0x1f0: {  	[sflag:s24] =	ssyncset.done $0x0  }
0x1f1: {  	s11 =	rddreg [dreg:$0x17];
	[sflag:s24] =	ssyncadd.s32 $0xFFFFF000  }
0x1f2: {  	[hbm4b:s11+s1] =	stream.linear.scatter [tilespmem:s22], [sflag:$0x5], $0x1000, $0x38;
	[tilespmem:$0x1DA20] =	vst v63  }
0x1f3: {  	_ =	swait.ge [sflag:s24], $0x1000  }
0x1f4: {  	s12 =	sld [smem:$0x7FD];
	_ =	sdelay $0x1  }
0x1f5: {  	s4 =	sadd.s32 $0x1, s4  }
0x1f6: {  	p0 =	sne.s32 s4, s12  }
.Ltmp2:
0x1f7: {  	_ = 	snop;
	(pc) =	sbr.rel @p0 .LBB2_1-.Ltmp2, $3  }
0x1f8: {  	_ =	sdelay $0x1  }
0x1f9: {  	[sflag:s24] =	ssyncset.done $0x0  }
0x1fa: {  	[sflag:s24] =	ssyncadd.s32 $0xFFFFF000  }
0x1fb: {  	_ =	sfence.sel $0x180000  }
0x1fc: {  	[bflag:$0x0] =	sbarrier.arrive $0xFFFF  }
0x1fd: {  	_ =	strace $0x9000004D  }
0x1fe: {  	s0 =	stileid.u32;
	[bflag:$0x2] =	sbarrier.arrive $0xFFFF  }
0x1ff: {  	p0 =	sne.s32 s0, $0x0;
	s0 =	rddreg [dreg:$0x3]  }
0x200: {  	s0 =	sadd.s32 @!p0 $0x100000, s0  }
0x201: {  	[sflag:s0] =	ssyncadd.tile.s32 @!p0 $0x1;
	_ =	shalt  }
.Lfunc_end2:
_tile_overlayer_lowered:
.L_overlay_start_2:
0x202: {  	(tag) =	ssettag $0x2  }
0x203: {  	s0 =	rddreg [dreg:$0x0];
	s2 =	stileid.u32  }
0x204: {  	s1 =	rddreg [dreg:$0x1];
	p0 =	sne.s32 s2, $0x0  }
0x205: {  	s3 =	rddreg [dreg:$0x2];
	[bflag:$0x3] =	sbarrier.arrive $0xFFFF;
	s2 =	simm.s32 @!p0 $0x1C05  }
0x206: {  	[timem:s3], [sflag:s2] =	dma.local @!p0 [hbm:s0], s1  }
0x207: {  	s0 =	simm.s32 @!p0 $0x5  }
0x208: {  	_ =	swait.ge @!p0 [sflag:s0], s1  }
0x209: {  	s1 =	ssub.s32 @!p0 $0x0, s1;
	[sflag:s0] =	ssyncset.done @!p0 $0x0  }
0x20a: {  	[sflag:s0] =	ssyncadd.s32 @!p0 s1  }
0x20b: {  	[bflag:$0x3] =	sbarrier.arrive $0xFFFF  }
0x20c: {  	_ =	shalt  }

// kernel: kernel.8.cloned.1.call-start
scs
__scs_entry_jumppad:
0x0: {  	(pc) =	sbr.rel $0x88, $3  }
0x1: {  	(tag) =	ssettag $0x0;
	lr =	simm.s32 $0x1  }
0x2: {  	[smem:$0x3F95] =	sst lr;
	_ =	strace $0xD0000000  }
0x3: {  	_ = 	snop  }
0x4: {  	_ = 	snop  }
0x5: {  	_ = 	snop  }
0x6: {  	_ = 	snop  }
0x7: {  	_ = 	snop  }
__scs_overlays_trampoline_lowered:
0x8: {  	[smem:$0x3FA4] =	sst s0  }
0x9: {  	[smem:$0x3FA5] =	sst s1  }
0xa: {  	[smem:$0x3FA6] =	sst s2  }
0xb: {  	[smem:$0x3FA7] =	sst s3  }
0xc: {  	[smem:$0x3FA8] =	sst s4  }
0xd: {  	[smem:$0x3FA9] =	sst s5  }
0xe: {  	[smem:$0x3FAA] =	sst s6  }
0xf: {  	[smem:$0x3FAB] =	sst s7  }
0x10: {  	[smem:$0x3FAC] =	sst s8  }
0x11: {  	[smem:$0x3FAD] =	sst s9;
	s0 =	simm.s32 @!p0 $0x0  }
0x12: {  	s1 =	sld [smem:$0x3F93];
	s0 =	simm.s32 @p0 $0x1  }
0x13: {  	[smem:$0x3FAE] =	sst s0;
	s0 =	simm.s32 @!p1 $0x0  }
0x14: {  	s2 =	sld [smem:$0x3F92];
	s0 =	simm.s32 @p1 $0x1  }
0x15: {  	[smem:$0x3FAF] =	sst s0;
	s0 =	simm.s32 @!p2 $0x0  }
0x16: {  	s3 =	sld [smem:$0x3FDB];
	s0 =	simm.s32 @p2 $0x1  }
0x17: {  	s4 =	simm.s32 $0x1BF5;
	[smem:$0x3FB1] =	sst s0  }
0x18: {  	s0 =	sld [smem:$0x3F94];
	_ =	swait.ge [sflag:s4], $0x0  }
0x19: {  	s7 =	sld [smem:$0x3F95]  }
0x1a: {  	s8 =	sadd.s32 $0xFFFFE003, lr  }
0x1b: {  	s9 =	sadd.s32 $0xFFFFFEF7, lr;
	s5 =	simm.s32 $0xFFFFFFFF;
	p2 =	slt.u32 s8, $0xFFFFF086  }
0x1c: {  	p1 =	slt.u32 s9, $0xF7A;
	s5 =	simm.s32 @!p2 $0x0  }
0x1d: {  	s5 =	simm.s32 @p1 $0x1;
	p0 =	seq.s32 s7, s2  }
0x1e: {  	s7 =	smul.u32 @!p0 $0xF7A, s2;
	p2 =	seq.s32 @!p0 s5, $0x0  }
0x1f: {  	s9 =	smul.u32 $0xF7A, s1;
	s8 =	simm.s32 @!p0 $0x1BF5;
	p2 =	por !p2, p0  }
0x20: {  	[sflag:s8] =	ssyncset.s32 @!p0 $0xFFFFF086;
	s6 =	sadd.s32 @!p0 s3, s7;
	s7 =	simm.s32 @!p0 $0x108  }
0x21: {  	s3 =	sadd.s32 s3, s9;
	s6 =	sadd.s32 @!p0 $0x88, s6;
	s7 =	simm.s32 @p2 $0x1082  }
0x22: {  	[simem:s7], [sflag:s8] =	dma.local @!p0 [hbm:s6], $0xF7A  }
0x23: {  	s9 =	sor.u32 $0xD0000000, s2;
	s6 =	simm.s32 $0x108;
	_ =	swait.ge @!p0 [sflag:s8], $0x0  }
0x24: {  	s3 =	sadd.s32 $0x88, s3;
	s6 =	simm.s32 @!p1 $0x1082;
	[sflag:s4] =	ssyncset.s32 $0xFFFFF086  }
0x25: {  	[simem:s6], [sflag:s4] =	dma.local [hbm:s3], $0xF7A  }
0x26: {  	[smem:$0x3F95] =	sst s1;
	(tag) =	ssettag s2;
	_ =	strace s9  }
0x27: {  	s1 =	sld [smem:$0x3FA5]  }
0x28: {  	s2 =	sld [smem:$0x3FA6]  }
0x29: {  	s4 =	sld [smem:$0x3FA8]  }
0x2a: {  	p0 =	seq.s32 s5, $0x0;
	s5 =	sld [smem:$0x3FA9]  }
0x2b: {  	s6 =	sld [smem:$0x3FAA]  }
0x2c: {  	s7 =	sld [smem:$0x3FAB]  }
0x2d: {  	s3 =	simm.s32 $0x108;
	s8 =	sld [smem:$0x3FAC]  }
0x2e: {  	s3 =	simm.s32 @!p0 $0x1082;
	s9 =	sld [smem:$0x3FAD]  }
0x2f: {  	lr =	sadd.s32 s0, s3;
	s0 =	sld [smem:$0x3FA4]  }
0x30: {  	s3 =	sld [smem:$0x3FA7]  }
0x31: {  	[smem:$0x3FB0] =	sst s10  }
0x32: {  	s10 =	sld [smem:$0x3FAE];
	_ =	sdelay $0x3  }
0x33: {  	p0 =	seq.s32 s10, $0x1;
	s10 =	sld [smem:$0x3FB0];
	_ =	sdelay $0x3  }
0x34: {  	[smem:$0x3FB0] =	sst s10  }
0x35: {  	s10 =	sld [smem:$0x3FAF];
	_ =	sdelay $0x3  }
0x36: {  	p1 =	seq.s32 s10, $0x1;
	s10 =	sld [smem:$0x3FB0];
	_ =	sdelay $0x3  }
0x37: {  	[smem:$0x3FB0] =	sst s10  }
0x38: {  	s10 =	sld [smem:$0x3FB1]  }
0x39: {  	_ = 	snop;
	(pc) =	sbr.ind lr, $3  }
0x3a: {  	_ = 	snop  }
0x3b: {  	_ = 	snop  }
0x3c: {  	p2 =	seq.s32 s10, $0x1;
	s10 =	sld [smem:$0x3FB0]  }
0x3d: {  	_ =	shalt  }
0x3e: {  	_ =	shalt  }
0x3f: {  	_ =	shalt  }
0x40: {  	_ =	shalt  }
0x41: {  	_ =	shalt  }
0x42: {  	_ =	shalt  }
0x43: {  	_ =	shalt  }
0x44: {  	_ =	shalt  }
0x45: {  	_ =	shalt  }
0x46: {  	_ =	shalt  }
0x47: {  	_ =	shalt  }
0x48: {  	_ =	shalt  }
0x49: {  	_ =	shalt  }
0x4a: {  	_ =	shalt  }
0x4b: {  	_ =	shalt  }
0x4c: {  	_ =	shalt  }
0x4d: {  	_ =	shalt  }
0x4e: {  	_ =	shalt  }
0x4f: {  	_ =	shalt  }
0x50: {  	_ =	shalt  }
0x51: {  	_ =	shalt  }
0x52: {  	_ =	shalt  }
0x53: {  	_ =	shalt  }
0x54: {  	_ =	shalt  }
0x55: {  	_ =	shalt  }
0x56: {  	_ =	shalt  }
0x57: {  	_ =	shalt  }
0x58: {  	_ =	shalt  }
0x59: {  	_ =	shalt  }
0x5a: {  	_ =	shalt  }
0x5b: {  	_ =	shalt  }
0x5c: {  	_ =	shalt  }
0x5d: {  	_ =	shalt  }
0x5e: {  	_ =	shalt  }
0x5f: {  	_ =	shalt  }
0x60: {  	_ =	shalt  }
0x61: {  	_ =	shalt  }
0x62: {  	_ =	shalt  }
0x63: {  	_ =	shalt  }
0x64: {  	_ =	shalt  }
0x65: {  	_ =	shalt  }
0x66: {  	_ =	shalt  }
0x67: {  	_ =	shalt  }
0x68: {  	_ =	shalt  }
0x69: {  	_ =	shalt  }
0x6a: {  	_ =	shalt  }
0x6b: {  	_ =	shalt  }
0x6c: {  	_ =	shalt  }
0x6d: {  	_ =	shalt  }
0x6e: {  	_ =	shalt  }
0x6f: {  	_ =	shalt  }
0x70: {  	_ =	shalt  }
0x71: {  	_ =	shalt  }
0x72: {  	_ =	shalt  }
0x73: {  	_ =	shalt  }
0x74: {  	_ =	shalt  }
0x75: {  	_ =	shalt  }
0x76: {  	_ =	shalt  }
0x77: {  	_ =	shalt  }
0x78: {  	_ =	shalt  }
0x79: {  	_ =	shalt  }
0x7a: {  	_ =	shalt  }
0x7b: {  	_ =	shalt  }
0x7c: {  	_ =	shalt  }
0x7d: {  	_ =	shalt  }
0x7e: {  	_ =	shalt  }
0x7f: {  	_ =	shalt  }
0x80: {  	_ =	shalt  }
0x81: {  	_ =	shalt  }
0x82: {  	_ =	shalt  }
0x83: {  	_ =	shalt  }
0x84: {  	_ =	shalt  }
0x85: {  	_ =	shalt  }
0x86: {  	_ =	shalt  }
0x87: {  	_ =	shalt  }
.Lfunc_end0:
.L_simem_size_0:
called_computation_lowered:
.L_overlay_start_0:
0x88: {  	s2 =	sld [smem:$0x3FD9]  }
0x89: {  	s3 =	sld [smem:$0x3FFE];
	_ =	sdelay $0x1  }
0x8a: {  	s1 =	srdreg.scid  }
0x8b: {  	s0 =	sand.u32 $0x1, s1  }
0x8c: {  	s17 =	sshll.u32 s0, $0xA;
	s2 =	sadd.s32 s3, s2  }
0x8d: {  	s2 =	sadd.s32 s2, s17  }
0x8e: {  	[smem:$0x3FBC] =	sst s2  }
0x8f: {  	_ = 	snop  }
0x90: {  	s2 =	sld [smem:$0x3FD0];
	(tm) =	ssettm $0x1  }
0x91: {  	s18 =	sld [smem:$0x3FFB];
	_ =	sdelay $0x3  }
0x92: {  	_ =	strace s18  }
0x93: {  	s3 =	sld [smem:$0x3FFC];
	_ =	sdelay $0x3  }
0x94: {  	_ =	strace s3  }
0x95: {  	s3 =	sld [smem:$0x3FFD];
	_ =	sdelay $0x3  }
0x96: {  	_ =	strace s3  }
0x97: {  	_ =	strace $0x8FFFFFFF  }
0x98: {  	s19 =	sld [smem:$0x3FDB];
	_ =	sdelay $0x1  }
0x99: {  	s4 =	simm.s32 $_scs_section_size  }
0x9a: {  	s5 =	simm.s32 $_size__tile_overlayer_lowered;
	s6 =	simm.s32 $_tile_overlayer_lowered  }
0x9b: {  	s22 =	simm.s32 $0x1BFF;
	s21 =	sshll.u32 s6, $0x1;
	s3 =	sadd.s32 s4, s19  }
0x9c: {  	s7 =	simm.s32 $0x0;
	s20 =	sshll.u32 s5, $0x1;
	s5 =	sadd.s32 s21, s3  }
0x9d: {  	[timem:s7], [sflag:s22] =	dma.local [hbm:s5], s20  }
0x9e: {  	_ =	swait.ge [sflag:s22], s20  }
0x9f: {  	s4 =	ssub.s32 $0x0, s20;
	[sflag:s22] =	ssyncset.done $0x0  }
0xa0: {  	[sflag:s22] =	ssyncadd.s32 s4;
	_ =	sdelay $0x1  }
0xa1: {  	s23 =	simm.s32 $0x1B8B  }
0xa2: {  	_ =	swait.ge [sflag:s23], $0x1  }
0xa3: {  	[sflag:s23] =	ssyncset.done $0x0  }
0xa4: {  	s25 =	simm.s32 $0x1B8E;
	s24 =	sld [smem:$0x3FFE];
	[sflag:s23] =	ssyncadd.s32 $0xFFFFFFFF  }
0xa5: {  	s26 =	simm.s32 $execute0_lowered;
	[smem:$0x3FD2] =	sst s25  }
0xa6: {  	s5 =	sshll.u32 s26, $0x1;
	_ =	strace $0x80000046;
	[dreg:$0x1] =	wrdreg $0xFFFFFFFF  }
0xa7: {  	s28 =	simm.s32 $_size_execute0_lowered;
	s3 =	sadd.s32 s3, s5;
	[dreg:$0x0] =	wrdreg $0x0  }
0xa8: {  	s5 =	sshll.u32 s28, $0x1;
	[dreg:$0x2] =	wrdreg s3  }
0xa9: {  	[dreg:$0x3] =	wrdreg s5  }
0xaa: {  	[dreg:$0x4] =	wrdreg $0xC0  }
0xab: {  	_ =	task [dreg:s7], $0x5FFFF  }
0xac: {  	[dreg:$0x1] =	wrdreg $0xFFFFFFFF  }
0xad: {  	[dreg:$0x0] =	wrdreg $0x60  }
0xae: {  	[dreg:$0x2] =	wrdreg s24  }
0xaf: {  	[dreg:$0x3] =	wrdreg s2  }
0xb0: {  	[dreg:$0x4] =	wrdreg $0x59900  }
0xb1: {  	[dreg:$0x5] =	wrdreg $0x9  }
0xb2: {  	_ =	task.clear_ibuf [dreg:s7], $0x6FFFF;
	_ =	strace $0x90000046  }
0xb3: {  	s29 =	simm.s32 $0x9;
	_ =	strace $0x80000048  }
0xb4: {  	_ =	swait.ge [sflag:s29], $0x1  }
0xb5: {  	[sflag:s29] =	ssyncadd.s32 $0xFFFFFFFF  }
0xb6: {  	_ =	strace $0x90000048  }
0xb7: {  	_ =	sfence  }
0xb8: {  	s30 =	sld [smem:$0x0];
	_ =	sdelay $0x2  }
0xb9: {  	s31 =	sshll.u32 s1, $0xD;
	s1 =	sshrl.u32 s1, $0x2  }
0xba: {  	s3 =	sand.u32 $0x4000, s31;
	s1 =	sadd.s32 s1, s30  }
0xbb: {  	s0 =	sor.u32 s3, s0;
	s1 =	sshll.u32 s1, $0x11  }
0xbc: {  	s0 =	sor.u32 s1, s0  }
0xbd: {  	s0 =	sadd.s32 $0x8F2B, s0  }
0xbe: {  	[sflag:s0] =	ssyncadd.remote.s32 $0x1  }
0xbf: {  	_ =	sfence.sel $0xFFFF  }
0xc0: {  	[dreg:$0x0] =	wrdreg $0xFFFFFFFF;
	(pc) =	sbr.abs _section_cstart, $3  }
0xc1: {  	[dreg:$0x1] =	wrdreg $0xFFFFFFFF  }
0xc2: {  	_ =	task.clear_ibuf [dreg:s7], $0x2FFFF;
	_ =	strace $0x9FFFFFFF  }
0xc3: {  	(tm) =	ssettm $0x7FFFFFFF  }
tec
execute0_lowered:
.L_overlay_start_1:
0x0: {  	(tag) =	ssettag $0x1  }
0x1: {  	s4 =	rddreg [dreg:$0x0]  }
0x2: {  	s6 =	rddreg [dreg:$0x1];
	s0 =	srdreg.scid  }
0x3: {  	s2 =	rddreg [dreg:$0x2];
	s1 =	stileid.u32;
	s3 =	simm.s32 $0x0  }
0x4: {  	s12 =	simm.s32 $0x90;
	s13 =	simm.s32 $0x10;
	s8 =	smul.u32 $0x2710, s1  }
0x5: {  	s14 =	simm.s32 $0x890;
	s15 =	simm.s32 $0x3190;
	s9 =	smul.u32 $0x500, s1  }
0x6: {  	s5 =	sand.u32 $0x1, s0;
	s0 =	rddreg [dreg:$0x3];
	s26 =	smul.u32 $0xA000, s1  }
0x7: {  	s16 =	simm.s32 $0x0;
	[smem:$0x7FF] =	sst s3;
	s7 =	smul.u32 $0x27100, s5  }
0x8: {  	_ =	strace $0x80000047;
	s10 =	ssub.s32 $0x2, s5;
	s5 =	smul.u32 $0x5000, s5  }
0x9: {  	s28 =	sshrl.u32 s10, $0x1;
	s29 =	sshrl.u32 s26, $0x2;
	s7 =	sadd.s32 s8, s7  }
0xa: {  	s30 =	ssub.s32 s10, s28;
	s31 =	sadd.s32 s9, s5;
	s9 =	simm.s32 $0x990  }
0xb: {  	s10 =	simm.s32 $0x1;
	s7 =	sshrl.u32 s7, $0x3;
	s6 =	sadd.s32 s6, s31  }
0xc: {  	s11 =	sadd.s32 s7, s4;
	s4 =	sadd.s32 s29, s2;
	s7 =	smax.u32 s30, $0x1  }
0xd: {  	v0 =	vimm.f32 $0.0e+00;
	v1 =	vimm.f32 $1.000000000e+00;
	s5 =	sadd.s32 $0xD2E0, s11;
	s8 =	sadd.s32 $0xCE00, s11;
	s11 =	simm.s32 $0x80  }
.LBB2_1:
0xe: {  	[tilespmem:s9+$0x0] =	vst v0;
	s18 =	sand.u32 $0x7F0, s3  }
0xf: {  	s17 =	simm.s32 $0x10;
	s19 =	sand.u32 $0xF0, s3;
	[tilespmem:s18+$0x90] =	vst v1;
	s18 =	simm.s32 $0x990  }
.LBB2_2:
0x10: {  	p0 =	sne.s32 s17, $0x27F0  }
0x11: {  	[tilespmem:s19+$0x890] =	vst v1;
	s18 =	sadd.s32 $0x10, s18;
	s19 =	smov.u32 s17;
	s17 =	sadd.s32 $0x10, s17  }
.Ltmp0:
0x12: {  	(pc) =	sbr.rel @p0 .LBB2_2-.Ltmp0, $3  }
0x13: {  	_ =	sdelay $0x1  }
0x14: {  	s20 =	sand.u32 $0x7F0, s19;
	[tilespmem:s18+$0x0] =	vst v0  }
0x15: {  	s19 =	sand.u32 $0xF0, s19;
	[tilespmem:s20+$0x90] =	vst v1  }
0x16: {  	[tilespmem:s19+$0x890] =	vst v1  }
0x17: {  	[spmem:s4] =	stream.linear.scatter [tilespmem:s9], [sflag:$0x1], $0x2800, $0x38;
	[tilespmem:$0x8190] =	vst v63  }
0x18: {  	_ =	swait.ge [sflag:s10], $0x2800  }
0x19: {  	[sflag:s10] =	ssyncset.done $0x0  }
0x1a: {  	[sflag:s10] =	ssyncadd.s32 $0xFFFFD800  }
0x1b: {  	s17 =	sadd.s32 $0x0, s8;
	[bflag:$0x0] =	sbarrier.arrive $0xFFFF  }
0x1c: {  	[tilespmem:s3], [sflag:$0x1] =	stream.linear.gather [hbm4b:s17+s3], $0x80, $0x38;
	[tilespmem:$0x8190] =	vst v63  }
0x1d: {  	_ =	swait.ge [sflag:s10], $0x80  }
0x1e: {  	[sflag:s10] =	ssyncset.done $0x0  }
0x1f: {  	[sflag:s10] =	ssyncadd.s32 $0xFFFFFF80  }
0x20: {  	[spmem:s2] =	stream.indirect.scatter.add.f32 [tilespmem:s12], [sflag:$0x1], $0x10, s3, s11, $0xb8;
	[tilespmem:$0x8190] =	vst v63  }
0x21: {  	_ =	swait.ge [sflag:s10], $0x800  }
0x22: {  	s18 =	simm.s32 $0x20;
	s17 =	simm.s32 $0x10;
	[sflag:s10] =	ssyncset.done $0x0  }
.LBB2_4:
0x23: {  	s19 =	sadd.s32 s17, s8  }
0x24: {  	[sflag:s10] =	ssyncadd.s32 $0xFFFFF800;
	s17 =	smov.u32 s18;
	s20 =	sadd.s32 $0x10, s18  }
0x25: {  	[tilespmem:s3], [sflag:$0x1] =	stream.linear.gather [hbm4b:s19+s3], $0x80, $0x38;
	[tilespmem:$0x8190] =	vst v63  }
0x26: {  	p0 =	sne.s32 s18, $0x4D0;
	_ =	swait.ge [sflag:s10], $0x80  }
.Ltmp1:
0x27: {  	[sflag:s10] =	ssyncset.done $0x0;
	(pc) =	sbr.rel @p0 .LBB2_4-.Ltmp1, $4  }
0x28: {  	[sflag:s10] =	ssyncadd.s32 $0xFFFFFF80  }
0x29: {  	[spmem:s2] =	stream.indirect.scatter.add.f32 [tilespmem:s12], [sflag:$0x1], $0x10, s3, s11, $0xb8;
	[tilespmem:$0x8190] =	vst v63  }
0x2a: {  	_ =	swait.ge [sflag:s10], $0x800  }
0x2b: {  	s18 =	smov.u32 s20;
	[sflag:s10] =	ssyncset.done $0x0  }
0x2c: {  	s17 =	sadd.s32 s17, s8;
	[sflag:s10] =	ssyncadd.s32 $0xFFFFF800  }
0x2d: {  	[tilespmem:s3], [sflag:$0x1] =	stream.linear.gather [hbm4b:s17+s3], $0x80, $0x38;
	[tilespmem:$0x8190] =	vst v63  }
0x2e: {  	_ =	swait.ge [sflag:s10], $0x80  }
0x2f: {  	[sflag:s10] =	ssyncset.done $0x0  }
0x30: {  	[sflag:s10] =	ssyncadd.s32 $0xFFFFFF80  }
0x31: {  	[spmem:s2] =	stream.indirect.scatter.add.f32 [tilespmem:s12], [sflag:$0x1], $0x10, s3, s11, $0xb8;
	[tilespmem:$0x8190] =	vst v63  }
0x32: {  	_ =	swait.ge [sflag:s10], $0x800  }
0x33: {  	[sflag:s10] =	ssyncset.done $0x0  }
0x34: {  	s31 =	simm.s32 $0x0;
	[sflag:s10] =	ssyncadd.s32 $0xFFFFF800  }
0x35: {  	[tilespmem:s11], [sflag:$0x1] =	stream.linear.gather [hbm4b:s5+s31], $0x10, $0x38;
	[tilespmem:$0x8190] =	vst v63  }
0x36: {  	_ =	swait.ge [sflag:s10], $0x10  }
0x37: {  	[sflag:s10] =	ssyncset.done $0x0  }
0x38: {  	[sflag:s10] =	ssyncadd.s32 $0xFFFFFFF0  }
0x39: {  	[spmem:s2] =	stream.indirect.scatter.add.f32 [tilespmem:s14], [sflag:$0x1], $0x10, s11, s13, $0xb8;
	[tilespmem:$0x8190] =	vst v63  }
0x3a: {  	_ =	swait.ge [sflag:s10], $0x100  }
0x3b: {  	[sflag:s10] =	ssyncset.done $0x0  }
0x3c: {  	[sflag:s10] =	ssyncadd.s32 $0xFFFFFF00  }
0x3d: {  	[bflag:$0x0] =	sbarrier.arrive $0xFFFF  }
0x3e: {  	[tilespmem:s9], [sflag:$0x1] =	stream.linear.gather [spmem:s4], $0x2800, $0x38;
	[tilespmem:$0x8190] =	vst v63  }
0x3f: {  	_ =	swait.ge [sflag:s10], $0x2800  }
0x40: {  	[sflag:s10] =	ssyncset.done $0x0  }
0x41: {  	s17 =	simm.s32 $0x0;
	[sflag:s10] =	ssyncadd.s32 $0xFFFFD800  }
0x42: {  	s18 =	simm.s32 $0x40;
	v2 =	vld [tilespmem:s17+$0x990]  }
.LBB2_6:
0x43: {  	p0 =	sne.s32 s18, $0x9FC0  }
.Ltmp2:
0x44: {  	_ = 	snop;
	(pc) =	sbr.rel @p0 .LBB2_6-.Ltmp2, $3  }
0x45: {  	_ =	sdelay $0x1  }
0x46: {  	[tilespmem:s17+$0x3190] =	vst v2;
	s17 =	sshra.s32 s18, $0x2;
	s18 =	sadd.s32 $0x40, s18  }
0x47: {  	v2 =	vld [tilespmem:s17+$0x990]  }
0x48: {  	_ =	sdelay $0x1  }
0x49: {  	s16 =	sadd.s32 $0x1, s16  }
0x4a: {  	p0 =	sne.s32 s16, s7  }
.Ltmp3:
0x4b: {  	[tilespmem:s17+$0x3190] =	vst v2;
	(pc) =	sbr.rel @p0 .LBB2_1-.Ltmp3, $4  }
0x4c: {  	[hbm4b:s6+s3] =	stream.linear.scatter [tilespmem:s15], [sflag:$0x1], $0x2800, $0x38;
	[tilespmem:$0x8190] =	vst v63  }
0x4d: {  	_ =	swait.ge [sflag:s10], $0x2800  }
0x4e: {  	[sflag:s10] =	ssyncset.done $0x0  }
0x4f: {  	[sflag:s10] =	ssyncadd.s32 $0xFFFFD800  }
0x50: {  	_ =	sfence.sel $0x180000  }
0x51: {  	[bflag:$0x0] =	sbarrier.arrive $0xFFFF  }
0x52: {  	p0 =	sne.s32 s1, $0x0;
	_ =	strace $0x90000047  }
0x53: {  	s0 =	sadd.s32 @!p0 $0x100000, s0;
	[bflag:$0x2] =	sbarrier.arrive $0xFFFF  }
0x54: {  	[sflag:s0] =	ssyncadd.tile.s32 @!p0 $0x1;
	_ =	shalt  }
.Lfunc_end2:
_tile_overlayer_lowered:
.L_overlay_start_2:
0x55: {  	(tag) =	ssettag $0x2  }
0x56: {  	s0 =	rddreg [dreg:$0x0];
	s2 =	stileid.u32  }
0x57: {  	s1 =	rddreg [dreg:$0x1];
	p0 =	sne.s32 s2, $0x0  }
0x58: {  	s3 =	rddreg [dreg:$0x2];
	[bflag:$0x3] =	sbarrier.arrive $0xFFFF;
	s2 =	simm.s32 @!p0 $0x1C01  }
0x59: {  	[timem:s3], [sflag:s2] =	dma.local @!p0 [hbm:s0], s1  }
0x5a: {  	s0 =	simm.s32 @!p0 $0x1  }
0x5b: {  	_ =	swait.ge @!p0 [sflag:s0], s1  }
0x5c: {  	s1 =	ssub.s32 @!p0 $0x0, s1;
	[sflag:s0] =	ssyncset.done @!p0 $0x0  }
0x5d: {  	[sflag:s0] =	ssyncadd.s32 @!p0 s1  }
0x5e: {  	[bflag:$0x3] =	sbarrier.arrive $0xFFFF  }
0x5f: {  	_ =	shalt  }

</sc_bundles>
